<compile_context>
chip_gen: v7x
topology: tpu7x:2x2x1
jax: 0.10.2.dev20260603
libtpu: 0.0.44.dev20260713+nightly
codegen_flags: <defaults>
</compile_context>

<pallas_src>
import functools

import jax
import jax.numpy as jnp
from jax import lax
from jax.experimental import pallas as pl
from jax.experimental.pallas import tpu as pltpu
from jax.experimental.pallas import tpu_sc as plsc

NC = 2
NS = 16
NW = NC * NS
CH = 128



def _pro_body(ea_ref, w1_ref, b1_ref, x_ref, lw_ref, lb_ref, wp_ref,
              ep0_ref, ep1_ref, ep2_ref, h0_ref, t0_ref, *, neu, nlay, blk):
    u = jnp.dot(ea_ref[...], w1_ref[...], preferred_element_type=jnp.float32,
                precision=lax.Precision.HIGHEST)
    u = jnp.maximum(u + b1_ref[...], 0.0)
    one = jnp.ones((blk, 1), jnp.float32)
    zero = jnp.zeros((blk, 16 - neu - 1), jnp.float32)
    for l, ref in enumerate((ep0_ref, ep1_ref, ep2_ref)[:nlay]):
        ref[...] = jnp.concatenate(
            [u[:, l * neu:(l + 1) * neu], one, zero], axis=1)

    @pl.when(pl.program_id(0) == 0)
    def _():
        h = jnp.dot(x_ref[...], lw_ref[...],
                    preferred_element_type=jnp.float32,
                    precision=lax.Precision.HIGHEST) + lb_ref[...]
        h = jnp.where(h > 0, h, 0.01 * h)
        h0_ref[...] = h
        t0_ref[...] = jnp.dot(h, wp_ref[...],
                              preferred_element_type=jnp.float32,
                              precision=lax.Precision.HIGHEST)


def _upd_body(agg_ref, h_ref, rw_ref, cb_ref, g_ref, bb_ref, wp_ref,
              o_ref, t_ref, *, n, n_pad, act):
    a = agg_ref[:n, :] + agg_ref[n_pad:n_pad + n, :]
    hn = a + jnp.dot(h_ref[...], rw_ref[...],
                     preferred_element_type=jnp.float32,
                     precision=lax.Precision.HIGHEST) + cb_ref[...]
    mean = jnp.mean(hn, axis=0, keepdims=True)
    var = jnp.mean((hn - mean) ** 2, axis=0, keepdims=True)
    hn = (hn - mean) * lax.rsqrt(var + 1e-5) * g_ref[...] + bb_ref[...]
    if act:
        hn = jnp.where(hn > 0, hn, 0.01 * hn)
    o_ref[...] = hn
    t_ref[...] = jnp.dot(hn, wp_ref[...], preferred_element_type=jnp.float32,
                         precision=lax.Precision.HIGHEST)


def _last_body(agg_ref, h_ref, rw_ref, cb_ref, g_ref, bb_ref, batch_ref,
               pw_ref, pb_ref, o_ref, *, n, n_pad, n_blocks, blk, ng):
    a = agg_ref[:n, :] + agg_ref[n_pad:n_pad + n, :]
    hn = a + jnp.dot(h_ref[...], rw_ref[...],
                     preferred_element_type=jnp.float32,
                     precision=lax.Precision.HIGHEST) + cb_ref[...]
    mean = jnp.mean(hn, axis=0, keepdims=True)
    var = jnp.mean((hn - mean) ** 2, axis=0, keepdims=True)
    hn = (hn - mean) * lax.rsqrt(var + 1e-5) * g_ref[...] + bb_ref[...]
    acc = jnp.zeros((ng, hn.shape[1]), jnp.float32)
    gid = lax.broadcasted_iota(jnp.int32, (ng, blk), 0)
    for j in range(n_blocks):
        oh = (batch_ref[j:j + 1, :] == gid).astype(jnp.float32)
        acc = acc + jnp.dot(oh, hn[j * blk:(j + 1) * blk, :],
                            preferred_element_type=jnp.float32,
                            precision=lax.Precision.HIGHEST)
    o_ref[...] = jnp.sum(acc * pw_ref[...], axis=1, keepdims=True) + pb_ref[...]



@functools.lru_cache(maxsize=None)
def _make_edge(c, tw, n, n_pad, e_pad, epw, nch, sub_rows):
    mesh = plsc.VectorSubcoreMesh(core_axis_name="c", subcore_axis_name="s")
    nk = tw // c
    rows_t = n // NS

    @functools.partial(
        pl.kernel,
        out_type=jax.ShapeDtypeStruct((NC * n_pad, c), jnp.float32),
        mesh=mesh,
        scratch_types=[
            pltpu.VMEM((nch, CH), jnp.int32),
            pltpu.VMEM((nch, CH), jnp.int32),
            pltpu.VMEM((CH, tw), jnp.float32),
            pltpu.VMEM((CH, tw), jnp.float32),
            pltpu.VMEM((CH, 16), jnp.float32),
            pltpu.VMEM((CH, 16), jnp.float32),
            pltpu.VMEM((CH, c), jnp.float32),
            pltpu.VMEM((CH, c), jnp.float32),
            pltpu.VMEM((sub_rows, c), jnp.float32),
            pltpu.VMEM_SHARED((n_pad, c), jnp.float32),
            pltpu.SemaphoreType.DMA,
            pltpu.SemaphoreType.DMA,
            pltpu.SemaphoreType.DMA,
            pltpu.SemaphoreType.DMA,
        ],
        compiler_params=pltpu.CompilerParams(use_tc_tiling_on_sc=False),
    )
    def edge_k(t_hbm, ep_hbm, src_hbm, dst_hbm, out_hbm, src_v, dst_v,
               tr0_v, tr1_v, ep0_v, ep1_v, msg0_v, msg1_v, stage_v, agg_sh,
               sem0, sem1, ssem0, ssem1):
        cid = lax.axis_index("c")
        sid = lax.axis_index("s")
        wid = sid * NC + cid
        zv = jnp.zeros((16,), jnp.float32)

        def zbody(i, carry):
            stage_v[i, :] = zv
            return carry

        lax.fori_loop(0, sub_rows, zbody, 0)
        pltpu.sync_copy(stage_v, agg_sh.at[pl.ds(sid * sub_rows, sub_rows)])
        pltpu.sync_copy(src_hbm.at[pl.ds(wid * nch, nch)], src_v)
        pltpu.sync_copy(dst_hbm.at[pl.ds(wid * nch, nch)], dst_v)
        plsc.subcore_barrier()

        def fire(j, tbuf, ebuf, sem):
            pltpu.async_copy(t_hbm.at[src_v.at[j]], tbuf, sem)
            pltpu.async_copy(
                ep_hbm.at[pl.ds(wid * epw + j * CH, CH)], ebuf, sem)

        def process(j, tbuf, ebuf, sem, msgb, ssem, first):
            pltpu.make_async_copy(t_hbm.at[src_v.at[j]], tbuf, sem).wait()
            pltpu.make_async_copy(
                ep_hbm.at[pl.ds(wid * epw + j * CH, CH)], ebuf, sem).wait()

            if not first:
                pltpu.make_async_copy(
                    msgb, agg_sh.at[dst_v.at[j]], ssem).wait()

            @plsc.parallel_loop(0, CH, 1, unroll=4)
            def ebody(e):
                ev = ebuf[e, :]
                terms = [ev[k] * tbuf[e, pl.ds(k * c, c)]
                         for k in range(nk - 1)]
                terms.append(tbuf[e, pl.ds((nk - 1) * c, c)])
                while len(terms) > 1:
                    terms = [a + b for a, b in
                             zip(terms[::2], terms[1::2])] + (
                                 [terms[-1]] if len(terms) % 2 else [])
                msgb[e, :] = terms[0]
            pltpu.async_copy(msgb, agg_sh.at[dst_v.at[j]], ssem, add=True)

        fire(0, tr0_v, ep0_v, sem0)
        process(0, tr0_v, ep0_v, sem0, msg0_v, ssem0, True)
        fire(1, tr1_v, ep1_v, sem1)
        fire(2, tr0_v, ep0_v, sem0)
        process(1, tr1_v, ep1_v, sem1, msg1_v, ssem1, True)

        def body(t, carry):
            j = t * 2
            fire(j + 1, tr1_v, ep1_v, sem1)
            process(j, tr0_v, ep0_v, sem0, msg0_v, ssem0, False)
            fire(j + 2, tr0_v, ep0_v, sem0)
            process(j + 1, tr1_v, ep1_v, sem1, msg1_v, ssem1, False)
            return carry

        lax.fori_loop(1, nch // 2 - 1, body, 0)
        fire(nch - 1, tr1_v, ep1_v, sem1)
        process(nch - 2, tr0_v, ep0_v, sem0, msg0_v, ssem0, False)
        process(nch - 1, tr1_v, ep1_v, sem1, msg1_v, ssem1, False)
        pltpu.make_async_copy(msg0_v, agg_sh.at[dst_v.at[0]], ssem0).wait()
        pltpu.make_async_copy(msg1_v, agg_sh.at[dst_v.at[0]], ssem1).wait()

        plsc.subcore_barrier()
        pltpu.sync_copy(agg_sh.at[pl.ds(sid * sub_rows, sub_rows)],
                        out_hbm.at[pl.ds(cid * n_pad + sid * sub_rows,
                                         sub_rows)])

    return edge_k



def kernel(x, edge_index, edge_attr, batch, linatoms_w, linatoms_b, mes_w1,
           mes_b1, mes_w2, mes_b2, root_w, conv_b, bn_g, bn_b, pred_w,
           pred_b):
    n, d = x.shape
    e = edge_index.shape[1]
    de = edge_attr.shape[1]
    c = linatoms_w.shape[1]
    nlay, _, neu = mes_w1.shape
    ng = 512
    nk = neu + 1
    tw = nk * c

    nch = -(-e // (NW * CH))
    nch = nch + (nch % 2)
    epw = nch * CH
    e_pad = NW * epw
    pad = e_pad - e
    n_pad = -(-(n + 1) // NS) * NS
    sub_rows = n_pad // NS

    src2d = jnp.concatenate(
        [edge_index[0], jnp.zeros((pad,), jnp.int32)]).reshape(-1, CH)
    dst2d = jnp.concatenate(
        [edge_index[1], jnp.full((pad,), n, jnp.int32)]).reshape(-1, CH)
    ea_p = jnp.concatenate(
        [edge_attr, jnp.zeros((pad, de), jnp.float32)], axis=0)

    def wp_of(l):
        a = jnp.concatenate([mes_w2[l].reshape(neu, c, c),
                             mes_b2[l].reshape(1, c, c)], axis=0)
        return a.transpose(1, 0, 2).reshape(c, tw)

    w1cat = mes_w1.transpose(1, 0, 2).reshape(de, nlay * neu)
    b1cat = mes_b1.reshape(1, nlay * neu)

    edge_k = _make_edge(c, tw, n, n_pad, e_pad, epw, nch, sub_rows)

    blk_e = 2048
    n_eblk = e_pad // blk_e
    eblk = lambda w: pl.BlockSpec((blk_e, w), lambda i: (i, 0))
    full = lambda s: pl.BlockSpec(s, lambda i: tuple(0 for _ in s))
    ep0, ep1, ep2, h, t = pl.pallas_call(
        functools.partial(_pro_body, neu=neu, nlay=nlay, blk=blk_e),
        grid=(n_eblk,),
        in_specs=[
            eblk(de), full((de, nlay * neu)), full((1, nlay * neu)),
            full((n, d)), full((d, c)), full((1, c)), full((c, tw)),
        ],
        out_specs=[eblk(16), eblk(16), eblk(16), full((n, c)), full((n, tw))],
        out_shape=[
            jax.ShapeDtypeStruct((e_pad, 16), jnp.float32),
            jax.ShapeDtypeStruct((e_pad, 16), jnp.float32),
            jax.ShapeDtypeStruct((e_pad, 16), jnp.float32),
            jax.ShapeDtypeStruct((n, c), jnp.float32),
            jax.ShapeDtypeStruct((n, tw), jnp.float32),
        ],
    )(ea_p, w1cat, b1cat, x, linatoms_w, linatoms_b.reshape(1, c), wp_of(0))
    eps = (ep0, ep1, ep2)

    blk_n = n
    for cand in range(1024, 7, -1):
        if n % cand == 0 and cand % 8 == 0:
            blk_n = cand
            break
    nb = n // blk_n
    batch2d = batch.reshape(nb, blk_n)

    out = None
    for l in range(nlay):
        agg = edge_k(t, eps[l], src2d, dst2d)
        if l < nlay - 1:
            h, t = pl.pallas_call(
                functools.partial(_upd_body, n=n, n_pad=n_pad, act=True),
                out_shape=[jax.ShapeDtypeStruct((n, c), jnp.float32),
                           jax.ShapeDtypeStruct((n, tw), jnp.float32)],
            )(agg, h, root_w[l], conv_b[l].reshape(1, c),
              bn_g[l].reshape(1, c), bn_b[l].reshape(1, c), wp_of(l + 1))
        else:
            out = pl.pallas_call(
                functools.partial(_last_body, n=n, n_pad=n_pad, n_blocks=nb,
                                  blk=blk_n, ng=ng),
                out_shape=jax.ShapeDtypeStruct((ng, 1), jnp.float32),
            )(agg, h, root_w[l], conv_b[l].reshape(1, c),
              bn_g[l].reshape(1, c), bn_b[l].reshape(1, c), batch2d,
              pred_w.reshape(1, c), pred_b.reshape(1, 1))
    return out

# --- scband reference (transcript-rebuilt; emitter-appended) ---
"""Pipeline reference for scband-gnn-52020643889506 (READ-ONLY COPY).

The authoritative reference and input builder live on the scoring server;
editing this copy changes nothing except your own understanding.
"""

import jax, jax.numpy as jnp
import numpy as np

N = 10000
E = 160000
D = 128
DE = 16
C = 16
L = 3
G = 512
NEU = 5

def setup_inputs(seed: int = 0):
    key = jax.random.key(seed)
    ks = jax.random.split(key, 20)
    inp = {}
    inp['x'] = jax.random.normal(ks[0], (N, D), dtype=jnp.float32)
    inp['edge_index'] = jax.random.randint(ks[1], (2, E), 0, N, dtype=jnp.int32)
    inp['edge_attr'] = jax.random.normal(ks[2], (E, DE), dtype=jnp.float32)
    inp['batch'] = jnp.sort(jax.random.randint(ks[3], (N,), 0, G, dtype=jnp.int32))
    inp['linatoms_w'] = jax.random.normal(ks[4], (D, C), dtype=jnp.float32) * 0.05
    inp['linatoms_b'] = jnp.zeros((C,), dtype=jnp.float32)
    inp['mes_w1'] = jax.random.normal(ks[5], (L, DE, NEU), dtype=jnp.float32) * 0.1
    inp['mes_b1'] = jnp.zeros((L, NEU), dtype=jnp.float32)
    inp['mes_w2'] = jax.random.normal(ks[6], (L, NEU, C * C), dtype=jnp.float32) * 0.05
    inp['mes_b2'] = jnp.zeros((L, C * C), dtype=jnp.float32)
    inp['root_w'] = jax.random.normal(ks[7], (L, C, C), dtype=jnp.float32) * 0.1
    inp['conv_b'] = jnp.zeros((L, C), dtype=jnp.float32)
    inp['bn_g'] = jnp.ones((L, C), dtype=jnp.float32)
    inp['bn_b'] = jnp.zeros((L, C), dtype=jnp.float32)
    inp['pred_w'] = jax.random.normal(ks[8], (C, 1), dtype=jnp.float32) * 0.1
    inp['pred_b'] = jnp.zeros((1,), dtype=jnp.float32)
    return inp

def reference(x, edge_index, edge_attr, batch, linatoms_w, linatoms_b, mes_w1, mes_b1, mes_w2, mes_b2, root_w, conv_b, bn_g, bn_b, pred_w, pred_b):
    src = edge_index[0]
    dst = edge_index[1]
    # linatoms + leaky_relu
    h = jax.nn.leaky_relu(x @ linatoms_w + linatoms_b, negative_slope=0.01)
    for l in range(L):
        # NNConv: edge network maps edge_attr -> [C, C] weight matrix per edge
        e = jnp.maximum(edge_attr @ mes_w1[l] + mes_b1[l], 0.0)
        wmat = (e @ mes_w2[l] + mes_b2[l]).reshape(E, C, C)
        msg = jnp.einsum('ei,eio->eo', jnp.take(h, src, axis=0), wmat)
        agg = jax.ops.segment_sum(msg, dst, num_segments=N)  # aggr='add'
        h = agg + h @ root_w[l] + conv_b[l]
        # BatchNorm1d (batch-statistics normalization)
        mean = jnp.mean(h, axis=0)
        var = jnp.var(h, axis=0)
        h = (h - mean) / jnp.sqrt(var + 1e-5) * bn_g[l] + bn_b[l]
        # dropout is identity in eval mode
        if l != L - 1:
            h = jax.nn.leaky_relu(h, negative_slope=0.01)
    # JK == 'last' -> h is final layer output
    g = jax.ops.segment_sum(h, batch, num_segments=G)  # scatter_add graph pooling
    return g @ pred_w + pred_b

if __name__ == "__main__":
    import jax
    _d = setup_inputs()
    print(jax.jit(kernel)(*tuple(_d.values())))

</pallas_src>

<mosaic_0001>
#map = affine_map<(d0, d1) -> (0, 0)>
module attributes {stable_mosaic.version = 14 : i64} {
  func.func @edge_k(%arg0: i32, %arg1: i32, %arg2: memref<10000x96xf32, #tpu.memory_space<hbm>>, %arg3: memref<163840x16xf32, #tpu.memory_space<hbm>>, %arg4: memref<1280x128xi32, #tpu.memory_space<hbm>>, %arg5: memref<1280x128xi32, #tpu.memory_space<hbm>>, %arg6: memref<20032x16xf32, #tpu.memory_space<hbm>>, %arg7: memref<40x128xi32, #tpu.memory_space<vmem>>, %arg8: memref<40x128xi32, #tpu.memory_space<vmem>>, %arg9: memref<128x96xf32, #tpu.memory_space<vmem>>, %arg10: memref<128x96xf32, #tpu.memory_space<vmem>>, %arg11: memref<128x16xf32, #tpu.memory_space<vmem>>, %arg12: memref<128x16xf32, #tpu.memory_space<vmem>>, %arg13: memref<128x16xf32, #tpu.memory_space<vmem>>, %arg14: memref<128x16xf32, #tpu.memory_space<vmem>>, %arg15: memref<626x16xf32, #tpu.memory_space<vmem>>, %arg16: memref<10016x16xf32, #tpu.memory_space<vmem_shared>>, %arg17: memref<!tpu.dma_semaphore, #tpu.memory_space<semaphore_mem>>, %arg18: memref<!tpu.dma_semaphore, #tpu.memory_space<semaphore_mem>>, %arg19: memref<!tpu.dma_semaphore, #tpu.memory_space<semaphore_mem>>, %arg20: memref<!tpu.dma_semaphore, #tpu.memory_space<semaphore_mem>>) attributes {dimension_semantics = [#tpu.dimension_semantics<core_parallel>, #tpu.dimension_semantics<subcore_parallel>], iteration_bounds = array<i64: 2, 16>, scalar_prefetch = 0 : i64, scratch_operands = 14 : i64, tpu.core_type = #tpu.core_type<sc_vector_subcore>, window_params = [{transform_indices = #map}, {transform_indices = #map}, {transform_indices = #map}, {transform_indices = #map}, {transform_indices = #map}]} {
    %mul3A = arith.constant 2 : i32
    %mul3A_0 = arith.muli %arg1, %mul3A : i32
    %add3A = arith.addi %mul3A_0, %arg0 : i32
    %broadcast_in_dim3A = arith.constant 0.000000e+00 : f32
    %broadcast_in_dim3A_1 = vector.broadcast %broadcast_in_dim3A : f32 to vector<16xf32>
    %scan3A = arith.constant 0 : i32
    %scan3A_2 = arith.constant 0 : i32
    %scan3A_3 = arith.constant 626 : i32
    %scan3A_4 = arith.addi %scan3A_2, %scan3A_3 : i32
    %scan3A_5 = arith.constant 1 : i32
    scf.for %scan3A_212 = %scan3A_2 to %scan3A_4 step %scan3A_5  : i32 {
      %swap3A = arith.index_cast %scan3A_212 : i32 to index
      %swap3A_213 = arith.constant 0 : index
      %swap3A_214 = tpu.vector_load %arg15[%swap3A, %swap3A_213] {strides = array<i32>} : memref<626x16xf32, #tpu.memory_space<vmem>>, vector<1x16xf32>,
      %swap3A_215 = vector.shape_cast %swap3A_214 : vector<1x16xf32> to vector<16xf32>
      %swap3A_216 = vector.shape_cast %broadcast_in_dim3A_1 : vector<16xf32> to vector<1x16xf32>
      tpu.vector_store %arg15[%swap3A, %swap3A_213], %swap3A_216 {strides = array<i32>} : memref<626x16xf32, #tpu.memory_space<vmem>>, vector<1x16xf32>,
    }
    %scan3A_6 = arith.constant 626 : i32
    %mul3A_7 = arith.constant 626 : i32
    %mul3A_8 = arith.muli %arg1, %mul3A_7 : i32
    "tpu.region"() ({
      %run_scoped3A = tpu.sem_alloc : memref<!tpu.dma_semaphore, #tpu.memory_space<semaphore_mem>>
      %dma_start3A_212 = arith.constant 0 : i32
      %dma_start3A_213 = tpu.memref_slice %arg16[%mul3A_8, %dma_start3A_212] : memref<10016x16xf32, #tpu.memory_space<vmem_shared>> -> memref<626x16xf32, #tpu.memory_space<vmem_shared>>
      %dma_start3A_214 = arith.constant 0 : i32
      %dma_start3A_215 = tpu.memref_slice %arg16[%mul3A_8, %dma_start3A_214] : memref<10016x16xf32, #tpu.memory_space<vmem_shared>> -> memref<626x16xf32, #tpu.memory_space<vmem_shared>>
      tpu.enqueue_dma source(%arg15 : memref<626x16xf32, #tpu.memory_space<vmem>>) target(%dma_start3A_215 : memref<626x16xf32, #tpu.memory_space<vmem_shared>>) target_semaphore(%run_scoped3A : memref<!tpu.dma_semaphore, #tpu.memory_space<semaphore_mem>>)
      %dma_wait3A_216 = arith.constant 0 : i32
      %dma_wait3A_217 = tpu.memref_slice %arg16[%mul3A_8, %dma_wait3A_216] : memref<10016x16xf32, #tpu.memory_space<vmem_shared>> -> memref<626x16xf32, #tpu.memory_space<vmem_shared>>
      %dma_wait3A_218 = arith.constant 0 : i32
      %dma_wait3A_219 = tpu.memref_slice %arg16[%mul3A_8, %dma_wait3A_218] : memref<10016x16xf32, #tpu.memory_space<vmem_shared>> -> memref<626x16xf32, #tpu.memory_space<vmem_shared>>
      tpu.wait_dma2 semaphore(%run_scoped3A : memref<!tpu.dma_semaphore, #tpu.memory_space<semaphore_mem>>) src(%arg15 : memref<626x16xf32, #tpu.memory_space<vmem>>) dst(%dma_wait3A_219 : memref<626x16xf32, #tpu.memory_space<vmem_shared>>)
      tpu.yield
    }) : () -> ()
    %mul3A_9 = arith.constant 40 : i32
    %mul3A_10 = arith.muli %add3A, %mul3A_9 : i32
    "tpu.region"() ({
      %run_scoped3A = tpu.sem_alloc : memref<!tpu.dma_semaphore, #tpu.memory_space<semaphore_mem>>
      %dma_start3A_212 = arith.constant 0 : i32
      %dma_start3A_213 = tpu.memref_slice %arg4[%mul3A_10, %dma_start3A_212] : memref<1280x128xi32, #tpu.memory_space<hbm>> -> memref<40x128xi32, #tpu.memory_space<hbm>>
      %dma_start3A_214 = arith.constant 0 : i32
      %dma_start3A_215 = tpu.memref_slice %arg4[%mul3A_10, %dma_start3A_214] : memref<1280x128xi32, #tpu.memory_space<hbm>> -> memref<40x128xi32, #tpu.memory_space<hbm>>
      tpu.enqueue_dma source(%dma_start3A_215 : memref<40x128xi32, #tpu.memory_space<hbm>>) target(%arg7 : memref<40x128xi32, #tpu.memory_space<vmem>>) target_semaphore(%run_scoped3A : memref<!tpu.dma_semaphore, #tpu.memory_space<semaphore_mem>>)
      %dma_wait3A_216 = arith.constant 0 : i32
      %dma_wait3A_217 = tpu.memref_slice %arg4[%mul3A_10, %dma_wait3A_216] : memref<1280x128xi32, #tpu.memory_space<hbm>> -> memref<40x128xi32, #tpu.memory_space<hbm>>
      %dma_wait3A_218 = arith.constant 0 : i32
      %dma_wait3A_219 = tpu.memref_slice %arg4[%mul3A_10, %dma_wait3A_218] : memref<1280x128xi32, #tpu.memory_space<hbm>> -> memref<40x128xi32, #tpu.memory_space<hbm>>
      tpu.wait_dma2 semaphore(%run_scoped3A : memref<!tpu.dma_semaphore, #tpu.memory_space<semaphore_mem>>) src(%dma_wait3A_219 : memref<40x128xi32, #tpu.memory_space<hbm>>) dst(%arg7 : memref<40x128xi32, #tpu.memory_space<vmem>>)
      tpu.yield
    }) : () -> ()
    %mul3A_11 = arith.constant 40 : i32
    %mul3A_12 = arith.muli %add3A, %mul3A_11 : i32
    "tpu.region"() ({
      %run_scoped3A = tpu.sem_alloc : memref<!tpu.dma_semaphore, #tpu.memory_space<semaphore_mem>>
      %dma_start3A_212 = arith.constant 0 : i32
      %dma_start3A_213 = tpu.memref_slice %arg5[%mul3A_12, %dma_start3A_212] : memref<1280x128xi32, #tpu.memory_space<hbm>> -> memref<40x128xi32, #tpu.memory_space<hbm>>
      %dma_start3A_214 = arith.constant 0 : i32
      %dma_start3A_215 = tpu.memref_slice %arg5[%mul3A_12, %dma_start3A_214] : memref<1280x128xi32, #tpu.memory_space<hbm>> -> memref<40x128xi32, #tpu.memory_space<hbm>>
      tpu.enqueue_dma source(%dma_start3A_215 : memref<40x128xi32, #tpu.memory_space<hbm>>) target(%arg8 : memref<40x128xi32, #tpu.memory_space<vmem>>) target_semaphore(%run_scoped3A : memref<!tpu.dma_semaphore, #tpu.memory_space<semaphore_mem>>)
      %dma_wait3A_216 = arith.constant 0 : i32
      %dma_wait3A_217 = tpu.memref_slice %arg5[%mul3A_12, %dma_wait3A_216] : memref<1280x128xi32, #tpu.memory_space<hbm>> -> memref<40x128xi32, #tpu.memory_space<hbm>>
      %dma_wait3A_218 = arith.constant 0 : i32
      %dma_wait3A_219 = tpu.memref_slice %arg5[%mul3A_12, %dma_wait3A_218] : memref<1280x128xi32, #tpu.memory_space<hbm>> -> memref<40x128xi32, #tpu.memory_space<hbm>>
      tpu.wait_dma2 semaphore(%run_scoped3A : memref<!tpu.dma_semaphore, #tpu.memory_space<semaphore_mem>>) src(%dma_wait3A_219 : memref<40x128xi32, #tpu.memory_space<hbm>>) dst(%arg8 : memref<40x128xi32, #tpu.memory_space<vmem>>)
      tpu.yield
    }) : () -> ()
    %barrier3A = arith.constant 0 : index
    tpu.barrier barrier_id(%barrier3A)
    %dma_start3A = arith.constant 0 : i32
    %dma_start3A_13 = arith.constant 0 : i32
    %dma_start3A_14 = tpu.memref_slice %arg7[%dma_start3A, %dma_start3A_13] : memref<40x128xi32, #tpu.memory_space<vmem>> -> memref<1x128xi32, #tpu.memory_space<vmem>>
    %dma_start3A_15 = tpu.memref_squeeze %dma_start3A_14 : memref<1x128xi32, #tpu.memory_space<vmem>> -> memref<128xi32, #tpu.memory_space<vmem>>
    %dma_start3A_16 = arith.constant 0 : i32
    %dma_start3A_17 = arith.constant 0 : i32
    %dma_start3A_18 = tpu.memref_slice %arg2[%dma_start3A_16, %dma_start3A_17] : memref<10000x96xf32, #tpu.memory_space<hbm>> -> memref<10000x96xf32, #tpu.memory_space<hbm>>
    tpu.enqueue_indirect_dma source(%dma_start3A_18 : memref<10000x96xf32, #tpu.memory_space<hbm>>) target(%arg9 : memref<128x96xf32, #tpu.memory_space<vmem>>) offsets(%dma_start3A_15 : memref<128xi32, #tpu.memory_space<vmem>>) semaphore(%arg17 : memref<!tpu.dma_semaphore, #tpu.memory_space<semaphore_mem>>)
    %mul3A_19 = arith.constant 5120 : i32
    %mul3A_20 = arith.muli %add3A, %mul3A_19 : i32
    %add3A_21 = arith.constant 0 : i32
    %add3A_22 = arith.addi %mul3A_20, %add3A_21 : i32
    %dma_start3A_23 = arith.constant 0 : i32
    %dma_start3A_24 = tpu.memref_slice %arg3[%add3A_22, %dma_start3A_23] : memref<163840x16xf32, #tpu.memory_space<hbm>> -> memref<128x16xf32, #tpu.memory_space<hbm>>
    %dma_start3A_25 = arith.constant 0 : i32
    %dma_start3A_26 = tpu.memref_slice %arg3[%add3A_22, %dma_start3A_25] : memref<163840x16xf32, #tpu.memory_space<hbm>> -> memref<128x16xf32, #tpu.memory_space<hbm>>
    tpu.enqueue_dma source(%dma_start3A_26 : memref<128x16xf32, #tpu.memory_space<hbm>>) target(%arg11 : memref<128x16xf32, #tpu.memory_space<vmem>>) target_semaphore(%arg17 : memref<!tpu.dma_semaphore, #tpu.memory_space<semaphore_mem>>)
    %dma_wait3A = arith.constant 0 : i32
    %dma_wait3A_27 = arith.constant 0 : i32
    %dma_wait3A_28 = tpu.memref_slice %arg7[%dma_wait3A, %dma_wait3A_27] : memref<40x128xi32, #tpu.memory_space<vmem>> -> memref<1x128xi32, #tpu.memory_space<vmem>>
    %dma_wait3A_29 = tpu.memref_squeeze %dma_wait3A_28 : memref<1x128xi32, #tpu.memory_space<vmem>> -> memref<128xi32, #tpu.memory_space<vmem>>
    %dma_wait3A_30 = arith.constant 0 : i32
    %dma_wait3A_31 = arith.constant 0 : i32
    %dma_wait3A_32 = tpu.memref_slice %arg2[%dma_wait3A_30, %dma_wait3A_31] : memref<10000x96xf32, #tpu.memory_space<hbm>> -> memref<10000x96xf32, #tpu.memory_space<hbm>>
    tpu.wait_indirect_dma semaphore(%arg17 : memref<!tpu.dma_semaphore, #tpu.memory_space<semaphore_mem>>) src(%dma_wait3A_32 : memref<10000x96xf32, #tpu.memory_space<hbm>>) dst(%arg9 : memref<128x96xf32, #tpu.memory_space<vmem>>)
    %mul3A_33 = arith.constant 5120 : i32
    %mul3A_34 = arith.muli %add3A, %mul3A_33 : i32
    %add3A_35 = arith.constant 0 : i32
    %add3A_36 = arith.addi %mul3A_34, %add3A_35 : i32
    %dma_wait3A_37 = arith.constant 0 : i32
    %dma_wait3A_38 = tpu.memref_slice %arg3[%add3A_36, %dma_wait3A_37] : memref<163840x16xf32, #tpu.memory_space<hbm>> -> memref<128x16xf32, #tpu.memory_space<hbm>>
    %dma_wait3A_39 = arith.constant 0 : i32
    %dma_wait3A_40 = tpu.memref_slice %arg3[%add3A_36, %dma_wait3A_39] : memref<163840x16xf32, #tpu.memory_space<hbm>> -> memref<128x16xf32, #tpu.memory_space<hbm>>
    tpu.wait_dma2 semaphore(%arg17 : memref<!tpu.dma_semaphore, #tpu.memory_space<semaphore_mem>>) src(%dma_wait3A_40 : memref<128x16xf32, #tpu.memory_space<hbm>>) dst(%arg11 : memref<128x16xf32, #tpu.memory_space<vmem>>)
    %parallel_loop3A = arith.constant 0 : i32
    %parallel_loop3A_41 = arith.constant 128 : i32
    %parallel_loop3A_42 = arith.constant 1 : i32
    scf.for %parallel_loop3A_212 = %parallel_loop3A to %parallel_loop3A_41 step %parallel_loop3A_42  : i32 {
      %parallel_loop3A_213 = arith.index_cast %parallel_loop3A_212 : i32 to index
      %parallel_loop3A_214 = arith.constant 0 : index
      %parallel_loop3A_215 = tpu.vector_load %arg11[%parallel_loop3A_213, %parallel_loop3A_214] {strides = array<i32>} : memref<128x16xf32, #tpu.memory_space<vmem>>, vector<1x16xf32>,
      %parallel_loop3A_216 = vector.shape_cast %parallel_loop3A_215 : vector<1x16xf32> to vector<16xf32>
      %parallel_loop3A_217 = vector.extract_strided_slice %parallel_loop3A_216 {offsets = [0], sizes = [1], strides = [1]} : vector<16xf32> to vector<1xf32>
      %parallel_loop3A_218 = vector.extract %parallel_loop3A_217[0] : f32 from vector<1xf32>
      %parallel_loop3A_219 = arith.index_cast %parallel_loop3A_212 : i32 to index
      %parallel_loop3A_220 = arith.constant 0 : index
      %parallel_loop3A_221 = tpu.vector_load %arg9[%parallel_loop3A_219, %parallel_loop3A_220] {strides = array<i32>} : memref<128x96xf32, #tpu.memory_space<vmem>>, vector<1x16xf32>,
      %parallel_loop3A_222 = vector.shape_cast %parallel_loop3A_221 : vector<1x16xf32> to vector<16xf32>
      %parallel_loop3A_223 = vector.broadcast %parallel_loop3A_218 : f32 to vector<16xf32>
      %parallel_loop3A_224 = arith.mulf %parallel_loop3A_223, %parallel_loop3A_222 : vector<16xf32>
      %parallel_loop3A_225 = vector.extract_strided_slice %parallel_loop3A_216 {offsets = [1], sizes = [1], strides = [1]} : vector<16xf32> to vector<1xf32>
      %parallel_loop3A_226 = vector.extract %parallel_loop3A_225[0] : f32 from vector<1xf32>
      %parallel_loop3A_227 = arith.index_cast %parallel_loop3A_212 : i32 to index
      %parallel_loop3A_228 = arith.constant 16 : index
      %parallel_loop3A_229 = tpu.vector_load %arg9[%parallel_loop3A_227, %parallel_loop3A_228] {strides = array<i32>} : memref<128x96xf32, #tpu.memory_space<vmem>>, vector<1x16xf32>,
      %parallel_loop3A_230 = vector.shape_cast %parallel_loop3A_229 : vector<1x16xf32> to vector<16xf32>
      %parallel_loop3A_231 = vector.broadcast %parallel_loop3A_226 : f32 to vector<16xf32>
      %parallel_loop3A_232 = arith.mulf %parallel_loop3A_231, %parallel_loop3A_230 : vector<16xf32>
      %parallel_loop3A_233 = vector.extract_strided_slice %parallel_loop3A_216 {offsets = [2], sizes = [1], strides = [1]} : vector<16xf32> to vector<1xf32>
      %parallel_loop3A_234 = vector.extract %parallel_loop3A_233[0] : f32 from vector<1xf32>
      %parallel_loop3A_235 = arith.index_cast %parallel_loop3A_212 : i32 to index
      %parallel_loop3A_236 = arith.constant 32 : index
      %parallel_loop3A_237 = tpu.vector_load %arg9[%parallel_loop3A_235, %parallel_loop3A_236] {strides = array<i32>} : memref<128x96xf32, #tpu.memory_space<vmem>>, vector<1x16xf32>,
      %parallel_loop3A_238 = vector.shape_cast %parallel_loop3A_237 : vector<1x16xf32> to vector<16xf32>
      %parallel_loop3A_239 = vector.broadcast %parallel_loop3A_234 : f32 to vector<16xf32>
      %parallel_loop3A_240 = arith.mulf %parallel_loop3A_239, %parallel_loop3A_238 : vector<16xf32>
      %parallel_loop3A_241 = vector.extract_strided_slice %parallel_loop3A_216 {offsets = [3], sizes = [1], strides = [1]} : vector<16xf32> to vector<1xf32>
      %parallel_loop3A_242 = vector.extract %parallel_loop3A_241[0] : f32 from vector<1xf32>
      %parallel_loop3A_243 = arith.index_cast %parallel_loop3A_212 : i32 to index
      %parallel_loop3A_244 = arith.constant 48 : index
      %parallel_loop3A_245 = tpu.vector_load %arg9[%parallel_loop3A_243, %parallel_loop3A_244] {strides = array<i32>} : memref<128x96xf32, #tpu.memory_space<vmem>>, vector<1x16xf32>,
      %parallel_loop3A_246 = vector.shape_cast %parallel_loop3A_245 : vector<1x16xf32> to vector<16xf32>
      %parallel_loop3A_247 = vector.broadcast %parallel_loop3A_242 : f32 to vector<16xf32>
      %parallel_loop3A_248 = arith.mulf %parallel_loop3A_247, %parallel_loop3A_246 : vector<16xf32>
      %parallel_loop3A_249 = vector.extract_strided_slice %parallel_loop3A_216 {offsets = [4], sizes = [1], strides = [1]} : vector<16xf32> to vector<1xf32>
      %parallel_loop3A_250 = vector.extract %parallel_loop3A_249[0] : f32 from vector<1xf32>
      %parallel_loop3A_251 = arith.index_cast %parallel_loop3A_212 : i32 to index
      %parallel_loop3A_252 = arith.constant 64 : index
      %parallel_loop3A_253 = tpu.vector_load %arg9[%parallel_loop3A_251, %parallel_loop3A_252] {strides = array<i32>} : memref<128x96xf32, #tpu.memory_space<vmem>>, vector<1x16xf32>,
      %parallel_loop3A_254 = vector.shape_cast %parallel_loop3A_253 : vector<1x16xf32> to vector<16xf32>
      %parallel_loop3A_255 = vector.broadcast %parallel_loop3A_250 : f32 to vector<16xf32>
      %parallel_loop3A_256 = arith.mulf %parallel_loop3A_255, %parallel_loop3A_254 : vector<16xf32>
      %parallel_loop3A_257 = arith.index_cast %parallel_loop3A_212 : i32 to index
      %parallel_loop3A_258 = arith.constant 80 : index
      %parallel_loop3A_259 = tpu.vector_load %arg9[%parallel_loop3A_257, %parallel_loop3A_258] {strides = array<i32>} : memref<128x96xf32, #tpu.memory_space<vmem>>, vector<1x16xf32>,
      %parallel_loop3A_260 = vector.shape_cast %parallel_loop3A_259 : vector<1x16xf32> to vector<16xf32>
      %parallel_loop3A_261 = arith.addf %parallel_loop3A_224, %parallel_loop3A_232 : vector<16xf32>
      %parallel_loop3A_262 = arith.addf %parallel_loop3A_240, %parallel_loop3A_248 : vector<16xf32>
      %parallel_loop3A_263 = arith.addf %parallel_loop3A_256, %parallel_loop3A_260 : vector<16xf32>
      %parallel_loop3A_264 = arith.addf %parallel_loop3A_261, %parallel_loop3A_262 : vector<16xf32>
      %parallel_loop3A_265 = arith.addf %parallel_loop3A_264, %parallel_loop3A_263 : vector<16xf32>
      %parallel_loop3A_266 = arith.index_cast %parallel_loop3A_212 : i32 to index
      %parallel_loop3A_267 = arith.constant 0 : index
      %parallel_loop3A_268 = tpu.vector_load %arg13[%parallel_loop3A_266, %parallel_loop3A_267] {strides = array<i32>} : memref<128x16xf32, #tpu.memory_space<vmem>>, vector<1x16xf32>,
      %parallel_loop3A_269 = vector.shape_cast %parallel_loop3A_268 : vector<1x16xf32> to vector<16xf32>
      %parallel_loop3A_270 = vector.shape_cast %parallel_loop3A_265 : vector<16xf32> to vector<1x16xf32>
      tpu.vector_store %arg13[%parallel_loop3A_266, %parallel_loop3A_267], %parallel_loop3A_270 {strides = array<i32>} : memref<128x16xf32, #tpu.memory_space<vmem>>, vector<1x16xf32>,
    } {sc.loop_unroll_factor = 4 : i64, sc.parallel_access}
    %dma_start3A_43 = arith.constant 0 : i32
    %dma_start3A_44 = arith.constant 0 : i32
    %dma_start3A_45 = tpu.memref_slice %arg8[%dma_start3A_43, %dma_start3A_44] : memref<40x128xi32, #tpu.memory_space<vmem>> -> memref<1x128xi32, #tpu.memory_space<vmem>>
    %dma_start3A_46 = tpu.memref_squeeze %dma_start3A_45 : memref<1x128xi32, #tpu.memory_space<vmem>> -> memref<128xi32, #tpu.memory_space<vmem>>
    %dma_start3A_47 = arith.constant 0 : i32
    %dma_start3A_48 = arith.constant 0 : i32
    %dma_start3A_49 = tpu.memref_slice %arg16[%dma_start3A_47, %dma_start3A_48] : memref<10016x16xf32, #tpu.memory_space<vmem_shared>> -> memref<10016x16xf32, #tpu.memory_space<vmem_shared>>
    tpu.enqueue_indirect_dma source(%arg13 : memref<128x16xf32, #tpu.memory_space<vmem>>) target(%dma_start3A_49 : memref<10016x16xf32, #tpu.memory_space<vmem_shared>>) offsets(%dma_start3A_46 : memref<128xi32, #tpu.memory_space<vmem>>) semaphore(%arg19 : memref<!tpu.dma_semaphore, #tpu.memory_space<semaphore_mem>>) {add = true}
    %dma_start3A_50 = arith.constant 1 : i32
    %dma_start3A_51 = arith.constant 0 : i32
    %dma_start3A_52 = tpu.memref_slice %arg7[%dma_start3A_50, %dma_start3A_51] : memref<40x128xi32, #tpu.memory_space<vmem>> -> memref<1x128xi32, #tpu.memory_space<vmem>>
    %dma_start3A_53 = tpu.memref_squeeze %dma_start3A_52 : memref<1x128xi32, #tpu.memory_space<vmem>> -> memref<128xi32, #tpu.memory_space<vmem>>
    %dma_start3A_54 = arith.constant 0 : i32
    %dma_start3A_55 = arith.constant 0 : i32
    %dma_start3A_56 = tpu.memref_slice %arg2[%dma_start3A_54, %dma_start3A_55] : memref<10000x96xf32, #tpu.memory_space<hbm>> -> memref<10000x96xf32, #tpu.memory_space<hbm>>
    tpu.enqueue_indirect_dma source(%dma_start3A_56 : memref<10000x96xf32, #tpu.memory_space<hbm>>) target(%arg10 : memref<128x96xf32, #tpu.memory_space<vmem>>) offsets(%dma_start3A_53 : memref<128xi32, #tpu.memory_space<vmem>>) semaphore(%arg18 : memref<!tpu.dma_semaphore, #tpu.memory_space<semaphore_mem>>)
    %mul3A_57 = arith.constant 5120 : i32
    %mul3A_58 = arith.muli %add3A, %mul3A_57 : i32
    %add3A_59 = arith.constant 128 : i32
    %add3A_60 = arith.addi %mul3A_58, %add3A_59 : i32
    %dma_start3A_61 = arith.constant 0 : i32
    %dma_start3A_62 = tpu.memref_slice %arg3[%add3A_60, %dma_start3A_61] : memref<163840x16xf32, #tpu.memory_space<hbm>> -> memref<128x16xf32, #tpu.memory_space<hbm>>
    %dma_start3A_63 = arith.constant 0 : i32
    %dma_start3A_64 = tpu.memref_slice %arg3[%add3A_60, %dma_start3A_63] : memref<163840x16xf32, #tpu.memory_space<hbm>> -> memref<128x16xf32, #tpu.memory_space<hbm>>
    tpu.enqueue_dma source(%dma_start3A_64 : memref<128x16xf32, #tpu.memory_space<hbm>>) target(%arg12 : memref<128x16xf32, #tpu.memory_space<vmem>>) target_semaphore(%arg18 : memref<!tpu.dma_semaphore, #tpu.memory_space<semaphore_mem>>)
    %dma_start3A_65 = arith.constant 2 : i32
    %dma_start3A_66 = arith.constant 0 : i32
    %dma_start3A_67 = tpu.memref_slice %arg7[%dma_start3A_65, %dma_start3A_66] : memref<40x128xi32, #tpu.memory_space<vmem>> -> memref<1x128xi32, #tpu.memory_space<vmem>>
    %dma_start3A_68 = tpu.memref_squeeze %dma_start3A_67 : memref<1x128xi32, #tpu.memory_space<vmem>> -> memref<128xi32, #tpu.memory_space<vmem>>
    %dma_start3A_69 = arith.constant 0 : i32
    %dma_start3A_70 = arith.constant 0 : i32
    %dma_start3A_71 = tpu.memref_slice %arg2[%dma_start3A_69, %dma_start3A_70] : memref<10000x96xf32, #tpu.memory_space<hbm>> -> memref<10000x96xf32, #tpu.memory_space<hbm>>
    tpu.enqueue_indirect_dma source(%dma_start3A_71 : memref<10000x96xf32, #tpu.memory_space<hbm>>) target(%arg9 : memref<128x96xf32, #tpu.memory_space<vmem>>) offsets(%dma_start3A_68 : memref<128xi32, #tpu.memory_space<vmem>>) semaphore(%arg17 : memref<!tpu.dma_semaphore, #tpu.memory_space<semaphore_mem>>)
    %mul3A_72 = arith.constant 5120 : i32
    %mul3A_73 = arith.muli %add3A, %mul3A_72 : i32
    %add3A_74 = arith.constant 256 : i32
    %add3A_75 = arith.addi %mul3A_73, %add3A_74 : i32
    %dma_start3A_76 = arith.constant 0 : i32
    %dma_start3A_77 = tpu.memref_slice %arg3[%add3A_75, %dma_start3A_76] : memref<163840x16xf32, #tpu.memory_space<hbm>> -> memref<128x16xf32, #tpu.memory_space<hbm>>
    %dma_start3A_78 = arith.constant 0 : i32
    %dma_start3A_79 = tpu.memref_slice %arg3[%add3A_75, %dma_start3A_78] : memref<163840x16xf32, #tpu.memory_space<hbm>> -> memref<128x16xf32, #tpu.memory_space<hbm>>
    tpu.enqueue_dma source(%dma_start3A_79 : memref<128x16xf32, #tpu.memory_space<hbm>>) target(%arg11 : memref<128x16xf32, #tpu.memory_space<vmem>>) target_semaphore(%arg17 : memref<!tpu.dma_semaphore, #tpu.memory_space<semaphore_mem>>)
    %dma_wait3A_80 = arith.constant 1 : i32
    %dma_wait3A_81 = arith.constant 0 : i32
    %dma_wait3A_82 = tpu.memref_slice %arg7[%dma_wait3A_80, %dma_wait3A_81] : memref<40x128xi32, #tpu.memory_space<vmem>> -> memref<1x128xi32, #tpu.memory_space<vmem>>
    %dma_wait3A_83 = tpu.memref_squeeze %dma_wait3A_82 : memref<1x128xi32, #tpu.memory_space<vmem>> -> memref<128xi32, #tpu.memory_space<vmem>>
    %dma_wait3A_84 = arith.constant 0 : i32
    %dma_wait3A_85 = arith.constant 0 : i32
    %dma_wait3A_86 = tpu.memref_slice %arg2[%dma_wait3A_84, %dma_wait3A_85] : memref<10000x96xf32, #tpu.memory_space<hbm>> -> memref<10000x96xf32, #tpu.memory_space<hbm>>
    tpu.wait_indirect_dma semaphore(%arg18 : memref<!tpu.dma_semaphore, #tpu.memory_space<semaphore_mem>>) src(%dma_wait3A_86 : memref<10000x96xf32, #tpu.memory_space<hbm>>) dst(%arg10 : memref<128x96xf32, #tpu.memory_space<vmem>>)
    %mul3A_87 = arith.constant 5120 : i32
    %mul3A_88 = arith.muli %add3A, %mul3A_87 : i32
    %add3A_89 = arith.constant 128 : i32
    %add3A_90 = arith.addi %mul3A_88, %add3A_89 : i32
    %dma_wait3A_91 = arith.constant 0 : i32
    %dma_wait3A_92 = tpu.memref_slice %arg3[%add3A_90, %dma_wait3A_91] : memref<163840x16xf32, #tpu.memory_space<hbm>> -> memref<128x16xf32, #tpu.memory_space<hbm>>
    %dma_wait3A_93 = arith.constant 0 : i32
    %dma_wait3A_94 = tpu.memref_slice %arg3[%add3A_90, %dma_wait3A_93] : memref<163840x16xf32, #tpu.memory_space<hbm>> -> memref<128x16xf32, #tpu.memory_space<hbm>>
    tpu.wait_dma2 semaphore(%arg18 : memref<!tpu.dma_semaphore, #tpu.memory_space<semaphore_mem>>) src(%dma_wait3A_94 : memref<128x16xf32, #tpu.memory_space<hbm>>) dst(%arg12 : memref<128x16xf32, #tpu.memory_space<vmem>>)
    %parallel_loop3A_95 = arith.constant 0 : i32
    %parallel_loop3A_96 = arith.constant 128 : i32
    %parallel_loop3A_97 = arith.constant 1 : i32
    scf.for %parallel_loop3A_212 = %parallel_loop3A_95 to %parallel_loop3A_96 step %parallel_loop3A_97  : i32 {
      %parallel_loop3A_213 = arith.index_cast %parallel_loop3A_212 : i32 to index
      %parallel_loop3A_214 = arith.constant 0 : index
      %parallel_loop3A_215 = tpu.vector_load %arg12[%parallel_loop3A_213, %parallel_loop3A_214] {strides = array<i32>} : memref<128x16xf32, #tpu.memory_space<vmem>>, vector<1x16xf32>,
      %parallel_loop3A_216 = vector.shape_cast %parallel_loop3A_215 : vector<1x16xf32> to vector<16xf32>
      %parallel_loop3A_217 = vector.extract_strided_slice %parallel_loop3A_216 {offsets = [0], sizes = [1], strides = [1]} : vector<16xf32> to vector<1xf32>
      %parallel_loop3A_218 = vector.extract %parallel_loop3A_217[0] : f32 from vector<1xf32>
      %parallel_loop3A_219 = arith.index_cast %parallel_loop3A_212 : i32 to index
      %parallel_loop3A_220 = arith.constant 0 : index
      %parallel_loop3A_221 = tpu.vector_load %arg10[%parallel_loop3A_219, %parallel_loop3A_220] {strides = array<i32>} : memref<128x96xf32, #tpu.memory_space<vmem>>, vector<1x16xf32>,
      %parallel_loop3A_222 = vector.shape_cast %parallel_loop3A_221 : vector<1x16xf32> to vector<16xf32>
      %parallel_loop3A_223 = vector.broadcast %parallel_loop3A_218 : f32 to vector<16xf32>
      %parallel_loop3A_224 = arith.mulf %parallel_loop3A_223, %parallel_loop3A_222 : vector<16xf32>
      %parallel_loop3A_225 = vector.extract_strided_slice %parallel_loop3A_216 {offsets = [1], sizes = [1], strides = [1]} : vector<16xf32> to vector<1xf32>
      %parallel_loop3A_226 = vector.extract %parallel_loop3A_225[0] : f32 from vector<1xf32>
      %parallel_loop3A_227 = arith.index_cast %parallel_loop3A_212 : i32 to index
      %parallel_loop3A_228 = arith.constant 16 : index
      %parallel_loop3A_229 = tpu.vector_load %arg10[%parallel_loop3A_227, %parallel_loop3A_228] {strides = array<i32>} : memref<128x96xf32, #tpu.memory_space<vmem>>, vector<1x16xf32>,
      %parallel_loop3A_230 = vector.shape_cast %parallel_loop3A_229 : vector<1x16xf32> to vector<16xf32>
      %parallel_loop3A_231 = vector.broadcast %parallel_loop3A_226 : f32 to vector<16xf32>
      %parallel_loop3A_232 = arith.mulf %parallel_loop3A_231, %parallel_loop3A_230 : vector<16xf32>
      %parallel_loop3A_233 = vector.extract_strided_slice %parallel_loop3A_216 {offsets = [2], sizes = [1], strides = [1]} : vector<16xf32> to vector<1xf32>
      %parallel_loop3A_234 = vector.extract %parallel_loop3A_233[0] : f32 from vector<1xf32>
      %parallel_loop3A_235 = arith.index_cast %parallel_loop3A_212 : i32 to index
      %parallel_loop3A_236 = arith.constant 32 : index
      %parallel_loop3A_237 = tpu.vector_load %arg10[%parallel_loop3A_235, %parallel_loop3A_236] {strides = array<i32>} : memref<128x96xf32, #tpu.memory_space<vmem>>, vector<1x16xf32>,
      %parallel_loop3A_238 = vector.shape_cast %parallel_loop3A_237 : vector<1x16xf32> to vector<16xf32>
      %parallel_loop3A_239 = vector.broadcast %parallel_loop3A_234 : f32 to vector<16xf32>
      %parallel_loop3A_240 = arith.mulf %parallel_loop3A_239, %parallel_loop3A_238 : vector<16xf32>
      %parallel_loop3A_241 = vector.extract_strided_slice %parallel_loop3A_216 {offsets = [3], sizes = [1], strides = [1]} : vector<16xf32> to vector<1xf32>
      %parallel_loop3A_242 = vector.extract %parallel_loop3A_241[0] : f32 from vector<1xf32>
      %parallel_loop3A_243 = arith.index_cast %parallel_loop3A_212 : i32 to index
      %parallel_loop3A_244 = arith.constant 48 : index
      %parallel_loop3A_245 = tpu.vector_load %arg10[%parallel_loop3A_243, %parallel_loop3A_244] {strides = array<i32>} : memref<128x96xf32, #tpu.memory_space<vmem>>, vector<1x16xf32>,
      %parallel_loop3A_246 = vector.shape_cast %parallel_loop3A_245 : vector<1x16xf32> to vector<16xf32>
      %parallel_loop3A_247 = vector.broadcast %parallel_loop3A_242 : f32 to vector<16xf32>
      %parallel_loop3A_248 = arith.mulf %parallel_loop3A_247, %parallel_loop3A_246 : vector<16xf32>
      %parallel_loop3A_249 = vector.extract_strided_slice %parallel_loop3A_216 {offsets = [4], sizes = [1], strides = [1]} : vector<16xf32> to vector<1xf32>
      %parallel_loop3A_250 = vector.extract %parallel_loop3A_249[0] : f32 from vector<1xf32>
      %parallel_loop3A_251 = arith.index_cast %parallel_loop3A_212 : i32 to index
      %parallel_loop3A_252 = arith.constant 64 : index
      %parallel_loop3A_253 = tpu.vector_load %arg10[%parallel_loop3A_251, %parallel_loop3A_252] {strides = array<i32>} : memref<128x96xf32, #tpu.memory_space<vmem>>, vector<1x16xf32>,
      %parallel_loop3A_254 = vector.shape_cast %parallel_loop3A_253 : vector<1x16xf32> to vector<16xf32>
      %parallel_loop3A_255 = vector.broadcast %parallel_loop3A_250 : f32 to vector<16xf32>
      %parallel_loop3A_256 = arith.mulf %parallel_loop3A_255, %parallel_loop3A_254 : vector<16xf32>
      %parallel_loop3A_257 = arith.index_cast %parallel_loop3A_212 : i32 to index
      %parallel_loop3A_258 = arith.constant 80 : index
      %parallel_loop3A_259 = tpu.vector_load %arg10[%parallel_loop3A_257, %parallel_loop3A_258] {strides = array<i32>} : memref<128x96xf32, #tpu.memory_space<vmem>>, vector<1x16xf32>,
      %parallel_loop3A_260 = vector.shape_cast %parallel_loop3A_259 : vector<1x16xf32> to vector<16xf32>
      %parallel_loop3A_261 = arith.addf %parallel_loop3A_224, %parallel_loop3A_232 : vector<16xf32>
      %parallel_loop3A_262 = arith.addf %parallel_loop3A_240, %parallel_loop3A_248 : vector<16xf32>
      %parallel_loop3A_263 = arith.addf %parallel_loop3A_256, %parallel_loop3A_260 : vector<16xf32>
      %parallel_loop3A_264 = arith.addf %parallel_loop3A_261, %parallel_loop3A_262 : vector<16xf32>
      %parallel_loop3A_265 = arith.addf %parallel_loop3A_264, %parallel_loop3A_263 : vector<16xf32>
      %parallel_loop3A_266 = arith.index_cast %parallel_loop3A_212 : i32 to index
      %parallel_loop3A_267 = arith.constant 0 : index
      %parallel_loop3A_268 = tpu.vector_load %arg14[%parallel_loop3A_266, %parallel_loop3A_267] {strides = array<i32>} : memref<128x16xf32, #tpu.memory_space<vmem>>, vector<1x16xf32>,
      %parallel_loop3A_269 = vector.shape_cast %parallel_loop3A_268 : vector<1x16xf32> to vector<16xf32>
      %parallel_loop3A_270 = vector.shape_cast %parallel_loop3A_265 : vector<16xf32> to vector<1x16xf32>
      tpu.vector_store %arg14[%parallel_loop3A_266, %parallel_loop3A_267], %parallel_loop3A_270 {strides = array<i32>} : memref<128x16xf32, #tpu.memory_space<vmem>>, vector<1x16xf32>,
    } {sc.loop_unroll_factor = 4 : i64, sc.parallel_access}
    %dma_start3A_98 = arith.constant 1 : i32
    %dma_start3A_99 = arith.constant 0 : i32
    %dma_start3A_100 = tpu.memref_slice %arg8[%dma_start3A_98, %dma_start3A_99] : memref<40x128xi32, #tpu.memory_space<vmem>> -> memref<1x128xi32, #tpu.memory_space<vmem>>
    %dma_start3A_101 = tpu.memref_squeeze %dma_start3A_100 : memref<1x128xi32, #tpu.memory_space<vmem>> -> memref<128xi32, #tpu.memory_space<vmem>>
    %dma_start3A_102 = arith.constant 0 : i32
    %dma_start3A_103 = arith.constant 0 : i32
    %dma_start3A_104 = tpu.memref_slice %arg16[%dma_start3A_102, %dma_start3A_103] : memref<10016x16xf32, #tpu.memory_space<vmem_shared>> -> memref<10016x16xf32, #tpu.memory_space<vmem_shared>>
    tpu.enqueue_indirect_dma source(%arg14 : memref<128x16xf32, #tpu.memory_space<vmem>>) target(%dma_start3A_104 : memref<10016x16xf32, #tpu.memory_space<vmem_shared>>) offsets(%dma_start3A_101 : memref<128xi32, #tpu.memory_space<vmem>>) semaphore(%arg20 : memref<!tpu.dma_semaphore, #tpu.memory_space<semaphore_mem>>) {add = true}
    %scan3A_105 = arith.constant 0 : i32
    %scan3A_106 = arith.constant 1 : i32
    %scan3A_107 = arith.constant 18 : i32
    %scan3A_108 = arith.addi %scan3A_106, %scan3A_107 : i32
    %scan3A_109 = arith.constant 1 : i32
    scf.for %scan3A_212 = %scan3A_106 to %scan3A_108 step %scan3A_109  : i32 {
      %mul3A_213 = arith.constant 2 : i32
      %mul3A_214 = arith.muli %scan3A_212, %mul3A_213 : i32
      %add3A_215 = arith.constant 1 : i32
      %add3A_216 = arith.addi %mul3A_214, %add3A_215 : i32
      %dma_start3A_217 = arith.constant 0 : i32
      %dma_start3A_218 = tpu.memref_slice %arg7[%add3A_216, %dma_start3A_217] : memref<40x128xi32, #tpu.memory_space<vmem>> -> memref<1x128xi32, #tpu.memory_space<vmem>>
      %dma_start3A_219 = tpu.memref_squeeze %dma_start3A_218 : memref<1x128xi32, #tpu.memory_space<vmem>> -> memref<128xi32, #tpu.memory_space<vmem>>
      %dma_start3A_220 = arith.constant 0 : i32
      %dma_start3A_221 = arith.constant 0 : i32
      %dma_start3A_222 = tpu.memref_slice %arg2[%dma_start3A_220, %dma_start3A_221] : memref<10000x96xf32, #tpu.memory_space<hbm>> -> memref<10000x96xf32, #tpu.memory_space<hbm>>
      tpu.enqueue_indirect_dma source(%dma_start3A_222 : memref<10000x96xf32, #tpu.memory_space<hbm>>) target(%arg10 : memref<128x96xf32, #tpu.memory_space<vmem>>) offsets(%dma_start3A_219 : memref<128xi32, #tpu.memory_space<vmem>>) semaphore(%arg18 : memref<!tpu.dma_semaphore, #tpu.memory_space<semaphore_mem>>)
      %mul3A_223 = arith.constant 5120 : i32
      %mul3A_224 = arith.muli %add3A, %mul3A_223 : i32
      %mul3A_225 = arith.constant 128 : i32
      %mul3A_226 = arith.muli %add3A_216, %mul3A_225 : i32
      %add3A_227 = arith.addi %mul3A_224, %mul3A_226 : i32
      %dma_start3A_228 = arith.constant 0 : i32
      %dma_start3A_229 = tpu.memref_slice %arg3[%add3A_227, %dma_start3A_228] : memref<163840x16xf32, #tpu.memory_space<hbm>> -> memref<128x16xf32, #tpu.memory_space<hbm>>
      %dma_start3A_230 = arith.constant 0 : i32
      %dma_start3A_231 = tpu.memref_slice %arg3[%add3A_227, %dma_start3A_230] : memref<163840x16xf32, #tpu.memory_space<hbm>> -> memref<128x16xf32, #tpu.memory_space<hbm>>
      tpu.enqueue_dma source(%dma_start3A_231 : memref<128x16xf32, #tpu.memory_space<hbm>>) target(%arg12 : memref<128x16xf32, #tpu.memory_space<vmem>>) target_semaphore(%arg18 : memref<!tpu.dma_semaphore, #tpu.memory_space<semaphore_mem>>)
      %dma_wait3A_232 = arith.constant 0 : i32
      %dma_wait3A_233 = tpu.memref_slice %arg7[%mul3A_214, %dma_wait3A_232] : memref<40x128xi32, #tpu.memory_space<vmem>> -> memref<1x128xi32, #tpu.memory_space<vmem>>
      %dma_wait3A_234 = tpu.memref_squeeze %dma_wait3A_233 : memref<1x128xi32, #tpu.memory_space<vmem>> -> memref<128xi32, #tpu.memory_space<vmem>>
      %dma_wait3A_235 = arith.constant 0 : i32
      %dma_wait3A_236 = arith.constant 0 : i32
      %dma_wait3A_237 = tpu.memref_slice %arg2[%dma_wait3A_235, %dma_wait3A_236] : memref<10000x96xf32, #tpu.memory_space<hbm>> -> memref<10000x96xf32, #tpu.memory_space<hbm>>
      tpu.wait_indirect_dma semaphore(%arg17 : memref<!tpu.dma_semaphore, #tpu.memory_space<semaphore_mem>>) src(%dma_wait3A_237 : memref<10000x96xf32, #tpu.memory_space<hbm>>) dst(%arg9 : memref<128x96xf32, #tpu.memory_space<vmem>>)
      %mul3A_238 = arith.constant 5120 : i32
      %mul3A_239 = arith.muli %add3A, %mul3A_238 : i32
      %mul3A_240 = arith.constant 128 : i32
      %mul3A_241 = arith.muli %mul3A_214, %mul3A_240 : i32
      %add3A_242 = arith.addi %mul3A_239, %mul3A_241 : i32
      %dma_wait3A_243 = arith.constant 0 : i32
      %dma_wait3A_244 = tpu.memref_slice %arg3[%add3A_242, %dma_wait3A_243] : memref<163840x16xf32, #tpu.memory_space<hbm>> -> memref<128x16xf32, #tpu.memory_space<hbm>>
      %dma_wait3A_245 = arith.constant 0 : i32
      %dma_wait3A_246 = tpu.memref_slice %arg3[%add3A_242, %dma_wait3A_245] : memref<163840x16xf32, #tpu.memory_space<hbm>> -> memref<128x16xf32, #tpu.memory_space<hbm>>
      tpu.wait_dma2 semaphore(%arg17 : memref<!tpu.dma_semaphore, #tpu.memory_space<semaphore_mem>>) src(%dma_wait3A_246 : memref<128x16xf32, #tpu.memory_space<hbm>>) dst(%arg11 : memref<128x16xf32, #tpu.memory_space<vmem>>)
      %dma_wait3A_247 = arith.constant 0 : i32
      %dma_wait3A_248 = tpu.memref_slice %arg8[%mul3A_214, %dma_wait3A_247] : memref<40x128xi32, #tpu.memory_space<vmem>> -> memref<1x128xi32, #tpu.memory_space<vmem>>
      %dma_wait3A_249 = tpu.memref_squeeze %dma_wait3A_248 : memref<1x128xi32, #tpu.memory_space<vmem>> -> memref<128xi32, #tpu.memory_space<vmem>>
      %dma_wait3A_250 = arith.constant 0 : i32
      %dma_wait3A_251 = arith.constant 0 : i32
      %dma_wait3A_252 = tpu.memref_slice %arg16[%dma_wait3A_250, %dma_wait3A_251] : memref<10016x16xf32, #tpu.memory_space<vmem_shared>> -> memref<10016x16xf32, #tpu.memory_space<vmem_shared>>
      tpu.wait_indirect_dma semaphore(%arg19 : memref<!tpu.dma_semaphore, #tpu.memory_space<semaphore_mem>>) src(%arg13 : memref<128x16xf32, #tpu.memory_space<vmem>>) dst(%dma_wait3A_252 : memref<10016x16xf32, #tpu.memory_space<vmem_shared>>)
      %parallel_loop3A_253 = arith.constant 0 : i32
      %parallel_loop3A_254 = arith.constant 128 : i32
      %parallel_loop3A_255 = arith.constant 1 : i32
      scf.for %parallel_loop3A_311 = %parallel_loop3A_253 to %parallel_loop3A_254 step %parallel_loop3A_255  : i32 {
        %parallel_loop3A_312 = arith.index_cast %parallel_loop3A_311 : i32 to index
        %parallel_loop3A_313 = arith.constant 0 : index
        %parallel_loop3A_314 = tpu.vector_load %arg11[%parallel_loop3A_312, %parallel_loop3A_313] {strides = array<i32>} : memref<128x16xf32, #tpu.memory_space<vmem>>, vector<1x16xf32>,
        %parallel_loop3A_315 = vector.shape_cast %parallel_loop3A_314 : vector<1x16xf32> to vector<16xf32>
        %parallel_loop3A_316 = vector.extract_strided_slice %parallel_loop3A_315 {offsets = [0], sizes = [1], strides = [1]} : vector<16xf32> to vector<1xf32>
        %parallel_loop3A_317 = vector.extract %parallel_loop3A_316[0] : f32 from vector<1xf32>
        %parallel_loop3A_318 = arith.index_cast %parallel_loop3A_311 : i32 to index
        %parallel_loop3A_319 = arith.constant 0 : index
        %parallel_loop3A_320 = tpu.vector_load %arg9[%parallel_loop3A_318, %parallel_loop3A_319] {strides = array<i32>} : memref<128x96xf32, #tpu.memory_space<vmem>>, vector<1x16xf32>,
        %parallel_loop3A_321 = vector.shape_cast %parallel_loop3A_320 : vector<1x16xf32> to vector<16xf32>
        %parallel_loop3A_322 = vector.broadcast %parallel_loop3A_317 : f32 to vector<16xf32>
        %parallel_loop3A_323 = arith.mulf %parallel_loop3A_322, %parallel_loop3A_321 : vector<16xf32>
        %parallel_loop3A_324 = vector.extract_strided_slice %parallel_loop3A_315 {offsets = [1], sizes = [1], strides = [1]} : vector<16xf32> to vector<1xf32>
        %parallel_loop3A_325 = vector.extract %parallel_loop3A_324[0] : f32 from vector<1xf32>
        %parallel_loop3A_326 = arith.index_cast %parallel_loop3A_311 : i32 to index
        %parallel_loop3A_327 = arith.constant 16 : index
        %parallel_loop3A_328 = tpu.vector_load %arg9[%parallel_loop3A_326, %parallel_loop3A_327] {strides = array<i32>} : memref<128x96xf32, #tpu.memory_space<vmem>>, vector<1x16xf32>,
        %parallel_loop3A_329 = vector.shape_cast %parallel_loop3A_328 : vector<1x16xf32> to vector<16xf32>
        %parallel_loop3A_330 = vector.broadcast %parallel_loop3A_325 : f32 to vector<16xf32>
        %parallel_loop3A_331 = arith.mulf %parallel_loop3A_330, %parallel_loop3A_329 : vector<16xf32>
        %parallel_loop3A_332 = vector.extract_strided_slice %parallel_loop3A_315 {offsets = [2], sizes = [1], strides = [1]} : vector<16xf32> to vector<1xf32>
        %parallel_loop3A_333 = vector.extract %parallel_loop3A_332[0] : f32 from vector<1xf32>
        %parallel_loop3A_334 = arith.index_cast %parallel_loop3A_311 : i32 to index
        %parallel_loop3A_335 = arith.constant 32 : index
        %parallel_loop3A_336 = tpu.vector_load %arg9[%parallel_loop3A_334, %parallel_loop3A_335] {strides = array<i32>} : memref<128x96xf32, #tpu.memory_space<vmem>>, vector<1x16xf32>,
        %parallel_loop3A_337 = vector.shape_cast %parallel_loop3A_336 : vector<1x16xf32> to vector<16xf32>
        %parallel_loop3A_338 = vector.broadcast %parallel_loop3A_333 : f32 to vector<16xf32>
        %parallel_loop3A_339 = arith.mulf %parallel_loop3A_338, %parallel_loop3A_337 : vector<16xf32>
        %parallel_loop3A_340 = vector.extract_strided_slice %parallel_loop3A_315 {offsets = [3], sizes = [1], strides = [1]} : vector<16xf32> to vector<1xf32>
        %parallel_loop3A_341 = vector.extract %parallel_loop3A_340[0] : f32 from vector<1xf32>
        %parallel_loop3A_342 = arith.index_cast %parallel_loop3A_311 : i32 to index
        %parallel_loop3A_343 = arith.constant 48 : index
        %parallel_loop3A_344 = tpu.vector_load %arg9[%parallel_loop3A_342, %parallel_loop3A_343] {strides = array<i32>} : memref<128x96xf32, #tpu.memory_space<vmem>>, vector<1x16xf32>,
        %parallel_loop3A_345 = vector.shape_cast %parallel_loop3A_344 : vector<1x16xf32> to vector<16xf32>
        %parallel_loop3A_346 = vector.broadcast %parallel_loop3A_341 : f32 to vector<16xf32>
        %parallel_loop3A_347 = arith.mulf %parallel_loop3A_346, %parallel_loop3A_345 : vector<16xf32>
        %parallel_loop3A_348 = vector.extract_strided_slice %parallel_loop3A_315 {offsets = [4], sizes = [1], strides = [1]} : vector<16xf32> to vector<1xf32>
        %parallel_loop3A_349 = vector.extract %parallel_loop3A_348[0] : f32 from vector<1xf32>
        %parallel_loop3A_350 = arith.index_cast %parallel_loop3A_311 : i32 to index
        %parallel_loop3A_351 = arith.constant 64 : index
        %parallel_loop3A_352 = tpu.vector_load %arg9[%parallel_loop3A_350, %parallel_loop3A_351] {strides = array<i32>} : memref<128x96xf32, #tpu.memory_space<vmem>>, vector<1x16xf32>,
        %parallel_loop3A_353 = vector.shape_cast %parallel_loop3A_352 : vector<1x16xf32> to vector<16xf32>
        %parallel_loop3A_354 = vector.broadcast %parallel_loop3A_349 : f32 to vector<16xf32>
        %parallel_loop3A_355 = arith.mulf %parallel_loop3A_354, %parallel_loop3A_353 : vector<16xf32>
        %parallel_loop3A_356 = arith.index_cast %parallel_loop3A_311 : i32 to index
        %parallel_loop3A_357 = arith.constant 80 : index
        %parallel_loop3A_358 = tpu.vector_load %arg9[%parallel_loop3A_356, %parallel_loop3A_357] {strides = array<i32>} : memref<128x96xf32, #tpu.memory_space<vmem>>, vector<1x16xf32>,
        %parallel_loop3A_359 = vector.shape_cast %parallel_loop3A_358 : vector<1x16xf32> to vector<16xf32>
        %parallel_loop3A_360 = arith.addf %parallel_loop3A_323, %parallel_loop3A_331 : vector<16xf32>
        %parallel_loop3A_361 = arith.addf %parallel_loop3A_339, %parallel_loop3A_347 : vector<16xf32>
        %parallel_loop3A_362 = arith.addf %parallel_loop3A_355, %parallel_loop3A_359 : vector<16xf32>
        %parallel_loop3A_363 = arith.addf %parallel_loop3A_360, %parallel_loop3A_361 : vector<16xf32>
        %parallel_loop3A_364 = arith.addf %parallel_loop3A_363, %parallel_loop3A_362 : vector<16xf32>
        %parallel_loop3A_365 = arith.index_cast %parallel_loop3A_311 : i32 to index
        %parallel_loop3A_366 = arith.constant 0 : index
        %parallel_loop3A_367 = tpu.vector_load %arg13[%parallel_loop3A_365, %parallel_loop3A_366] {strides = array<i32>} : memref<128x16xf32, #tpu.memory_space<vmem>>, vector<1x16xf32>,
        %parallel_loop3A_368 = vector.shape_cast %parallel_loop3A_367 : vector<1x16xf32> to vector<16xf32>
        %parallel_loop3A_369 = vector.shape_cast %parallel_loop3A_364 : vector<16xf32> to vector<1x16xf32>
        tpu.vector_store %arg13[%parallel_loop3A_365, %parallel_loop3A_366], %parallel_loop3A_369 {strides = array<i32>} : memref<128x16xf32, #tpu.memory_space<vmem>>, vector<1x16xf32>,
      } {sc.loop_unroll_factor = 4 : i64, sc.parallel_access}
      %dma_start3A_256 = arith.constant 0 : i32
      %dma_start3A_257 = tpu.memref_slice %arg8[%mul3A_214, %dma_start3A_256] : memref<40x128xi32, #tpu.memory_space<vmem>> -> memref<1x128xi32, #tpu.memory_space<vmem>>
      %dma_start3A_258 = tpu.memref_squeeze %dma_start3A_257 : memref<1x128xi32, #tpu.memory_space<vmem>> -> memref<128xi32, #tpu.memory_space<vmem>>
      %dma_start3A_259 = arith.constant 0 : i32
      %dma_start3A_260 = arith.constant 0 : i32
      %dma_start3A_261 = tpu.memref_slice %arg16[%dma_start3A_259, %dma_start3A_260] : memref<10016x16xf32, #tpu.memory_space<vmem_shared>> -> memref<10016x16xf32, #tpu.memory_space<vmem_shared>>
      tpu.enqueue_indirect_dma source(%arg13 : memref<128x16xf32, #tpu.memory_space<vmem>>) target(%dma_start3A_261 : memref<10016x16xf32, #tpu.memory_space<vmem_shared>>) offsets(%dma_start3A_258 : memref<128xi32, #tpu.memory_space<vmem>>) semaphore(%arg19 : memref<!tpu.dma_semaphore, #tpu.memory_space<semaphore_mem>>) {add = true}
      %add3A_262 = arith.constant 2 : i32
      %add3A_263 = arith.addi %mul3A_214, %add3A_262 : i32
      %dma_start3A_264 = arith.constant 0 : i32
      %dma_start3A_265 = tpu.memref_slice %arg7[%add3A_263, %dma_start3A_264] : memref<40x128xi32, #tpu.memory_space<vmem>> -> memref<1x128xi32, #tpu.memory_space<vmem>>
      %dma_start3A_266 = tpu.memref_squeeze %dma_start3A_265 : memref<1x128xi32, #tpu.memory_space<vmem>> -> memref<128xi32, #tpu.memory_space<vmem>>
      %dma_start3A_267 = arith.constant 0 : i32
      %dma_start3A_268 = arith.constant 0 : i32
      %dma_start3A_269 = tpu.memref_slice %arg2[%dma_start3A_267, %dma_start3A_268] : memref<10000x96xf32, #tpu.memory_space<hbm>> -> memref<10000x96xf32, #tpu.memory_space<hbm>>
      tpu.enqueue_indirect_dma source(%dma_start3A_269 : memref<10000x96xf32, #tpu.memory_space<hbm>>) target(%arg9 : memref<128x96xf32, #tpu.memory_space<vmem>>) offsets(%dma_start3A_266 : memref<128xi32, #tpu.memory_space<vmem>>) semaphore(%arg17 : memref<!tpu.dma_semaphore, #tpu.memory_space<semaphore_mem>>)
      %mul3A_270 = arith.constant 5120 : i32
      %mul3A_271 = arith.muli %add3A, %mul3A_270 : i32
      %mul3A_272 = arith.constant 128 : i32
      %mul3A_273 = arith.muli %add3A_263, %mul3A_272 : i32
      %add3A_274 = arith.addi %mul3A_271, %mul3A_273 : i32
      %dma_start3A_275 = arith.constant 0 : i32
      %dma_start3A_276 = tpu.memref_slice %arg3[%add3A_274, %dma_start3A_275] : memref<163840x16xf32, #tpu.memory_space<hbm>> -> memref<128x16xf32, #tpu.memory_space<hbm>>
      %dma_start3A_277 = arith.constant 0 : i32
      %dma_start3A_278 = tpu.memref_slice %arg3[%add3A_274, %dma_start3A_277] : memref<163840x16xf32, #tpu.memory_space<hbm>> -> memref<128x16xf32, #tpu.memory_space<hbm>>
      tpu.enqueue_dma source(%dma_start3A_278 : memref<128x16xf32, #tpu.memory_space<hbm>>) target(%arg11 : memref<128x16xf32, #tpu.memory_space<vmem>>) target_semaphore(%arg17 : memref<!tpu.dma_semaphore, #tpu.memory_space<semaphore_mem>>)
      %add3A_279 = arith.constant 1 : i32
      %add3A_280 = arith.addi %mul3A_214, %add3A_279 : i32
      %dma_wait3A_281 = arith.constant 0 : i32
      %dma_wait3A_282 = tpu.memref_slice %arg7[%add3A_280, %dma_wait3A_281] : memref<40x128xi32, #tpu.memory_space<vmem>> -> memref<1x128xi32, #tpu.memory_space<vmem>>
      %dma_wait3A_283 = tpu.memref_squeeze %dma_wait3A_282 : memref<1x128xi32, #tpu.memory_space<vmem>> -> memref<128xi32, #tpu.memory_space<vmem>>
      %dma_wait3A_284 = arith.constant 0 : i32
      %dma_wait3A_285 = arith.constant 0 : i32
      %dma_wait3A_286 = tpu.memref_slice %arg2[%dma_wait3A_284, %dma_wait3A_285] : memref<10000x96xf32, #tpu.memory_space<hbm>> -> memref<10000x96xf32, #tpu.memory_space<hbm>>
      tpu.wait_indirect_dma semaphore(%arg18 : memref<!tpu.dma_semaphore, #tpu.memory_space<semaphore_mem>>) src(%dma_wait3A_286 : memref<10000x96xf32, #tpu.memory_space<hbm>>) dst(%arg10 : memref<128x96xf32, #tpu.memory_space<vmem>>)
      %mul3A_287 = arith.constant 5120 : i32
      %mul3A_288 = arith.muli %add3A, %mul3A_287 : i32
      %mul3A_289 = arith.constant 128 : i32
      %mul3A_290 = arith.muli %add3A_280, %mul3A_289 : i32
      %add3A_291 = arith.addi %mul3A_288, %mul3A_290 : i32
      %dma_wait3A_292 = arith.constant 0 : i32
      %dma_wait3A_293 = tpu.memref_slice %arg3[%add3A_291, %dma_wait3A_292] : memref<163840x16xf32, #tpu.memory_space<hbm>> -> memref<128x16xf32, #tpu.memory_space<hbm>>
      %dma_wait3A_294 = arith.constant 0 : i32
      %dma_wait3A_295 = tpu.memref_slice %arg3[%add3A_291, %dma_wait3A_294] : memref<163840x16xf32, #tpu.memory_space<hbm>> -> memref<128x16xf32, #tpu.memory_space<hbm>>
      tpu.wait_dma2 semaphore(%arg18 : memref<!tpu.dma_semaphore, #tpu.memory_space<semaphore_mem>>) src(%dma_wait3A_295 : memref<128x16xf32, #tpu.memory_space<hbm>>) dst(%arg12 : memref<128x16xf32, #tpu.memory_space<vmem>>)
      %dma_wait3A_296 = arith.constant 0 : i32
      %dma_wait3A_297 = tpu.memref_slice %arg8[%add3A_280, %dma_wait3A_296] : memref<40x128xi32, #tpu.memory_space<vmem>> -> memref<1x128xi32, #tpu.memory_space<vmem>>
      %dma_wait3A_298 = tpu.memref_squeeze %dma_wait3A_297 : memref<1x128xi32, #tpu.memory_space<vmem>> -> memref<128xi32, #tpu.memory_space<vmem>>
      %dma_wait3A_299 = arith.constant 0 : i32
      %dma_wait3A_300 = arith.constant 0 : i32
      %dma_wait3A_301 = tpu.memref_slice %arg16[%dma_wait3A_299, %dma_wait3A_300] : memref<10016x16xf32, #tpu.memory_space<vmem_shared>> -> memref<10016x16xf32, #tpu.memory_space<vmem_shared>>
      tpu.wait_indirect_dma semaphore(%arg20 : memref<!tpu.dma_semaphore, #tpu.memory_space<semaphore_mem>>) src(%arg14 : memref<128x16xf32, #tpu.memory_space<vmem>>) dst(%dma_wait3A_301 : memref<10016x16xf32, #tpu.memory_space<vmem_shared>>)
      %parallel_loop3A_302 = arith.constant 0 : i32
      %parallel_loop3A_303 = arith.constant 128 : i32
      %parallel_loop3A_304 = arith.constant 1 : i32
      scf.for %parallel_loop3A_311 = %parallel_loop3A_302 to %parallel_loop3A_303 step %parallel_loop3A_304  : i32 {
        %parallel_loop3A_312 = arith.index_cast %parallel_loop3A_311 : i32 to index
        %parallel_loop3A_313 = arith.constant 0 : index
        %parallel_loop3A_314 = tpu.vector_load %arg12[%parallel_loop3A_312, %parallel_loop3A_313] {strides = array<i32>} : memref<128x16xf32, #tpu.memory_space<vmem>>, vector<1x16xf32>,
        %parallel_loop3A_315 = vector.shape_cast %parallel_loop3A_314 : vector<1x16xf32> to vector<16xf32>
        %parallel_loop3A_316 = vector.extract_strided_slice %parallel_loop3A_315 {offsets = [0], sizes = [1], strides = [1]} : vector<16xf32> to vector<1xf32>
        %parallel_loop3A_317 = vector.extract %parallel_loop3A_316[0] : f32 from vector<1xf32>
        %parallel_loop3A_318 = arith.index_cast %parallel_loop3A_311 : i32 to index
        %parallel_loop3A_319 = arith.constant 0 : index
        %parallel_loop3A_320 = tpu.vector_load %arg10[%parallel_loop3A_318, %parallel_loop3A_319] {strides = array<i32>} : memref<128x96xf32, #tpu.memory_space<vmem>>, vector<1x16xf32>,
        %parallel_loop3A_321 = vector.shape_cast %parallel_loop3A_320 : vector<1x16xf32> to vector<16xf32>
        %parallel_loop3A_322 = vector.broadcast %parallel_loop3A_317 : f32 to vector<16xf32>
        %parallel_loop3A_323 = arith.mulf %parallel_loop3A_322, %parallel_loop3A_321 : vector<16xf32>
        %parallel_loop3A_324 = vector.extract_strided_slice %parallel_loop3A_315 {offsets = [1], sizes = [1], strides = [1]} : vector<16xf32> to vector<1xf32>
        %parallel_loop3A_325 = vector.extract %parallel_loop3A_324[0] : f32 from vector<1xf32>
        %parallel_loop3A_326 = arith.index_cast %parallel_loop3A_311 : i32 to index
        %parallel_loop3A_327 = arith.constant 16 : index
        %parallel_loop3A_328 = tpu.vector_load %arg10[%parallel_loop3A_326, %parallel_loop3A_327] {strides = array<i32>} : memref<128x96xf32, #tpu.memory_space<vmem>>, vector<1x16xf32>,
        %parallel_loop3A_329 = vector.shape_cast %parallel_loop3A_328 : vector<1x16xf32> to vector<16xf32>
        %parallel_loop3A_330 = vector.broadcast %parallel_loop3A_325 : f32 to vector<16xf32>
        %parallel_loop3A_331 = arith.mulf %parallel_loop3A_330, %parallel_loop3A_329 : vector<16xf32>
        %parallel_loop3A_332 = vector.extract_strided_slice %parallel_loop3A_315 {offsets = [2], sizes = [1], strides = [1]} : vector<16xf32> to vector<1xf32>
        %parallel_loop3A_333 = vector.extract %parallel_loop3A_332[0] : f32 from vector<1xf32>
        %parallel_loop3A_334 = arith.index_cast %parallel_loop3A_311 : i32 to index
        %parallel_loop3A_335 = arith.constant 32 : index
        %parallel_loop3A_336 = tpu.vector_load %arg10[%parallel_loop3A_334, %parallel_loop3A_335] {strides = array<i32>} : memref<128x96xf32, #tpu.memory_space<vmem>>, vector<1x16xf32>,
        %parallel_loop3A_337 = vector.shape_cast %parallel_loop3A_336 : vector<1x16xf32> to vector<16xf32>
        %parallel_loop3A_338 = vector.broadcast %parallel_loop3A_333 : f32 to vector<16xf32>
        %parallel_loop3A_339 = arith.mulf %parallel_loop3A_338, %parallel_loop3A_337 : vector<16xf32>
        %parallel_loop3A_340 = vector.extract_strided_slice %parallel_loop3A_315 {offsets = [3], sizes = [1], strides = [1]} : vector<16xf32> to vector<1xf32>
        %parallel_loop3A_341 = vector.extract %parallel_loop3A_340[0] : f32 from vector<1xf32>
        %parallel_loop3A_342 = arith.index_cast %parallel_loop3A_311 : i32 to index
        %parallel_loop3A_343 = arith.constant 48 : index
        %parallel_loop3A_344 = tpu.vector_load %arg10[%parallel_loop3A_342, %parallel_loop3A_343] {strides = array<i32>} : memref<128x96xf32, #tpu.memory_space<vmem>>, vector<1x16xf32>,
        %parallel_loop3A_345 = vector.shape_cast %parallel_loop3A_344 : vector<1x16xf32> to vector<16xf32>
        %parallel_loop3A_346 = vector.broadcast %parallel_loop3A_341 : f32 to vector<16xf32>
        %parallel_loop3A_347 = arith.mulf %parallel_loop3A_346, %parallel_loop3A_345 : vector<16xf32>
        %parallel_loop3A_348 = vector.extract_strided_slice %parallel_loop3A_315 {offsets = [4], sizes = [1], strides = [1]} : vector<16xf32> to vector<1xf32>
        %parallel_loop3A_349 = vector.extract %parallel_loop3A_348[0] : f32 from vector<1xf32>
        %parallel_loop3A_350 = arith.index_cast %parallel_loop3A_311 : i32 to index
        %parallel_loop3A_351 = arith.constant 64 : index
        %parallel_loop3A_352 = tpu.vector_load %arg10[%parallel_loop3A_350, %parallel_loop3A_351] {strides = array<i32>} : memref<128x96xf32, #tpu.memory_space<vmem>>, vector<1x16xf32>,
        %parallel_loop3A_353 = vector.shape_cast %parallel_loop3A_352 : vector<1x16xf32> to vector<16xf32>
        %parallel_loop3A_354 = vector.broadcast %parallel_loop3A_349 : f32 to vector<16xf32>
        %parallel_loop3A_355 = arith.mulf %parallel_loop3A_354, %parallel_loop3A_353 : vector<16xf32>
        %parallel_loop3A_356 = arith.index_cast %parallel_loop3A_311 : i32 to index
        %parallel_loop3A_357 = arith.constant 80 : index
        %parallel_loop3A_358 = tpu.vector_load %arg10[%parallel_loop3A_356, %parallel_loop3A_357] {strides = array<i32>} : memref<128x96xf32, #tpu.memory_space<vmem>>, vector<1x16xf32>,
        %parallel_loop3A_359 = vector.shape_cast %parallel_loop3A_358 : vector<1x16xf32> to vector<16xf32>
        %parallel_loop3A_360 = arith.addf %parallel_loop3A_323, %parallel_loop3A_331 : vector<16xf32>
        %parallel_loop3A_361 = arith.addf %parallel_loop3A_339, %parallel_loop3A_347 : vector<16xf32>
        %parallel_loop3A_362 = arith.addf %parallel_loop3A_355, %parallel_loop3A_359 : vector<16xf32>
        %parallel_loop3A_363 = arith.addf %parallel_loop3A_360, %parallel_loop3A_361 : vector<16xf32>
        %parallel_loop3A_364 = arith.addf %parallel_loop3A_363, %parallel_loop3A_362 : vector<16xf32>
        %parallel_loop3A_365 = arith.index_cast %parallel_loop3A_311 : i32 to index
        %parallel_loop3A_366 = arith.constant 0 : index
        %parallel_loop3A_367 = tpu.vector_load %arg14[%parallel_loop3A_365, %parallel_loop3A_366] {strides = array<i32>} : memref<128x16xf32, #tpu.memory_space<vmem>>, vector<1x16xf32>,
        %parallel_loop3A_368 = vector.shape_cast %parallel_loop3A_367 : vector<1x16xf32> to vector<16xf32>
        %parallel_loop3A_369 = vector.shape_cast %parallel_loop3A_364 : vector<16xf32> to vector<1x16xf32>
        tpu.vector_store %arg14[%parallel_loop3A_365, %parallel_loop3A_366], %parallel_loop3A_369 {strides = array<i32>} : memref<128x16xf32, #tpu.memory_space<vmem>>, vector<1x16xf32>,
      } {sc.loop_unroll_factor = 4 : i64, sc.parallel_access}
      %dma_start3A_305 = arith.constant 0 : i32
      %dma_start3A_306 = tpu.memref_slice %arg8[%add3A_280, %dma_start3A_305] : memref<40x128xi32, #tpu.memory_space<vmem>> -> memref<1x128xi32, #tpu.memory_space<vmem>>
      %dma_start3A_307 = tpu.memref_squeeze %dma_start3A_306 : memref<1x128xi32, #tpu.memory_space<vmem>> -> memref<128xi32, #tpu.memory_space<vmem>>
      %dma_start3A_308 = arith.constant 0 : i32
      %dma_start3A_309 = arith.constant 0 : i32
      %dma_start3A_310 = tpu.memref_slice %arg16[%dma_start3A_308, %dma_start3A_309] : memref<10016x16xf32, #tpu.memory_space<vmem_shared>> -> memref<10016x16xf32, #tpu.memory_space<vmem_shared>>
      tpu.enqueue_indirect_dma source(%arg14 : memref<128x16xf32, #tpu.memory_space<vmem>>) target(%dma_start3A_310 : memref<10016x16xf32, #tpu.memory_space<vmem_shared>>) offsets(%dma_start3A_307 : memref<128xi32, #tpu.memory_space<vmem>>) semaphore(%arg20 : memref<!tpu.dma_semaphore, #tpu.memory_space<semaphore_mem>>) {add = true}
    }
    %scan3A_110 = arith.constant 18 : i32
    %dma_start3A_111 = arith.constant 39 : i32
    %dma_start3A_112 = arith.constant 0 : i32
    %dma_start3A_113 = tpu.memref_slice %arg7[%dma_start3A_111, %dma_start3A_112] : memref<40x128xi32, #tpu.memory_space<vmem>> -> memref<1x128xi32, #tpu.memory_space<vmem>>
    %dma_start3A_114 = tpu.memref_squeeze %dma_start3A_113 : memref<1x128xi32, #tpu.memory_space<vmem>> -> memref<128xi32, #tpu.memory_space<vmem>>
    %dma_start3A_115 = arith.constant 0 : i32
    %dma_start3A_116 = arith.constant 0 : i32
    %dma_start3A_117 = tpu.memref_slice %arg2[%dma_start3A_115, %dma_start3A_116] : memref<10000x96xf32, #tpu.memory_space<hbm>> -> memref<10000x96xf32, #tpu.memory_space<hbm>>
    tpu.enqueue_indirect_dma source(%dma_start3A_117 : memref<10000x96xf32, #tpu.memory_space<hbm>>) target(%arg10 : memref<128x96xf32, #tpu.memory_space<vmem>>) offsets(%dma_start3A_114 : memref<128xi32, #tpu.memory_space<vmem>>) semaphore(%arg18 : memref<!tpu.dma_semaphore, #tpu.memory_space<semaphore_mem>>)
    %mul3A_118 = arith.constant 5120 : i32
    %mul3A_119 = arith.muli %add3A, %mul3A_118 : i32
    %add3A_120 = arith.constant 4992 : i32
    %add3A_121 = arith.addi %mul3A_119, %add3A_120 : i32
    %dma_start3A_122 = arith.constant 0 : i32
    %dma_start3A_123 = tpu.memref_slice %arg3[%add3A_121, %dma_start3A_122] : memref<163840x16xf32, #tpu.memory_space<hbm>> -> memref<128x16xf32, #tpu.memory_space<hbm>>
    %dma_start3A_124 = arith.constant 0 : i32
    %dma_start3A_125 = tpu.memref_slice %arg3[%add3A_121, %dma_start3A_124] : memref<163840x16xf32, #tpu.memory_space<hbm>> -> memref<128x16xf32, #tpu.memory_space<hbm>>
    tpu.enqueue_dma source(%dma_start3A_125 : memref<128x16xf32, #tpu.memory_space<hbm>>) target(%arg12 : memref<128x16xf32, #tpu.memory_space<vmem>>) target_semaphore(%arg18 : memref<!tpu.dma_semaphore, #tpu.memory_space<semaphore_mem>>)
    %dma_wait3A_126 = arith.constant 38 : i32
    %dma_wait3A_127 = arith.constant 0 : i32
    %dma_wait3A_128 = tpu.memref_slice %arg7[%dma_wait3A_126, %dma_wait3A_127] : memref<40x128xi32, #tpu.memory_space<vmem>> -> memref<1x128xi32, #tpu.memory_space<vmem>>
    %dma_wait3A_129 = tpu.memref_squeeze %dma_wait3A_128 : memref<1x128xi32, #tpu.memory_space<vmem>> -> memref<128xi32, #tpu.memory_space<vmem>>
    %dma_wait3A_130 = arith.constant 0 : i32
    %dma_wait3A_131 = arith.constant 0 : i32
    %dma_wait3A_132 = tpu.memref_slice %arg2[%dma_wait3A_130, %dma_wait3A_131] : memref<10000x96xf32, #tpu.memory_space<hbm>> -> memref<10000x96xf32, #tpu.memory_space<hbm>>
    tpu.wait_indirect_dma semaphore(%arg17 : memref<!tpu.dma_semaphore, #tpu.memory_space<semaphore_mem>>) src(%dma_wait3A_132 : memref<10000x96xf32, #tpu.memory_space<hbm>>) dst(%arg9 : memref<128x96xf32, #tpu.memory_space<vmem>>)
    %mul3A_133 = arith.constant 5120 : i32
    %mul3A_134 = arith.muli %add3A, %mul3A_133 : i32
    %add3A_135 = arith.constant 4864 : i32
    %add3A_136 = arith.addi %mul3A_134, %add3A_135 : i32
    %dma_wait3A_137 = arith.constant 0 : i32
    %dma_wait3A_138 = tpu.memref_slice %arg3[%add3A_136, %dma_wait3A_137] : memref<163840x16xf32, #tpu.memory_space<hbm>> -> memref<128x16xf32, #tpu.memory_space<hbm>>
    %dma_wait3A_139 = arith.constant 0 : i32
    %dma_wait3A_140 = tpu.memref_slice %arg3[%add3A_136, %dma_wait3A_139] : memref<163840x16xf32, #tpu.memory_space<hbm>> -> memref<128x16xf32, #tpu.memory_space<hbm>>
    tpu.wait_dma2 semaphore(%arg17 : memref<!tpu.dma_semaphore, #tpu.memory_space<semaphore_mem>>) src(%dma_wait3A_140 : memref<128x16xf32, #tpu.memory_space<hbm>>) dst(%arg11 : memref<128x16xf32, #tpu.memory_space<vmem>>)
    %dma_wait3A_141 = arith.constant 38 : i32
    %dma_wait3A_142 = arith.constant 0 : i32
    %dma_wait3A_143 = tpu.memref_slice %arg8[%dma_wait3A_141, %dma_wait3A_142] : memref<40x128xi32, #tpu.memory_space<vmem>> -> memref<1x128xi32, #tpu.memory_space<vmem>>
    %dma_wait3A_144 = tpu.memref_squeeze %dma_wait3A_143 : memref<1x128xi32, #tpu.memory_space<vmem>> -> memref<128xi32, #tpu.memory_space<vmem>>
    %dma_wait3A_145 = arith.constant 0 : i32
    %dma_wait3A_146 = arith.constant 0 : i32
    %dma_wait3A_147 = tpu.memref_slice %arg16[%dma_wait3A_145, %dma_wait3A_146] : memref<10016x16xf32, #tpu.memory_space<vmem_shared>> -> memref<10016x16xf32, #tpu.memory_space<vmem_shared>>
    tpu.wait_indirect_dma semaphore(%arg19 : memref<!tpu.dma_semaphore, #tpu.memory_space<semaphore_mem>>) src(%arg13 : memref<128x16xf32, #tpu.memory_space<vmem>>) dst(%dma_wait3A_147 : memref<10016x16xf32, #tpu.memory_space<vmem_shared>>)
    %parallel_loop3A_148 = arith.constant 0 : i32
    %parallel_loop3A_149 = arith.constant 128 : i32
    %parallel_loop3A_150 = arith.constant 1 : i32
    scf.for %parallel_loop3A_212 = %parallel_loop3A_148 to %parallel_loop3A_149 step %parallel_loop3A_150  : i32 {
      %parallel_loop3A_213 = arith.index_cast %parallel_loop3A_212 : i32 to index
      %parallel_loop3A_214 = arith.constant 0 : index
      %parallel_loop3A_215 = tpu.vector_load %arg11[%parallel_loop3A_213, %parallel_loop3A_214] {strides = array<i32>} : memref<128x16xf32, #tpu.memory_space<vmem>>, vector<1x16xf32>,
      %parallel_loop3A_216 = vector.shape_cast %parallel_loop3A_215 : vector<1x16xf32> to vector<16xf32>
      %parallel_loop3A_217 = vector.extract_strided_slice %parallel_loop3A_216 {offsets = [0], sizes = [1], strides = [1]} : vector<16xf32> to vector<1xf32>
      %parallel_loop3A_218 = vector.extract %parallel_loop3A_217[0] : f32 from vector<1xf32>
      %parallel_loop3A_219 = arith.index_cast %parallel_loop3A_212 : i32 to index
      %parallel_loop3A_220 = arith.constant 0 : index
      %parallel_loop3A_221 = tpu.vector_load %arg9[%parallel_loop3A_219, %parallel_loop3A_220] {strides = array<i32>} : memref<128x96xf32, #tpu.memory_space<vmem>>, vector<1x16xf32>,
      %parallel_loop3A_222 = vector.shape_cast %parallel_loop3A_221 : vector<1x16xf32> to vector<16xf32>
      %parallel_loop3A_223 = vector.broadcast %parallel_loop3A_218 : f32 to vector<16xf32>
      %parallel_loop3A_224 = arith.mulf %parallel_loop3A_223, %parallel_loop3A_222 : vector<16xf32>
      %parallel_loop3A_225 = vector.extract_strided_slice %parallel_loop3A_216 {offsets = [1], sizes = [1], strides = [1]} : vector<16xf32> to vector<1xf32>
      %parallel_loop3A_226 = vector.extract %parallel_loop3A_225[0] : f32 from vector<1xf32>
      %parallel_loop3A_227 = arith.index_cast %parallel_loop3A_212 : i32 to index
      %parallel_loop3A_228 = arith.constant 16 : index
      %parallel_loop3A_229 = tpu.vector_load %arg9[%parallel_loop3A_227, %parallel_loop3A_228] {strides = array<i32>} : memref<128x96xf32, #tpu.memory_space<vmem>>, vector<1x16xf32>,
      %parallel_loop3A_230 = vector.shape_cast %parallel_loop3A_229 : vector<1x16xf32> to vector<16xf32>
      %parallel_loop3A_231 = vector.broadcast %parallel_loop3A_226 : f32 to vector<16xf32>
      %parallel_loop3A_232 = arith.mulf %parallel_loop3A_231, %parallel_loop3A_230 : vector<16xf32>
      %parallel_loop3A_233 = vector.extract_strided_slice %parallel_loop3A_216 {offsets = [2], sizes = [1], strides = [1]} : vector<16xf32> to vector<1xf32>
      %parallel_loop3A_234 = vector.extract %parallel_loop3A_233[0] : f32 from vector<1xf32>
      %parallel_loop3A_235 = arith.index_cast %parallel_loop3A_212 : i32 to index
      %parallel_loop3A_236 = arith.constant 32 : index
      %parallel_loop3A_237 = tpu.vector_load %arg9[%parallel_loop3A_235, %parallel_loop3A_236] {strides = array<i32>} : memref<128x96xf32, #tpu.memory_space<vmem>>, vector<1x16xf32>,
      %parallel_loop3A_238 = vector.shape_cast %parallel_loop3A_237 : vector<1x16xf32> to vector<16xf32>
      %parallel_loop3A_239 = vector.broadcast %parallel_loop3A_234 : f32 to vector<16xf32>
      %parallel_loop3A_240 = arith.mulf %parallel_loop3A_239, %parallel_loop3A_238 : vector<16xf32>
      %parallel_loop3A_241 = vector.extract_strided_slice %parallel_loop3A_216 {offsets = [3], sizes = [1], strides = [1]} : vector<16xf32> to vector<1xf32>
      %parallel_loop3A_242 = vector.extract %parallel_loop3A_241[0] : f32 from vector<1xf32>
      %parallel_loop3A_243 = arith.index_cast %parallel_loop3A_212 : i32 to index
      %parallel_loop3A_244 = arith.constant 48 : index
      %parallel_loop3A_245 = tpu.vector_load %arg9[%parallel_loop3A_243, %parallel_loop3A_244] {strides = array<i32>} : memref<128x96xf32, #tpu.memory_space<vmem>>, vector<1x16xf32>,
      %parallel_loop3A_246 = vector.shape_cast %parallel_loop3A_245 : vector<1x16xf32> to vector<16xf32>
      %parallel_loop3A_247 = vector.broadcast %parallel_loop3A_242 : f32 to vector<16xf32>
      %parallel_loop3A_248 = arith.mulf %parallel_loop3A_247, %parallel_loop3A_246 : vector<16xf32>
      %parallel_loop3A_249 = vector.extract_strided_slice %parallel_loop3A_216 {offsets = [4], sizes = [1], strides = [1]} : vector<16xf32> to vector<1xf32>
      %parallel_loop3A_250 = vector.extract %parallel_loop3A_249[0] : f32 from vector<1xf32>
      %parallel_loop3A_251 = arith.index_cast %parallel_loop3A_212 : i32 to index
      %parallel_loop3A_252 = arith.constant 64 : index
      %parallel_loop3A_253 = tpu.vector_load %arg9[%parallel_loop3A_251, %parallel_loop3A_252] {strides = array<i32>} : memref<128x96xf32, #tpu.memory_space<vmem>>, vector<1x16xf32>,
      %parallel_loop3A_254 = vector.shape_cast %parallel_loop3A_253 : vector<1x16xf32> to vector<16xf32>
      %parallel_loop3A_255 = vector.broadcast %parallel_loop3A_250 : f32 to vector<16xf32>
      %parallel_loop3A_256 = arith.mulf %parallel_loop3A_255, %parallel_loop3A_254 : vector<16xf32>
      %parallel_loop3A_257 = arith.index_cast %parallel_loop3A_212 : i32 to index
      %parallel_loop3A_258 = arith.constant 80 : index
      %parallel_loop3A_259 = tpu.vector_load %arg9[%parallel_loop3A_257, %parallel_loop3A_258] {strides = array<i32>} : memref<128x96xf32, #tpu.memory_space<vmem>>, vector<1x16xf32>,
      %parallel_loop3A_260 = vector.shape_cast %parallel_loop3A_259 : vector<1x16xf32> to vector<16xf32>
      %parallel_loop3A_261 = arith.addf %parallel_loop3A_224, %parallel_loop3A_232 : vector<16xf32>
      %parallel_loop3A_262 = arith.addf %parallel_loop3A_240, %parallel_loop3A_248 : vector<16xf32>
      %parallel_loop3A_263 = arith.addf %parallel_loop3A_256, %parallel_loop3A_260 : vector<16xf32>
      %parallel_loop3A_264 = arith.addf %parallel_loop3A_261, %parallel_loop3A_262 : vector<16xf32>
      %parallel_loop3A_265 = arith.addf %parallel_loop3A_264, %parallel_loop3A_263 : vector<16xf32>
      %parallel_loop3A_266 = arith.index_cast %parallel_loop3A_212 : i32 to index
      %parallel_loop3A_267 = arith.constant 0 : index
      %parallel_loop3A_268 = tpu.vector_load %arg13[%parallel_loop3A_266, %parallel_loop3A_267] {strides = array<i32>} : memref<128x16xf32, #tpu.memory_space<vmem>>, vector<1x16xf32>,
      %parallel_loop3A_269 = vector.shape_cast %parallel_loop3A_268 : vector<1x16xf32> to vector<16xf32>
      %parallel_loop3A_270 = vector.shape_cast %parallel_loop3A_265 : vector<16xf32> to vector<1x16xf32>
      tpu.vector_store %arg13[%parallel_loop3A_266, %parallel_loop3A_267], %parallel_loop3A_270 {strides = array<i32>} : memref<128x16xf32, #tpu.memory_space<vmem>>, vector<1x16xf32>,
    } {sc.loop_unroll_factor = 4 : i64, sc.parallel_access}
    %dma_start3A_151 = arith.constant 38 : i32
    %dma_start3A_152 = arith.constant 0 : i32
    %dma_start3A_153 = tpu.memref_slice %arg8[%dma_start3A_151, %dma_start3A_152] : memref<40x128xi32, #tpu.memory_space<vmem>> -> memref<1x128xi32, #tpu.memory_space<vmem>>
    %dma_start3A_154 = tpu.memref_squeeze %dma_start3A_153 : memref<1x128xi32, #tpu.memory_space<vmem>> -> memref<128xi32, #tpu.memory_space<vmem>>
    %dma_start3A_155 = arith.constant 0 : i32
    %dma_start3A_156 = arith.constant 0 : i32
    %dma_start3A_157 = tpu.memref_slice %arg16[%dma_start3A_155, %dma_start3A_156] : memref<10016x16xf32, #tpu.memory_space<vmem_shared>> -> memref<10016x16xf32, #tpu.memory_space<vmem_shared>>
    tpu.enqueue_indirect_dma source(%arg13 : memref<128x16xf32, #tpu.memory_space<vmem>>) target(%dma_start3A_157 : memref<10016x16xf32, #tpu.memory_space<vmem_shared>>) offsets(%dma_start3A_154 : memref<128xi32, #tpu.memory_space<vmem>>) semaphore(%arg19 : memref<!tpu.dma_semaphore, #tpu.memory_space<semaphore_mem>>) {add = true}
    %dma_wait3A_158 = arith.constant 39 : i32
    %dma_wait3A_159 = arith.constant 0 : i32
    %dma_wait3A_160 = tpu.memref_slice %arg7[%dma_wait3A_158, %dma_wait3A_159] : memref<40x128xi32, #tpu.memory_space<vmem>> -> memref<1x128xi32, #tpu.memory_space<vmem>>
    %dma_wait3A_161 = tpu.memref_squeeze %dma_wait3A_160 : memref<1x128xi32, #tpu.memory_space<vmem>> -> memref<128xi32, #tpu.memory_space<vmem>>
    %dma_wait3A_162 = arith.constant 0 : i32
    %dma_wait3A_163 = arith.constant 0 : i32
    %dma_wait3A_164 = tpu.memref_slice %arg2[%dma_wait3A_162, %dma_wait3A_163] : memref<10000x96xf32, #tpu.memory_space<hbm>> -> memref<10000x96xf32, #tpu.memory_space<hbm>>
    tpu.wait_indirect_dma semaphore(%arg18 : memref<!tpu.dma_semaphore, #tpu.memory_space<semaphore_mem>>) src(%dma_wait3A_164 : memref<10000x96xf32, #tpu.memory_space<hbm>>) dst(%arg10 : memref<128x96xf32, #tpu.memory_space<vmem>>)
    %mul3A_165 = arith.constant 5120 : i32
    %mul3A_166 = arith.muli %add3A, %mul3A_165 : i32
    %add3A_167 = arith.constant 4992 : i32
    %add3A_168 = arith.addi %mul3A_166, %add3A_167 : i32
    %dma_wait3A_169 = arith.constant 0 : i32
    %dma_wait3A_170 = tpu.memref_slice %arg3[%add3A_168, %dma_wait3A_169] : memref<163840x16xf32, #tpu.memory_space<hbm>> -> memref<128x16xf32, #tpu.memory_space<hbm>>
    %dma_wait3A_171 = arith.constant 0 : i32
    %dma_wait3A_172 = tpu.memref_slice %arg3[%add3A_168, %dma_wait3A_171] : memref<163840x16xf32, #tpu.memory_space<hbm>> -> memref<128x16xf32, #tpu.memory_space<hbm>>
    tpu.wait_dma2 semaphore(%arg18 : memref<!tpu.dma_semaphore, #tpu.memory_space<semaphore_mem>>) src(%dma_wait3A_172 : memref<128x16xf32, #tpu.memory_space<hbm>>) dst(%arg12 : memref<128x16xf32, #tpu.memory_space<vmem>>)
    %dma_wait3A_173 = arith.constant 39 : i32
    %dma_wait3A_174 = arith.constant 0 : i32
    %dma_wait3A_175 = tpu.memref_slice %arg8[%dma_wait3A_173, %dma_wait3A_174] : memref<40x128xi32, #tpu.memory_space<vmem>> -> memref<1x128xi32, #tpu.memory_space<vmem>>
    %dma_wait3A_176 = tpu.memref_squeeze %dma_wait3A_175 : memref<1x128xi32, #tpu.memory_space<vmem>> -> memref<128xi32, #tpu.memory_space<vmem>>
    %dma_wait3A_177 = arith.constant 0 : i32
    %dma_wait3A_178 = arith.constant 0 : i32
    %dma_wait3A_179 = tpu.memref_slice %arg16[%dma_wait3A_177, %dma_wait3A_178] : memref<10016x16xf32, #tpu.memory_space<vmem_shared>> -> memref<10016x16xf32, #tpu.memory_space<vmem_shared>>
    tpu.wait_indirect_dma semaphore(%arg20 : memref<!tpu.dma_semaphore, #tpu.memory_space<semaphore_mem>>) src(%arg14 : memref<128x16xf32, #tpu.memory_space<vmem>>) dst(%dma_wait3A_179 : memref<10016x16xf32, #tpu.memory_space<vmem_shared>>)
    %parallel_loop3A_180 = arith.constant 0 : i32
    %parallel_loop3A_181 = arith.constant 128 : i32
    %parallel_loop3A_182 = arith.constant 1 : i32
    scf.for %parallel_loop3A_212 = %parallel_loop3A_180 to %parallel_loop3A_181 step %parallel_loop3A_182  : i32 {
      %parallel_loop3A_213 = arith.index_cast %parallel_loop3A_212 : i32 to index
      %parallel_loop3A_214 = arith.constant 0 : index
      %parallel_loop3A_215 = tpu.vector_load %arg12[%parallel_loop3A_213, %parallel_loop3A_214] {strides = array<i32>} : memref<128x16xf32, #tpu.memory_space<vmem>>, vector<1x16xf32>,
      %parallel_loop3A_216 = vector.shape_cast %parallel_loop3A_215 : vector<1x16xf32> to vector<16xf32>
      %parallel_loop3A_217 = vector.extract_strided_slice %parallel_loop3A_216 {offsets = [0], sizes = [1], strides = [1]} : vector<16xf32> to vector<1xf32>
      %parallel_loop3A_218 = vector.extract %parallel_loop3A_217[0] : f32 from vector<1xf32>
      %parallel_loop3A_219 = arith.index_cast %parallel_loop3A_212 : i32 to index
      %parallel_loop3A_220 = arith.constant 0 : index
      %parallel_loop3A_221 = tpu.vector_load %arg10[%parallel_loop3A_219, %parallel_loop3A_220] {strides = array<i32>} : memref<128x96xf32, #tpu.memory_space<vmem>>, vector<1x16xf32>,
      %parallel_loop3A_222 = vector.shape_cast %parallel_loop3A_221 : vector<1x16xf32> to vector<16xf32>
      %parallel_loop3A_223 = vector.broadcast %parallel_loop3A_218 : f32 to vector<16xf32>
      %parallel_loop3A_224 = arith.mulf %parallel_loop3A_223, %parallel_loop3A_222 : vector<16xf32>
      %parallel_loop3A_225 = vector.extract_strided_slice %parallel_loop3A_216 {offsets = [1], sizes = [1], strides = [1]} : vector<16xf32> to vector<1xf32>
      %parallel_loop3A_226 = vector.extract %parallel_loop3A_225[0] : f32 from vector<1xf32>
      %parallel_loop3A_227 = arith.index_cast %parallel_loop3A_212 : i32 to index
      %parallel_loop3A_228 = arith.constant 16 : index
      %parallel_loop3A_229 = tpu.vector_load %arg10[%parallel_loop3A_227, %parallel_loop3A_228] {strides = array<i32>} : memref<128x96xf32, #tpu.memory_space<vmem>>, vector<1x16xf32>,
      %parallel_loop3A_230 = vector.shape_cast %parallel_loop3A_229 : vector<1x16xf32> to vector<16xf32>
      %parallel_loop3A_231 = vector.broadcast %parallel_loop3A_226 : f32 to vector<16xf32>
      %parallel_loop3A_232 = arith.mulf %parallel_loop3A_231, %parallel_loop3A_230 : vector<16xf32>
      %parallel_loop3A_233 = vector.extract_strided_slice %parallel_loop3A_216 {offsets = [2], sizes = [1], strides = [1]} : vector<16xf32> to vector<1xf32>
      %parallel_loop3A_234 = vector.extract %parallel_loop3A_233[0] : f32 from vector<1xf32>
      %parallel_loop3A_235 = arith.index_cast %parallel_loop3A_212 : i32 to index
      %parallel_loop3A_236 = arith.constant 32 : index
      %parallel_loop3A_237 = tpu.vector_load %arg10[%parallel_loop3A_235, %parallel_loop3A_236] {strides = array<i32>} : memref<128x96xf32, #tpu.memory_space<vmem>>, vector<1x16xf32>,
      %parallel_loop3A_238 = vector.shape_cast %parallel_loop3A_237 : vector<1x16xf32> to vector<16xf32>
      %parallel_loop3A_239 = vector.broadcast %parallel_loop3A_234 : f32 to vector<16xf32>
      %parallel_loop3A_240 = arith.mulf %parallel_loop3A_239, %parallel_loop3A_238 : vector<16xf32>
      %parallel_loop3A_241 = vector.extract_strided_slice %parallel_loop3A_216 {offsets = [3], sizes = [1], strides = [1]} : vector<16xf32> to vector<1xf32>
      %parallel_loop3A_242 = vector.extract %parallel_loop3A_241[0] : f32 from vector<1xf32>
      %parallel_loop3A_243 = arith.index_cast %parallel_loop3A_212 : i32 to index
      %parallel_loop3A_244 = arith.constant 48 : index
      %parallel_loop3A_245 = tpu.vector_load %arg10[%parallel_loop3A_243, %parallel_loop3A_244] {strides = array<i32>} : memref<128x96xf32, #tpu.memory_space<vmem>>, vector<1x16xf32>,
      %parallel_loop3A_246 = vector.shape_cast %parallel_loop3A_245 : vector<1x16xf32> to vector<16xf32>
      %parallel_loop3A_247 = vector.broadcast %parallel_loop3A_242 : f32 to vector<16xf32>
      %parallel_loop3A_248 = arith.mulf %parallel_loop3A_247, %parallel_loop3A_246 : vector<16xf32>
      %parallel_loop3A_249 = vector.extract_strided_slice %parallel_loop3A_216 {offsets = [4], sizes = [1], strides = [1]} : vector<16xf32> to vector<1xf32>
      %parallel_loop3A_250 = vector.extract %parallel_loop3A_249[0] : f32 from vector<1xf32>
      %parallel_loop3A_251 = arith.index_cast %parallel_loop3A_212 : i32 to index
      %parallel_loop3A_252 = arith.constant 64 : index
      %parallel_loop3A_253 = tpu.vector_load %arg10[%parallel_loop3A_251, %parallel_loop3A_252] {strides = array<i32>} : memref<128x96xf32, #tpu.memory_space<vmem>>, vector<1x16xf32>,
      %parallel_loop3A_254 = vector.shape_cast %parallel_loop3A_253 : vector<1x16xf32> to vector<16xf32>
      %parallel_loop3A_255 = vector.broadcast %parallel_loop3A_250 : f32 to vector<16xf32>
      %parallel_loop3A_256 = arith.mulf %parallel_loop3A_255, %parallel_loop3A_254 : vector<16xf32>
      %parallel_loop3A_257 = arith.index_cast %parallel_loop3A_212 : i32 to index
      %parallel_loop3A_258 = arith.constant 80 : index
      %parallel_loop3A_259 = tpu.vector_load %arg10[%parallel_loop3A_257, %parallel_loop3A_258] {strides = array<i32>} : memref<128x96xf32, #tpu.memory_space<vmem>>, vector<1x16xf32>,
      %parallel_loop3A_260 = vector.shape_cast %parallel_loop3A_259 : vector<1x16xf32> to vector<16xf32>
      %parallel_loop3A_261 = arith.addf %parallel_loop3A_224, %parallel_loop3A_232 : vector<16xf32>
      %parallel_loop3A_262 = arith.addf %parallel_loop3A_240, %parallel_loop3A_248 : vector<16xf32>
      %parallel_loop3A_263 = arith.addf %parallel_loop3A_256, %parallel_loop3A_260 : vector<16xf32>
      %parallel_loop3A_264 = arith.addf %parallel_loop3A_261, %parallel_loop3A_262 : vector<16xf32>
      %parallel_loop3A_265 = arith.addf %parallel_loop3A_264, %parallel_loop3A_263 : vector<16xf32>
      %parallel_loop3A_266 = arith.index_cast %parallel_loop3A_212 : i32 to index
      %parallel_loop3A_267 = arith.constant 0 : index
      %parallel_loop3A_268 = tpu.vector_load %arg14[%parallel_loop3A_266, %parallel_loop3A_267] {strides = array<i32>} : memref<128x16xf32, #tpu.memory_space<vmem>>, vector<1x16xf32>,
      %parallel_loop3A_269 = vector.shape_cast %parallel_loop3A_268 : vector<1x16xf32> to vector<16xf32>
      %parallel_loop3A_270 = vector.shape_cast %parallel_loop3A_265 : vector<16xf32> to vector<1x16xf32>
      tpu.vector_store %arg14[%parallel_loop3A_266, %parallel_loop3A_267], %parallel_loop3A_270 {strides = array<i32>} : memref<128x16xf32, #tpu.memory_space<vmem>>, vector<1x16xf32>,
    } {sc.loop_unroll_factor = 4 : i64, sc.parallel_access}
    %dma_start3A_183 = arith.constant 39 : i32
    %dma_start3A_184 = arith.constant 0 : i32
    %dma_start3A_185 = tpu.memref_slice %arg8[%dma_start3A_183, %dma_start3A_184] : memref<40x128xi32, #tpu.memory_space<vmem>> -> memref<1x128xi32, #tpu.memory_space<vmem>>
    %dma_start3A_186 = tpu.memref_squeeze %dma_start3A_185 : memref<1x128xi32, #tpu.memory_space<vmem>> -> memref<128xi32, #tpu.memory_space<vmem>>
    %dma_start3A_187 = arith.constant 0 : i32
    %dma_start3A_188 = arith.constant 0 : i32
    %dma_start3A_189 = tpu.memref_slice %arg16[%dma_start3A_187, %dma_start3A_188] : memref<10016x16xf32, #tpu.memory_space<vmem_shared>> -> memref<10016x16xf32, #tpu.memory_space<vmem_shared>>
    tpu.enqueue_indirect_dma source(%arg14 : memref<128x16xf32, #tpu.memory_space<vmem>>) target(%dma_start3A_189 : memref<10016x16xf32, #tpu.memory_space<vmem_shared>>) offsets(%dma_start3A_186 : memref<128xi32, #tpu.memory_space<vmem>>) semaphore(%arg20 : memref<!tpu.dma_semaphore, #tpu.memory_space<semaphore_mem>>) {add = true}
    %dma_wait3A_190 = arith.constant 0 : i32
    %dma_wait3A_191 = arith.constant 0 : i32
    %dma_wait3A_192 = tpu.memref_slice %arg8[%dma_wait3A_190, %dma_wait3A_191] : memref<40x128xi32, #tpu.memory_space<vmem>> -> memref<1x128xi32, #tpu.memory_space<vmem>>
    %dma_wait3A_193 = tpu.memref_squeeze %dma_wait3A_192 : memref<1x128xi32, #tpu.memory_space<vmem>> -> memref<128xi32, #tpu.memory_space<vmem>>
    %dma_wait3A_194 = arith.constant 0 : i32
    %dma_wait3A_195 = arith.constant 0 : i32
    %dma_wait3A_196 = tpu.memref_slice %arg16[%dma_wait3A_194, %dma_wait3A_195] : memref<10016x16xf32, #tpu.memory_space<vmem_shared>> -> memref<10016x16xf32, #tpu.memory_space<vmem_shared>>
    tpu.wait_indirect_dma semaphore(%arg19 : memref<!tpu.dma_semaphore, #tpu.memory_space<semaphore_mem>>) src(%arg13 : memref<128x16xf32, #tpu.memory_space<vmem>>) dst(%dma_wait3A_196 : memref<10016x16xf32, #tpu.memory_space<vmem_shared>>)
    %dma_wait3A_197 = arith.constant 0 : i32
    %dma_wait3A_198 = arith.constant 0 : i32
    %dma_wait3A_199 = tpu.memref_slice %arg8[%dma_wait3A_197, %dma_wait3A_198] : memref<40x128xi32, #tpu.memory_space<vmem>> -> memref<1x128xi32, #tpu.memory_space<vmem>>
    %dma_wait3A_200 = tpu.memref_squeeze %dma_wait3A_199 : memref<1x128xi32, #tpu.memory_space<vmem>> -> memref<128xi32, #tpu.memory_space<vmem>>
    %dma_wait3A_201 = arith.constant 0 : i32
    %dma_wait3A_202 = arith.constant 0 : i32
    %dma_wait3A_203 = tpu.memref_slice %arg16[%dma_wait3A_201, %dma_wait3A_202] : memref<10016x16xf32, #tpu.memory_space<vmem_shared>> -> memref<10016x16xf32, #tpu.memory_space<vmem_shared>>
    tpu.wait_indirect_dma semaphore(%arg20 : memref<!tpu.dma_semaphore, #tpu.memory_space<semaphore_mem>>) src(%arg14 : memref<128x16xf32, #tpu.memory_space<vmem>>) dst(%dma_wait3A_203 : memref<10016x16xf32, #tpu.memory_space<vmem_shared>>)
    %barrier3A_204 = arith.constant 0 : index
    tpu.barrier barrier_id(%barrier3A_204)
    %mul3A_205 = arith.constant 626 : i32
    %mul3A_206 = arith.muli %arg1, %mul3A_205 : i32
    %mul3A_207 = arith.constant 10016 : i32
    %mul3A_208 = arith.muli %arg0, %mul3A_207 : i32
    %mul3A_209 = arith.constant 626 : i32
    %mul3A_210 = arith.muli %arg1, %mul3A_209 : i32
    %add3A_211 = arith.addi %mul3A_208, %mul3A_210 : i32
    "tpu.region"() ({
      %run_scoped3A = tpu.sem_alloc : memref<!tpu.dma_semaphore, #tpu.memory_space<semaphore_mem>>
      %dma_start3A_212 = arith.constant 0 : i32
      %dma_start3A_213 = tpu.memref_slice %arg6[%add3A_211, %dma_start3A_212] : memref<20032x16xf32, #tpu.memory_space<hbm>> -> memref<626x16xf32, #tpu.memory_space<hbm>>
      %dma_start3A_214 = arith.constant 0 : i32
      %dma_start3A_215 = tpu.memref_slice %arg16[%mul3A_206, %dma_start3A_214] : memref<10016x16xf32, #tpu.memory_space<vmem_shared>> -> memref<626x16xf32, #tpu.memory_space<vmem_shared>>
      tpu.enqueue_dma source(%dma_start3A_215 : memref<626x16xf32, #tpu.memory_space<vmem_shared>>) target(%dma_start3A_213 : memref<626x16xf32, #tpu.memory_space<hbm>>) target_semaphore(%run_scoped3A : memref<!tpu.dma_semaphore, #tpu.memory_space<semaphore_mem>>)
      %dma_wait3A_216 = arith.constant 0 : i32
      %dma_wait3A_217 = tpu.memref_slice %arg6[%add3A_211, %dma_wait3A_216] : memref<20032x16xf32, #tpu.memory_space<hbm>> -> memref<626x16xf32, #tpu.memory_space<hbm>>
      %dma_wait3A_218 = arith.constant 0 : i32
      %dma_wait3A_219 = tpu.memref_slice %arg16[%mul3A_206, %dma_wait3A_218] : memref<10016x16xf32, #tpu.memory_space<vmem_shared>> -> memref<626x16xf32, #tpu.memory_space<vmem_shared>>
      tpu.wait_dma2 semaphore(%run_scoped3A : memref<!tpu.dma_semaphore, #tpu.memory_space<semaphore_mem>>) src(%dma_wait3A_219 : memref<626x16xf32, #tpu.memory_space<vmem_shared>>) dst(%dma_wait3A_217 : memref<626x16xf32, #tpu.memory_space<hbm>>)
      tpu.yield
    }) : () -> ()
    return
  }
}

#map = affine_map<(d0, d1) -> (0, 0)>
module attributes {stable_mosaic.version = 14 : i64} {
  func.func @edge_k(%arg0: i32, %arg1: i32, %arg2: memref<10000x96xf32, #tpu.memory_space<hbm>>, %arg3: memref<163840x16xf32, #tpu.memory_space<hbm>>, %arg4: memref<1280x128xi32, #tpu.memory_space<hbm>>, %arg5: memref<1280x128xi32, #tpu.memory_space<hbm>>, %arg6: memref<20032x16xf32, #tpu.memory_space<hbm>>, %arg7: memref<40x128xi32, #tpu.memory_space<vmem>>, %arg8: memref<40x128xi32, #tpu.memory_space<vmem>>, %arg9: memref<128x96xf32, #tpu.memory_space<vmem>>, %arg10: memref<128x96xf32, #tpu.memory_space<vmem>>, %arg11: memref<128x16xf32, #tpu.memory_space<vmem>>, %arg12: memref<128x16xf32, #tpu.memory_space<vmem>>, %arg13: memref<128x16xf32, #tpu.memory_space<vmem>>, %arg14: memref<128x16xf32, #tpu.memory_space<vmem>>, %arg15: memref<626x16xf32, #tpu.memory_space<vmem>>, %arg16: memref<10016x16xf32, #tpu.memory_space<vmem_shared>>, %arg17: memref<!tpu.dma_semaphore, #tpu.memory_space<semaphore_mem>>, %arg18: memref<!tpu.dma_semaphore, #tpu.memory_space<semaphore_mem>>, %arg19: memref<!tpu.dma_semaphore, #tpu.memory_space<semaphore_mem>>, %arg20: memref<!tpu.dma_semaphore, #tpu.memory_space<semaphore_mem>>) attributes {dimension_semantics = [#tpu.dimension_semantics<core_parallel>, #tpu.dimension_semantics<subcore_parallel>], iteration_bounds = array<i64: 2, 16>, scalar_prefetch = 0 : i64, scratch_operands = 14 : i64, tpu.core_type = #tpu.core_type<sc_vector_subcore>, window_params = [{transform_indices = #map}, {transform_indices = #map}, {transform_indices = #map}, {transform_indices = #map}, {transform_indices = #map}]} {
    %mul3A = arith.constant 2 : i32
    %mul3A_0 = arith.muli %arg1, %mul3A : i32
    %add3A = arith.addi %mul3A_0, %arg0 : i32
    %broadcast_in_dim3A = arith.constant 0.000000e+00 : f32
    %broadcast_in_dim3A_1 = vector.broadcast %broadcast_in_dim3A : f32 to vector<16xf32>
    %scan3A = arith.constant 0 : i32
    %scan3A_2 = arith.constant 0 : i32
    %scan3A_3 = arith.constant 626 : i32
    %scan3A_4 = arith.addi %scan3A_2, %scan3A_3 : i32
    %scan3A_5 = arith.constant 1 : i32
    scf.for %scan3A_212 = %scan3A_2 to %scan3A_4 step %scan3A_5  : i32 {
      %swap3A = arith.index_cast %scan3A_212 : i32 to index
      %swap3A_213 = arith.constant 0 : index
      %swap3A_214 = tpu.vector_load %arg15[%swap3A, %swap3A_213] {strides = array<i32>} : memref<626x16xf32, #tpu.memory_space<vmem>>, vector<1x16xf32>,
      %swap3A_215 = vector.shape_cast %swap3A_214 : vector<1x16xf32> to vector<16xf32>
      %swap3A_216 = vector.shape_cast %broadcast_in_dim3A_1 : vector<16xf32> to vector<1x16xf32>
      tpu.vector_store %arg15[%swap3A, %swap3A_213], %swap3A_216 {strides = array<i32>} : memref<626x16xf32, #tpu.memory_space<vmem>>, vector<1x16xf32>,
    }
    %scan3A_6 = arith.constant 626 : i32
    %mul3A_7 = arith.constant 626 : i32
    %mul3A_8 = arith.muli %arg1, %mul3A_7 : i32
    "tpu.region"() ({
      %run_scoped3A = tpu.sem_alloc : memref<!tpu.dma_semaphore, #tpu.memory_space<semaphore_mem>>
      %dma_start3A_212 = arith.constant 0 : i32
      %dma_start3A_213 = tpu.memref_slice %arg16[%mul3A_8, %dma_start3A_212] : memref<10016x16xf32, #tpu.memory_space<vmem_shared>> -> memref<626x16xf32, #tpu.memory_space<vmem_shared>>
      %dma_start3A_214 = arith.constant 0 : i32
      %dma_start3A_215 = tpu.memref_slice %arg16[%mul3A_8, %dma_start3A_214] : memref<10016x16xf32, #tpu.memory_space<vmem_shared>> -> memref<626x16xf32, #tpu.memory_space<vmem_shared>>
      tpu.enqueue_dma source(%arg15 : memref<626x16xf32, #tpu.memory_space<vmem>>) target(%dma_start3A_215 : memref<626x16xf32, #tpu.memory_space<vmem_shared>>) target_semaphore(%run_scoped3A : memref<!tpu.dma_semaphore, #tpu.memory_space<semaphore_mem>>)
      %dma_wait3A_216 = arith.constant 0 : i32
      %dma_wait3A_217 = tpu.memref_slice %arg16[%mul3A_8, %dma_wait3A_216] : memref<10016x16xf32, #tpu.memory_space<vmem_shared>> -> memref<626x16xf32, #tpu.memory_space<vmem_shared>>
      %dma_wait3A_218 = arith.constant 0 : i32
      %dma_wait3A_219 = tpu.memref_slice %arg16[%mul3A_8, %dma_wait3A_218] : memref<10016x16xf32, #tpu.memory_space<vmem_shared>> -> memref<626x16xf32, #tpu.memory_space<vmem_shared>>
      tpu.wait_dma2 semaphore(%run_scoped3A : memref<!tpu.dma_semaphore, #tpu.memory_space<semaphore_mem>>) src(%arg15 : memref<626x16xf32, #tpu.memory_space<vmem>>) dst(%dma_wait3A_219 : memref<626x16xf32, #tpu.memory_space<vmem_shared>>)
      tpu.yield
    }) : () -> ()
    %mul3A_9 = arith.constant 40 : i32
    %mul3A_10 = arith.muli %add3A, %mul3A_9 : i32
    "tpu.region"() ({
      %run_scoped3A = tpu.sem_alloc : memref<!tpu.dma_semaphore, #tpu.memory_space<semaphore_mem>>
      %dma_start3A_212 = arith.constant 0 : i32
      %dma_start3A_213 = tpu.memref_slice %arg4[%mul3A_10, %dma_start3A_212] : memref<1280x128xi32, #tpu.memory_space<hbm>> -> memref<40x128xi32, #tpu.memory_space<hbm>>
      %dma_start3A_214 = arith.constant 0 : i32
      %dma_start3A_215 = tpu.memref_slice %arg4[%mul3A_10, %dma_start3A_214] : memref<1280x128xi32, #tpu.memory_space<hbm>> -> memref<40x128xi32, #tpu.memory_space<hbm>>
      tpu.enqueue_dma source(%dma_start3A_215 : memref<40x128xi32, #tpu.memory_space<hbm>>) target(%arg7 : memref<40x128xi32, #tpu.memory_space<vmem>>) target_semaphore(%run_scoped3A : memref<!tpu.dma_semaphore, #tpu.memory_space<semaphore_mem>>)
      %dma_wait3A_216 = arith.constant 0 : i32
      %dma_wait3A_217 = tpu.memref_slice %arg4[%mul3A_10, %dma_wait3A_216] : memref<1280x128xi32, #tpu.memory_space<hbm>> -> memref<40x128xi32, #tpu.memory_space<hbm>>
      %dma_wait3A_218 = arith.constant 0 : i32
      %dma_wait3A_219 = tpu.memref_slice %arg4[%mul3A_10, %dma_wait3A_218] : memref<1280x128xi32, #tpu.memory_space<hbm>> -> memref<40x128xi32, #tpu.memory_space<hbm>>
      tpu.wait_dma2 semaphore(%run_scoped3A : memref<!tpu.dma_semaphore, #tpu.memory_space<semaphore_mem>>) src(%dma_wait3A_219 : memref<40x128xi32, #tpu.memory_space<hbm>>) dst(%arg7 : memref<40x128xi32, #tpu.memory_space<vmem>>)
      tpu.yield
    }) : () -> ()
    %mul3A_11 = arith.constant 40 : i32
    %mul3A_12 = arith.muli %add3A, %mul3A_11 : i32
    "tpu.region"() ({
      %run_scoped3A = tpu.sem_alloc : memref<!tpu.dma_semaphore, #tpu.memory_space<semaphore_mem>>
      %dma_start3A_212 = arith.constant 0 : i32
      %dma_start3A_213 = tpu.memref_slice %arg5[%mul3A_12, %dma_start3A_212] : memref<1280x128xi32, #tpu.memory_space<hbm>> -> memref<40x128xi32, #tpu.memory_space<hbm>>
      %dma_start3A_214 = arith.constant 0 : i32
      %dma_start3A_215 = tpu.memref_slice %arg5[%mul3A_12, %dma_start3A_214] : memref<1280x128xi32, #tpu.memory_space<hbm>> -> memref<40x128xi32, #tpu.memory_space<hbm>>
      tpu.enqueue_dma source(%dma_start3A_215 : memref<40x128xi32, #tpu.memory_space<hbm>>) target(%arg8 : memref<40x128xi32, #tpu.memory_space<vmem>>) target_semaphore(%run_scoped3A : memref<!tpu.dma_semaphore, #tpu.memory_space<semaphore_mem>>)
      %dma_wait3A_216 = arith.constant 0 : i32
      %dma_wait3A_217 = tpu.memref_slice %arg5[%mul3A_12, %dma_wait3A_216] : memref<1280x128xi32, #tpu.memory_space<hbm>> -> memref<40x128xi32, #tpu.memory_space<hbm>>
      %dma_wait3A_218 = arith.constant 0 : i32
      %dma_wait3A_219 = tpu.memref_slice %arg5[%mul3A_12, %dma_wait3A_218] : memref<1280x128xi32, #tpu.memory_space<hbm>> -> memref<40x128xi32, #tpu.memory_space<hbm>>
      tpu.wait_dma2 semaphore(%run_scoped3A : memref<!tpu.dma_semaphore, #tpu.memory_space<semaphore_mem>>) src(%dma_wait3A_219 : memref<40x128xi32, #tpu.memory_space<hbm>>) dst(%arg8 : memref<40x128xi32, #tpu.memory_space<vmem>>)
      tpu.yield
    }) : () -> ()
    %barrier3A = arith.constant 0 : index
    tpu.barrier barrier_id(%barrier3A)
    %dma_start3A = arith.constant 0 : i32
    %dma_start3A_13 = arith.constant 0 : i32
    %dma_start3A_14 = tpu.memref_slice %arg7[%dma_start3A, %dma_start3A_13] : memref<40x128xi32, #tpu.memory_space<vmem>> -> memref<1x128xi32, #tpu.memory_space<vmem>>
    %dma_start3A_15 = tpu.memref_squeeze %dma_start3A_14 : memref<1x128xi32, #tpu.memory_space<vmem>> -> memref<128xi32, #tpu.memory_space<vmem>>
    %dma_start3A_16 = arith.constant 0 : i32
    %dma_start3A_17 = arith.constant 0 : i32
    %dma_start3A_18 = tpu.memref_slice %arg2[%dma_start3A_16, %dma_start3A_17] : memref<10000x96xf32, #tpu.memory_space<hbm>> -> memref<10000x96xf32, #tpu.memory_space<hbm>>
    tpu.enqueue_indirect_dma source(%dma_start3A_18 : memref<10000x96xf32, #tpu.memory_space<hbm>>) target(%arg9 : memref<128x96xf32, #tpu.memory_space<vmem>>) offsets(%dma_start3A_15 : memref<128xi32, #tpu.memory_space<vmem>>) semaphore(%arg17 : memref<!tpu.dma_semaphore, #tpu.memory_space<semaphore_mem>>)
    %mul3A_19 = arith.constant 5120 : i32
    %mul3A_20 = arith.muli %add3A, %mul3A_19 : i32
    %add3A_21 = arith.constant 0 : i32
    %add3A_22 = arith.addi %mul3A_20, %add3A_21 : i32
    %dma_start3A_23 = arith.constant 0 : i32
    %dma_start3A_24 = tpu.memref_slice %arg3[%add3A_22, %dma_start3A_23] : memref<163840x16xf32, #tpu.memory_space<hbm>> -> memref<128x16xf32, #tpu.memory_space<hbm>>
    %dma_start3A_25 = arith.constant 0 : i32
    %dma_start3A_26 = tpu.memref_slice %arg3[%add3A_22, %dma_start3A_25] : memref<163840x16xf32, #tpu.memory_space<hbm>> -> memref<128x16xf32, #tpu.memory_space<hbm>>
    tpu.enqueue_dma source(%dma_start3A_26 : memref<128x16xf32, #tpu.memory_space<hbm>>) target(%arg11 : memref<128x16xf32, #tpu.memory_space<vmem>>) target_semaphore(%arg17 : memref<!tpu.dma_semaphore, #tpu.memory_space<semaphore_mem>>)
    %dma_wait3A = arith.constant 0 : i32
    %dma_wait3A_27 = arith.constant 0 : i32
    %dma_wait3A_28 = tpu.memref_slice %arg7[%dma_wait3A, %dma_wait3A_27] : memref<40x128xi32, #tpu.memory_space<vmem>> -> memref<1x128xi32, #tpu.memory_space<vmem>>
    %dma_wait3A_29 = tpu.memref_squeeze %dma_wait3A_28 : memref<1x128xi32, #tpu.memory_space<vmem>> -> memref<128xi32, #tpu.memory_space<vmem>>
    %dma_wait3A_30 = arith.constant 0 : i32
    %dma_wait3A_31 = arith.constant 0 : i32
    %dma_wait3A_32 = tpu.memref_slice %arg2[%dma_wait3A_30, %dma_wait3A_31] : memref<10000x96xf32, #tpu.memory_space<hbm>> -> memref<10000x96xf32, #tpu.memory_space<hbm>>
    tpu.wait_indirect_dma semaphore(%arg17 : memref<!tpu.dma_semaphore, #tpu.memory_space<semaphore_mem>>) src(%dma_wait3A_32 : memref<10000x96xf32, #tpu.memory_space<hbm>>) dst(%arg9 : memref<128x96xf32, #tpu.memory_space<vmem>>)
    %mul3A_33 = arith.constant 5120 : i32
    %mul3A_34 = arith.muli %add3A, %mul3A_33 : i32
    %add3A_35 = arith.constant 0 : i32
    %add3A_36 = arith.addi %mul3A_34, %add3A_35 : i32
    %dma_wait3A_37 = arith.constant 0 : i32
    %dma_wait3A_38 = tpu.memref_slice %arg3[%add3A_36, %dma_wait3A_37] : memref<163840x16xf32, #tpu.memory_space<hbm>> -> memref<128x16xf32, #tpu.memory_space<hbm>>
    %dma_wait3A_39 = arith.constant 0 : i32
    %dma_wait3A_40 = tpu.memref_slice %arg3[%add3A_36, %dma_wait3A_39] : memref<163840x16xf32, #tpu.memory_space<hbm>> -> memref<128x16xf32, #tpu.memory_space<hbm>>
    tpu.wait_dma2 semaphore(%arg17 : memref<!tpu.dma_semaphore, #tpu.memory_space<semaphore_mem>>) src(%dma_wait3A_40 : memref<128x16xf32, #tpu.memory_space<hbm>>) dst(%arg11 : memref<128x16xf32, #tpu.memory_space<vmem>>)
    %parallel_loop3A = arith.constant 0 : i32
    %parallel_loop3A_41 = arith.constant 128 : i32
    %parallel_loop3A_42 = arith.constant 1 : i32
    scf.for %parallel_loop3A_212 = %parallel_loop3A to %parallel_loop3A_41 step %parallel_loop3A_42  : i32 {
      %parallel_loop3A_213 = arith.index_cast %parallel_loop3A_212 : i32 to index
      %parallel_loop3A_214 = arith.constant 0 : index
      %parallel_loop3A_215 = tpu.vector_load %arg11[%parallel_loop3A_213, %parallel_loop3A_214] {strides = array<i32>} : memref<128x16xf32, #tpu.memory_space<vmem>>, vector<1x16xf32>,
      %parallel_loop3A_216 = vector.shape_cast %parallel_loop3A_215 : vector<1x16xf32> to vector<16xf32>
      %parallel_loop3A_217 = vector.extract_strided_slice %parallel_loop3A_216 {offsets = [0], sizes = [1], strides = [1]} : vector<16xf32> to vector<1xf32>
      %parallel_loop3A_218 = vector.extract %parallel_loop3A_217[0] : f32 from vector<1xf32>
      %parallel_loop3A_219 = arith.index_cast %parallel_loop3A_212 : i32 to index
      %parallel_loop3A_220 = arith.constant 0 : index
      %parallel_loop3A_221 = tpu.vector_load %arg9[%parallel_loop3A_219, %parallel_loop3A_220] {strides = array<i32>} : memref<128x96xf32, #tpu.memory_space<vmem>>, vector<1x16xf32>,
      %parallel_loop3A_222 = vector.shape_cast %parallel_loop3A_221 : vector<1x16xf32> to vector<16xf32>
      %parallel_loop3A_223 = vector.broadcast %parallel_loop3A_218 : f32 to vector<16xf32>
      %parallel_loop3A_224 = arith.mulf %parallel_loop3A_223, %parallel_loop3A_222 : vector<16xf32>
      %parallel_loop3A_225 = vector.extract_strided_slice %parallel_loop3A_216 {offsets = [1], sizes = [1], strides = [1]} : vector<16xf32> to vector<1xf32>
      %parallel_loop3A_226 = vector.extract %parallel_loop3A_225[0] : f32 from vector<1xf32>
      %parallel_loop3A_227 = arith.index_cast %parallel_loop3A_212 : i32 to index
      %parallel_loop3A_228 = arith.constant 16 : index
      %parallel_loop3A_229 = tpu.vector_load %arg9[%parallel_loop3A_227, %parallel_loop3A_228] {strides = array<i32>} : memref<128x96xf32, #tpu.memory_space<vmem>>, vector<1x16xf32>,
      %parallel_loop3A_230 = vector.shape_cast %parallel_loop3A_229 : vector<1x16xf32> to vector<16xf32>
      %parallel_loop3A_231 = vector.broadcast %parallel_loop3A_226 : f32 to vector<16xf32>
      %parallel_loop3A_232 = arith.mulf %parallel_loop3A_231, %parallel_loop3A_230 : vector<16xf32>
      %parallel_loop3A_233 = vector.extract_strided_slice %parallel_loop3A_216 {offsets = [2], sizes = [1], strides = [1]} : vector<16xf32> to vector<1xf32>
      %parallel_loop3A_234 = vector.extract %parallel_loop3A_233[0] : f32 from vector<1xf32>
      %parallel_loop3A_235 = arith.index_cast %parallel_loop3A_212 : i32 to index
      %parallel_loop3A_236 = arith.constant 32 : index
      %parallel_loop3A_237 = tpu.vector_load %arg9[%parallel_loop3A_235, %parallel_loop3A_236] {strides = array<i32>} : memref<128x96xf32, #tpu.memory_space<vmem>>, vector<1x16xf32>,
      %parallel_loop3A_238 = vector.shape_cast %parallel_loop3A_237 : vector<1x16xf32> to vector<16xf32>
      %parallel_loop3A_239 = vector.broadcast %parallel_loop3A_234 : f32 to vector<16xf32>
      %parallel_loop3A_240 = arith.mulf %parallel_loop3A_239, %parallel_loop3A_238 : vector<16xf32>
      %parallel_loop3A_241 = vector.extract_strided_slice %parallel_loop3A_216 {offsets = [3], sizes = [1], strides = [1]} : vector<16xf32> to vector<1xf32>
      %parallel_loop3A_242 = vector.extract %parallel_loop3A_241[0] : f32 from vector<1xf32>
      %parallel_loop3A_243 = arith.index_cast %parallel_loop3A_212 : i32 to index
      %parallel_loop3A_244 = arith.constant 48 : index
      %parallel_loop3A_245 = tpu.vector_load %arg9[%parallel_loop3A_243, %parallel_loop3A_244] {strides = array<i32>} : memref<128x96xf32, #tpu.memory_space<vmem>>, vector<1x16xf32>,
      %parallel_loop3A_246 = vector.shape_cast %parallel_loop3A_245 : vector<1x16xf32> to vector<16xf32>
      %parallel_loop3A_247 = vector.broadcast %parallel_loop3A_242 : f32 to vector<16xf32>
      %parallel_loop3A_248 = arith.mulf %parallel_loop3A_247, %parallel_loop3A_246 : vector<16xf32>
      %parallel_loop3A_249 = vector.extract_strided_slice %parallel_loop3A_216 {offsets = [4], sizes = [1], strides = [1]} : vector<16xf32> to vector<1xf32>
      %parallel_loop3A_250 = vector.extract %parallel_loop3A_249[0] : f32 from vector<1xf32>
      %parallel_loop3A_251 = arith.index_cast %parallel_loop3A_212 : i32 to index
      %parallel_loop3A_252 = arith.constant 64 : index
      %parallel_loop3A_253 = tpu.vector_load %arg9[%parallel_loop3A_251, %parallel_loop3A_252] {strides = array<i32>} : memref<128x96xf32, #tpu.memory_space<vmem>>, vector<1x16xf32>,
      %parallel_loop3A_254 = vector.shape_cast %parallel_loop3A_253 : vector<1x16xf32> to vector<16xf32>
      %parallel_loop3A_255 = vector.broadcast %parallel_loop3A_250 : f32 to vector<16xf32>
      %parallel_loop3A_256 = arith.mulf %parallel_loop3A_255, %parallel_loop3A_254 : vector<16xf32>
      %parallel_loop3A_257 = arith.index_cast %parallel_loop3A_212 : i32 to index
      %parallel_loop3A_258 = arith.constant 80 : index
      %parallel_loop3A_259 = tpu.vector_load %arg9[%parallel_loop3A_257, %parallel_loop3A_258] {strides = array<i32>} : memref<128x96xf32, #tpu.memory_space<vmem>>, vector<1x16xf32>,
      %parallel_loop3A_260 = vector.shape_cast %parallel_loop3A_259 : vector<1x16xf32> to vector<16xf32>
      %parallel_loop3A_261 = arith.addf %parallel_loop3A_224, %parallel_loop3A_232 : vector<16xf32>
      %parallel_loop3A_262 = arith.addf %parallel_loop3A_240, %parallel_loop3A_248 : vector<16xf32>
      %parallel_loop3A_263 = arith.addf %parallel_loop3A_256, %parallel_loop3A_260 : vector<16xf32>
      %parallel_loop3A_264 = arith.addf %parallel_loop3A_261, %parallel_loop3A_262 : vector<16xf32>
      %parallel_loop3A_265 = arith.addf %parallel_loop3A_264, %parallel_loop3A_263 : vector<16xf32>
      %parallel_loop3A_266 = arith.index_cast %parallel_loop3A_212 : i32 to index
      %parallel_loop3A_267 = arith.constant 0 : index
      %parallel_loop3A_268 = tpu.vector_load %arg13[%parallel_loop3A_266, %parallel_loop3A_267] {strides = array<i32>} : memref<128x16xf32, #tpu.memory_space<vmem>>, vector<1x16xf32>,
      %parallel_loop3A_269 = vector.shape_cast %parallel_loop3A_268 : vector<1x16xf32> to vector<16xf32>
      %parallel_loop3A_270 = vector.shape_cast %parallel_loop3A_265 : vector<16xf32> to vector<1x16xf32>
      tpu.vector_store %arg13[%parallel_loop3A_266, %parallel_loop3A_267], %parallel_loop3A_270 {strides = array<i32>} : memref<128x16xf32, #tpu.memory_space<vmem>>, vector<1x16xf32>,
    } {sc.loop_unroll_factor = 4 : i64, sc.parallel_access}
    %dma_start3A_43 = arith.constant 0 : i32
    %dma_start3A_44 = arith.constant 0 : i32
    %dma_start3A_45 = tpu.memref_slice %arg8[%dma_start3A_43, %dma_start3A_44] : memref<40x128xi32, #tpu.memory_space<vmem>> -> memref<1x128xi32, #tpu.memory_space<vmem>>
    %dma_start3A_46 = tpu.memref_squeeze %dma_start3A_45 : memref<1x128xi32, #tpu.memory_space<vmem>> -> memref<128xi32, #tpu.memory_space<vmem>>
    %dma_start3A_47 = arith.constant 0 : i32
    %dma_start3A_48 = arith.constant 0 : i32
    %dma_start3A_49 = tpu.memref_slice %arg16[%dma_start3A_47, %dma_start3A_48] : memref<10016x16xf32, #tpu.memory_space<vmem_shared>> -> memref<10016x16xf32, #tpu.memory_space<vmem_shared>>
    tpu.enqueue_indirect_dma source(%arg13 : memref<128x16xf32, #tpu.memory_space<vmem>>) target(%dma_start3A_49 : memref<10016x16xf32, #tpu.memory_space<vmem_shared>>) offsets(%dma_start3A_46 : memref<128xi32, #tpu.memory_space<vmem>>) semaphore(%arg19 : memref<!tpu.dma_semaphore, #tpu.memory_space<semaphore_mem>>) {add = true}
    %dma_start3A_50 = arith.constant 1 : i32
    %dma_start3A_51 = arith.constant 0 : i32
    %dma_start3A_52 = tpu.memref_slice %arg7[%dma_start3A_50, %dma_start3A_51] : memref<40x128xi32, #tpu.memory_space<vmem>> -> memref<1x128xi32, #tpu.memory_space<vmem>>
    %dma_start3A_53 = tpu.memref_squeeze %dma_start3A_52 : memref<1x128xi32, #tpu.memory_space<vmem>> -> memref<128xi32, #tpu.memory_space<vmem>>
    %dma_start3A_54 = arith.constant 0 : i32
    %dma_start3A_55 = arith.constant 0 : i32
    %dma_start3A_56 = tpu.memref_slice %arg2[%dma_start3A_54, %dma_start3A_55] : memref<10000x96xf32, #tpu.memory_space<hbm>> -> memref<10000x96xf32, #tpu.memory_space<hbm>>
    tpu.enqueue_indirect_dma source(%dma_start3A_56 : memref<10000x96xf32, #tpu.memory_space<hbm>>) target(%arg10 : memref<128x96xf32, #tpu.memory_space<vmem>>) offsets(%dma_start3A_53 : memref<128xi32, #tpu.memory_space<vmem>>) semaphore(%arg18 : memref<!tpu.dma_semaphore, #tpu.memory_space<semaphore_mem>>)
    %mul3A_57 = arith.constant 5120 : i32
    %mul3A_58 = arith.muli %add3A, %mul3A_57 : i32
    %add3A_59 = arith.constant 128 : i32
    %add3A_60 = arith.addi %mul3A_58, %add3A_59 : i32
    %dma_start3A_61 = arith.constant 0 : i32
    %dma_start3A_62 = tpu.memref_slice %arg3[%add3A_60, %dma_start3A_61] : memref<163840x16xf32, #tpu.memory_space<hbm>> -> memref<128x16xf32, #tpu.memory_space<hbm>>
    %dma_start3A_63 = arith.constant 0 : i32
    %dma_start3A_64 = tpu.memref_slice %arg3[%add3A_60, %dma_start3A_63] : memref<163840x16xf32, #tpu.memory_space<hbm>> -> memref<128x16xf32, #tpu.memory_space<hbm>>
    tpu.enqueue_dma source(%dma_start3A_64 : memref<128x16xf32, #tpu.memory_space<hbm>>) target(%arg12 : memref<128x16xf32, #tpu.memory_space<vmem>>) target_semaphore(%arg18 : memref<!tpu.dma_semaphore, #tpu.memory_space<semaphore_mem>>)
    %dma_start3A_65 = arith.constant 2 : i32
    %dma_start3A_66 = arith.constant 0 : i32
    %dma_start3A_67 = tpu.memref_slice %arg7[%dma_start3A_65, %dma_start3A_66] : memref<40x128xi32, #tpu.memory_space<vmem>> -> memref<1x128xi32, #tpu.memory_space<vmem>>
    %dma_start3A_68 = tpu.memref_squeeze %dma_start3A_67 : memref<1x128xi32, #tpu.memory_space<vmem>> -> memref<128xi32, #tpu.memory_space<vmem>>
    %dma_start3A_69 = arith.constant 0 : i32
    %dma_start3A_70 = arith.constant 0 : i32
    %dma_start3A_71 = tpu.memref_slice %arg2[%dma_start3A_69, %dma_start3A_70] : memref<10000x96xf32, #tpu.memory_space<hbm>> -> memref<10000x96xf32, #tpu.memory_space<hbm>>
    tpu.enqueue_indirect_dma source(%dma_start3A_71 : memref<10000x96xf32, #tpu.memory_space<hbm>>) target(%arg9 : memref<128x96xf32, #tpu.memory_space<vmem>>) offsets(%dma_start3A_68 : memref<128xi32, #tpu.memory_space<vmem>>) semaphore(%arg17 : memref<!tpu.dma_semaphore, #tpu.memory_space<semaphore_mem>>)
    %mul3A_72 = arith.constant 5120 : i32
    %mul3A_73 = arith.muli %add3A, %mul3A_72 : i32
    %add3A_74 = arith.constant 256 : i32
    %add3A_75 = arith.addi %mul3A_73, %add3A_74 : i32
    %dma_start3A_76 = arith.constant 0 : i32
    %dma_start3A_77 = tpu.memref_slice %arg3[%add3A_75, %dma_start3A_76] : memref<163840x16xf32, #tpu.memory_space<hbm>> -> memref<128x16xf32, #tpu.memory_space<hbm>>
    %dma_start3A_78 = arith.constant 0 : i32
    %dma_start3A_79 = tpu.memref_slice %arg3[%add3A_75, %dma_start3A_78] : memref<163840x16xf32, #tpu.memory_space<hbm>> -> memref<128x16xf32, #tpu.memory_space<hbm>>
    tpu.enqueue_dma source(%dma_start3A_79 : memref<128x16xf32, #tpu.memory_space<hbm>>) target(%arg11 : memref<128x16xf32, #tpu.memory_space<vmem>>) target_semaphore(%arg17 : memref<!tpu.dma_semaphore, #tpu.memory_space<semaphore_mem>>)
    %dma_wait3A_80 = arith.constant 1 : i32
    %dma_wait3A_81 = arith.constant 0 : i32
    %dma_wait3A_82 = tpu.memref_slice %arg7[%dma_wait3A_80, %dma_wait3A_81] : memref<40x128xi32, #tpu.memory_space<vmem>> -> memref<1x128xi32, #tpu.memory_space<vmem>>
    %dma_wait3A_83 = tpu.memref_squeeze %dma_wait3A_82 : memref<1x128xi32, #tpu.memory_space<vmem>> -> memref<128xi32, #tpu.memory_space<vmem>>
    %dma_wait3A_84 = arith.constant 0 : i32
    %dma_wait3A_85 = arith.constant 0 : i32
    %dma_wait3A_86 = tpu.memref_slice %arg2[%dma_wait3A_84, %dma_wait3A_85] : memref<10000x96xf32, #tpu.memory_space<hbm>> -> memref<10000x96xf32, #tpu.memory_space<hbm>>
    tpu.wait_indirect_dma semaphore(%arg18 : memref<!tpu.dma_semaphore, #tpu.memory_space<semaphore_mem>>) src(%dma_wait3A_86 : memref<10000x96xf32, #tpu.memory_space<hbm>>) dst(%arg10 : memref<128x96xf32, #tpu.memory_space<vmem>>)
    %mul3A_87 = arith.constant 5120 : i32
    %mul3A_88 = arith.muli %add3A, %mul3A_87 : i32
    %add3A_89 = arith.constant 128 : i32
    %add3A_90 = arith.addi %mul3A_88, %add3A_89 : i32
    %dma_wait3A_91 = arith.constant 0 : i32
    %dma_wait3A_92 = tpu.memref_slice %arg3[%add3A_90, %dma_wait3A_91] : memref<163840x16xf32, #tpu.memory_space<hbm>> -> memref<128x16xf32, #tpu.memory_space<hbm>>
    %dma_wait3A_93 = arith.constant 0 : i32
    %dma_wait3A_94 = tpu.memref_slice %arg3[%add3A_90, %dma_wait3A_93] : memref<163840x16xf32, #tpu.memory_space<hbm>> -> memref<128x16xf32, #tpu.memory_space<hbm>>
    tpu.wait_dma2 semaphore(%arg18 : memref<!tpu.dma_semaphore, #tpu.memory_space<semaphore_mem>>) src(%dma_wait3A_94 : memref<128x16xf32, #tpu.memory_space<hbm>>) dst(%arg12 : memref<128x16xf32, #tpu.memory_space<vmem>>)
    %parallel_loop3A_95 = arith.constant 0 : i32
    %parallel_loop3A_96 = arith.constant 128 : i32
    %parallel_loop3A_97 = arith.constant 1 : i32
    scf.for %parallel_loop3A_212 = %parallel_loop3A_95 to %parallel_loop3A_96 step %parallel_loop3A_97  : i32 {
      %parallel_loop3A_213 = arith.index_cast %parallel_loop3A_212 : i32 to index
      %parallel_loop3A_214 = arith.constant 0 : index
      %parallel_loop3A_215 = tpu.vector_load %arg12[%parallel_loop3A_213, %parallel_loop3A_214] {strides = array<i32>} : memref<128x16xf32, #tpu.memory_space<vmem>>, vector<1x16xf32>,
      %parallel_loop3A_216 = vector.shape_cast %parallel_loop3A_215 : vector<1x16xf32> to vector<16xf32>
      %parallel_loop3A_217 = vector.extract_strided_slice %parallel_loop3A_216 {offsets = [0], sizes = [1], strides = [1]} : vector<16xf32> to vector<1xf32>
      %parallel_loop3A_218 = vector.extract %parallel_loop3A_217[0] : f32 from vector<1xf32>
      %parallel_loop3A_219 = arith.index_cast %parallel_loop3A_212 : i32 to index
      %parallel_loop3A_220 = arith.constant 0 : index
      %parallel_loop3A_221 = tpu.vector_load %arg10[%parallel_loop3A_219, %parallel_loop3A_220] {strides = array<i32>} : memref<128x96xf32, #tpu.memory_space<vmem>>, vector<1x16xf32>,
      %parallel_loop3A_222 = vector.shape_cast %parallel_loop3A_221 : vector<1x16xf32> to vector<16xf32>
      %parallel_loop3A_223 = vector.broadcast %parallel_loop3A_218 : f32 to vector<16xf32>
      %parallel_loop3A_224 = arith.mulf %parallel_loop3A_223, %parallel_loop3A_222 : vector<16xf32>
      %parallel_loop3A_225 = vector.extract_strided_slice %parallel_loop3A_216 {offsets = [1], sizes = [1], strides = [1]} : vector<16xf32> to vector<1xf32>
      %parallel_loop3A_226 = vector.extract %parallel_loop3A_225[0] : f32 from vector<1xf32>
      %parallel_loop3A_227 = arith.index_cast %parallel_loop3A_212 : i32 to index
      %parallel_loop3A_228 = arith.constant 16 : index
      %parallel_loop3A_229 = tpu.vector_load %arg10[%parallel_loop3A_227, %parallel_loop3A_228] {strides = array<i32>} : memref<128x96xf32, #tpu.memory_space<vmem>>, vector<1x16xf32>,
      %parallel_loop3A_230 = vector.shape_cast %parallel_loop3A_229 : vector<1x16xf32> to vector<16xf32>
      %parallel_loop3A_231 = vector.broadcast %parallel_loop3A_226 : f32 to vector<16xf32>
      %parallel_loop3A_232 = arith.mulf %parallel_loop3A_231, %parallel_loop3A_230 : vector<16xf32>
      %parallel_loop3A_233 = vector.extract_strided_slice %parallel_loop3A_216 {offsets = [2], sizes = [1], strides = [1]} : vector<16xf32> to vector<1xf32>
      %parallel_loop3A_234 = vector.extract %parallel_loop3A_233[0] : f32 from vector<1xf32>
      %parallel_loop3A_235 = arith.index_cast %parallel_loop3A_212 : i32 to index
      %parallel_loop3A_236 = arith.constant 32 : index
      %parallel_loop3A_237 = tpu.vector_load %arg10[%parallel_loop3A_235, %parallel_loop3A_236] {strides = array<i32>} : memref<128x96xf32, #tpu.memory_space<vmem>>, vector<1x16xf32>,
      %parallel_loop3A_238 = vector.shape_cast %parallel_loop3A_237 : vector<1x16xf32> to vector<16xf32>
      %parallel_loop3A_239 = vector.broadcast %parallel_loop3A_234 : f32 to vector<16xf32>
      %parallel_loop3A_240 = arith.mulf %parallel_loop3A_239, %parallel_loop3A_238 : vector<16xf32>
      %parallel_loop3A_241 = vector.extract_strided_slice %parallel_loop3A_216 {offsets = [3], sizes = [1], strides = [1]} : vector<16xf32> to vector<1xf32>
      %parallel_loop3A_242 = vector.extract %parallel_loop3A_241[0] : f32 from vector<1xf32>
      %parallel_loop3A_243 = arith.index_cast %parallel_loop3A_212 : i32 to index
      %parallel_loop3A_244 = arith.constant 48 : index
      %parallel_loop3A_245 = tpu.vector_load %arg10[%parallel_loop3A_243, %parallel_loop3A_244] {strides = array<i32>} : memref<128x96xf32, #tpu.memory_space<vmem>>, vector<1x16xf32>,
      %parallel_loop3A_246 = vector.shape_cast %parallel_loop3A_245 : vector<1x16xf32> to vector<16xf32>
      %parallel_loop3A_247 = vector.broadcast %parallel_loop3A_242 : f32 to vector<16xf32>
      %parallel_loop3A_248 = arith.mulf %parallel_loop3A_247, %parallel_loop3A_246 : vector<16xf32>
      %parallel_loop3A_249 = vector.extract_strided_slice %parallel_loop3A_216 {offsets = [4], sizes = [1], strides = [1]} : vector<16xf32> to vector<1xf32>
      %parallel_loop3A_250 = vector.extract %parallel_loop3A_249[0] : f32 from vector<1xf32>
      %parallel_loop3A_251 = arith.index_cast %parallel_loop3A_212 : i32 to index
      %parallel_loop3A_252 = arith.constant 64 : index
      %parallel_loop3A_253 = tpu.vector_load %arg10[%parallel_loop3A_251, %parallel_loop3A_252] {strides = array<i32>} : memref<128x96xf32, #tpu.memory_space<vmem>>, vector<1x16xf32>,
      %parallel_loop3A_254 = vector.shape_cast %parallel_loop3A_253 : vector<1x16xf32> to vector<16xf32>
      %parallel_loop3A_255 = vector.broadcast %parallel_loop3A_250 : f32 to vector<16xf32>
      %parallel_loop3A_256 = arith.mulf %parallel_loop3A_255, %parallel_loop3A_254 : vector<16xf32>
      %parallel_loop3A_257 = arith.index_cast %parallel_loop3A_212 : i32 to index
      %parallel_loop3A_258 = arith.constant 80 : index
      %parallel_loop3A_259 = tpu.vector_load %arg10[%parallel_loop3A_257, %parallel_loop3A_258] {strides = array<i32>} : memref<128x96xf32, #tpu.memory_space<vmem>>, vector<1x16xf32>,
      %parallel_loop3A_260 = vector.shape_cast %parallel_loop3A_259 : vector<1x16xf32> to vector<16xf32>
      %parallel_loop3A_261 = arith.addf %parallel_loop3A_224, %parallel_loop3A_232 : vector<16xf32>
      %parallel_loop3A_262 = arith.addf %parallel_loop3A_240, %parallel_loop3A_248 : vector<16xf32>
      %parallel_loop3A_263 = arith.addf %parallel_loop3A_256, %parallel_loop3A_260 : vector<16xf32>
      %parallel_loop3A_264 = arith.addf %parallel_loop3A_261, %parallel_loop3A_262 : vector<16xf32>
      %parallel_loop3A_265 = arith.addf %parallel_loop3A_264, %parallel_loop3A_263 : vector<16xf32>
      %parallel_loop3A_266 = arith.index_cast %parallel_loop3A_212 : i32 to index
      %parallel_loop3A_267 = arith.constant 0 : index
      %parallel_loop3A_268 = tpu.vector_load %arg14[%parallel_loop3A_266, %parallel_loop3A_267] {strides = array<i32>} : memref<128x16xf32, #tpu.memory_space<vmem>>, vector<1x16xf32>,
      %parallel_loop3A_269 = vector.shape_cast %parallel_loop3A_268 : vector<1x16xf32> to vector<16xf32>
      %parallel_loop3A_270 = vector.shape_cast %parallel_loop3A_265 : vector<16xf32> to vector<1x16xf32>
      tpu.vector_store %arg14[%parallel_loop3A_266, %parallel_loop3A_267], %parallel_loop3A_270 {strides = array<i32>} : memref<128x16xf32, #tpu.memory_space<vmem>>, vector<1x16xf32>,
    } {sc.loop_unroll_factor = 4 : i64, sc.parallel_access}
    %dma_start3A_98 = arith.constant 1 : i32
    %dma_start3A_99 = arith.constant 0 : i32
    %dma_start3A_100 = tpu.memref_slice %arg8[%dma_start3A_98, %dma_start3A_99] : memref<40x128xi32, #tpu.memory_space<vmem>> -> memref<1x128xi32, #tpu.memory_space<vmem>>
    %dma_start3A_101 = tpu.memref_squeeze %dma_start3A_100 : memref<1x128xi32, #tpu.memory_space<vmem>> -> memref<128xi32, #tpu.memory_space<vmem>>
    %dma_start3A_102 = arith.constant 0 : i32
    %dma_start3A_103 = arith.constant 0 : i32
    %dma_start3A_104 = tpu.memref_slice %arg16[%dma_start3A_102, %dma_start3A_103] : memref<10016x16xf32, #tpu.memory_space<vmem_shared>> -> memref<10016x16xf32, #tpu.memory_space<vmem_shared>>
    tpu.enqueue_indirect_dma source(%arg14 : memref<128x16xf32, #tpu.memory_space<vmem>>) target(%dma_start3A_104 : memref<10016x16xf32, #tpu.memory_space<vmem_shared>>) offsets(%dma_start3A_101 : memref<128xi32, #tpu.memory_space<vmem>>) semaphore(%arg20 : memref<!tpu.dma_semaphore, #tpu.memory_space<semaphore_mem>>) {add = true}
    %scan3A_105 = arith.constant 0 : i32
    %scan3A_106 = arith.constant 1 : i32
    %scan3A_107 = arith.constant 18 : i32
    %scan3A_108 = arith.addi %scan3A_106, %scan3A_107 : i32
    %scan3A_109 = arith.constant 1 : i32
    scf.for %scan3A_212 = %scan3A_106 to %scan3A_108 step %scan3A_109  : i32 {
      %mul3A_213 = arith.constant 2 : i32
      %mul3A_214 = arith.muli %scan3A_212, %mul3A_213 : i32
      %add3A_215 = arith.constant 1 : i32
      %add3A_216 = arith.addi %mul3A_214, %add3A_215 : i32
      %dma_start3A_217 = arith.constant 0 : i32
      %dma_start3A_218 = tpu.memref_slice %arg7[%add3A_216, %dma_start3A_217] : memref<40x128xi32, #tpu.memory_space<vmem>> -> memref<1x128xi32, #tpu.memory_space<vmem>>
      %dma_start3A_219 = tpu.memref_squeeze %dma_start3A_218 : memref<1x128xi32, #tpu.memory_space<vmem>> -> memref<128xi32, #tpu.memory_space<vmem>>
      %dma_start3A_220 = arith.constant 0 : i32
      %dma_start3A_221 = arith.constant 0 : i32
      %dma_start3A_222 = tpu.memref_slice %arg2[%dma_start3A_220, %dma_start3A_221] : memref<10000x96xf32, #tpu.memory_space<hbm>> -> memref<10000x96xf32, #tpu.memory_space<hbm>>
      tpu.enqueue_indirect_dma source(%dma_start3A_222 : memref<10000x96xf32, #tpu.memory_space<hbm>>) target(%arg10 : memref<128x96xf32, #tpu.memory_space<vmem>>) offsets(%dma_start3A_219 : memref<128xi32, #tpu.memory_space<vmem>>) semaphore(%arg18 : memref<!tpu.dma_semaphore, #tpu.memory_space<semaphore_mem>>)
      %mul3A_223 = arith.constant 5120 : i32
      %mul3A_224 = arith.muli %add3A, %mul3A_223 : i32
      %mul3A_225 = arith.constant 128 : i32
      %mul3A_226 = arith.muli %add3A_216, %mul3A_225 : i32
      %add3A_227 = arith.addi %mul3A_224, %mul3A_226 : i32
      %dma_start3A_228 = arith.constant 0 : i32
      %dma_start3A_229 = tpu.memref_slice %arg3[%add3A_227, %dma_start3A_228] : memref<163840x16xf32, #tpu.memory_space<hbm>> -> memref<128x16xf32, #tpu.memory_space<hbm>>
      %dma_start3A_230 = arith.constant 0 : i32
      %dma_start3A_231 = tpu.memref_slice %arg3[%add3A_227, %dma_start3A_230] : memref<163840x16xf32, #tpu.memory_space<hbm>> -> memref<128x16xf32, #tpu.memory_space<hbm>>
      tpu.enqueue_dma source(%dma_start3A_231 : memref<128x16xf32, #tpu.memory_space<hbm>>) target(%arg12 : memref<128x16xf32, #tpu.memory_space<vmem>>) target_semaphore(%arg18 : memref<!tpu.dma_semaphore, #tpu.memory_space<semaphore_mem>>)
      %dma_wait3A_232 = arith.constant 0 : i32
      %dma_wait3A_233 = tpu.memref_slice %arg7[%mul3A_214, %dma_wait3A_232] : memref<40x128xi32, #tpu.memory_space<vmem>> -> memref<1x128xi32, #tpu.memory_space<vmem>>
      %dma_wait3A_234 = tpu.memref_squeeze %dma_wait3A_233 : memref<1x128xi32, #tpu.memory_space<vmem>> -> memref<128xi32, #tpu.memory_space<vmem>>
      %dma_wait3A_235 = arith.constant 0 : i32
      %dma_wait3A_236 = arith.constant 0 : i32
      %dma_wait3A_237 = tpu.memref_slice %arg2[%dma_wait3A_235, %dma_wait3A_236] : memref<10000x96xf32, #tpu.memory_space<hbm>> -> memref<10000x96xf32, #tpu.memory_space<hbm>>
      tpu.wait_indirect_dma semaphore(%arg17 : memref<!tpu.dma_semaphore, #tpu.memory_space<semaphore_mem>>) src(%dma_wait3A_237 : memref<10000x96xf32, #tpu.memory_space<hbm>>) dst(%arg9 : memref<128x96xf32, #tpu.memory_space<vmem>>)
      %mul3A_238 = arith.constant 5120 : i32
      %mul3A_239 = arith.muli %add3A, %mul3A_238 : i32
      %mul3A_240 = arith.constant 128 : i32
      %mul3A_241 = arith.muli %mul3A_214, %mul3A_240 : i32
      %add3A_242 = arith.addi %mul3A_239, %mul3A_241 : i32
      %dma_wait3A_243 = arith.constant 0 : i32
      %dma_wait3A_244 = tpu.memref_slice %arg3[%add3A_242, %dma_wait3A_243] : memref<163840x16xf32, #tpu.memory_space<hbm>> -> memref<128x16xf32, #tpu.memory_space<hbm>>
      %dma_wait3A_245 = arith.constant 0 : i32
      %dma_wait3A_246 = tpu.memref_slice %arg3[%add3A_242, %dma_wait3A_245] : memref<163840x16xf32, #tpu.memory_space<hbm>> -> memref<128x16xf32, #tpu.memory_space<hbm>>
      tpu.wait_dma2 semaphore(%arg17 : memref<!tpu.dma_semaphore, #tpu.memory_space<semaphore_mem>>) src(%dma_wait3A_246 : memref<128x16xf32, #tpu.memory_space<hbm>>) dst(%arg11 : memref<128x16xf32, #tpu.memory_space<vmem>>)
      %dma_wait3A_247 = arith.constant 0 : i32
      %dma_wait3A_248 = tpu.memref_slice %arg8[%mul3A_214, %dma_wait3A_247] : memref<40x128xi32, #tpu.memory_space<vmem>> -> memref<1x128xi32, #tpu.memory_space<vmem>>
      %dma_wait3A_249 = tpu.memref_squeeze %dma_wait3A_248 : memref<1x128xi32, #tpu.memory_space<vmem>> -> memref<128xi32, #tpu.memory_space<vmem>>
      %dma_wait3A_250 = arith.constant 0 : i32
      %dma_wait3A_251 = arith.constant 0 : i32
      %dma_wait3A_252 = tpu.memref_slice %arg16[%dma_wait3A_250, %dma_wait3A_251] : memref<10016x16xf32, #tpu.memory_space<vmem_shared>> -> memref<10016x16xf32, #tpu.memory_space<vmem_shared>>
      tpu.wait_indirect_dma semaphore(%arg19 : memref<!tpu.dma_semaphore, #tpu.memory_space<semaphore_mem>>) src(%arg13 : memref<128x16xf32, #tpu.memory_space<vmem>>) dst(%dma_wait3A_252 : memref<10016x16xf32, #tpu.memory_space<vmem_shared>>)
      %parallel_loop3A_253 = arith.constant 0 : i32
      %parallel_loop3A_254 = arith.constant 128 : i32
      %parallel_loop3A_255 = arith.constant 1 : i32
      scf.for %parallel_loop3A_311 = %parallel_loop3A_253 to %parallel_loop3A_254 step %parallel_loop3A_255  : i32 {
        %parallel_loop3A_312 = arith.index_cast %parallel_loop3A_311 : i32 to index
        %parallel_loop3A_313 = arith.constant 0 : index
        %parallel_loop3A_314 = tpu.vector_load %arg11[%parallel_loop3A_312, %parallel_loop3A_313] {strides = array<i32>} : memref<128x16xf32, #tpu.memory_space<vmem>>, vector<1x16xf32>,
        %parallel_loop3A_315 = vector.shape_cast %parallel_loop3A_314 : vector<1x16xf32> to vector<16xf32>
        %parallel_loop3A_316 = vector.extract_strided_slice %parallel_loop3A_315 {offsets = [0], sizes = [1], strides = [1]} : vector<16xf32> to vector<1xf32>
        %parallel_loop3A_317 = vector.extract %parallel_loop3A_316[0] : f32 from vector<1xf32>
        %parallel_loop3A_318 = arith.index_cast %parallel_loop3A_311 : i32 to index
        %parallel_loop3A_319 = arith.constant 0 : index
        %parallel_loop3A_320 = tpu.vector_load %arg9[%parallel_loop3A_318, %parallel_loop3A_319] {strides = array<i32>} : memref<128x96xf32, #tpu.memory_space<vmem>>, vector<1x16xf32>,
        %parallel_loop3A_321 = vector.shape_cast %parallel_loop3A_320 : vector<1x16xf32> to vector<16xf32>
        %parallel_loop3A_322 = vector.broadcast %parallel_loop3A_317 : f32 to vector<16xf32>
        %parallel_loop3A_323 = arith.mulf %parallel_loop3A_322, %parallel_loop3A_321 : vector<16xf32>
        %parallel_loop3A_324 = vector.extract_strided_slice %parallel_loop3A_315 {offsets = [1], sizes = [1], strides = [1]} : vector<16xf32> to vector<1xf32>
        %parallel_loop3A_325 = vector.extract %parallel_loop3A_324[0] : f32 from vector<1xf32>
        %parallel_loop3A_326 = arith.index_cast %parallel_loop3A_311 : i32 to index
        %parallel_loop3A_327 = arith.constant 16 : index
        %parallel_loop3A_328 = tpu.vector_load %arg9[%parallel_loop3A_326, %parallel_loop3A_327] {strides = array<i32>} : memref<128x96xf32, #tpu.memory_space<vmem>>, vector<1x16xf32>,
        %parallel_loop3A_329 = vector.shape_cast %parallel_loop3A_328 : vector<1x16xf32> to vector<16xf32>
        %parallel_loop3A_330 = vector.broadcast %parallel_loop3A_325 : f32 to vector<16xf32>
        %parallel_loop3A_331 = arith.mulf %parallel_loop3A_330, %parallel_loop3A_329 : vector<16xf32>
        %parallel_loop3A_332 = vector.extract_strided_slice %parallel_loop3A_315 {offsets = [2], sizes = [1], strides = [1]} : vector<16xf32> to vector<1xf32>
        %parallel_loop3A_333 = vector.extract %parallel_loop3A_332[0] : f32 from vector<1xf32>
        %parallel_loop3A_334 = arith.index_cast %parallel_loop3A_311 : i32 to index
        %parallel_loop3A_335 = arith.constant 32 : index
        %parallel_loop3A_336 = tpu.vector_load %arg9[%parallel_loop3A_334, %parallel_loop3A_335] {strides = array<i32>} : memref<128x96xf32, #tpu.memory_space<vmem>>, vector<1x16xf32>,
        %parallel_loop3A_337 = vector.shape_cast %parallel_loop3A_336 : vector<1x16xf32> to vector<16xf32>
        %parallel_loop3A_338 = vector.broadcast %parallel_loop3A_333 : f32 to vector<16xf32>
        %parallel_loop3A_339 = arith.mulf %parallel_loop3A_338, %parallel_loop3A_337 : vector<16xf32>
        %parallel_loop3A_340 = vector.extract_strided_slice %parallel_loop3A_315 {offsets = [3], sizes = [1], strides = [1]} : vector<16xf32> to vector<1xf32>
        %parallel_loop3A_341 = vector.extract %parallel_loop3A_340[0] : f32 from vector<1xf32>
        %parallel_loop3A_342 = arith.index_cast %parallel_loop3A_311 : i32 to index
        %parallel_loop3A_343 = arith.constant 48 : index
        %parallel_loop3A_344 = tpu.vector_load %arg9[%parallel_loop3A_342, %parallel_loop3A_343] {strides = array<i32>} : memref<128x96xf32, #tpu.memory_space<vmem>>, vector<1x16xf32>,
        %parallel_loop3A_345 = vector.shape_cast %parallel_loop3A_344 : vector<1x16xf32> to vector<16xf32>
        %parallel_loop3A_346 = vector.broadcast %parallel_loop3A_341 : f32 to vector<16xf32>
        %parallel_loop3A_347 = arith.mulf %parallel_loop3A_346, %parallel_loop3A_345 : vector<16xf32>
        %parallel_loop3A_348 = vector.extract_strided_slice %parallel_loop3A_315 {offsets = [4], sizes = [1], strides = [1]} : vector<16xf32> to vector<1xf32>
        %parallel_loop3A_349 = vector.extract %parallel_loop3A_348[0] : f32 from vector<1xf32>
        %parallel_loop3A_350 = arith.index_cast %parallel_loop3A_311 : i32 to index
        %parallel_loop3A_351 = arith.constant 64 : index
        %parallel_loop3A_352 = tpu.vector_load %arg9[%parallel_loop3A_350, %parallel_loop3A_351] {strides = array<i32>} : memref<128x96xf32, #tpu.memory_space<vmem>>, vector<1x16xf32>,
        %parallel_loop3A_353 = vector.shape_cast %parallel_loop3A_352 : vector<1x16xf32> to vector<16xf32>
        %parallel_loop3A_354 = vector.broadcast %parallel_loop3A_349 : f32 to vector<16xf32>
        %parallel_loop3A_355 = arith.mulf %parallel_loop3A_354, %parallel_loop3A_353 : vector<16xf32>
        %parallel_loop3A_356 = arith.index_cast %parallel_loop3A_311 : i32 to index
        %parallel_loop3A_357 = arith.constant 80 : index
        %parallel_loop3A_358 = tpu.vector_load %arg9[%parallel_loop3A_356, %parallel_loop3A_357] {strides = array<i32>} : memref<128x96xf32, #tpu.memory_space<vmem>>, vector<1x16xf32>,
        %parallel_loop3A_359 = vector.shape_cast %parallel_loop3A_358 : vector<1x16xf32> to vector<16xf32>
        %parallel_loop3A_360 = arith.addf %parallel_loop3A_323, %parallel_loop3A_331 : vector<16xf32>
        %parallel_loop3A_361 = arith.addf %parallel_loop3A_339, %parallel_loop3A_347 : vector<16xf32>
        %parallel_loop3A_362 = arith.addf %parallel_loop3A_355, %parallel_loop3A_359 : vector<16xf32>
        %parallel_loop3A_363 = arith.addf %parallel_loop3A_360, %parallel_loop3A_361 : vector<16xf32>
        %parallel_loop3A_364 = arith.addf %parallel_loop3A_363, %parallel_loop3A_362 : vector<16xf32>
        %parallel_loop3A_365 = arith.index_cast %parallel_loop3A_311 : i32 to index
        %parallel_loop3A_366 = arith.constant 0 : index
        %parallel_loop3A_367 = tpu.vector_load %arg13[%parallel_loop3A_365, %parallel_loop3A_366] {strides = array<i32>} : memref<128x16xf32, #tpu.memory_space<vmem>>, vector<1x16xf32>,
        %parallel_loop3A_368 = vector.shape_cast %parallel_loop3A_367 : vector<1x16xf32> to vector<16xf32>
        %parallel_loop3A_369 = vector.shape_cast %parallel_loop3A_364 : vector<16xf32> to vector<1x16xf32>
        tpu.vector_store %arg13[%parallel_loop3A_365, %parallel_loop3A_366], %parallel_loop3A_369 {strides = array<i32>} : memref<128x16xf32, #tpu.memory_space<vmem>>, vector<1x16xf32>,
      } {sc.loop_unroll_factor = 4 : i64, sc.parallel_access}
      %dma_start3A_256 = arith.constant 0 : i32
      %dma_start3A_257 = tpu.memref_slice %arg8[%mul3A_214, %dma_start3A_256] : memref<40x128xi32, #tpu.memory_space<vmem>> -> memref<1x128xi32, #tpu.memory_space<vmem>>
      %dma_start3A_258 = tpu.memref_squeeze %dma_start3A_257 : memref<1x128xi32, #tpu.memory_space<vmem>> -> memref<128xi32, #tpu.memory_space<vmem>>
      %dma_start3A_259 = arith.constant 0 : i32
      %dma_start3A_260 = arith.constant 0 : i32
      %dma_start3A_261 = tpu.memref_slice %arg16[%dma_start3A_259, %dma_start3A_260] : memref<10016x16xf32, #tpu.memory_space<vmem_shared>> -> memref<10016x16xf32, #tpu.memory_space<vmem_shared>>
      tpu.enqueue_indirect_dma source(%arg13 : memref<128x16xf32, #tpu.memory_space<vmem>>) target(%dma_start3A_261 : memref<10016x16xf32, #tpu.memory_space<vmem_shared>>) offsets(%dma_start3A_258 : memref<128xi32, #tpu.memory_space<vmem>>) semaphore(%arg19 : memref<!tpu.dma_semaphore, #tpu.memory_space<semaphore_mem>>) {add = true}
      %add3A_262 = arith.constant 2 : i32
      %add3A_263 = arith.addi %mul3A_214, %add3A_262 : i32
      %dma_start3A_264 = arith.constant 0 : i32
      %dma_start3A_265 = tpu.memref_slice %arg7[%add3A_263, %dma_start3A_264] : memref<40x128xi32, #tpu.memory_space<vmem>> -> memref<1x128xi32, #tpu.memory_space<vmem>>
      %dma_start3A_266 = tpu.memref_squeeze %dma_start3A_265 : memref<1x128xi32, #tpu.memory_space<vmem>> -> memref<128xi32, #tpu.memory_space<vmem>>
      %dma_start3A_267 = arith.constant 0 : i32
      %dma_start3A_268 = arith.constant 0 : i32
      %dma_start3A_269 = tpu.memref_slice %arg2[%dma_start3A_267, %dma_start3A_268] : memref<10000x96xf32, #tpu.memory_space<hbm>> -> memref<10000x96xf32, #tpu.memory_space<hbm>>
      tpu.enqueue_indirect_dma source(%dma_start3A_269 : memref<10000x96xf32, #tpu.memory_space<hbm>>) target(%arg9 : memref<128x96xf32, #tpu.memory_space<vmem>>) offsets(%dma_start3A_266 : memref<128xi32, #tpu.memory_space<vmem>>) semaphore(%arg17 : memref<!tpu.dma_semaphore, #tpu.memory_space<semaphore_mem>>)
      %mul3A_270 = arith.constant 5120 : i32
      %mul3A_271 = arith.muli %add3A, %mul3A_270 : i32
      %mul3A_272 = arith.constant 128 : i32
      %mul3A_273 = arith.muli %add3A_263, %mul3A_272 : i32
      %add3A_274 = arith.addi %mul3A_271, %mul3A_273 : i32
      %dma_start3A_275 = arith.constant 0 : i32
      %dma_start3A_276 = tpu.memref_slice %arg3[%add3A_274, %dma_start3A_275] : memref<163840x16xf32, #tpu.memory_space<hbm>> -> memref<128x16xf32, #tpu.memory_space<hbm>>
      %dma_start3A_277 = arith.constant 0 : i32
      %dma_start3A_278 = tpu.memref_slice %arg3[%add3A_274, %dma_start3A_277] : memref<163840x16xf32, #tpu.memory_space<hbm>> -> memref<128x16xf32, #tpu.memory_space<hbm>>
      tpu.enqueue_dma source(%dma_start3A_278 : memref<128x16xf32, #tpu.memory_space<hbm>>) target(%arg11 : memref<128x16xf32, #tpu.memory_space<vmem>>) target_semaphore(%arg17 : memref<!tpu.dma_semaphore, #tpu.memory_space<semaphore_mem>>)
      %add3A_279 = arith.constant 1 : i32
      %add3A_280 = arith.addi %mul3A_214, %add3A_279 : i32
      %dma_wait3A_281 = arith.constant 0 : i32
      %dma_wait3A_282 = tpu.memref_slice %arg7[%add3A_280, %dma_wait3A_281] : memref<40x128xi32, #tpu.memory_space<vmem>> -> memref<1x128xi32, #tpu.memory_space<vmem>>
      %dma_wait3A_283 = tpu.memref_squeeze %dma_wait3A_282 : memref<1x128xi32, #tpu.memory_space<vmem>> -> memref<128xi32, #tpu.memory_space<vmem>>
      %dma_wait3A_284 = arith.constant 0 : i32
      %dma_wait3A_285 = arith.constant 0 : i32
      %dma_wait3A_286 = tpu.memref_slice %arg2[%dma_wait3A_284, %dma_wait3A_285] : memref<10000x96xf32, #tpu.memory_space<hbm>> -> memref<10000x96xf32, #tpu.memory_space<hbm>>
      tpu.wait_indirect_dma semaphore(%arg18 : memref<!tpu.dma_semaphore, #tpu.memory_space<semaphore_mem>>) src(%dma_wait3A_286 : memref<10000x96xf32, #tpu.memory_space<hbm>>) dst(%arg10 : memref<128x96xf32, #tpu.memory_space<vmem>>)
      %mul3A_287 = arith.constant 5120 : i32
      %mul3A_288 = arith.muli %add3A, %mul3A_287 : i32
      %mul3A_289 = arith.constant 128 : i32
      %mul3A_290 = arith.muli %add3A_280, %mul3A_289 : i32
      %add3A_291 = arith.addi %mul3A_288, %mul3A_290 : i32
      %dma_wait3A_292 = arith.constant 0 : i32
      %dma_wait3A_293 = tpu.memref_slice %arg3[%add3A_291, %dma_wait3A_292] : memref<163840x16xf32, #tpu.memory_space<hbm>> -> memref<128x16xf32, #tpu.memory_space<hbm>>
      %dma_wait3A_294 = arith.constant 0 : i32
      %dma_wait3A_295 = tpu.memref_slice %arg3[%add3A_291, %dma_wait3A_294] : memref<163840x16xf32, #tpu.memory_space<hbm>> -> memref<128x16xf32, #tpu.memory_space<hbm>>
      tpu.wait_dma2 semaphore(%arg18 : memref<!tpu.dma_semaphore, #tpu.memory_space<semaphore_mem>>) src(%dma_wait3A_295 : memref<128x16xf32, #tpu.memory_space<hbm>>) dst(%arg12 : memref<128x16xf32, #tpu.memory_space<vmem>>)
      %dma_wait3A_296 = arith.constant 0 : i32
      %dma_wait3A_297 = tpu.memref_slice %arg8[%add3A_280, %dma_wait3A_296] : memref<40x128xi32, #tpu.memory_space<vmem>> -> memref<1x128xi32, #tpu.memory_space<vmem>>
      %dma_wait3A_298 = tpu.memref_squeeze %dma_wait3A_297 : memref<1x128xi32, #tpu.memory_space<vmem>> -> memref<128xi32, #tpu.memory_space<vmem>>
      %dma_wait3A_299 = arith.constant 0 : i32
      %dma_wait3A_300 = arith.constant 0 : i32
      %dma_wait3A_301 = tpu.memref_slice %arg16[%dma_wait3A_299, %dma_wait3A_300] : memref<10016x16xf32, #tpu.memory_space<vmem_shared>> -> memref<10016x16xf32, #tpu.memory_space<vmem_shared>>
      tpu.wait_indirect_dma semaphore(%arg20 : memref<!tpu.dma_semaphore, #tpu.memory_space<semaphore_mem>>) src(%arg14 : memref<128x16xf32, #tpu.memory_space<vmem>>) dst(%dma_wait3A_301 : memref<10016x16xf32, #tpu.memory_space<vmem_shared>>)
      %parallel_loop3A_302 = arith.constant 0 : i32
      %parallel_loop3A_303 = arith.constant 128 : i32
      %parallel_loop3A_304 = arith.constant 1 : i32
      scf.for %parallel_loop3A_311 = %parallel_loop3A_302 to %parallel_loop3A_303 step %parallel_loop3A_304  : i32 {
        %parallel_loop3A_312 = arith.index_cast %parallel_loop3A_311 : i32 to index
        %parallel_loop3A_313 = arith.constant 0 : index
        %parallel_loop3A_314 = tpu.vector_load %arg12[%parallel_loop3A_312, %parallel_loop3A_313] {strides = array<i32>} : memref<128x16xf32, #tpu.memory_space<vmem>>, vector<1x16xf32>,
        %parallel_loop3A_315 = vector.shape_cast %parallel_loop3A_314 : vector<1x16xf32> to vector<16xf32>
        %parallel_loop3A_316 = vector.extract_strided_slice %parallel_loop3A_315 {offsets = [0], sizes = [1], strides = [1]} : vector<16xf32> to vector<1xf32>
        %parallel_loop3A_317 = vector.extract %parallel_loop3A_316[0] : f32 from vector<1xf32>
        %parallel_loop3A_318 = arith.index_cast %parallel_loop3A_311 : i32 to index
        %parallel_loop3A_319 = arith.constant 0 : index
        %parallel_loop3A_320 = tpu.vector_load %arg10[%parallel_loop3A_318, %parallel_loop3A_319] {strides = array<i32>} : memref<128x96xf32, #tpu.memory_space<vmem>>, vector<1x16xf32>,
        %parallel_loop3A_321 = vector.shape_cast %parallel_loop3A_320 : vector<1x16xf32> to vector<16xf32>
        %parallel_loop3A_322 = vector.broadcast %parallel_loop3A_317 : f32 to vector<16xf32>
        %parallel_loop3A_323 = arith.mulf %parallel_loop3A_322, %parallel_loop3A_321 : vector<16xf32>
        %parallel_loop3A_324 = vector.extract_strided_slice %parallel_loop3A_315 {offsets = [1], sizes = [1], strides = [1]} : vector<16xf32> to vector<1xf32>
        %parallel_loop3A_325 = vector.extract %parallel_loop3A_324[0] : f32 from vector<1xf32>
        %parallel_loop3A_326 = arith.index_cast %parallel_loop3A_311 : i32 to index
        %parallel_loop3A_327 = arith.constant 16 : index
        %parallel_loop3A_328 = tpu.vector_load %arg10[%parallel_loop3A_326, %parallel_loop3A_327] {strides = array<i32>} : memref<128x96xf32, #tpu.memory_space<vmem>>, vector<1x16xf32>,
        %parallel_loop3A_329 = vector.shape_cast %parallel_loop3A_328 : vector<1x16xf32> to vector<16xf32>
        %parallel_loop3A_330 = vector.broadcast %parallel_loop3A_325 : f32 to vector<16xf32>
        %parallel_loop3A_331 = arith.mulf %parallel_loop3A_330, %parallel_loop3A_329 : vector<16xf32>
        %parallel_loop3A_332 = vector.extract_strided_slice %parallel_loop3A_315 {offsets = [2], sizes = [1], strides = [1]} : vector<16xf32> to vector<1xf32>
        %parallel_loop3A_333 = vector.extract %parallel_loop3A_332[0] : f32 from vector<1xf32>
        %parallel_loop3A_334 = arith.index_cast %parallel_loop3A_311 : i32 to index
        %parallel_loop3A_335 = arith.constant 32 : index
        %parallel_loop3A_336 = tpu.vector_load %arg10[%parallel_loop3A_334, %parallel_loop3A_335] {strides = array<i32>} : memref<128x96xf32, #tpu.memory_space<vmem>>, vector<1x16xf32>,
        %parallel_loop3A_337 = vector.shape_cast %parallel_loop3A_336 : vector<1x16xf32> to vector<16xf32>
        %parallel_loop3A_338 = vector.broadcast %parallel_loop3A_333 : f32 to vector<16xf32>
        %parallel_loop3A_339 = arith.mulf %parallel_loop3A_338, %parallel_loop3A_337 : vector<16xf32>
        %parallel_loop3A_340 = vector.extract_strided_slice %parallel_loop3A_315 {offsets = [3], sizes = [1], strides = [1]} : vector<16xf32> to vector<1xf32>
        %parallel_loop3A_341 = vector.extract %parallel_loop3A_340[0] : f32 from vector<1xf32>
        %parallel_loop3A_342 = arith.index_cast %parallel_loop3A_311 : i32 to index
        %parallel_loop3A_343 = arith.constant 48 : index
        %parallel_loop3A_344 = tpu.vector_load %arg10[%parallel_loop3A_342, %parallel_loop3A_343] {strides = array<i32>} : memref<128x96xf32, #tpu.memory_space<vmem>>, vector<1x16xf32>,
        %parallel_loop3A_345 = vector.shape_cast %parallel_loop3A_344 : vector<1x16xf32> to vector<16xf32>
        %parallel_loop3A_346 = vector.broadcast %parallel_loop3A_341 : f32 to vector<16xf32>
        %parallel_loop3A_347 = arith.mulf %parallel_loop3A_346, %parallel_loop3A_345 : vector<16xf32>
        %parallel_loop3A_348 = vector.extract_strided_slice %parallel_loop3A_315 {offsets = [4], sizes = [1], strides = [1]} : vector<16xf32> to vector<1xf32>
        %parallel_loop3A_349 = vector.extract %parallel_loop3A_348[0] : f32 from vector<1xf32>
        %parallel_loop3A_350 = arith.index_cast %parallel_loop3A_311 : i32 to index
        %parallel_loop3A_351 = arith.constant 64 : index
        %parallel_loop3A_352 = tpu.vector_load %arg10[%parallel_loop3A_350, %parallel_loop3A_351] {strides = array<i32>} : memref<128x96xf32, #tpu.memory_space<vmem>>, vector<1x16xf32>,
        %parallel_loop3A_353 = vector.shape_cast %parallel_loop3A_352 : vector<1x16xf32> to vector<16xf32>
        %parallel_loop3A_354 = vector.broadcast %parallel_loop3A_349 : f32 to vector<16xf32>
        %parallel_loop3A_355 = arith.mulf %parallel_loop3A_354, %parallel_loop3A_353 : vector<16xf32>
        %parallel_loop3A_356 = arith.index_cast %parallel_loop3A_311 : i32 to index
        %parallel_loop3A_357 = arith.constant 80 : index
        %parallel_loop3A_358 = tpu.vector_load %arg10[%parallel_loop3A_356, %parallel_loop3A_357] {strides = array<i32>} : memref<128x96xf32, #tpu.memory_space<vmem>>, vector<1x16xf32>,
        %parallel_loop3A_359 = vector.shape_cast %parallel_loop3A_358 : vector<1x16xf32> to vector<16xf32>
        %parallel_loop3A_360 = arith.addf %parallel_loop3A_323, %parallel_loop3A_331 : vector<16xf32>
        %parallel_loop3A_361 = arith.addf %parallel_loop3A_339, %parallel_loop3A_347 : vector<16xf32>
        %parallel_loop3A_362 = arith.addf %parallel_loop3A_355, %parallel_loop3A_359 : vector<16xf32>
        %parallel_loop3A_363 = arith.addf %parallel_loop3A_360, %parallel_loop3A_361 : vector<16xf32>
        %parallel_loop3A_364 = arith.addf %parallel_loop3A_363, %parallel_loop3A_362 : vector<16xf32>
        %parallel_loop3A_365 = arith.index_cast %parallel_loop3A_311 : i32 to index
        %parallel_loop3A_366 = arith.constant 0 : index
        %parallel_loop3A_367 = tpu.vector_load %arg14[%parallel_loop3A_365, %parallel_loop3A_366] {strides = array<i32>} : memref<128x16xf32, #tpu.memory_space<vmem>>, vector<1x16xf32>,
        %parallel_loop3A_368 = vector.shape_cast %parallel_loop3A_367 : vector<1x16xf32> to vector<16xf32>
        %parallel_loop3A_369 = vector.shape_cast %parallel_loop3A_364 : vector<16xf32> to vector<1x16xf32>
        tpu.vector_store %arg14[%parallel_loop3A_365, %parallel_loop3A_366], %parallel_loop3A_369 {strides = array<i32>} : memref<128x16xf32, #tpu.memory_space<vmem>>, vector<1x16xf32>,
      } {sc.loop_unroll_factor = 4 : i64, sc.parallel_access}
      %dma_start3A_305 = arith.constant 0 : i32
      %dma_start3A_306 = tpu.memref_slice %arg8[%add3A_280, %dma_start3A_305] : memref<40x128xi32, #tpu.memory_space<vmem>> -> memref<1x128xi32, #tpu.memory_space<vmem>>
      %dma_start3A_307 = tpu.memref_squeeze %dma_start3A_306 : memref<1x128xi32, #tpu.memory_space<vmem>> -> memref<128xi32, #tpu.memory_space<vmem>>
      %dma_start3A_308 = arith.constant 0 : i32
      %dma_start3A_309 = arith.constant 0 : i32
      %dma_start3A_310 = tpu.memref_slice %arg16[%dma_start3A_308, %dma_start3A_309] : memref<10016x16xf32, #tpu.memory_space<vmem_shared>> -> memref<10016x16xf32, #tpu.memory_space<vmem_shared>>
      tpu.enqueue_indirect_dma source(%arg14 : memref<128x16xf32, #tpu.memory_space<vmem>>) target(%dma_start3A_310 : memref<10016x16xf32, #tpu.memory_space<vmem_shared>>) offsets(%dma_start3A_307 : memref<128xi32, #tpu.memory_space<vmem>>) semaphore(%arg20 : memref<!tpu.dma_semaphore, #tpu.memory_space<semaphore_mem>>) {add = true}
    }
    %scan3A_110 = arith.constant 18 : i32
    %dma_start3A_111 = arith.constant 39 : i32
    %dma_start3A_112 = arith.constant 0 : i32
    %dma_start3A_113 = tpu.memref_slice %arg7[%dma_start3A_111, %dma_start3A_112] : memref<40x128xi32, #tpu.memory_space<vmem>> -> memref<1x128xi32, #tpu.memory_space<vmem>>
    %dma_start3A_114 = tpu.memref_squeeze %dma_start3A_113 : memref<1x128xi32, #tpu.memory_space<vmem>> -> memref<128xi32, #tpu.memory_space<vmem>>
    %dma_start3A_115 = arith.constant 0 : i32
    %dma_start3A_116 = arith.constant 0 : i32
    %dma_start3A_117 = tpu.memref_slice %arg2[%dma_start3A_115, %dma_start3A_116] : memref<10000x96xf32, #tpu.memory_space<hbm>> -> memref<10000x96xf32, #tpu.memory_space<hbm>>
    tpu.enqueue_indirect_dma source(%dma_start3A_117 : memref<10000x96xf32, #tpu.memory_space<hbm>>) target(%arg10 : memref<128x96xf32, #tpu.memory_space<vmem>>) offsets(%dma_start3A_114 : memref<128xi32, #tpu.memory_space<vmem>>) semaphore(%arg18 : memref<!tpu.dma_semaphore, #tpu.memory_space<semaphore_mem>>)
    %mul3A_118 = arith.constant 5120 : i32
    %mul3A_119 = arith.muli %add3A, %mul3A_118 : i32
    %add3A_120 = arith.constant 4992 : i32
    %add3A_121 = arith.addi %mul3A_119, %add3A_120 : i32
    %dma_start3A_122 = arith.constant 0 : i32
    %dma_start3A_123 = tpu.memref_slice %arg3[%add3A_121, %dma_start3A_122] : memref<163840x16xf32, #tpu.memory_space<hbm>> -> memref<128x16xf32, #tpu.memory_space<hbm>>
    %dma_start3A_124 = arith.constant 0 : i32
    %dma_start3A_125 = tpu.memref_slice %arg3[%add3A_121, %dma_start3A_124] : memref<163840x16xf32, #tpu.memory_space<hbm>> -> memref<128x16xf32, #tpu.memory_space<hbm>>
    tpu.enqueue_dma source(%dma_start3A_125 : memref<128x16xf32, #tpu.memory_space<hbm>>) target(%arg12 : memref<128x16xf32, #tpu.memory_space<vmem>>) target_semaphore(%arg18 : memref<!tpu.dma_semaphore, #tpu.memory_space<semaphore_mem>>)
    %dma_wait3A_126 = arith.constant 38 : i32
    %dma_wait3A_127 = arith.constant 0 : i32
    %dma_wait3A_128 = tpu.memref_slice %arg7[%dma_wait3A_126, %dma_wait3A_127] : memref<40x128xi32, #tpu.memory_space<vmem>> -> memref<1x128xi32, #tpu.memory_space<vmem>>
    %dma_wait3A_129 = tpu.memref_squeeze %dma_wait3A_128 : memref<1x128xi32, #tpu.memory_space<vmem>> -> memref<128xi32, #tpu.memory_space<vmem>>
    %dma_wait3A_130 = arith.constant 0 : i32
    %dma_wait3A_131 = arith.constant 0 : i32
    %dma_wait3A_132 = tpu.memref_slice %arg2[%dma_wait3A_130, %dma_wait3A_131] : memref<10000x96xf32, #tpu.memory_space<hbm>> -> memref<10000x96xf32, #tpu.memory_space<hbm>>
    tpu.wait_indirect_dma semaphore(%arg17 : memref<!tpu.dma_semaphore, #tpu.memory_space<semaphore_mem>>) src(%dma_wait3A_132 : memref<10000x96xf32, #tpu.memory_space<hbm>>) dst(%arg9 : memref<128x96xf32, #tpu.memory_space<vmem>>)
    %mul3A_133 = arith.constant 5120 : i32
    %mul3A_134 = arith.muli %add3A, %mul3A_133 : i32
    %add3A_135 = arith.constant 4864 : i32
    %add3A_136 = arith.addi %mul3A_134, %add3A_135 : i32
    %dma_wait3A_137 = arith.constant 0 : i32
    %dma_wait3A_138 = tpu.memref_slice %arg3[%add3A_136, %dma_wait3A_137] : memref<163840x16xf32, #tpu.memory_space<hbm>> -> memref<128x16xf32, #tpu.memory_space<hbm>>
    %dma_wait3A_139 = arith.constant 0 : i32
    %dma_wait3A_140 = tpu.memref_slice %arg3[%add3A_136, %dma_wait3A_139] : memref<163840x16xf32, #tpu.memory_space<hbm>> -> memref<128x16xf32, #tpu.memory_space<hbm>>
    tpu.wait_dma2 semaphore(%arg17 : memref<!tpu.dma_semaphore, #tpu.memory_space<semaphore_mem>>) src(%dma_wait3A_140 : memref<128x16xf32, #tpu.memory_space<hbm>>) dst(%arg11 : memref<128x16xf32, #tpu.memory_space<vmem>>)
    %dma_wait3A_141 = arith.constant 38 : i32
    %dma_wait3A_142 = arith.constant 0 : i32
    %dma_wait3A_143 = tpu.memref_slice %arg8[%dma_wait3A_141, %dma_wait3A_142] : memref<40x128xi32, #tpu.memory_space<vmem>> -> memref<1x128xi32, #tpu.memory_space<vmem>>
    %dma_wait3A_144 = tpu.memref_squeeze %dma_wait3A_143 : memref<1x128xi32, #tpu.memory_space<vmem>> -> memref<128xi32, #tpu.memory_space<vmem>>
    %dma_wait3A_145 = arith.constant 0 : i32
    %dma_wait3A_146 = arith.constant 0 : i32
    %dma_wait3A_147 = tpu.memref_slice %arg16[%dma_wait3A_145, %dma_wait3A_146] : memref<10016x16xf32, #tpu.memory_space<vmem_shared>> -> memref<10016x16xf32, #tpu.memory_space<vmem_shared>>
    tpu.wait_indirect_dma semaphore(%arg19 : memref<!tpu.dma_semaphore, #tpu.memory_space<semaphore_mem>>) src(%arg13 : memref<128x16xf32, #tpu.memory_space<vmem>>) dst(%dma_wait3A_147 : memref<10016x16xf32, #tpu.memory_space<vmem_shared>>)
    %parallel_loop3A_148 = arith.constant 0 : i32
    %parallel_loop3A_149 = arith.constant 128 : i32
    %parallel_loop3A_150 = arith.constant 1 : i32
    scf.for %parallel_loop3A_212 = %parallel_loop3A_148 to %parallel_loop3A_149 step %parallel_loop3A_150  : i32 {
      %parallel_loop3A_213 = arith.index_cast %parallel_loop3A_212 : i32 to index
      %parallel_loop3A_214 = arith.constant 0 : index
      %parallel_loop3A_215 = tpu.vector_load %arg11[%parallel_loop3A_213, %parallel_loop3A_214] {strides = array<i32>} : memref<128x16xf32, #tpu.memory_space<vmem>>, vector<1x16xf32>,
      %parallel_loop3A_216 = vector.shape_cast %parallel_loop3A_215 : vector<1x16xf32> to vector<16xf32>
      %parallel_loop3A_217 = vector.extract_strided_slice %parallel_loop3A_216 {offsets = [0], sizes = [1], strides = [1]} : vector<16xf32> to vector<1xf32>
      %parallel_loop3A_218 = vector.extract %parallel_loop3A_217[0] : f32 from vector<1xf32>
      %parallel_loop3A_219 = arith.index_cast %parallel_loop3A_212 : i32 to index
      %parallel_loop3A_220 = arith.constant 0 : index
      %parallel_loop3A_221 = tpu.vector_load %arg9[%parallel_loop3A_219, %parallel_loop3A_220] {strides = array<i32>} : memref<128x96xf32, #tpu.memory_space<vmem>>, vector<1x16xf32>,
      %parallel_loop3A_222 = vector.shape_cast %parallel_loop3A_221 : vector<1x16xf32> to vector<16xf32>
      %parallel_loop3A_223 = vector.broadcast %parallel_loop3A_218 : f32 to vector<16xf32>
      %parallel_loop3A_224 = arith.mulf %parallel_loop3A_223, %parallel_loop3A_222 : vector<16xf32>
      %parallel_loop3A_225 = vector.extract_strided_slice %parallel_loop3A_216 {offsets = [1], sizes = [1], strides = [1]} : vector<16xf32> to vector<1xf32>
      %parallel_loop3A_226 = vector.extract %parallel_loop3A_225[0] : f32 from vector<1xf32>
      %parallel_loop3A_227 = arith.index_cast %parallel_loop3A_212 : i32 to index
      %parallel_loop3A_228 = arith.constant 16 : index
      %parallel_loop3A_229 = tpu.vector_load %arg9[%parallel_loop3A_227, %parallel_loop3A_228] {strides = array<i32>} : memref<128x96xf32, #tpu.memory_space<vmem>>, vector<1x16xf32>,
      %parallel_loop3A_230 = vector.shape_cast %parallel_loop3A_229 : vector<1x16xf32> to vector<16xf32>
      %parallel_loop3A_231 = vector.broadcast %parallel_loop3A_226 : f32 to vector<16xf32>
      %parallel_loop3A_232 = arith.mulf %parallel_loop3A_231, %parallel_loop3A_230 : vector<16xf32>
      %parallel_loop3A_233 = vector.extract_strided_slice %parallel_loop3A_216 {offsets = [2], sizes = [1], strides = [1]} : vector<16xf32> to vector<1xf32>
      %parallel_loop3A_234 = vector.extract %parallel_loop3A_233[0] : f32 from vector<1xf32>
      %parallel_loop3A_235 = arith.index_cast %parallel_loop3A_212 : i32 to index
      %parallel_loop3A_236 = arith.constant 32 : index
      %parallel_loop3A_237 = tpu.vector_load %arg9[%parallel_loop3A_235, %parallel_loop3A_236] {strides = array<i32>} : memref<128x96xf32, #tpu.memory_space<vmem>>, vector<1x16xf32>,
      %parallel_loop3A_238 = vector.shape_cast %parallel_loop3A_237 : vector<1x16xf32> to vector<16xf32>
      %parallel_loop3A_239 = vector.broadcast %parallel_loop3A_234 : f32 to vector<16xf32>
      %parallel_loop3A_240 = arith.mulf %parallel_loop3A_239, %parallel_loop3A_238 : vector<16xf32>
      %parallel_loop3A_241 = vector.extract_strided_slice %parallel_loop3A_216 {offsets = [3], sizes = [1], strides = [1]} : vector<16xf32> to vector<1xf32>
      %parallel_loop3A_242 = vector.extract %parallel_loop3A_241[0] : f32 from vector<1xf32>
      %parallel_loop3A_243 = arith.index_cast %parallel_loop3A_212 : i32 to index
      %parallel_loop3A_244 = arith.constant 48 : index
      %parallel_loop3A_245 = tpu.vector_load %arg9[%parallel_loop3A_243, %parallel_loop3A_244] {strides = array<i32>} : memref<128x96xf32, #tpu.memory_space<vmem>>, vector<1x16xf32>,
      %parallel_loop3A_246 = vector.shape_cast %parallel_loop3A_245 : vector<1x16xf32> to vector<16xf32>
      %parallel_loop3A_247 = vector.broadcast %parallel_loop3A_242 : f32 to vector<16xf32>
      %parallel_loop3A_248 = arith.mulf %parallel_loop3A_247, %parallel_loop3A_246 : vector<16xf32>
      %parallel_loop3A_249 = vector.extract_strided_slice %parallel_loop3A_216 {offsets = [4], sizes = [1], strides = [1]} : vector<16xf32> to vector<1xf32>
      %parallel_loop3A_250 = vector.extract %parallel_loop3A_249[0] : f32 from vector<1xf32>
      %parallel_loop3A_251 = arith.index_cast %parallel_loop3A_212 : i32 to index
      %parallel_loop3A_252 = arith.constant 64 : index
      %parallel_loop3A_253 = tpu.vector_load %arg9[%parallel_loop3A_251, %parallel_loop3A_252] {strides = array<i32>} : memref<128x96xf32, #tpu.memory_space<vmem>>, vector<1x16xf32>,
      %parallel_loop3A_254 = vector.shape_cast %parallel_loop3A_253 : vector<1x16xf32> to vector<16xf32>
      %parallel_loop3A_255 = vector.broadcast %parallel_loop3A_250 : f32 to vector<16xf32>
      %parallel_loop3A_256 = arith.mulf %parallel_loop3A_255, %parallel_loop3A_254 : vector<16xf32>
      %parallel_loop3A_257 = arith.index_cast %parallel_loop3A_212 : i32 to index
      %parallel_loop3A_258 = arith.constant 80 : index
      %parallel_loop3A_259 = tpu.vector_load %arg9[%parallel_loop3A_257, %parallel_loop3A_258] {strides = array<i32>} : memref<128x96xf32, #tpu.memory_space<vmem>>, vector<1x16xf32>,
      %parallel_loop3A_260 = vector.shape_cast %parallel_loop3A_259 : vector<1x16xf32> to vector<16xf32>
      %parallel_loop3A_261 = arith.addf %parallel_loop3A_224, %parallel_loop3A_232 : vector<16xf32>
      %parallel_loop3A_262 = arith.addf %parallel_loop3A_240, %parallel_loop3A_248 : vector<16xf32>
      %parallel_loop3A_263 = arith.addf %parallel_loop3A_256, %parallel_loop3A_260 : vector<16xf32>
      %parallel_loop3A_264 = arith.addf %parallel_loop3A_261, %parallel_loop3A_262 : vector<16xf32>
      %parallel_loop3A_265 = arith.addf %parallel_loop3A_264, %parallel_loop3A_263 : vector<16xf32>
      %parallel_loop3A_266 = arith.index_cast %parallel_loop3A_212 : i32 to index
      %parallel_loop3A_267 = arith.constant 0 : index
      %parallel_loop3A_268 = tpu.vector_load %arg13[%parallel_loop3A_266, %parallel_loop3A_267] {strides = array<i32>} : memref<128x16xf32, #tpu.memory_space<vmem>>, vector<1x16xf32>,
      %parallel_loop3A_269 = vector.shape_cast %parallel_loop3A_268 : vector<1x16xf32> to vector<16xf32>
      %parallel_loop3A_270 = vector.shape_cast %parallel_loop3A_265 : vector<16xf32> to vector<1x16xf32>
      tpu.vector_store %arg13[%parallel_loop3A_266, %parallel_loop3A_267], %parallel_loop3A_270 {strides = array<i32>} : memref<128x16xf32, #tpu.memory_space<vmem>>, vector<1x16xf32>,
    } {sc.loop_unroll_factor = 4 : i64, sc.parallel_access}
    %dma_start3A_151 = arith.constant 38 : i32
    %dma_start3A_152 = arith.constant 0 : i32
    %dma_start3A_153 = tpu.memref_slice %arg8[%dma_start3A_151, %dma_start3A_152] : memref<40x128xi32, #tpu.memory_space<vmem>> -> memref<1x128xi32, #tpu.memory_space<vmem>>
    %dma_start3A_154 = tpu.memref_squeeze %dma_start3A_153 : memref<1x128xi32, #tpu.memory_space<vmem>> -> memref<128xi32, #tpu.memory_space<vmem>>
    %dma_start3A_155 = arith.constant 0 : i32
    %dma_start3A_156 = arith.constant 0 : i32
    %dma_start3A_157 = tpu.memref_slice %arg16[%dma_start3A_155, %dma_start3A_156] : memref<10016x16xf32, #tpu.memory_space<vmem_shared>> -> memref<10016x16xf32, #tpu.memory_space<vmem_shared>>
    tpu.enqueue_indirect_dma source(%arg13 : memref<128x16xf32, #tpu.memory_space<vmem>>) target(%dma_start3A_157 : memref<10016x16xf32, #tpu.memory_space<vmem_shared>>) offsets(%dma_start3A_154 : memref<128xi32, #tpu.memory_space<vmem>>) semaphore(%arg19 : memref<!tpu.dma_semaphore, #tpu.memory_space<semaphore_mem>>) {add = true}
    %dma_wait3A_158 = arith.constant 39 : i32
    %dma_wait3A_159 = arith.constant 0 : i32
    %dma_wait3A_160 = tpu.memref_slice %arg7[%dma_wait3A_158, %dma_wait3A_159] : memref<40x128xi32, #tpu.memory_space<vmem>> -> memref<1x128xi32, #tpu.memory_space<vmem>>
    %dma_wait3A_161 = tpu.memref_squeeze %dma_wait3A_160 : memref<1x128xi32, #tpu.memory_space<vmem>> -> memref<128xi32, #tpu.memory_space<vmem>>
    %dma_wait3A_162 = arith.constant 0 : i32
    %dma_wait3A_163 = arith.constant 0 : i32
    %dma_wait3A_164 = tpu.memref_slice %arg2[%dma_wait3A_162, %dma_wait3A_163] : memref<10000x96xf32, #tpu.memory_space<hbm>> -> memref<10000x96xf32, #tpu.memory_space<hbm>>
    tpu.wait_indirect_dma semaphore(%arg18 : memref<!tpu.dma_semaphore, #tpu.memory_space<semaphore_mem>>) src(%dma_wait3A_164 : memref<10000x96xf32, #tpu.memory_space<hbm>>) dst(%arg10 : memref<128x96xf32, #tpu.memory_space<vmem>>)
    %mul3A_165 = arith.constant 5120 : i32
    %mul3A_166 = arith.muli %add3A, %mul3A_165 : i32
    %add3A_167 = arith.constant 4992 : i32
    %add3A_168 = arith.addi %mul3A_166, %add3A_167 : i32
    %dma_wait3A_169 = arith.constant 0 : i32
    %dma_wait3A_170 = tpu.memref_slice %arg3[%add3A_168, %dma_wait3A_169] : memref<163840x16xf32, #tpu.memory_space<hbm>> -> memref<128x16xf32, #tpu.memory_space<hbm>>
    %dma_wait3A_171 = arith.constant 0 : i32
    %dma_wait3A_172 = tpu.memref_slice %arg3[%add3A_168, %dma_wait3A_171] : memref<163840x16xf32, #tpu.memory_space<hbm>> -> memref<128x16xf32, #tpu.memory_space<hbm>>
    tpu.wait_dma2 semaphore(%arg18 : memref<!tpu.dma_semaphore, #tpu.memory_space<semaphore_mem>>) src(%dma_wait3A_172 : memref<128x16xf32, #tpu.memory_space<hbm>>) dst(%arg12 : memref<128x16xf32, #tpu.memory_space<vmem>>)
    %dma_wait3A_173 = arith.constant 39 : i32
    %dma_wait3A_174 = arith.constant 0 : i32
    %dma_wait3A_175 = tpu.memref_slice %arg8[%dma_wait3A_173, %dma_wait3A_174] : memref<40x128xi32, #tpu.memory_space<vmem>> -> memref<1x128xi32, #tpu.memory_space<vmem>>
    %dma_wait3A_176 = tpu.memref_squeeze %dma_wait3A_175 : memref<1x128xi32, #tpu.memory_space<vmem>> -> memref<128xi32, #tpu.memory_space<vmem>>
    %dma_wait3A_177 = arith.constant 0 : i32
    %dma_wait3A_178 = arith.constant 0 : i32
    %dma_wait3A_179 = tpu.memref_slice %arg16[%dma_wait3A_177, %dma_wait3A_178] : memref<10016x16xf32, #tpu.memory_space<vmem_shared>> -> memref<10016x16xf32, #tpu.memory_space<vmem_shared>>
    tpu.wait_indirect_dma semaphore(%arg20 : memref<!tpu.dma_semaphore, #tpu.memory_space<semaphore_mem>>) src(%arg14 : memref<128x16xf32, #tpu.memory_space<vmem>>) dst(%dma_wait3A_179 : memref<10016x16xf32, #tpu.memory_space<vmem_shared>>)
    %parallel_loop3A_180 = arith.constant 0 : i32
    %parallel_loop3A_181 = arith.constant 128 : i32
    %parallel_loop3A_182 = arith.constant 1 : i32
    scf.for %parallel_loop3A_212 = %parallel_loop3A_180 to %parallel_loop3A_181 step %parallel_loop3A_182  : i32 {
      %parallel_loop3A_213 = arith.index_cast %parallel_loop3A_212 : i32 to index
      %parallel_loop3A_214 = arith.constant 0 : index
      %parallel_loop3A_215 = tpu.vector_load %arg12[%parallel_loop3A_213, %parallel_loop3A_214] {strides = array<i32>} : memref<128x16xf32, #tpu.memory_space<vmem>>, vector<1x16xf32>,
      %parallel_loop3A_216 = vector.shape_cast %parallel_loop3A_215 : vector<1x16xf32> to vector<16xf32>
      %parallel_loop3A_217 = vector.extract_strided_slice %parallel_loop3A_216 {offsets = [0], sizes = [1], strides = [1]} : vector<16xf32> to vector<1xf32>
      %parallel_loop3A_218 = vector.extract %parallel_loop3A_217[0] : f32 from vector<1xf32>
      %parallel_loop3A_219 = arith.index_cast %parallel_loop3A_212 : i32 to index
      %parallel_loop3A_220 = arith.constant 0 : index
      %parallel_loop3A_221 = tpu.vector_load %arg10[%parallel_loop3A_219, %parallel_loop3A_220] {strides = array<i32>} : memref<128x96xf32, #tpu.memory_space<vmem>>, vector<1x16xf32>,
      %parallel_loop3A_222 = vector.shape_cast %parallel_loop3A_221 : vector<1x16xf32> to vector<16xf32>
      %parallel_loop3A_223 = vector.broadcast %parallel_loop3A_218 : f32 to vector<16xf32>
      %parallel_loop3A_224 = arith.mulf %parallel_loop3A_223, %parallel_loop3A_222 : vector<16xf32>
      %parallel_loop3A_225 = vector.extract_strided_slice %parallel_loop3A_216 {offsets = [1], sizes = [1], strides = [1]} : vector<16xf32> to vector<1xf32>
      %parallel_loop3A_226 = vector.extract %parallel_loop3A_225[0] : f32 from vector<1xf32>
      %parallel_loop3A_227 = arith.index_cast %parallel_loop3A_212 : i32 to index
      %parallel_loop3A_228 = arith.constant 16 : index
      %parallel_loop3A_229 = tpu.vector_load %arg10[%parallel_loop3A_227, %parallel_loop3A_228] {strides = array<i32>} : memref<128x96xf32, #tpu.memory_space<vmem>>, vector<1x16xf32>,
      %parallel_loop3A_230 = vector.shape_cast %parallel_loop3A_229 : vector<1x16xf32> to vector<16xf32>
      %parallel_loop3A_231 = vector.broadcast %parallel_loop3A_226 : f32 to vector<16xf32>
      %parallel_loop3A_232 = arith.mulf %parallel_loop3A_231, %parallel_loop3A_230 : vector<16xf32>
      %parallel_loop3A_233 = vector.extract_strided_slice %parallel_loop3A_216 {offsets = [2], sizes = [1], strides = [1]} : vector<16xf32> to vector<1xf32>
      %parallel_loop3A_234 = vector.extract %parallel_loop3A_233[0] : f32 from vector<1xf32>
      %parallel_loop3A_235 = arith.index_cast %parallel_loop3A_212 : i32 to index
      %parallel_loop3A_236 = arith.constant 32 : index
      %parallel_loop3A_237 = tpu.vector_load %arg10[%parallel_loop3A_235, %parallel_loop3A_236] {strides = array<i32>} : memref<128x96xf32, #tpu.memory_space<vmem>>, vector<1x16xf32>,
      %parallel_loop3A_238 = vector.shape_cast %parallel_loop3A_237 : vector<1x16xf32> to vector<16xf32>
      %parallel_loop3A_239 = vector.broadcast %parallel_loop3A_234 : f32 to vector<16xf32>
      %parallel_loop3A_240 = arith.mulf %parallel_loop3A_239, %parallel_loop3A_238 : vector<16xf32>
      %parallel_loop3A_241 = vector.extract_strided_slice %parallel_loop3A_216 {offsets = [3], sizes = [1], strides = [1]} : vector<16xf32> to vector<1xf32>
      %parallel_loop3A_242 = vector.extract %parallel_loop3A_241[0] : f32 from vector<1xf32>
      %parallel_loop3A_243 = arith.index_cast %parallel_loop3A_212 : i32 to index
      %parallel_loop3A_244 = arith.constant 48 : index
      %parallel_loop3A_245 = tpu.vector_load %arg10[%parallel_loop3A_243, %parallel_loop3A_244] {strides = array<i32>} : memref<128x96xf32, #tpu.memory_space<vmem>>, vector<1x16xf32>,
      %parallel_loop3A_246 = vector.shape_cast %parallel_loop3A_245 : vector<1x16xf32> to vector<16xf32>
      %parallel_loop3A_247 = vector.broadcast %parallel_loop3A_242 : f32 to vector<16xf32>
      %parallel_loop3A_248 = arith.mulf %parallel_loop3A_247, %parallel_loop3A_246 : vector<16xf32>
      %parallel_loop3A_249 = vector.extract_strided_slice %parallel_loop3A_216 {offsets = [4], sizes = [1], strides = [1]} : vector<16xf32> to vector<1xf32>
      %parallel_loop3A_250 = vector.extract %parallel_loop3A_249[0] : f32 from vector<1xf32>
      %parallel_loop3A_251 = arith.index_cast %parallel_loop3A_212 : i32 to index
      %parallel_loop3A_252 = arith.constant 64 : index
      %parallel_loop3A_253 = tpu.vector_load %arg10[%parallel_loop3A_251, %parallel_loop3A_252] {strides = array<i32>} : memref<128x96xf32, #tpu.memory_space<vmem>>, vector<1x16xf32>,
      %parallel_loop3A_254 = vector.shape_cast %parallel_loop3A_253 : vector<1x16xf32> to vector<16xf32>
      %parallel_loop3A_255 = vector.broadcast %parallel_loop3A_250 : f32 to vector<16xf32>
      %parallel_loop3A_256 = arith.mulf %parallel_loop3A_255, %parallel_loop3A_254 : vector<16xf32>
      %parallel_loop3A_257 = arith.index_cast %parallel_loop3A_212 : i32 to index
      %parallel_loop3A_258 = arith.constant 80 : index
      %parallel_loop3A_259 = tpu.vector_load %arg10[%parallel_loop3A_257, %parallel_loop3A_258] {strides = array<i32>} : memref<128x96xf32, #tpu.memory_space<vmem>>, vector<1x16xf32>,
      %parallel_loop3A_260 = vector.shape_cast %parallel_loop3A_259 : vector<1x16xf32> to vector<16xf32>
      %parallel_loop3A_261 = arith.addf %parallel_loop3A_224, %parallel_loop3A_232 : vector<16xf32>
      %parallel_loop3A_262 = arith.addf %parallel_loop3A_240, %parallel_loop3A_248 : vector<16xf32>
      %parallel_loop3A_263 = arith.addf %parallel_loop3A_256, %parallel_loop3A_260 : vector<16xf32>
      %parallel_loop3A_264 = arith.addf %parallel_loop3A_261, %parallel_loop3A_262 : vector<16xf32>
      %parallel_loop3A_265 = arith.addf %parallel_loop3A_264, %parallel_loop3A_263 : vector<16xf32>
      %parallel_loop3A_266 = arith.index_cast %parallel_loop3A_212 : i32 to index
      %parallel_loop3A_267 = arith.constant 0 : index
      %parallel_loop3A_268 = tpu.vector_load %arg14[%parallel_loop3A_266, %parallel_loop3A_267] {strides = array<i32>} : memref<128x16xf32, #tpu.memory_space<vmem>>, vector<1x16xf32>,
      %parallel_loop3A_269 = vector.shape_cast %parallel_loop3A_268 : vector<1x16xf32> to vector<16xf32>
      %parallel_loop3A_270 = vector.shape_cast %parallel_loop3A_265 : vector<16xf32> to vector<1x16xf32>
      tpu.vector_store %arg14[%parallel_loop3A_266, %parallel_loop3A_267], %parallel_loop3A_270 {strides = array<i32>} : memref<128x16xf32, #tpu.memory_space<vmem>>, vector<1x16xf32>,
    } {sc.loop_unroll_factor = 4 : i64, sc.parallel_access}
    %dma_start3A_183 = arith.constant 39 : i32
    %dma_start3A_184 = arith.constant 0 : i32
    %dma_start3A_185 = tpu.memref_slice %arg8[%dma_start3A_183, %dma_start3A_184] : memref<40x128xi32, #tpu.memory_space<vmem>> -> memref<1x128xi32, #tpu.memory_space<vmem>>
    %dma_start3A_186 = tpu.memref_squeeze %dma_start3A_185 : memref<1x128xi32, #tpu.memory_space<vmem>> -> memref<128xi32, #tpu.memory_space<vmem>>
    %dma_start3A_187 = arith.constant 0 : i32
    %dma_start3A_188 = arith.constant 0 : i32
    %dma_start3A_189 = tpu.memref_slice %arg16[%dma_start3A_187, %dma_start3A_188] : memref<10016x16xf32, #tpu.memory_space<vmem_shared>> -> memref<10016x16xf32, #tpu.memory_space<vmem_shared>>
    tpu.enqueue_indirect_dma source(%arg14 : memref<128x16xf32, #tpu.memory_space<vmem>>) target(%dma_start3A_189 : memref<10016x16xf32, #tpu.memory_space<vmem_shared>>) offsets(%dma_start3A_186 : memref<128xi32, #tpu.memory_space<vmem>>) semaphore(%arg20 : memref<!tpu.dma_semaphore, #tpu.memory_space<semaphore_mem>>) {add = true}
    %dma_wait3A_190 = arith.constant 0 : i32
    %dma_wait3A_191 = arith.constant 0 : i32
    %dma_wait3A_192 = tpu.memref_slice %arg8[%dma_wait3A_190, %dma_wait3A_191] : memref<40x128xi32, #tpu.memory_space<vmem>> -> memref<1x128xi32, #tpu.memory_space<vmem>>
    %dma_wait3A_193 = tpu.memref_squeeze %dma_wait3A_192 : memref<1x128xi32, #tpu.memory_space<vmem>> -> memref<128xi32, #tpu.memory_space<vmem>>
    %dma_wait3A_194 = arith.constant 0 : i32
    %dma_wait3A_195 = arith.constant 0 : i32
    %dma_wait3A_196 = tpu.memref_slice %arg16[%dma_wait3A_194, %dma_wait3A_195] : memref<10016x16xf32, #tpu.memory_space<vmem_shared>> -> memref<10016x16xf32, #tpu.memory_space<vmem_shared>>
    tpu.wait_indirect_dma semaphore(%arg19 : memref<!tpu.dma_semaphore, #tpu.memory_space<semaphore_mem>>) src(%arg13 : memref<128x16xf32, #tpu.memory_space<vmem>>) dst(%dma_wait3A_196 : memref<10016x16xf32, #tpu.memory_space<vmem_shared>>)
    %dma_wait3A_197 = arith.constant 0 : i32
    %dma_wait3A_198 = arith.constant 0 : i32
    %dma_wait3A_199 = tpu.memref_slice %arg8[%dma_wait3A_197, %dma_wait3A_198] : memref<40x128xi32, #tpu.memory_space<vmem>> -> memref<1x128xi32, #tpu.memory_space<vmem>>
    %dma_wait3A_200 = tpu.memref_squeeze %dma_wait3A_199 : memref<1x128xi32, #tpu.memory_space<vmem>> -> memref<128xi32, #tpu.memory_space<vmem>>
    %dma_wait3A_201 = arith.constant 0 : i32
    %dma_wait3A_202 = arith.constant 0 : i32
    %dma_wait3A_203 = tpu.memref_slice %arg16[%dma_wait3A_201, %dma_wait3A_202] : memref<10016x16xf32, #tpu.memory_space<vmem_shared>> -> memref<10016x16xf32, #tpu.memory_space<vmem_shared>>
    tpu.wait_indirect_dma semaphore(%arg20 : memref<!tpu.dma_semaphore, #tpu.memory_space<semaphore_mem>>) src(%arg14 : memref<128x16xf32, #tpu.memory_space<vmem>>) dst(%dma_wait3A_203 : memref<10016x16xf32, #tpu.memory_space<vmem_shared>>)
    %barrier3A_204 = arith.constant 0 : index
    tpu.barrier barrier_id(%barrier3A_204)
    %mul3A_205 = arith.constant 626 : i32
    %mul3A_206 = arith.muli %arg1, %mul3A_205 : i32
    %mul3A_207 = arith.constant 10016 : i32
    %mul3A_208 = arith.muli %arg0, %mul3A_207 : i32
    %mul3A_209 = arith.constant 626 : i32
    %mul3A_210 = arith.muli %arg1, %mul3A_209 : i32
    %add3A_211 = arith.addi %mul3A_208, %mul3A_210 : i32
    "tpu.region"() ({
      %run_scoped3A = tpu.sem_alloc : memref<!tpu.dma_semaphore, #tpu.memory_space<semaphore_mem>>
      %dma_start3A_212 = arith.constant 0 : i32
      %dma_start3A_213 = tpu.memref_slice %arg6[%add3A_211, %dma_start3A_212] : memref<20032x16xf32, #tpu.memory_space<hbm>> -> memref<626x16xf32, #tpu.memory_space<hbm>>
      %dma_start3A_214 = arith.constant 0 : i32
      %dma_start3A_215 = tpu.memref_slice %arg16[%mul3A_206, %dma_start3A_214] : memref<10016x16xf32, #tpu.memory_space<vmem_shared>> -> memref<626x16xf32, #tpu.memory_space<vmem_shared>>
      tpu.enqueue_dma source(%dma_start3A_215 : memref<626x16xf32, #tpu.memory_space<vmem_shared>>) target(%dma_start3A_213 : memref<626x16xf32, #tpu.memory_space<hbm>>) target_semaphore(%run_scoped3A : memref<!tpu.dma_semaphore, #tpu.memory_space<semaphore_mem>>)
      %dma_wait3A_216 = arith.constant 0 : i32
      %dma_wait3A_217 = tpu.memref_slice %arg6[%add3A_211, %dma_wait3A_216] : memref<20032x16xf32, #tpu.memory_space<hbm>> -> memref<626x16xf32, #tpu.memory_space<hbm>>
      %dma_wait3A_218 = arith.constant 0 : i32
      %dma_wait3A_219 = tpu.memref_slice %arg16[%mul3A_206, %dma_wait3A_218] : memref<10016x16xf32, #tpu.memory_space<vmem_shared>> -> memref<626x16xf32, #tpu.memory_space<vmem_shared>>
      tpu.wait_dma2 semaphore(%run_scoped3A : memref<!tpu.dma_semaphore, #tpu.memory_space<semaphore_mem>>) src(%dma_wait3A_219 : memref<626x16xf32, #tpu.memory_space<vmem_shared>>) dst(%dma_wait3A_217 : memref<626x16xf32, #tpu.memory_space<hbm>>)
      tpu.yield
    }) : () -> ()
    return
  }
}

#map = affine_map<(d0, d1) -> (0, 0)>
module attributes {stable_mosaic.version = 14 : i64} {
  func.func @edge_k(%arg0: i32, %arg1: i32, %arg2: memref<10000x96xf32, #tpu.memory_space<hbm>>, %arg3: memref<163840x16xf32, #tpu.memory_space<hbm>>, %arg4: memref<1280x128xi32, #tpu.memory_space<hbm>>, %arg5: memref<1280x128xi32, #tpu.memory_space<hbm>>, %arg6: memref<20032x16xf32, #tpu.memory_space<hbm>>, %arg7: memref<40x128xi32, #tpu.memory_space<vmem>>, %arg8: memref<40x128xi32, #tpu.memory_space<vmem>>, %arg9: memref<128x96xf32, #tpu.memory_space<vmem>>, %arg10: memref<128x96xf32, #tpu.memory_space<vmem>>, %arg11: memref<128x16xf32, #tpu.memory_space<vmem>>, %arg12: memref<128x16xf32, #tpu.memory_space<vmem>>, %arg13: memref<128x16xf32, #tpu.memory_space<vmem>>, %arg14: memref<128x16xf32, #tpu.memory_space<vmem>>, %arg15: memref<626x16xf32, #tpu.memory_space<vmem>>, %arg16: memref<10016x16xf32, #tpu.memory_space<vmem_shared>>, %arg17: memref<!tpu.dma_semaphore, #tpu.memory_space<semaphore_mem>>, %arg18: memref<!tpu.dma_semaphore, #tpu.memory_space<semaphore_mem>>, %arg19: memref<!tpu.dma_semaphore, #tpu.memory_space<semaphore_mem>>, %arg20: memref<!tpu.dma_semaphore, #tpu.memory_space<semaphore_mem>>) attributes {dimension_semantics = [#tpu.dimension_semantics<core_parallel>, #tpu.dimension_semantics<subcore_parallel>], iteration_bounds = array<i64: 2, 16>, scalar_prefetch = 0 : i64, scratch_operands = 14 : i64, tpu.core_type = #tpu.core_type<sc_vector_subcore>, window_params = [{transform_indices = #map}, {transform_indices = #map}, {transform_indices = #map}, {transform_indices = #map}, {transform_indices = #map}]} {
    %mul3A = arith.constant 2 : i32
    %mul3A_0 = arith.muli %arg1, %mul3A : i32
    %add3A = arith.addi %mul3A_0, %arg0 : i32
    %broadcast_in_dim3A = arith.constant 0.000000e+00 : f32
    %broadcast_in_dim3A_1 = vector.broadcast %broadcast_in_dim3A : f32 to vector<16xf32>
    %scan3A = arith.constant 0 : i32
    %scan3A_2 = arith.constant 0 : i32
    %scan3A_3 = arith.constant 626 : i32
    %scan3A_4 = arith.addi %scan3A_2, %scan3A_3 : i32
    %scan3A_5 = arith.constant 1 : i32
    scf.for %scan3A_212 = %scan3A_2 to %scan3A_4 step %scan3A_5  : i32 {
      %swap3A = arith.index_cast %scan3A_212 : i32 to index
      %swap3A_213 = arith.constant 0 : index
      %swap3A_214 = tpu.vector_load %arg15[%swap3A, %swap3A_213] {strides = array<i32>} : memref<626x16xf32, #tpu.memory_space<vmem>>, vector<1x16xf32>,
      %swap3A_215 = vector.shape_cast %swap3A_214 : vector<1x16xf32> to vector<16xf32>
      %swap3A_216 = vector.shape_cast %broadcast_in_dim3A_1 : vector<16xf32> to vector<1x16xf32>
      tpu.vector_store %arg15[%swap3A, %swap3A_213], %swap3A_216 {strides = array<i32>} : memref<626x16xf32, #tpu.memory_space<vmem>>, vector<1x16xf32>,
    }
    %scan3A_6 = arith.constant 626 : i32
    %mul3A_7 = arith.constant 626 : i32
    %mul3A_8 = arith.muli %arg1, %mul3A_7 : i32
    "tpu.region"() ({
      %run_scoped3A = tpu.sem_alloc : memref<!tpu.dma_semaphore, #tpu.memory_space<semaphore_mem>>
      %dma_start3A_212 = arith.constant 0 : i32
      %dma_start3A_213 = tpu.memref_slice %arg16[%mul3A_8, %dma_start3A_212] : memref<10016x16xf32, #tpu.memory_space<vmem_shared>> -> memref<626x16xf32, #tpu.memory_space<vmem_shared>>
      %dma_start3A_214 = arith.constant 0 : i32
      %dma_start3A_215 = tpu.memref_slice %arg16[%mul3A_8, %dma_start3A_214] : memref<10016x16xf32, #tpu.memory_space<vmem_shared>> -> memref<626x16xf32, #tpu.memory_space<vmem_shared>>
      tpu.enqueue_dma source(%arg15 : memref<626x16xf32, #tpu.memory_space<vmem>>) target(%dma_start3A_215 : memref<626x16xf32, #tpu.memory_space<vmem_shared>>) target_semaphore(%run_scoped3A : memref<!tpu.dma_semaphore, #tpu.memory_space<semaphore_mem>>)
      %dma_wait3A_216 = arith.constant 0 : i32
      %dma_wait3A_217 = tpu.memref_slice %arg16[%mul3A_8, %dma_wait3A_216] : memref<10016x16xf32, #tpu.memory_space<vmem_shared>> -> memref<626x16xf32, #tpu.memory_space<vmem_shared>>
      %dma_wait3A_218 = arith.constant 0 : i32
      %dma_wait3A_219 = tpu.memref_slice %arg16[%mul3A_8, %dma_wait3A_218] : memref<10016x16xf32, #tpu.memory_space<vmem_shared>> -> memref<626x16xf32, #tpu.memory_space<vmem_shared>>
      tpu.wait_dma2 semaphore(%run_scoped3A : memref<!tpu.dma_semaphore, #tpu.memory_space<semaphore_mem>>) src(%arg15 : memref<626x16xf32, #tpu.memory_space<vmem>>) dst(%dma_wait3A_219 : memref<626x16xf32, #tpu.memory_space<vmem_shared>>)
      tpu.yield
    }) : () -> ()
    %mul3A_9 = arith.constant 40 : i32
    %mul3A_10 = arith.muli %add3A, %mul3A_9 : i32
    "tpu.region"() ({
      %run_scoped3A = tpu.sem_alloc : memref<!tpu.dma_semaphore, #tpu.memory_space<semaphore_mem>>
      %dma_start3A_212 = arith.constant 0 : i32
      %dma_start3A_213 = tpu.memref_slice %arg4[%mul3A_10, %dma_start3A_212] : memref<1280x128xi32, #tpu.memory_space<hbm>> -> memref<40x128xi32, #tpu.memory_space<hbm>>
      %dma_start3A_214 = arith.constant 0 : i32
      %dma_start3A_215 = tpu.memref_slice %arg4[%mul3A_10, %dma_start3A_214] : memref<1280x128xi32, #tpu.memory_space<hbm>> -> memref<40x128xi32, #tpu.memory_space<hbm>>
      tpu.enqueue_dma source(%dma_start3A_215 : memref<40x128xi32, #tpu.memory_space<hbm>>) target(%arg7 : memref<40x128xi32, #tpu.memory_space<vmem>>) target_semaphore(%run_scoped3A : memref<!tpu.dma_semaphore, #tpu.memory_space<semaphore_mem>>)
      %dma_wait3A_216 = arith.constant 0 : i32
      %dma_wait3A_217 = tpu.memref_slice %arg4[%mul3A_10, %dma_wait3A_216] : memref<1280x128xi32, #tpu.memory_space<hbm>> -> memref<40x128xi32, #tpu.memory_space<hbm>>
      %dma_wait3A_218 = arith.constant 0 : i32
      %dma_wait3A_219 = tpu.memref_slice %arg4[%mul3A_10, %dma_wait3A_218] : memref<1280x128xi32, #tpu.memory_space<hbm>> -> memref<40x128xi32, #tpu.memory_space<hbm>>
      tpu.wait_dma2 semaphore(%run_scoped3A : memref<!tpu.dma_semaphore, #tpu.memory_space<semaphore_mem>>) src(%dma_wait3A_219 : memref<40x128xi32, #tpu.memory_space<hbm>>) dst(%arg7 : memref<40x128xi32, #tpu.memory_space<vmem>>)
      tpu.yield
    }) : () -> ()
    %mul3A_11 = arith.constant 40 : i32
    %mul3A_12 = arith.muli %add3A, %mul3A_11 : i32
    "tpu.region"() ({
      %run_scoped3A = tpu.sem_alloc : memref<!tpu.dma_semaphore, #tpu.memory_space<semaphore_mem>>
      %dma_start3A_212 = arith.constant 0 : i32
      %dma_start3A_213 = tpu.memref_slice %arg5[%mul3A_12, %dma_start3A_212] : memref<1280x128xi32, #tpu.memory_space<hbm>> -> memref<40x128xi32, #tpu.memory_space<hbm>>
      %dma_start3A_214 = arith.constant 0 : i32
      %dma_start3A_215 = tpu.memref_slice %arg5[%mul3A_12, %dma_start3A_214] : memref<1280x128xi32, #tpu.memory_space<hbm>> -> memref<40x128xi32, #tpu.memory_space<hbm>>
      tpu.enqueue_dma source(%dma_start3A_215 : memref<40x128xi32, #tpu.memory_space<hbm>>) target(%arg8 : memref<40x128xi32, #tpu.memory_space<vmem>>) target_semaphore(%run_scoped3A : memref<!tpu.dma_semaphore, #tpu.memory_space<semaphore_mem>>)
      %dma_wait3A_216 = arith.constant 0 : i32
      %dma_wait3A_217 = tpu.memref_slice %arg5[%mul3A_12, %dma_wait3A_216] : memref<1280x128xi32, #tpu.memory_space<hbm>> -> memref<40x128xi32, #tpu.memory_space<hbm>>
      %dma_wait3A_218 = arith.constant 0 : i32
      %dma_wait3A_219 = tpu.memref_slice %arg5[%mul3A_12, %dma_wait3A_218] : memref<1280x128xi32, #tpu.memory_space<hbm>> -> memref<40x128xi32, #tpu.memory_space<hbm>>
      tpu.wait_dma2 semaphore(%run_scoped3A : memref<!tpu.dma_semaphore, #tpu.memory_space<semaphore_mem>>) src(%dma_wait3A_219 : memref<40x128xi32, #tpu.memory_space<hbm>>) dst(%arg8 : memref<40x128xi32, #tpu.memory_space<vmem>>)
      tpu.yield
    }) : () -> ()
    %barrier3A = arith.constant 0 : index
    tpu.barrier barrier_id(%barrier3A)
    %dma_start3A = arith.constant 0 : i32
    %dma_start3A_13 = arith.constant 0 : i32
    %dma_start3A_14 = tpu.memref_slice %arg7[%dma_start3A, %dma_start3A_13] : memref<40x128xi32, #tpu.memory_space<vmem>> -> memref<1x128xi32, #tpu.memory_space<vmem>>
    %dma_start3A_15 = tpu.memref_squeeze %dma_start3A_14 : memref<1x128xi32, #tpu.memory_space<vmem>> -> memref<128xi32, #tpu.memory_space<vmem>>
    %dma_start3A_16 = arith.constant 0 : i32
    %dma_start3A_17 = arith.constant 0 : i32
    %dma_start3A_18 = tpu.memref_slice %arg2[%dma_start3A_16, %dma_start3A_17] : memref<10000x96xf32, #tpu.memory_space<hbm>> -> memref<10000x96xf32, #tpu.memory_space<hbm>>
    tpu.enqueue_indirect_dma source(%dma_start3A_18 : memref<10000x96xf32, #tpu.memory_space<hbm>>) target(%arg9 : memref<128x96xf32, #tpu.memory_space<vmem>>) offsets(%dma_start3A_15 : memref<128xi32, #tpu.memory_space<vmem>>) semaphore(%arg17 : memref<!tpu.dma_semaphore, #tpu.memory_space<semaphore_mem>>)
    %mul3A_19 = arith.constant 5120 : i32
    %mul3A_20 = arith.muli %add3A, %mul3A_19 : i32
    %add3A_21 = arith.constant 0 : i32
    %add3A_22 = arith.addi %mul3A_20, %add3A_21 : i32
    %dma_start3A_23 = arith.constant 0 : i32
    %dma_start3A_24 = tpu.memref_slice %arg3[%add3A_22, %dma_start3A_23] : memref<163840x16xf32, #tpu.memory_space<hbm>> -> memref<128x16xf32, #tpu.memory_space<hbm>>
    %dma_start3A_25 = arith.constant 0 : i32
    %dma_start3A_26 = tpu.memref_slice %arg3[%add3A_22, %dma_start3A_25] : memref<163840x16xf32, #tpu.memory_space<hbm>> -> memref<128x16xf32, #tpu.memory_space<hbm>>
    tpu.enqueue_dma source(%dma_start3A_26 : memref<128x16xf32, #tpu.memory_space<hbm>>) target(%arg11 : memref<128x16xf32, #tpu.memory_space<vmem>>) target_semaphore(%arg17 : memref<!tpu.dma_semaphore, #tpu.memory_space<semaphore_mem>>)
    %dma_wait3A = arith.constant 0 : i32
    %dma_wait3A_27 = arith.constant 0 : i32
    %dma_wait3A_28 = tpu.memref_slice %arg7[%dma_wait3A, %dma_wait3A_27] : memref<40x128xi32, #tpu.memory_space<vmem>> -> memref<1x128xi32, #tpu.memory_space<vmem>>
    %dma_wait3A_29 = tpu.memref_squeeze %dma_wait3A_28 : memref<1x128xi32, #tpu.memory_space<vmem>> -> memref<128xi32, #tpu.memory_space<vmem>>
    %dma_wait3A_30 = arith.constant 0 : i32
    %dma_wait3A_31 = arith.constant 0 : i32
    %dma_wait3A_32 = tpu.memref_slice %arg2[%dma_wait3A_30, %dma_wait3A_31] : memref<10000x96xf32, #tpu.memory_space<hbm>> -> memref<10000x96xf32, #tpu.memory_space<hbm>>
    tpu.wait_indirect_dma semaphore(%arg17 : memref<!tpu.dma_semaphore, #tpu.memory_space<semaphore_mem>>) src(%dma_wait3A_32 : memref<10000x96xf32, #tpu.memory_space<hbm>>) dst(%arg9 : memref<128x96xf32, #tpu.memory_space<vmem>>)
    %mul3A_33 = arith.constant 5120 : i32
    %mul3A_34 = arith.muli %add3A, %mul3A_33 : i32
    %add3A_35 = arith.constant 0 : i32
    %add3A_36 = arith.addi %mul3A_34, %add3A_35 : i32
    %dma_wait3A_37 = arith.constant 0 : i32
    %dma_wait3A_38 = tpu.memref_slice %arg3[%add3A_36, %dma_wait3A_37] : memref<163840x16xf32, #tpu.memory_space<hbm>> -> memref<128x16xf32, #tpu.memory_space<hbm>>
    %dma_wait3A_39 = arith.constant 0 : i32
    %dma_wait3A_40 = tpu.memref_slice %arg3[%add3A_36, %dma_wait3A_39] : memref<163840x16xf32, #tpu.memory_space<hbm>> -> memref<128x16xf32, #tpu.memory_space<hbm>>
    tpu.wait_dma2 semaphore(%arg17 : memref<!tpu.dma_semaphore, #tpu.memory_space<semaphore_mem>>) src(%dma_wait3A_40 : memref<128x16xf32, #tpu.memory_space<hbm>>) dst(%arg11 : memref<128x16xf32, #tpu.memory_space<vmem>>)
    %parallel_loop3A = arith.constant 0 : i32
    %parallel_loop3A_41 = arith.constant 128 : i32
    %parallel_loop3A_42 = arith.constant 1 : i32
    scf.for %parallel_loop3A_212 = %parallel_loop3A to %parallel_loop3A_41 step %parallel_loop3A_42  : i32 {
      %parallel_loop3A_213 = arith.index_cast %parallel_loop3A_212 : i32 to index
      %parallel_loop3A_214 = arith.constant 0 : index
      %parallel_loop3A_215 = tpu.vector_load %arg11[%parallel_loop3A_213, %parallel_loop3A_214] {strides = array<i32>} : memref<128x16xf32, #tpu.memory_space<vmem>>, vector<1x16xf32>,
      %parallel_loop3A_216 = vector.shape_cast %parallel_loop3A_215 : vector<1x16xf32> to vector<16xf32>
      %parallel_loop3A_217 = vector.extract_strided_slice %parallel_loop3A_216 {offsets = [0], sizes = [1], strides = [1]} : vector<16xf32> to vector<1xf32>
      %parallel_loop3A_218 = vector.extract %parallel_loop3A_217[0] : f32 from vector<1xf32>
      %parallel_loop3A_219 = arith.index_cast %parallel_loop3A_212 : i32 to index
      %parallel_loop3A_220 = arith.constant 0 : index
      %parallel_loop3A_221 = tpu.vector_load %arg9[%parallel_loop3A_219, %parallel_loop3A_220] {strides = array<i32>} : memref<128x96xf32, #tpu.memory_space<vmem>>, vector<1x16xf32>,
      %parallel_loop3A_222 = vector.shape_cast %parallel_loop3A_221 : vector<1x16xf32> to vector<16xf32>
      %parallel_loop3A_223 = vector.broadcast %parallel_loop3A_218 : f32 to vector<16xf32>
      %parallel_loop3A_224 = arith.mulf %parallel_loop3A_223, %parallel_loop3A_222 : vector<16xf32>
      %parallel_loop3A_225 = vector.extract_strided_slice %parallel_loop3A_216 {offsets = [1], sizes = [1], strides = [1]} : vector<16xf32> to vector<1xf32>
      %parallel_loop3A_226 = vector.extract %parallel_loop3A_225[0] : f32 from vector<1xf32>
      %parallel_loop3A_227 = arith.index_cast %parallel_loop3A_212 : i32 to index
      %parallel_loop3A_228 = arith.constant 16 : index
      %parallel_loop3A_229 = tpu.vector_load %arg9[%parallel_loop3A_227, %parallel_loop3A_228] {strides = array<i32>} : memref<128x96xf32, #tpu.memory_space<vmem>>, vector<1x16xf32>,
      %parallel_loop3A_230 = vector.shape_cast %parallel_loop3A_229 : vector<1x16xf32> to vector<16xf32>
      %parallel_loop3A_231 = vector.broadcast %parallel_loop3A_226 : f32 to vector<16xf32>
      %parallel_loop3A_232 = arith.mulf %parallel_loop3A_231, %parallel_loop3A_230 : vector<16xf32>
      %parallel_loop3A_233 = vector.extract_strided_slice %parallel_loop3A_216 {offsets = [2], sizes = [1], strides = [1]} : vector<16xf32> to vector<1xf32>
      %parallel_loop3A_234 = vector.extract %parallel_loop3A_233[0] : f32 from vector<1xf32>
      %parallel_loop3A_235 = arith.index_cast %parallel_loop3A_212 : i32 to index
      %parallel_loop3A_236 = arith.constant 32 : index
      %parallel_loop3A_237 = tpu.vector_load %arg9[%parallel_loop3A_235, %parallel_loop3A_236] {strides = array<i32>} : memref<128x96xf32, #tpu.memory_space<vmem>>, vector<1x16xf32>,
      %parallel_loop3A_238 = vector.shape_cast %parallel_loop3A_237 : vector<1x16xf32> to vector<16xf32>
      %parallel_loop3A_239 = vector.broadcast %parallel_loop3A_234 : f32 to vector<16xf32>
      %parallel_loop3A_240 = arith.mulf %parallel_loop3A_239, %parallel_loop3A_238 : vector<16xf32>
      %parallel_loop3A_241 = vector.extract_strided_slice %parallel_loop3A_216 {offsets = [3], sizes = [1], strides = [1]} : vector<16xf32> to vector<1xf32>
      %parallel_loop3A_242 = vector.extract %parallel_loop3A_241[0] : f32 from vector<1xf32>
      %parallel_loop3A_243 = arith.index_cast %parallel_loop3A_212 : i32 to index
      %parallel_loop3A_244 = arith.constant 48 : index
      %parallel_loop3A_245 = tpu.vector_load %arg9[%parallel_loop3A_243, %parallel_loop3A_244] {strides = array<i32>} : memref<128x96xf32, #tpu.memory_space<vmem>>, vector<1x16xf32>,
      %parallel_loop3A_246 = vector.shape_cast %parallel_loop3A_245 : vector<1x16xf32> to vector<16xf32>
      %parallel_loop3A_247 = vector.broadcast %parallel_loop3A_242 : f32 to vector<16xf32>
      %parallel_loop3A_248 = arith.mulf %parallel_loop3A_247, %parallel_loop3A_246 : vector<16xf32>
      %parallel_loop3A_249 = vector.extract_strided_slice %parallel_loop3A_216 {offsets = [4], sizes = [1], strides = [1]} : vector<16xf32> to vector<1xf32>
      %parallel_loop3A_250 = vector.extract %parallel_loop3A_249[0] : f32 from vector<1xf32>
      %parallel_loop3A_251 = arith.index_cast %parallel_loop3A_212 : i32 to index
      %parallel_loop3A_252 = arith.constant 64 : index
      %parallel_loop3A_253 = tpu.vector_load %arg9[%parallel_loop3A_251, %parallel_loop3A_252] {strides = array<i32>} : memref<128x96xf32, #tpu.memory_space<vmem>>, vector<1x16xf32>,
      %parallel_loop3A_254 = vector.shape_cast %parallel_loop3A_253 : vector<1x16xf32> to vector<16xf32>
      %parallel_loop3A_255 = vector.broadcast %parallel_loop3A_250 : f32 to vector<16xf32>
      %parallel_loop3A_256 = arith.mulf %parallel_loop3A_255, %parallel_loop3A_254 : vector<16xf32>
      %parallel_loop3A_257 = arith.index_cast %parallel_loop3A_212 : i32 to index
      %parallel_loop3A_258 = arith.constant 80 : index
      %parallel_loop3A_259 = tpu.vector_load %arg9[%parallel_loop3A_257, %parallel_loop3A_258] {strides = array<i32>} : memref<128x96xf32, #tpu.memory_space<vmem>>, vector<1x16xf32>,
      %parallel_loop3A_260 = vector.shape_cast %parallel_loop3A_259 : vector<1x16xf32> to vector<16xf32>
      %parallel_loop3A_261 = arith.addf %parallel_loop3A_224, %parallel_loop3A_232 : vector<16xf32>
      %parallel_loop3A_262 = arith.addf %parallel_loop3A_240, %parallel_loop3A_248 : vector<16xf32>
      %parallel_loop3A_263 = arith.addf %parallel_loop3A_256, %parallel_loop3A_260 : vector<16xf32>
      %parallel_loop3A_264 = arith.addf %parallel_loop3A_261, %parallel_loop3A_262 : vector<16xf32>
      %parallel_loop3A_265 = arith.addf %parallel_loop3A_264, %parallel_loop3A_263 : vector<16xf32>
      %parallel_loop3A_266 = arith.index_cast %parallel_loop3A_212 : i32 to index
      %parallel_loop3A_267 = arith.constant 0 : index
      %parallel_loop3A_268 = tpu.vector_load %arg13[%parallel_loop3A_266, %parallel_loop3A_267] {strides = array<i32>} : memref<128x16xf32, #tpu.memory_space<vmem>>, vector<1x16xf32>,
      %parallel_loop3A_269 = vector.shape_cast %parallel_loop3A_268 : vector<1x16xf32> to vector<16xf32>
      %parallel_loop3A_270 = vector.shape_cast %parallel_loop3A_265 : vector<16xf32> to vector<1x16xf32>
      tpu.vector_store %arg13[%parallel_loop3A_266, %parallel_loop3A_267], %parallel_loop3A_270 {strides = array<i32>} : memref<128x16xf32, #tpu.memory_space<vmem>>, vector<1x16xf32>,
    } {sc.loop_unroll_factor = 4 : i64, sc.parallel_access}
    %dma_start3A_43 = arith.constant 0 : i32
    %dma_start3A_44 = arith.constant 0 : i32
    %dma_start3A_45 = tpu.memref_slice %arg8[%dma_start3A_43, %dma_start3A_44] : memref<40x128xi32, #tpu.memory_space<vmem>> -> memref<1x128xi32, #tpu.memory_space<vmem>>
    %dma_start3A_46 = tpu.memref_squeeze %dma_start3A_45 : memref<1x128xi32, #tpu.memory_space<vmem>> -> memref<128xi32, #tpu.memory_space<vmem>>
    %dma_start3A_47 = arith.constant 0 : i32
    %dma_start3A_48 = arith.constant 0 : i32
    %dma_start3A_49 = tpu.memref_slice %arg16[%dma_start3A_47, %dma_start3A_48] : memref<10016x16xf32, #tpu.memory_space<vmem_shared>> -> memref<10016x16xf32, #tpu.memory_space<vmem_shared>>
    tpu.enqueue_indirect_dma source(%arg13 : memref<128x16xf32, #tpu.memory_space<vmem>>) target(%dma_start3A_49 : memref<10016x16xf32, #tpu.memory_space<vmem_shared>>) offsets(%dma_start3A_46 : memref<128xi32, #tpu.memory_space<vmem>>) semaphore(%arg19 : memref<!tpu.dma_semaphore, #tpu.memory_space<semaphore_mem>>) {add = true}
    %dma_start3A_50 = arith.constant 1 : i32
    %dma_start3A_51 = arith.constant 0 : i32
    %dma_start3A_52 = tpu.memref_slice %arg7[%dma_start3A_50, %dma_start3A_51] : memref<40x128xi32, #tpu.memory_space<vmem>> -> memref<1x128xi32, #tpu.memory_space<vmem>>
    %dma_start3A_53 = tpu.memref_squeeze %dma_start3A_52 : memref<1x128xi32, #tpu.memory_space<vmem>> -> memref<128xi32, #tpu.memory_space<vmem>>
    %dma_start3A_54 = arith.constant 0 : i32
    %dma_start3A_55 = arith.constant 0 : i32
    %dma_start3A_56 = tpu.memref_slice %arg2[%dma_start3A_54, %dma_start3A_55] : memref<10000x96xf32, #tpu.memory_space<hbm>> -> memref<10000x96xf32, #tpu.memory_space<hbm>>
    tpu.enqueue_indirect_dma source(%dma_start3A_56 : memref<10000x96xf32, #tpu.memory_space<hbm>>) target(%arg10 : memref<128x96xf32, #tpu.memory_space<vmem>>) offsets(%dma_start3A_53 : memref<128xi32, #tpu.memory_space<vmem>>) semaphore(%arg18 : memref<!tpu.dma_semaphore, #tpu.memory_space<semaphore_mem>>)
    %mul3A_57 = arith.constant 5120 : i32
    %mul3A_58 = arith.muli %add3A, %mul3A_57 : i32
    %add3A_59 = arith.constant 128 : i32
    %add3A_60 = arith.addi %mul3A_58, %add3A_59 : i32
    %dma_start3A_61 = arith.constant 0 : i32
    %dma_start3A_62 = tpu.memref_slice %arg3[%add3A_60, %dma_start3A_61] : memref<163840x16xf32, #tpu.memory_space<hbm>> -> memref<128x16xf32, #tpu.memory_space<hbm>>
    %dma_start3A_63 = arith.constant 0 : i32
    %dma_start3A_64 = tpu.memref_slice %arg3[%add3A_60, %dma_start3A_63] : memref<163840x16xf32, #tpu.memory_space<hbm>> -> memref<128x16xf32, #tpu.memory_space<hbm>>
    tpu.enqueue_dma source(%dma_start3A_64 : memref<128x16xf32, #tpu.memory_space<hbm>>) target(%arg12 : memref<128x16xf32, #tpu.memory_space<vmem>>) target_semaphore(%arg18 : memref<!tpu.dma_semaphore, #tpu.memory_space<semaphore_mem>>)
    %dma_start3A_65 = arith.constant 2 : i32
    %dma_start3A_66 = arith.constant 0 : i32
    %dma_start3A_67 = tpu.memref_slice %arg7[%dma_start3A_65, %dma_start3A_66] : memref<40x128xi32, #tpu.memory_space<vmem>> -> memref<1x128xi32, #tpu.memory_space<vmem>>
    %dma_start3A_68 = tpu.memref_squeeze %dma_start3A_67 : memref<1x128xi32, #tpu.memory_space<vmem>> -> memref<128xi32, #tpu.memory_space<vmem>>
    %dma_start3A_69 = arith.constant 0 : i32
    %dma_start3A_70 = arith.constant 0 : i32
    %dma_start3A_71 = tpu.memref_slice %arg2[%dma_start3A_69, %dma_start3A_70] : memref<10000x96xf32, #tpu.memory_space<hbm>> -> memref<10000x96xf32, #tpu.memory_space<hbm>>
    tpu.enqueue_indirect_dma source(%dma_start3A_71 : memref<10000x96xf32, #tpu.memory_space<hbm>>) target(%arg9 : memref<128x96xf32, #tpu.memory_space<vmem>>) offsets(%dma_start3A_68 : memref<128xi32, #tpu.memory_space<vmem>>) semaphore(%arg17 : memref<!tpu.dma_semaphore, #tpu.memory_space<semaphore_mem>>)
    %mul3A_72 = arith.constant 5120 : i32
    %mul3A_73 = arith.muli %add3A, %mul3A_72 : i32
    %add3A_74 = arith.constant 256 : i32
    %add3A_75 = arith.addi %mul3A_73, %add3A_74 : i32
    %dma_start3A_76 = arith.constant 0 : i32
    %dma_start3A_77 = tpu.memref_slice %arg3[%add3A_75, %dma_start3A_76] : memref<163840x16xf32, #tpu.memory_space<hbm>> -> memref<128x16xf32, #tpu.memory_space<hbm>>
    %dma_start3A_78 = arith.constant 0 : i32
    %dma_start3A_79 = tpu.memref_slice %arg3[%add3A_75, %dma_start3A_78] : memref<163840x16xf32, #tpu.memory_space<hbm>> -> memref<128x16xf32, #tpu.memory_space<hbm>>
    tpu.enqueue_dma source(%dma_start3A_79 : memref<128x16xf32, #tpu.memory_space<hbm>>) target(%arg11 : memref<128x16xf32, #tpu.memory_space<vmem>>) target_semaphore(%arg17 : memref<!tpu.dma_semaphore, #tpu.memory_space<semaphore_mem>>)
    %dma_wait3A_80 = arith.constant 1 : i32
    %dma_wait3A_81 = arith.constant 0 : i32
    %dma_wait3A_82 = tpu.memref_slice %arg7[%dma_wait3A_80, %dma_wait3A_81] : memref<40x128xi32, #tpu.memory_space<vmem>> -> memref<1x128xi32, #tpu.memory_space<vmem>>
    %dma_wait3A_83 = tpu.memref_squeeze %dma_wait3A_82 : memref<1x128xi32, #tpu.memory_space<vmem>> -> memref<128xi32, #tpu.memory_space<vmem>>
    %dma_wait3A_84 = arith.constant 0 : i32
    %dma_wait3A_85 = arith.constant 0 : i32
    %dma_wait3A_86 = tpu.memref_slice %arg2[%dma_wait3A_84, %dma_wait3A_85] : memref<10000x96xf32, #tpu.memory_space<hbm>> -> memref<10000x96xf32, #tpu.memory_space<hbm>>
    tpu.wait_indirect_dma semaphore(%arg18 : memref<!tpu.dma_semaphore, #tpu.memory_space<semaphore_mem>>) src(%dma_wait3A_86 : memref<10000x96xf32, #tpu.memory_space<hbm>>) dst(%arg10 : memref<128x96xf32, #tpu.memory_space<vmem>>)
    %mul3A_87 = arith.constant 5120 : i32
    %mul3A_88 = arith.muli %add3A, %mul3A_87 : i32
    %add3A_89 = arith.constant 128 : i32
    %add3A_90 = arith.addi %mul3A_88, %add3A_89 : i32
    %dma_wait3A_91 = arith.constant 0 : i32
    %dma_wait3A_92 = tpu.memref_slice %arg3[%add3A_90, %dma_wait3A_91] : memref<163840x16xf32, #tpu.memory_space<hbm>> -> memref<128x16xf32, #tpu.memory_space<hbm>>
    %dma_wait3A_93 = arith.constant 0 : i32
    %dma_wait3A_94 = tpu.memref_slice %arg3[%add3A_90, %dma_wait3A_93] : memref<163840x16xf32, #tpu.memory_space<hbm>> -> memref<128x16xf32, #tpu.memory_space<hbm>>
    tpu.wait_dma2 semaphore(%arg18 : memref<!tpu.dma_semaphore, #tpu.memory_space<semaphore_mem>>) src(%dma_wait3A_94 : memref<128x16xf32, #tpu.memory_space<hbm>>) dst(%arg12 : memref<128x16xf32, #tpu.memory_space<vmem>>)
    %parallel_loop3A_95 = arith.constant 0 : i32
    %parallel_loop3A_96 = arith.constant 128 : i32
    %parallel_loop3A_97 = arith.constant 1 : i32
    scf.for %parallel_loop3A_212 = %parallel_loop3A_95 to %parallel_loop3A_96 step %parallel_loop3A_97  : i32 {
      %parallel_loop3A_213 = arith.index_cast %parallel_loop3A_212 : i32 to index
      %parallel_loop3A_214 = arith.constant 0 : index
      %parallel_loop3A_215 = tpu.vector_load %arg12[%parallel_loop3A_213, %parallel_loop3A_214] {strides = array<i32>} : memref<128x16xf32, #tpu.memory_space<vmem>>, vector<1x16xf32>,
      %parallel_loop3A_216 = vector.shape_cast %parallel_loop3A_215 : vector<1x16xf32> to vector<16xf32>
      %parallel_loop3A_217 = vector.extract_strided_slice %parallel_loop3A_216 {offsets = [0], sizes = [1], strides = [1]} : vector<16xf32> to vector<1xf32>
      %parallel_loop3A_218 = vector.extract %parallel_loop3A_217[0] : f32 from vector<1xf32>
      %parallel_loop3A_219 = arith.index_cast %parallel_loop3A_212 : i32 to index
      %parallel_loop3A_220 = arith.constant 0 : index
      %parallel_loop3A_221 = tpu.vector_load %arg10[%parallel_loop3A_219, %parallel_loop3A_220] {strides = array<i32>} : memref<128x96xf32, #tpu.memory_space<vmem>>, vector<1x16xf32>,
      %parallel_loop3A_222 = vector.shape_cast %parallel_loop3A_221 : vector<1x16xf32> to vector<16xf32>
      %parallel_loop3A_223 = vector.broadcast %parallel_loop3A_218 : f32 to vector<16xf32>
      %parallel_loop3A_224 = arith.mulf %parallel_loop3A_223, %parallel_loop3A_222 : vector<16xf32>
      %parallel_loop3A_225 = vector.extract_strided_slice %parallel_loop3A_216 {offsets = [1], sizes = [1], strides = [1]} : vector<16xf32> to vector<1xf32>
      %parallel_loop3A_226 = vector.extract %parallel_loop3A_225[0] : f32 from vector<1xf32>
      %parallel_loop3A_227 = arith.index_cast %parallel_loop3A_212 : i32 to index
      %parallel_loop3A_228 = arith.constant 16 : index
      %parallel_loop3A_229 = tpu.vector_load %arg10[%parallel_loop3A_227, %parallel_loop3A_228] {strides = array<i32>} : memref<128x96xf32, #tpu.memory_space<vmem>>, vector<1x16xf32>,
      %parallel_loop3A_230 = vector.shape_cast %parallel_loop3A_229 : vector<1x16xf32> to vector<16xf32>
      %parallel_loop3A_231 = vector.broadcast %parallel_loop3A_226 : f32 to vector<16xf32>
      %parallel_loop3A_232 = arith.mulf %parallel_loop3A_231, %parallel_loop3A_230 : vector<16xf32>
      %parallel_loop3A_233 = vector.extract_strided_slice %parallel_loop3A_216 {offsets = [2], sizes = [1], strides = [1]} : vector<16xf32> to vector<1xf32>
      %parallel_loop3A_234 = vector.extract %parallel_loop3A_233[0] : f32 from vector<1xf32>
      %parallel_loop3A_235 = arith.index_cast %parallel_loop3A_212 : i32 to index
      %parallel_loop3A_236 = arith.constant 32 : index
      %parallel_loop3A_237 = tpu.vector_load %arg10[%parallel_loop3A_235, %parallel_loop3A_236] {strides = array<i32>} : memref<128x96xf32, #tpu.memory_space<vmem>>, vector<1x16xf32>,
      %parallel_loop3A_238 = vector.shape_cast %parallel_loop3A_237 : vector<1x16xf32> to vector<16xf32>
      %parallel_loop3A_239 = vector.broadcast %parallel_loop3A_234 : f32 to vector<16xf32>
      %parallel_loop3A_240 = arith.mulf %parallel_loop3A_239, %parallel_loop3A_238 : vector<16xf32>
      %parallel_loop3A_241 = vector.extract_strided_slice %parallel_loop3A_216 {offsets = [3], sizes = [1], strides = [1]} : vector<16xf32> to vector<1xf32>
      %parallel_loop3A_242 = vector.extract %parallel_loop3A_241[0] : f32 from vector<1xf32>
      %parallel_loop3A_243 = arith.index_cast %parallel_loop3A_212 : i32 to index
      %parallel_loop3A_244 = arith.constant 48 : index
      %parallel_loop3A_245 = tpu.vector_load %arg10[%parallel_loop3A_243, %parallel_loop3A_244] {strides = array<i32>} : memref<128x96xf32, #tpu.memory_space<vmem>>, vector<1x16xf32>,
      %parallel_loop3A_246 = vector.shape_cast %parallel_loop3A_245 : vector<1x16xf32> to vector<16xf32>
      %parallel_loop3A_247 = vector.broadcast %parallel_loop3A_242 : f32 to vector<16xf32>
      %parallel_loop3A_248 = arith.mulf %parallel_loop3A_247, %parallel_loop3A_246 : vector<16xf32>
      %parallel_loop3A_249 = vector.extract_strided_slice %parallel_loop3A_216 {offsets = [4], sizes = [1], strides = [1]} : vector<16xf32> to vector<1xf32>
      %parallel_loop3A_250 = vector.extract %parallel_loop3A_249[0] : f32 from vector<1xf32>
      %parallel_loop3A_251 = arith.index_cast %parallel_loop3A_212 : i32 to index
      %parallel_loop3A_252 = arith.constant 64 : index
      %parallel_loop3A_253 = tpu.vector_load %arg10[%parallel_loop3A_251, %parallel_loop3A_252] {strides = array<i32>} : memref<128x96xf32, #tpu.memory_space<vmem>>, vector<1x16xf32>,
      %parallel_loop3A_254 = vector.shape_cast %parallel_loop3A_253 : vector<1x16xf32> to vector<16xf32>
      %parallel_loop3A_255 = vector.broadcast %parallel_loop3A_250 : f32 to vector<16xf32>
      %parallel_loop3A_256 = arith.mulf %parallel_loop3A_255, %parallel_loop3A_254 : vector<16xf32>
      %parallel_loop3A_257 = arith.index_cast %parallel_loop3A_212 : i32 to index
      %parallel_loop3A_258 = arith.constant 80 : index
      %parallel_loop3A_259 = tpu.vector_load %arg10[%parallel_loop3A_257, %parallel_loop3A_258] {strides = array<i32>} : memref<128x96xf32, #tpu.memory_space<vmem>>, vector<1x16xf32>,
      %parallel_loop3A_260 = vector.shape_cast %parallel_loop3A_259 : vector<1x16xf32> to vector<16xf32>
      %parallel_loop3A_261 = arith.addf %parallel_loop3A_224, %parallel_loop3A_232 : vector<16xf32>
      %parallel_loop3A_262 = arith.addf %parallel_loop3A_240, %parallel_loop3A_248 : vector<16xf32>
      %parallel_loop3A_263 = arith.addf %parallel_loop3A_256, %parallel_loop3A_260 : vector<16xf32>
      %parallel_loop3A_264 = arith.addf %parallel_loop3A_261, %parallel_loop3A_262 : vector<16xf32>
      %parallel_loop3A_265 = arith.addf %parallel_loop3A_264, %parallel_loop3A_263 : vector<16xf32>
      %parallel_loop3A_266 = arith.index_cast %parallel_loop3A_212 : i32 to index
      %parallel_loop3A_267 = arith.constant 0 : index
      %parallel_loop3A_268 = tpu.vector_load %arg14[%parallel_loop3A_266, %parallel_loop3A_267] {strides = array<i32>} : memref<128x16xf32, #tpu.memory_space<vmem>>, vector<1x16xf32>,
      %parallel_loop3A_269 = vector.shape_cast %parallel_loop3A_268 : vector<1x16xf32> to vector<16xf32>
      %parallel_loop3A_270 = vector.shape_cast %parallel_loop3A_265 : vector<16xf32> to vector<1x16xf32>
      tpu.vector_store %arg14[%parallel_loop3A_266, %parallel_loop3A_267], %parallel_loop3A_270 {strides = array<i32>} : memref<128x16xf32, #tpu.memory_space<vmem>>, vector<1x16xf32>,
    } {sc.loop_unroll_factor = 4 : i64, sc.parallel_access}
    %dma_start3A_98 = arith.constant 1 : i32
    %dma_start3A_99 = arith.constant 0 : i32
    %dma_start3A_100 = tpu.memref_slice %arg8[%dma_start3A_98, %dma_start3A_99] : memref<40x128xi32, #tpu.memory_space<vmem>> -> memref<1x128xi32, #tpu.memory_space<vmem>>
    %dma_start3A_101 = tpu.memref_squeeze %dma_start3A_100 : memref<1x128xi32, #tpu.memory_space<vmem>> -> memref<128xi32, #tpu.memory_space<vmem>>
    %dma_start3A_102 = arith.constant 0 : i32
    %dma_start3A_103 = arith.constant 0 : i32
    %dma_start3A_104 = tpu.memref_slice %arg16[%dma_start3A_102, %dma_start3A_103] : memref<10016x16xf32, #tpu.memory_space<vmem_shared>> -> memref<10016x16xf32, #tpu.memory_space<vmem_shared>>
    tpu.enqueue_indirect_dma source(%arg14 : memref<128x16xf32, #tpu.memory_space<vmem>>) target(%dma_start3A_104 : memref<10016x16xf32, #tpu.memory_space<vmem_shared>>) offsets(%dma_start3A_101 : memref<128xi32, #tpu.memory_space<vmem>>) semaphore(%arg20 : memref<!tpu.dma_semaphore, #tpu.memory_space<semaphore_mem>>) {add = true}
    %scan3A_105 = arith.constant 0 : i32
    %scan3A_106 = arith.constant 1 : i32
    %scan3A_107 = arith.constant 18 : i32
    %scan3A_108 = arith.addi %scan3A_106, %scan3A_107 : i32
    %scan3A_109 = arith.constant 1 : i32
    scf.for %scan3A_212 = %scan3A_106 to %scan3A_108 step %scan3A_109  : i32 {
      %mul3A_213 = arith.constant 2 : i32
      %mul3A_214 = arith.muli %scan3A_212, %mul3A_213 : i32
      %add3A_215 = arith.constant 1 : i32
      %add3A_216 = arith.addi %mul3A_214, %add3A_215 : i32
      %dma_start3A_217 = arith.constant 0 : i32
      %dma_start3A_218 = tpu.memref_slice %arg7[%add3A_216, %dma_start3A_217] : memref<40x128xi32, #tpu.memory_space<vmem>> -> memref<1x128xi32, #tpu.memory_space<vmem>>
      %dma_start3A_219 = tpu.memref_squeeze %dma_start3A_218 : memref<1x128xi32, #tpu.memory_space<vmem>> -> memref<128xi32, #tpu.memory_space<vmem>>
      %dma_start3A_220 = arith.constant 0 : i32
      %dma_start3A_221 = arith.constant 0 : i32
      %dma_start3A_222 = tpu.memref_slice %arg2[%dma_start3A_220, %dma_start3A_221] : memref<10000x96xf32, #tpu.memory_space<hbm>> -> memref<10000x96xf32, #tpu.memory_space<hbm>>
      tpu.enqueue_indirect_dma source(%dma_start3A_222 : memref<10000x96xf32, #tpu.memory_space<hbm>>) target(%arg10 : memref<128x96xf32, #tpu.memory_space<vmem>>) offsets(%dma_start3A_219 : memref<128xi32, #tpu.memory_space<vmem>>) semaphore(%arg18 : memref<!tpu.dma_semaphore, #tpu.memory_space<semaphore_mem>>)
      %mul3A_223 = arith.constant 5120 : i32
      %mul3A_224 = arith.muli %add3A, %mul3A_223 : i32
      %mul3A_225 = arith.constant 128 : i32
      %mul3A_226 = arith.muli %add3A_216, %mul3A_225 : i32
      %add3A_227 = arith.addi %mul3A_224, %mul3A_226 : i32
      %dma_start3A_228 = arith.constant 0 : i32
      %dma_start3A_229 = tpu.memref_slice %arg3[%add3A_227, %dma_start3A_228] : memref<163840x16xf32, #tpu.memory_space<hbm>> -> memref<128x16xf32, #tpu.memory_space<hbm>>
      %dma_start3A_230 = arith.constant 0 : i32
      %dma_start3A_231 = tpu.memref_slice %arg3[%add3A_227, %dma_start3A_230] : memref<163840x16xf32, #tpu.memory_space<hbm>> -> memref<128x16xf32, #tpu.memory_space<hbm>>
      tpu.enqueue_dma source(%dma_start3A_231 : memref<128x16xf32, #tpu.memory_space<hbm>>) target(%arg12 : memref<128x16xf32, #tpu.memory_space<vmem>>) target_semaphore(%arg18 : memref<!tpu.dma_semaphore, #tpu.memory_space<semaphore_mem>>)
      %dma_wait3A_232 = arith.constant 0 : i32
      %dma_wait3A_233 = tpu.memref_slice %arg7[%mul3A_214, %dma_wait3A_232] : memref<40x128xi32, #tpu.memory_space<vmem>> -> memref<1x128xi32, #tpu.memory_space<vmem>>
      %dma_wait3A_234 = tpu.memref_squeeze %dma_wait3A_233 : memref<1x128xi32, #tpu.memory_space<vmem>> -> memref<128xi32, #tpu.memory_space<vmem>>
      %dma_wait3A_235 = arith.constant 0 : i32
      %dma_wait3A_236 = arith.constant 0 : i32
      %dma_wait3A_237 = tpu.memref_slice %arg2[%dma_wait3A_235, %dma_wait3A_236] : memref<10000x96xf32, #tpu.memory_space<hbm>> -> memref<10000x96xf32, #tpu.memory_space<hbm>>
      tpu.wait_indirect_dma semaphore(%arg17 : memref<!tpu.dma_semaphore, #tpu.memory_space<semaphore_mem>>) src(%dma_wait3A_237 : memref<10000x96xf32, #tpu.memory_space<hbm>>) dst(%arg9 : memref<128x96xf32, #tpu.memory_space<vmem>>)
      %mul3A_238 = arith.constant 5120 : i32
      %mul3A_239 = arith.muli %add3A, %mul3A_238 : i32
      %mul3A_240 = arith.constant 128 : i32
      %mul3A_241 = arith.muli %mul3A_214, %mul3A_240 : i32
      %add3A_242 = arith.addi %mul3A_239, %mul3A_241 : i32
      %dma_wait3A_243 = arith.constant 0 : i32
      %dma_wait3A_244 = tpu.memref_slice %arg3[%add3A_242, %dma_wait3A_243] : memref<163840x16xf32, #tpu.memory_space<hbm>> -> memref<128x16xf32, #tpu.memory_space<hbm>>
      %dma_wait3A_245 = arith.constant 0 : i32
      %dma_wait3A_246 = tpu.memref_slice %arg3[%add3A_242, %dma_wait3A_245] : memref<163840x16xf32, #tpu.memory_space<hbm>> -> memref<128x16xf32, #tpu.memory_space<hbm>>
      tpu.wait_dma2 semaphore(%arg17 : memref<!tpu.dma_semaphore, #tpu.memory_space<semaphore_mem>>) src(%dma_wait3A_246 : memref<128x16xf32, #tpu.memory_space<hbm>>) dst(%arg11 : memref<128x16xf32, #tpu.memory_space<vmem>>)
      %dma_wait3A_247 = arith.constant 0 : i32
      %dma_wait3A_248 = tpu.memref_slice %arg8[%mul3A_214, %dma_wait3A_247] : memref<40x128xi32, #tpu.memory_space<vmem>> -> memref<1x128xi32, #tpu.memory_space<vmem>>
      %dma_wait3A_249 = tpu.memref_squeeze %dma_wait3A_248 : memref<1x128xi32, #tpu.memory_space<vmem>> -> memref<128xi32, #tpu.memory_space<vmem>>
      %dma_wait3A_250 = arith.constant 0 : i32
      %dma_wait3A_251 = arith.constant 0 : i32
      %dma_wait3A_252 = tpu.memref_slice %arg16[%dma_wait3A_250, %dma_wait3A_251] : memref<10016x16xf32, #tpu.memory_space<vmem_shared>> -> memref<10016x16xf32, #tpu.memory_space<vmem_shared>>
      tpu.wait_indirect_dma semaphore(%arg19 : memref<!tpu.dma_semaphore, #tpu.memory_space<semaphore_mem>>) src(%arg13 : memref<128x16xf32, #tpu.memory_space<vmem>>) dst(%dma_wait3A_252 : memref<10016x16xf32, #tpu.memory_space<vmem_shared>>)
      %parallel_loop3A_253 = arith.constant 0 : i32
      %parallel_loop3A_254 = arith.constant 128 : i32
      %parallel_loop3A_255 = arith.constant 1 : i32
      scf.for %parallel_loop3A_311 = %parallel_loop3A_253 to %parallel_loop3A_254 step %parallel_loop3A_255  : i32 {
        %parallel_loop3A_312 = arith.index_cast %parallel_loop3A_311 : i32 to index
        %parallel_loop3A_313 = arith.constant 0 : index
        %parallel_loop3A_314 = tpu.vector_load %arg11[%parallel_loop3A_312, %parallel_loop3A_313] {strides = array<i32>} : memref<128x16xf32, #tpu.memory_space<vmem>>, vector<1x16xf32>,
        %parallel_loop3A_315 = vector.shape_cast %parallel_loop3A_314 : vector<1x16xf32> to vector<16xf32>
        %parallel_loop3A_316 = vector.extract_strided_slice %parallel_loop3A_315 {offsets = [0], sizes = [1], strides = [1]} : vector<16xf32> to vector<1xf32>
        %parallel_loop3A_317 = vector.extract %parallel_loop3A_316[0] : f32 from vector<1xf32>
        %parallel_loop3A_318 = arith.index_cast %parallel_loop3A_311 : i32 to index
        %parallel_loop3A_319 = arith.constant 0 : index
        %parallel_loop3A_320 = tpu.vector_load %arg9[%parallel_loop3A_318, %parallel_loop3A_319] {strides = array<i32>} : memref<128x96xf32, #tpu.memory_space<vmem>>, vector<1x16xf32>,
        %parallel_loop3A_321 = vector.shape_cast %parallel_loop3A_320 : vector<1x16xf32> to vector<16xf32>
        %parallel_loop3A_322 = vector.broadcast %parallel_loop3A_317 : f32 to vector<16xf32>
        %parallel_loop3A_323 = arith.mulf %parallel_loop3A_322, %parallel_loop3A_321 : vector<16xf32>
        %parallel_loop3A_324 = vector.extract_strided_slice %parallel_loop3A_315 {offsets = [1], sizes = [1], strides = [1]} : vector<16xf32> to vector<1xf32>
        %parallel_loop3A_325 = vector.extract %parallel_loop3A_324[0] : f32 from vector<1xf32>
        %parallel_loop3A_326 = arith.index_cast %parallel_loop3A_311 : i32 to index
        %parallel_loop3A_327 = arith.constant 16 : index
        %parallel_loop3A_328 = tpu.vector_load %arg9[%parallel_loop3A_326, %parallel_loop3A_327] {strides = array<i32>} : memref<128x96xf32, #tpu.memory_space<vmem>>, vector<1x16xf32>,
        %parallel_loop3A_329 = vector.shape_cast %parallel_loop3A_328 : vector<1x16xf32> to vector<16xf32>
        %parallel_loop3A_330 = vector.broadcast %parallel_loop3A_325 : f32 to vector<16xf32>
        %parallel_loop3A_331 = arith.mulf %parallel_loop3A_330, %parallel_loop3A_329 : vector<16xf32>
        %parallel_loop3A_332 = vector.extract_strided_slice %parallel_loop3A_315 {offsets = [2], sizes = [1], strides = [1]} : vector<16xf32> to vector<1xf32>
        %parallel_loop3A_333 = vector.extract %parallel_loop3A_332[0] : f32 from vector<1xf32>
        %parallel_loop3A_334 = arith.index_cast %parallel_loop3A_311 : i32 to index
        %parallel_loop3A_335 = arith.constant 32 : index
        %parallel_loop3A_336 = tpu.vector_load %arg9[%parallel_loop3A_334, %parallel_loop3A_335] {strides = array<i32>} : memref<128x96xf32, #tpu.memory_space<vmem>>, vector<1x16xf32>,
        %parallel_loop3A_337 = vector.shape_cast %parallel_loop3A_336 : vector<1x16xf32> to vector<16xf32>
        %parallel_loop3A_338 = vector.broadcast %parallel_loop3A_333 : f32 to vector<16xf32>
        %parallel_loop3A_339 = arith.mulf %parallel_loop3A_338, %parallel_loop3A_337 : vector<16xf32>
        %parallel_loop3A_340 = vector.extract_strided_slice %parallel_loop3A_315 {offsets = [3], sizes = [1], strides = [1]} : vector<16xf32> to vector<1xf32>
        %parallel_loop3A_341 = vector.extract %parallel_loop3A_340[0] : f32 from vector<1xf32>
        %parallel_loop3A_342 = arith.index_cast %parallel_loop3A_311 : i32 to index
        %parallel_loop3A_343 = arith.constant 48 : index
        %parallel_loop3A_344 = tpu.vector_load %arg9[%parallel_loop3A_342, %parallel_loop3A_343] {strides = array<i32>} : memref<128x96xf32, #tpu.memory_space<vmem>>, vector<1x16xf32>,
        %parallel_loop3A_345 = vector.shape_cast %parallel_loop3A_344 : vector<1x16xf32> to vector<16xf32>
        %parallel_loop3A_346 = vector.broadcast %parallel_loop3A_341 : f32 to vector<16xf32>
        %parallel_loop3A_347 = arith.mulf %parallel_loop3A_346, %parallel_loop3A_345 : vector<16xf32>
        %parallel_loop3A_348 = vector.extract_strided_slice %parallel_loop3A_315 {offsets = [4], sizes = [1], strides = [1]} : vector<16xf32> to vector<1xf32>
        %parallel_loop3A_349 = vector.extract %parallel_loop3A_348[0] : f32 from vector<1xf32>
        %parallel_loop3A_350 = arith.index_cast %parallel_loop3A_311 : i32 to index
        %parallel_loop3A_351 = arith.constant 64 : index
        %parallel_loop3A_352 = tpu.vector_load %arg9[%parallel_loop3A_350, %parallel_loop3A_351] {strides = array<i32>} : memref<128x96xf32, #tpu.memory_space<vmem>>, vector<1x16xf32>,
        %parallel_loop3A_353 = vector.shape_cast %parallel_loop3A_352 : vector<1x16xf32> to vector<16xf32>
        %parallel_loop3A_354 = vector.broadcast %parallel_loop3A_349 : f32 to vector<16xf32>
        %parallel_loop3A_355 = arith.mulf %parallel_loop3A_354, %parallel_loop3A_353 : vector<16xf32>
        %parallel_loop3A_356 = arith.index_cast %parallel_loop3A_311 : i32 to index
        %parallel_loop3A_357 = arith.constant 80 : index
        %parallel_loop3A_358 = tpu.vector_load %arg9[%parallel_loop3A_356, %parallel_loop3A_357] {strides = array<i32>} : memref<128x96xf32, #tpu.memory_space<vmem>>, vector<1x16xf32>,
        %parallel_loop3A_359 = vector.shape_cast %parallel_loop3A_358 : vector<1x16xf32> to vector<16xf32>
        %parallel_loop3A_360 = arith.addf %parallel_loop3A_323, %parallel_loop3A_331 : vector<16xf32>
        %parallel_loop3A_361 = arith.addf %parallel_loop3A_339, %parallel_loop3A_347 : vector<16xf32>
        %parallel_loop3A_362 = arith.addf %parallel_loop3A_355, %parallel_loop3A_359 : vector<16xf32>
        %parallel_loop3A_363 = arith.addf %parallel_loop3A_360, %parallel_loop3A_361 : vector<16xf32>
        %parallel_loop3A_364 = arith.addf %parallel_loop3A_363, %parallel_loop3A_362 : vector<16xf32>
        %parallel_loop3A_365 = arith.index_cast %parallel_loop3A_311 : i32 to index
        %parallel_loop3A_366 = arith.constant 0 : index
        %parallel_loop3A_367 = tpu.vector_load %arg13[%parallel_loop3A_365, %parallel_loop3A_366] {strides = array<i32>} : memref<128x16xf32, #tpu.memory_space<vmem>>, vector<1x16xf32>,
        %parallel_loop3A_368 = vector.shape_cast %parallel_loop3A_367 : vector<1x16xf32> to vector<16xf32>
        %parallel_loop3A_369 = vector.shape_cast %parallel_loop3A_364 : vector<16xf32> to vector<1x16xf32>
        tpu.vector_store %arg13[%parallel_loop3A_365, %parallel_loop3A_366], %parallel_loop3A_369 {strides = array<i32>} : memref<128x16xf32, #tpu.memory_space<vmem>>, vector<1x16xf32>,
      } {sc.loop_unroll_factor = 4 : i64, sc.parallel_access}
      %dma_start3A_256 = arith.constant 0 : i32
      %dma_start3A_257 = tpu.memref_slice %arg8[%mul3A_214, %dma_start3A_256] : memref<40x128xi32, #tpu.memory_space<vmem>> -> memref<1x128xi32, #tpu.memory_space<vmem>>
      %dma_start3A_258 = tpu.memref_squeeze %dma_start3A_257 : memref<1x128xi32, #tpu.memory_space<vmem>> -> memref<128xi32, #tpu.memory_space<vmem>>
      %dma_start3A_259 = arith.constant 0 : i32
      %dma_start3A_260 = arith.constant 0 : i32
      %dma_start3A_261 = tpu.memref_slice %arg16[%dma_start3A_259, %dma_start3A_260] : memref<10016x16xf32, #tpu.memory_space<vmem_shared>> -> memref<10016x16xf32, #tpu.memory_space<vmem_shared>>
      tpu.enqueue_indirect_dma source(%arg13 : memref<128x16xf32, #tpu.memory_space<vmem>>) target(%dma_start3A_261 : memref<10016x16xf32, #tpu.memory_space<vmem_shared>>) offsets(%dma_start3A_258 : memref<128xi32, #tpu.memory_space<vmem>>) semaphore(%arg19 : memref<!tpu.dma_semaphore, #tpu.memory_space<semaphore_mem>>) {add = true}
      %add3A_262 = arith.constant 2 : i32
      %add3A_263 = arith.addi %mul3A_214, %add3A_262 : i32
      %dma_start3A_264 = arith.constant 0 : i32
      %dma_start3A_265 = tpu.memref_slice %arg7[%add3A_263, %dma_start3A_264] : memref<40x128xi32, #tpu.memory_space<vmem>> -> memref<1x128xi32, #tpu.memory_space<vmem>>
      %dma_start3A_266 = tpu.memref_squeeze %dma_start3A_265 : memref<1x128xi32, #tpu.memory_space<vmem>> -> memref<128xi32, #tpu.memory_space<vmem>>
      %dma_start3A_267 = arith.constant 0 : i32
      %dma_start3A_268 = arith.constant 0 : i32
      %dma_start3A_269 = tpu.memref_slice %arg2[%dma_start3A_267, %dma_start3A_268] : memref<10000x96xf32, #tpu.memory_space<hbm>> -> memref<10000x96xf32, #tpu.memory_space<hbm>>
      tpu.enqueue_indirect_dma source(%dma_start3A_269 : memref<10000x96xf32, #tpu.memory_space<hbm>>) target(%arg9 : memref<128x96xf32, #tpu.memory_space<vmem>>) offsets(%dma_start3A_266 : memref<128xi32, #tpu.memory_space<vmem>>) semaphore(%arg17 : memref<!tpu.dma_semaphore, #tpu.memory_space<semaphore_mem>>)
      %mul3A_270 = arith.constant 5120 : i32
      %mul3A_271 = arith.muli %add3A, %mul3A_270 : i32
      %mul3A_272 = arith.constant 128 : i32
      %mul3A_273 = arith.muli %add3A_263, %mul3A_272 : i32
      %add3A_274 = arith.addi %mul3A_271, %mul3A_273 : i32
      %dma_start3A_275 = arith.constant 0 : i32
      %dma_start3A_276 = tpu.memref_slice %arg3[%add3A_274, %dma_start3A_275] : memref<163840x16xf32, #tpu.memory_space<hbm>> -> memref<128x16xf32, #tpu.memory_space<hbm>>
      %dma_start3A_277 = arith.constant 0 : i32
      %dma_start3A_278 = tpu.memref_slice %arg3[%add3A_274, %dma_start3A_277] : memref<163840x16xf32, #tpu.memory_space<hbm>> -> memref<128x16xf32, #tpu.memory_space<hbm>>
      tpu.enqueue_dma source(%dma_start3A_278 : memref<128x16xf32, #tpu.memory_space<hbm>>) target(%arg11 : memref<128x16xf32, #tpu.memory_space<vmem>>) target_semaphore(%arg17 : memref<!tpu.dma_semaphore, #tpu.memory_space<semaphore_mem>>)
      %add3A_279 = arith.constant 1 : i32
      %add3A_280 = arith.addi %mul3A_214, %add3A_279 : i32
      %dma_wait3A_281 = arith.constant 0 : i32
      %dma_wait3A_282 = tpu.memref_slice %arg7[%add3A_280, %dma_wait3A_281] : memref<40x128xi32, #tpu.memory_space<vmem>> -> memref<1x128xi32, #tpu.memory_space<vmem>>
      %dma_wait3A_283 = tpu.memref_squeeze %dma_wait3A_282 : memref<1x128xi32, #tpu.memory_space<vmem>> -> memref<128xi32, #tpu.memory_space<vmem>>
      %dma_wait3A_284 = arith.constant 0 : i32
      %dma_wait3A_285 = arith.constant 0 : i32
      %dma_wait3A_286 = tpu.memref_slice %arg2[%dma_wait3A_284, %dma_wait3A_285] : memref<10000x96xf32, #tpu.memory_space<hbm>> -> memref<10000x96xf32, #tpu.memory_space<hbm>>
      tpu.wait_indirect_dma semaphore(%arg18 : memref<!tpu.dma_semaphore, #tpu.memory_space<semaphore_mem>>) src(%dma_wait3A_286 : memref<10000x96xf32, #tpu.memory_space<hbm>>) dst(%arg10 : memref<128x96xf32, #tpu.memory_space<vmem>>)
      %mul3A_287 = arith.constant 5120 : i32
      %mul3A_288 = arith.muli %add3A, %mul3A_287 : i32
      %mul3A_289 = arith.constant 128 : i32
      %mul3A_290 = arith.muli %add3A_280, %mul3A_289 : i32
      %add3A_291 = arith.addi %mul3A_288, %mul3A_290 : i32
      %dma_wait3A_292 = arith.constant 0 : i32
      %dma_wait3A_293 = tpu.memref_slice %arg3[%add3A_291, %dma_wait3A_292] : memref<163840x16xf32, #tpu.memory_space<hbm>> -> memref<128x16xf32, #tpu.memory_space<hbm>>
      %dma_wait3A_294 = arith.constant 0 : i32
      %dma_wait3A_295 = tpu.memref_slice %arg3[%add3A_291, %dma_wait3A_294] : memref<163840x16xf32, #tpu.memory_space<hbm>> -> memref<128x16xf32, #tpu.memory_space<hbm>>
      tpu.wait_dma2 semaphore(%arg18 : memref<!tpu.dma_semaphore, #tpu.memory_space<semaphore_mem>>) src(%dma_wait3A_295 : memref<128x16xf32, #tpu.memory_space<hbm>>) dst(%arg12 : memref<128x16xf32, #tpu.memory_space<vmem>>)
      %dma_wait3A_296 = arith.constant 0 : i32
      %dma_wait3A_297 = tpu.memref_slice %arg8[%add3A_280, %dma_wait3A_296] : memref<40x128xi32, #tpu.memory_space<vmem>> -> memref<1x128xi32, #tpu.memory_space<vmem>>
      %dma_wait3A_298 = tpu.memref_squeeze %dma_wait3A_297 : memref<1x128xi32, #tpu.memory_space<vmem>> -> memref<128xi32, #tpu.memory_space<vmem>>
      %dma_wait3A_299 = arith.constant 0 : i32
      %dma_wait3A_300 = arith.constant 0 : i32
      %dma_wait3A_301 = tpu.memref_slice %arg16[%dma_wait3A_299, %dma_wait3A_300] : memref<10016x16xf32, #tpu.memory_space<vmem_shared>> -> memref<10016x16xf32, #tpu.memory_space<vmem_shared>>
      tpu.wait_indirect_dma semaphore(%arg20 : memref<!tpu.dma_semaphore, #tpu.memory_space<semaphore_mem>>) src(%arg14 : memref<128x16xf32, #tpu.memory_space<vmem>>) dst(%dma_wait3A_301 : memref<10016x16xf32, #tpu.memory_space<vmem_shared>>)
      %parallel_loop3A_302 = arith.constant 0 : i32
      %parallel_loop3A_303 = arith.constant 128 : i32
      %parallel_loop3A_304 = arith.constant 1 : i32
      scf.for %parallel_loop3A_311 = %parallel_loop3A_302 to %parallel_loop3A_303 step %parallel_loop3A_304  : i32 {
        %parallel_loop3A_312 = arith.index_cast %parallel_loop3A_311 : i32 to index
        %parallel_loop3A_313 = arith.constant 0 : index
        %parallel_loop3A_314 = tpu.vector_load %arg12[%parallel_loop3A_312, %parallel_loop3A_313] {strides = array<i32>} : memref<128x16xf32, #tpu.memory_space<vmem>>, vector<1x16xf32>,
        %parallel_loop3A_315 = vector.shape_cast %parallel_loop3A_314 : vector<1x16xf32> to vector<16xf32>
        %parallel_loop3A_316 = vector.extract_strided_slice %parallel_loop3A_315 {offsets = [0], sizes = [1], strides = [1]} : vector<16xf32> to vector<1xf32>
        %parallel_loop3A_317 = vector.extract %parallel_loop3A_316[0] : f32 from vector<1xf32>
        %parallel_loop3A_318 = arith.index_cast %parallel_loop3A_311 : i32 to index
        %parallel_loop3A_319 = arith.constant 0 : index
        %parallel_loop3A_320 = tpu.vector_load %arg10[%parallel_loop3A_318, %parallel_loop3A_319] {strides = array<i32>} : memref<128x96xf32, #tpu.memory_space<vmem>>, vector<1x16xf32>,
        %parallel_loop3A_321 = vector.shape_cast %parallel_loop3A_320 : vector<1x16xf32> to vector<16xf32>
        %parallel_loop3A_322 = vector.broadcast %parallel_loop3A_317 : f32 to vector<16xf32>
        %parallel_loop3A_323 = arith.mulf %parallel_loop3A_322, %parallel_loop3A_321 : vector<16xf32>
        %parallel_loop3A_324 = vector.extract_strided_slice %parallel_loop3A_315 {offsets = [1], sizes = [1], strides = [1]} : vector<16xf32> to vector<1xf32>
        %parallel_loop3A_325 = vector.extract %parallel_loop3A_324[0] : f32 from vector<1xf32>
        %parallel_loop3A_326 = arith.index_cast %parallel_loop3A_311 : i32 to index
        %parallel_loop3A_327 = arith.constant 16 : index
        %parallel_loop3A_328 = tpu.vector_load %arg10[%parallel_loop3A_326, %parallel_loop3A_327] {strides = array<i32>} : memref<128x96xf32, #tpu.memory_space<vmem>>, vector<1x16xf32>,
        %parallel_loop3A_329 = vector.shape_cast %parallel_loop3A_328 : vector<1x16xf32> to vector<16xf32>
        %parallel_loop3A_330 = vector.broadcast %parallel_loop3A_325 : f32 to vector<16xf32>
        %parallel_loop3A_331 = arith.mulf %parallel_loop3A_330, %parallel_loop3A_329 : vector<16xf32>
        %parallel_loop3A_332 = vector.extract_strided_slice %parallel_loop3A_315 {offsets = [2], sizes = [1], strides = [1]} : vector<16xf32> to vector<1xf32>
        %parallel_loop3A_333 = vector.extract %parallel_loop3A_332[0] : f32 from vector<1xf32>
        %parallel_loop3A_334 = arith.index_cast %parallel_loop3A_311 : i32 to index
        %parallel_loop3A_335 = arith.constant 32 : index
        %parallel_loop3A_336 = tpu.vector_load %arg10[%parallel_loop3A_334, %parallel_loop3A_335] {strides = array<i32>} : memref<128x96xf32, #tpu.memory_space<vmem>>, vector<1x16xf32>,
        %parallel_loop3A_337 = vector.shape_cast %parallel_loop3A_336 : vector<1x16xf32> to vector<16xf32>
        %parallel_loop3A_338 = vector.broadcast %parallel_loop3A_333 : f32 to vector<16xf32>
        %parallel_loop3A_339 = arith.mulf %parallel_loop3A_338, %parallel_loop3A_337 : vector<16xf32>
        %parallel_loop3A_340 = vector.extract_strided_slice %parallel_loop3A_315 {offsets = [3], sizes = [1], strides = [1]} : vector<16xf32> to vector<1xf32>
        %parallel_loop3A_341 = vector.extract %parallel_loop3A_340[0] : f32 from vector<1xf32>
        %parallel_loop3A_342 = arith.index_cast %parallel_loop3A_311 : i32 to index
        %parallel_loop3A_343 = arith.constant 48 : index
        %parallel_loop3A_344 = tpu.vector_load %arg10[%parallel_loop3A_342, %parallel_loop3A_343] {strides = array<i32>} : memref<128x96xf32, #tpu.memory_space<vmem>>, vector<1x16xf32>,
        %parallel_loop3A_345 = vector.shape_cast %parallel_loop3A_344 : vector<1x16xf32> to vector<16xf32>
        %parallel_loop3A_346 = vector.broadcast %parallel_loop3A_341 : f32 to vector<16xf32>
        %parallel_loop3A_347 = arith.mulf %parallel_loop3A_346, %parallel_loop3A_345 : vector<16xf32>
        %parallel_loop3A_348 = vector.extract_strided_slice %parallel_loop3A_315 {offsets = [4], sizes = [1], strides = [1]} : vector<16xf32> to vector<1xf32>
        %parallel_loop3A_349 = vector.extract %parallel_loop3A_348[0] : f32 from vector<1xf32>
        %parallel_loop3A_350 = arith.index_cast %parallel_loop3A_311 : i32 to index
        %parallel_loop3A_351 = arith.constant 64 : index
        %parallel_loop3A_352 = tpu.vector_load %arg10[%parallel_loop3A_350, %parallel_loop3A_351] {strides = array<i32>} : memref<128x96xf32, #tpu.memory_space<vmem>>, vector<1x16xf32>,
        %parallel_loop3A_353 = vector.shape_cast %parallel_loop3A_352 : vector<1x16xf32> to vector<16xf32>
        %parallel_loop3A_354 = vector.broadcast %parallel_loop3A_349 : f32 to vector<16xf32>
        %parallel_loop3A_355 = arith.mulf %parallel_loop3A_354, %parallel_loop3A_353 : vector<16xf32>
        %parallel_loop3A_356 = arith.index_cast %parallel_loop3A_311 : i32 to index
        %parallel_loop3A_357 = arith.constant 80 : index
        %parallel_loop3A_358 = tpu.vector_load %arg10[%parallel_loop3A_356, %parallel_loop3A_357] {strides = array<i32>} : memref<128x96xf32, #tpu.memory_space<vmem>>, vector<1x16xf32>,
        %parallel_loop3A_359 = vector.shape_cast %parallel_loop3A_358 : vector<1x16xf32> to vector<16xf32>
        %parallel_loop3A_360 = arith.addf %parallel_loop3A_323, %parallel_loop3A_331 : vector<16xf32>
        %parallel_loop3A_361 = arith.addf %parallel_loop3A_339, %parallel_loop3A_347 : vector<16xf32>
        %parallel_loop3A_362 = arith.addf %parallel_loop3A_355, %parallel_loop3A_359 : vector<16xf32>
        %parallel_loop3A_363 = arith.addf %parallel_loop3A_360, %parallel_loop3A_361 : vector<16xf32>
        %parallel_loop3A_364 = arith.addf %parallel_loop3A_363, %parallel_loop3A_362 : vector<16xf32>
        %parallel_loop3A_365 = arith.index_cast %parallel_loop3A_311 : i32 to index
        %parallel_loop3A_366 = arith.constant 0 : index
        %parallel_loop3A_367 = tpu.vector_load %arg14[%parallel_loop3A_365, %parallel_loop3A_366] {strides = array<i32>} : memref<128x16xf32, #tpu.memory_space<vmem>>, vector<1x16xf32>,
        %parallel_loop3A_368 = vector.shape_cast %parallel_loop3A_367 : vector<1x16xf32> to vector<16xf32>
        %parallel_loop3A_369 = vector.shape_cast %parallel_loop3A_364 : vector<16xf32> to vector<1x16xf32>
        tpu.vector_store %arg14[%parallel_loop3A_365, %parallel_loop3A_366], %parallel_loop3A_369 {strides = array<i32>} : memref<128x16xf32, #tpu.memory_space<vmem>>, vector<1x16xf32>,
      } {sc.loop_unroll_factor = 4 : i64, sc.parallel_access}
      %dma_start3A_305 = arith.constant 0 : i32
      %dma_start3A_306 = tpu.memref_slice %arg8[%add3A_280, %dma_start3A_305] : memref<40x128xi32, #tpu.memory_space<vmem>> -> memref<1x128xi32, #tpu.memory_space<vmem>>
      %dma_start3A_307 = tpu.memref_squeeze %dma_start3A_306 : memref<1x128xi32, #tpu.memory_space<vmem>> -> memref<128xi32, #tpu.memory_space<vmem>>
      %dma_start3A_308 = arith.constant 0 : i32
      %dma_start3A_309 = arith.constant 0 : i32
      %dma_start3A_310 = tpu.memref_slice %arg16[%dma_start3A_308, %dma_start3A_309] : memref<10016x16xf32, #tpu.memory_space<vmem_shared>> -> memref<10016x16xf32, #tpu.memory_space<vmem_shared>>
      tpu.enqueue_indirect_dma source(%arg14 : memref<128x16xf32, #tpu.memory_space<vmem>>) target(%dma_start3A_310 : memref<10016x16xf32, #tpu.memory_space<vmem_shared>>) offsets(%dma_start3A_307 : memref<128xi32, #tpu.memory_space<vmem>>) semaphore(%arg20 : memref<!tpu.dma_semaphore, #tpu.memory_space<semaphore_mem>>) {add = true}
    }
    %scan3A_110 = arith.constant 18 : i32
    %dma_start3A_111 = arith.constant 39 : i32
    %dma_start3A_112 = arith.constant 0 : i32
    %dma_start3A_113 = tpu.memref_slice %arg7[%dma_start3A_111, %dma_start3A_112] : memref<40x128xi32, #tpu.memory_space<vmem>> -> memref<1x128xi32, #tpu.memory_space<vmem>>
    %dma_start3A_114 = tpu.memref_squeeze %dma_start3A_113 : memref<1x128xi32, #tpu.memory_space<vmem>> -> memref<128xi32, #tpu.memory_space<vmem>>
    %dma_start3A_115 = arith.constant 0 : i32
    %dma_start3A_116 = arith.constant 0 : i32
    %dma_start3A_117 = tpu.memref_slice %arg2[%dma_start3A_115, %dma_start3A_116] : memref<10000x96xf32, #tpu.memory_space<hbm>> -> memref<10000x96xf32, #tpu.memory_space<hbm>>
    tpu.enqueue_indirect_dma source(%dma_start3A_117 : memref<10000x96xf32, #tpu.memory_space<hbm>>) target(%arg10 : memref<128x96xf32, #tpu.memory_space<vmem>>) offsets(%dma_start3A_114 : memref<128xi32, #tpu.memory_space<vmem>>) semaphore(%arg18 : memref<!tpu.dma_semaphore, #tpu.memory_space<semaphore_mem>>)
    %mul3A_118 = arith.constant 5120 : i32
    %mul3A_119 = arith.muli %add3A, %mul3A_118 : i32
    %add3A_120 = arith.constant 4992 : i32
    %add3A_121 = arith.addi %mul3A_119, %add3A_120 : i32
    %dma_start3A_122 = arith.constant 0 : i32
    %dma_start3A_123 = tpu.memref_slice %arg3[%add3A_121, %dma_start3A_122] : memref<163840x16xf32, #tpu.memory_space<hbm>> -> memref<128x16xf32, #tpu.memory_space<hbm>>
    %dma_start3A_124 = arith.constant 0 : i32
    %dma_start3A_125 = tpu.memref_slice %arg3[%add3A_121, %dma_start3A_124] : memref<163840x16xf32, #tpu.memory_space<hbm>> -> memref<128x16xf32, #tpu.memory_space<hbm>>
    tpu.enqueue_dma source(%dma_start3A_125 : memref<128x16xf32, #tpu.memory_space<hbm>>) target(%arg12 : memref<128x16xf32, #tpu.memory_space<vmem>>) target_semaphore(%arg18 : memref<!tpu.dma_semaphore, #tpu.memory_space<semaphore_mem>>)
    %dma_wait3A_126 = arith.constant 38 : i32
    %dma_wait3A_127 = arith.constant 0 : i32
    %dma_wait3A_128 = tpu.memref_slice %arg7[%dma_wait3A_126, %dma_wait3A_127] : memref<40x128xi32, #tpu.memory_space<vmem>> -> memref<1x128xi32, #tpu.memory_space<vmem>>
    %dma_wait3A_129 = tpu.memref_squeeze %dma_wait3A_128 : memref<1x128xi32, #tpu.memory_space<vmem>> -> memref<128xi32, #tpu.memory_space<vmem>>
    %dma_wait3A_130 = arith.constant 0 : i32
    %dma_wait3A_131 = arith.constant 0 : i32
    %dma_wait3A_132 = tpu.memref_slice %arg2[%dma_wait3A_130, %dma_wait3A_131] : memref<10000x96xf32, #tpu.memory_space<hbm>> -> memref<10000x96xf32, #tpu.memory_space<hbm>>
    tpu.wait_indirect_dma semaphore(%arg17 : memref<!tpu.dma_semaphore, #tpu.memory_space<semaphore_mem>>) src(%dma_wait3A_132 : memref<10000x96xf32, #tpu.memory_space<hbm>>) dst(%arg9 : memref<128x96xf32, #tpu.memory_space<vmem>>)
    %mul3A_133 = arith.constant 5120 : i32
    %mul3A_134 = arith.muli %add3A, %mul3A_133 : i32
    %add3A_135 = arith.constant 4864 : i32
    %add3A_136 = arith.addi %mul3A_134, %add3A_135 : i32
    %dma_wait3A_137 = arith.constant 0 : i32
    %dma_wait3A_138 = tpu.memref_slice %arg3[%add3A_136, %dma_wait3A_137] : memref<163840x16xf32, #tpu.memory_space<hbm>> -> memref<128x16xf32, #tpu.memory_space<hbm>>
    %dma_wait3A_139 = arith.constant 0 : i32
    %dma_wait3A_140 = tpu.memref_slice %arg3[%add3A_136, %dma_wait3A_139] : memref<163840x16xf32, #tpu.memory_space<hbm>> -> memref<128x16xf32, #tpu.memory_space<hbm>>
    tpu.wait_dma2 semaphore(%arg17 : memref<!tpu.dma_semaphore, #tpu.memory_space<semaphore_mem>>) src(%dma_wait3A_140 : memref<128x16xf32, #tpu.memory_space<hbm>>) dst(%arg11 : memref<128x16xf32, #tpu.memory_space<vmem>>)
    %dma_wait3A_141 = arith.constant 38 : i32
    %dma_wait3A_142 = arith.constant 0 : i32
    %dma_wait3A_143 = tpu.memref_slice %arg8[%dma_wait3A_141, %dma_wait3A_142] : memref<40x128xi32, #tpu.memory_space<vmem>> -> memref<1x128xi32, #tpu.memory_space<vmem>>
    %dma_wait3A_144 = tpu.memref_squeeze %dma_wait3A_143 : memref<1x128xi32, #tpu.memory_space<vmem>> -> memref<128xi32, #tpu.memory_space<vmem>>
    %dma_wait3A_145 = arith.constant 0 : i32
    %dma_wait3A_146 = arith.constant 0 : i32
    %dma_wait3A_147 = tpu.memref_slice %arg16[%dma_wait3A_145, %dma_wait3A_146] : memref<10016x16xf32, #tpu.memory_space<vmem_shared>> -> memref<10016x16xf32, #tpu.memory_space<vmem_shared>>
    tpu.wait_indirect_dma semaphore(%arg19 : memref<!tpu.dma_semaphore, #tpu.memory_space<semaphore_mem>>) src(%arg13 : memref<128x16xf32, #tpu.memory_space<vmem>>) dst(%dma_wait3A_147 : memref<10016x16xf32, #tpu.memory_space<vmem_shared>>)
    %parallel_loop3A_148 = arith.constant 0 : i32
    %parallel_loop3A_149 = arith.constant 128 : i32
    %parallel_loop3A_150 = arith.constant 1 : i32
    scf.for %parallel_loop3A_212 = %parallel_loop3A_148 to %parallel_loop3A_149 step %parallel_loop3A_150  : i32 {
      %parallel_loop3A_213 = arith.index_cast %parallel_loop3A_212 : i32 to index
      %parallel_loop3A_214 = arith.constant 0 : index
      %parallel_loop3A_215 = tpu.vector_load %arg11[%parallel_loop3A_213, %parallel_loop3A_214] {strides = array<i32>} : memref<128x16xf32, #tpu.memory_space<vmem>>, vector<1x16xf32>,
      %parallel_loop3A_216 = vector.shape_cast %parallel_loop3A_215 : vector<1x16xf32> to vector<16xf32>
      %parallel_loop3A_217 = vector.extract_strided_slice %parallel_loop3A_216 {offsets = [0], sizes = [1], strides = [1]} : vector<16xf32> to vector<1xf32>
      %parallel_loop3A_218 = vector.extract %parallel_loop3A_217[0] : f32 from vector<1xf32>
      %parallel_loop3A_219 = arith.index_cast %parallel_loop3A_212 : i32 to index
      %parallel_loop3A_220 = arith.constant 0 : index
      %parallel_loop3A_221 = tpu.vector_load %arg9[%parallel_loop3A_219, %parallel_loop3A_220] {strides = array<i32>} : memref<128x96xf32, #tpu.memory_space<vmem>>, vector<1x16xf32>,
      %parallel_loop3A_222 = vector.shape_cast %parallel_loop3A_221 : vector<1x16xf32> to vector<16xf32>
      %parallel_loop3A_223 = vector.broadcast %parallel_loop3A_218 : f32 to vector<16xf32>
      %parallel_loop3A_224 = arith.mulf %parallel_loop3A_223, %parallel_loop3A_222 : vector<16xf32>
      %parallel_loop3A_225 = vector.extract_strided_slice %parallel_loop3A_216 {offsets = [1], sizes = [1], strides = [1]} : vector<16xf32> to vector<1xf32>
      %parallel_loop3A_226 = vector.extract %parallel_loop3A_225[0] : f32 from vector<1xf32>
      %parallel_loop3A_227 = arith.index_cast %parallel_loop3A_212 : i32 to index
      %parallel_loop3A_228 = arith.constant 16 : index
      %parallel_loop3A_229 = tpu.vector_load %arg9[%parallel_loop3A_227, %parallel_loop3A_228] {strides = array<i32>} : memref<128x96xf32, #tpu.memory_space<vmem>>, vector<1x16xf32>,
      %parallel_loop3A_230 = vector.shape_cast %parallel_loop3A_229 : vector<1x16xf32> to vector<16xf32>
      %parallel_loop3A_231 = vector.broadcast %parallel_loop3A_226 : f32 to vector<16xf32>
      %parallel_loop3A_232 = arith.mulf %parallel_loop3A_231, %parallel_loop3A_230 : vector<16xf32>
      %parallel_loop3A_233 = vector.extract_strided_slice %parallel_loop3A_216 {offsets = [2], sizes = [1], strides = [1]} : vector<16xf32> to vector<1xf32>
      %parallel_loop3A_234 = vector.extract %parallel_loop3A_233[0] : f32 from vector<1xf32>
      %parallel_loop3A_235 = arith.index_cast %parallel_loop3A_212 : i32 to index
      %parallel_loop3A_236 = arith.constant 32 : index
      %parallel_loop3A_237 = tpu.vector_load %arg9[%parallel_loop3A_235, %parallel_loop3A_236] {strides = array<i32>} : memref<128x96xf32, #tpu.memory_space<vmem>>, vector<1x16xf32>,
      %parallel_loop3A_238 = vector.shape_cast %parallel_loop3A_237 : vector<1x16xf32> to vector<16xf32>
      %parallel_loop3A_239 = vector.broadcast %parallel_loop3A_234 : f32 to vector<16xf32>
      %parallel_loop3A_240 = arith.mulf %parallel_loop3A_239, %parallel_loop3A_238 : vector<16xf32>
      %parallel_loop3A_241 = vector.extract_strided_slice %parallel_loop3A_216 {offsets = [3], sizes = [1], strides = [1]} : vector<16xf32> to vector<1xf32>
      %parallel_loop3A_242 = vector.extract %parallel_loop3A_241[0] : f32 from vector<1xf32>
      %parallel_loop3A_243 = arith.index_cast %parallel_loop3A_212 : i32 to index
      %parallel_loop3A_244 = arith.constant 48 : index
      %parallel_loop3A_245 = tpu.vector_load %arg9[%parallel_loop3A_243, %parallel_loop3A_244] {strides = array<i32>} : memref<128x96xf32, #tpu.memory_space<vmem>>, vector<1x16xf32>,
      %parallel_loop3A_246 = vector.shape_cast %parallel_loop3A_245 : vector<1x16xf32> to vector<16xf32>
      %parallel_loop3A_247 = vector.broadcast %parallel_loop3A_242 : f32 to vector<16xf32>
      %parallel_loop3A_248 = arith.mulf %parallel_loop3A_247, %parallel_loop3A_246 : vector<16xf32>
      %parallel_loop3A_249 = vector.extract_strided_slice %parallel_loop3A_216 {offsets = [4], sizes = [1], strides = [1]} : vector<16xf32> to vector<1xf32>
      %parallel_loop3A_250 = vector.extract %parallel_loop3A_249[0] : f32 from vector<1xf32>
      %parallel_loop3A_251 = arith.index_cast %parallel_loop3A_212 : i32 to index
      %parallel_loop3A_252 = arith.constant 64 : index
      %parallel_loop3A_253 = tpu.vector_load %arg9[%parallel_loop3A_251, %parallel_loop3A_252] {strides = array<i32>} : memref<128x96xf32, #tpu.memory_space<vmem>>, vector<1x16xf32>,
      %parallel_loop3A_254 = vector.shape_cast %parallel_loop3A_253 : vector<1x16xf32> to vector<16xf32>
      %parallel_loop3A_255 = vector.broadcast %parallel_loop3A_250 : f32 to vector<16xf32>
      %parallel_loop3A_256 = arith.mulf %parallel_loop3A_255, %parallel_loop3A_254 : vector<16xf32>
      %parallel_loop3A_257 = arith.index_cast %parallel_loop3A_212 : i32 to index
      %parallel_loop3A_258 = arith.constant 80 : index
      %parallel_loop3A_259 = tpu.vector_load %arg9[%parallel_loop3A_257, %parallel_loop3A_258] {strides = array<i32>} : memref<128x96xf32, #tpu.memory_space<vmem>>, vector<1x16xf32>,
      %parallel_loop3A_260 = vector.shape_cast %parallel_loop3A_259 : vector<1x16xf32> to vector<16xf32>
      %parallel_loop3A_261 = arith.addf %parallel_loop3A_224, %parallel_loop3A_232 : vector<16xf32>
      %parallel_loop3A_262 = arith.addf %parallel_loop3A_240, %parallel_loop3A_248 : vector<16xf32>
      %parallel_loop3A_263 = arith.addf %parallel_loop3A_256, %parallel_loop3A_260 : vector<16xf32>
      %parallel_loop3A_264 = arith.addf %parallel_loop3A_261, %parallel_loop3A_262 : vector<16xf32>
      %parallel_loop3A_265 = arith.addf %parallel_loop3A_264, %parallel_loop3A_263 : vector<16xf32>
      %parallel_loop3A_266 = arith.index_cast %parallel_loop3A_212 : i32 to index
      %parallel_loop3A_267 = arith.constant 0 : index
      %parallel_loop3A_268 = tpu.vector_load %arg13[%parallel_loop3A_266, %parallel_loop3A_267] {strides = array<i32>} : memref<128x16xf32, #tpu.memory_space<vmem>>, vector<1x16xf32>,
      %parallel_loop3A_269 = vector.shape_cast %parallel_loop3A_268 : vector<1x16xf32> to vector<16xf32>
      %parallel_loop3A_270 = vector.shape_cast %parallel_loop3A_265 : vector<16xf32> to vector<1x16xf32>
      tpu.vector_store %arg13[%parallel_loop3A_266, %parallel_loop3A_267], %parallel_loop3A_270 {strides = array<i32>} : memref<128x16xf32, #tpu.memory_space<vmem>>, vector<1x16xf32>,
    } {sc.loop_unroll_factor = 4 : i64, sc.parallel_access}
    %dma_start3A_151 = arith.constant 38 : i32
    %dma_start3A_152 = arith.constant 0 : i32
    %dma_start3A_153 = tpu.memref_slice %arg8[%dma_start3A_151, %dma_start3A_152] : memref<40x128xi32, #tpu.memory_space<vmem>> -> memref<1x128xi32, #tpu.memory_space<vmem>>
    %dma_start3A_154 = tpu.memref_squeeze %dma_start3A_153 : memref<1x128xi32, #tpu.memory_space<vmem>> -> memref<128xi32, #tpu.memory_space<vmem>>
    %dma_start3A_155 = arith.constant 0 : i32
    %dma_start3A_156 = arith.constant 0 : i32
    %dma_start3A_157 = tpu.memref_slice %arg16[%dma_start3A_155, %dma_start3A_156] : memref<10016x16xf32, #tpu.memory_space<vmem_shared>> -> memref<10016x16xf32, #tpu.memory_space<vmem_shared>>
    tpu.enqueue_indirect_dma source(%arg13 : memref<128x16xf32, #tpu.memory_space<vmem>>) target(%dma_start3A_157 : memref<10016x16xf32, #tpu.memory_space<vmem_shared>>) offsets(%dma_start3A_154 : memref<128xi32, #tpu.memory_space<vmem>>) semaphore(%arg19 : memref<!tpu.dma_semaphore, #tpu.memory_space<semaphore_mem>>) {add = true}
    %dma_wait3A_158 = arith.constant 39 : i32
    %dma_wait3A_159 = arith.constant 0 : i32
    %dma_wait3A_160 = tpu.memref_slice %arg7[%dma_wait3A_158, %dma_wait3A_159] : memref<40x128xi32, #tpu.memory_space<vmem>> -> memref<1x128xi32, #tpu.memory_space<vmem>>
    %dma_wait3A_161 = tpu.memref_squeeze %dma_wait3A_160 : memref<1x128xi32, #tpu.memory_space<vmem>> -> memref<128xi32, #tpu.memory_space<vmem>>
    %dma_wait3A_162 = arith.constant 0 : i32
    %dma_wait3A_163 = arith.constant 0 : i32
    %dma_wait3A_164 = tpu.memref_slice %arg2[%dma_wait3A_162, %dma_wait3A_163] : memref<10000x96xf32, #tpu.memory_space<hbm>> -> memref<10000x96xf32, #tpu.memory_space<hbm>>
    tpu.wait_indirect_dma semaphore(%arg18 : memref<!tpu.dma_semaphore, #tpu.memory_space<semaphore_mem>>) src(%dma_wait3A_164 : memref<10000x96xf32, #tpu.memory_space<hbm>>) dst(%arg10 : memref<128x96xf32, #tpu.memory_space<vmem>>)
    %mul3A_165 = arith.constant 5120 : i32
    %mul3A_166 = arith.muli %add3A, %mul3A_165 : i32
    %add3A_167 = arith.constant 4992 : i32
    %add3A_168 = arith.addi %mul3A_166, %add3A_167 : i32
    %dma_wait3A_169 = arith.constant 0 : i32
    %dma_wait3A_170 = tpu.memref_slice %arg3[%add3A_168, %dma_wait3A_169] : memref<163840x16xf32, #tpu.memory_space<hbm>> -> memref<128x16xf32, #tpu.memory_space<hbm>>
    %dma_wait3A_171 = arith.constant 0 : i32
    %dma_wait3A_172 = tpu.memref_slice %arg3[%add3A_168, %dma_wait3A_171] : memref<163840x16xf32, #tpu.memory_space<hbm>> -> memref<128x16xf32, #tpu.memory_space<hbm>>
    tpu.wait_dma2 semaphore(%arg18 : memref<!tpu.dma_semaphore, #tpu.memory_space<semaphore_mem>>) src(%dma_wait3A_172 : memref<128x16xf32, #tpu.memory_space<hbm>>) dst(%arg12 : memref<128x16xf32, #tpu.memory_space<vmem>>)
    %dma_wait3A_173 = arith.constant 39 : i32
    %dma_wait3A_174 = arith.constant 0 : i32
    %dma_wait3A_175 = tpu.memref_slice %arg8[%dma_wait3A_173, %dma_wait3A_174] : memref<40x128xi32, #tpu.memory_space<vmem>> -> memref<1x128xi32, #tpu.memory_space<vmem>>
    %dma_wait3A_176 = tpu.memref_squeeze %dma_wait3A_175 : memref<1x128xi32, #tpu.memory_space<vmem>> -> memref<128xi32, #tpu.memory_space<vmem>>
    %dma_wait3A_177 = arith.constant 0 : i32
    %dma_wait3A_178 = arith.constant 0 : i32
    %dma_wait3A_179 = tpu.memref_slice %arg16[%dma_wait3A_177, %dma_wait3A_178] : memref<10016x16xf32, #tpu.memory_space<vmem_shared>> -> memref<10016x16xf32, #tpu.memory_space<vmem_shared>>
    tpu.wait_indirect_dma semaphore(%arg20 : memref<!tpu.dma_semaphore, #tpu.memory_space<semaphore_mem>>) src(%arg14 : memref<128x16xf32, #tpu.memory_space<vmem>>) dst(%dma_wait3A_179 : memref<10016x16xf32, #tpu.memory_space<vmem_shared>>)
    %parallel_loop3A_180 = arith.constant 0 : i32
    %parallel_loop3A_181 = arith.constant 128 : i32
    %parallel_loop3A_182 = arith.constant 1 : i32
    scf.for %parallel_loop3A_212 = %parallel_loop3A_180 to %parallel_loop3A_181 step %parallel_loop3A_182  : i32 {
      %parallel_loop3A_213 = arith.index_cast %parallel_loop3A_212 : i32 to index
      %parallel_loop3A_214 = arith.constant 0 : index
      %parallel_loop3A_215 = tpu.vector_load %arg12[%parallel_loop3A_213, %parallel_loop3A_214] {strides = array<i32>} : memref<128x16xf32, #tpu.memory_space<vmem>>, vector<1x16xf32>,
      %parallel_loop3A_216 = vector.shape_cast %parallel_loop3A_215 : vector<1x16xf32> to vector<16xf32>
      %parallel_loop3A_217 = vector.extract_strided_slice %parallel_loop3A_216 {offsets = [0], sizes = [1], strides = [1]} : vector<16xf32> to vector<1xf32>
      %parallel_loop3A_218 = vector.extract %parallel_loop3A_217[0] : f32 from vector<1xf32>
      %parallel_loop3A_219 = arith.index_cast %parallel_loop3A_212 : i32 to index
      %parallel_loop3A_220 = arith.constant 0 : index
      %parallel_loop3A_221 = tpu.vector_load %arg10[%parallel_loop3A_219, %parallel_loop3A_220] {strides = array<i32>} : memref<128x96xf32, #tpu.memory_space<vmem>>, vector<1x16xf32>,
      %parallel_loop3A_222 = vector.shape_cast %parallel_loop3A_221 : vector<1x16xf32> to vector<16xf32>
      %parallel_loop3A_223 = vector.broadcast %parallel_loop3A_218 : f32 to vector<16xf32>
      %parallel_loop3A_224 = arith.mulf %parallel_loop3A_223, %parallel_loop3A_222 : vector<16xf32>
      %parallel_loop3A_225 = vector.extract_strided_slice %parallel_loop3A_216 {offsets = [1], sizes = [1], strides = [1]} : vector<16xf32> to vector<1xf32>
      %parallel_loop3A_226 = vector.extract %parallel_loop3A_225[0] : f32 from vector<1xf32>
      %parallel_loop3A_227 = arith.index_cast %parallel_loop3A_212 : i32 to index
      %parallel_loop3A_228 = arith.constant 16 : index
      %parallel_loop3A_229 = tpu.vector_load %arg10[%parallel_loop3A_227, %parallel_loop3A_228] {strides = array<i32>} : memref<128x96xf32, #tpu.memory_space<vmem>>, vector<1x16xf32>,
      %parallel_loop3A_230 = vector.shape_cast %parallel_loop3A_229 : vector<1x16xf32> to vector<16xf32>
      %parallel_loop3A_231 = vector.broadcast %parallel_loop3A_226 : f32 to vector<16xf32>
      %parallel_loop3A_232 = arith.mulf %parallel_loop3A_231, %parallel_loop3A_230 : vector<16xf32>
      %parallel_loop3A_233 = vector.extract_strided_slice %parallel_loop3A_216 {offsets = [2], sizes = [1], strides = [1]} : vector<16xf32> to vector<1xf32>
      %parallel_loop3A_234 = vector.extract %parallel_loop3A_233[0] : f32 from vector<1xf32>
      %parallel_loop3A_235 = arith.index_cast %parallel_loop3A_212 : i32 to index
      %parallel_loop3A_236 = arith.constant 32 : index
      %parallel_loop3A_237 = tpu.vector_load %arg10[%parallel_loop3A_235, %parallel_loop3A_236] {strides = array<i32>} : memref<128x96xf32, #tpu.memory_space<vmem>>, vector<1x16xf32>,
      %parallel_loop3A_238 = vector.shape_cast %parallel_loop3A_237 : vector<1x16xf32> to vector<16xf32>
      %parallel_loop3A_239 = vector.broadcast %parallel_loop3A_234 : f32 to vector<16xf32>
      %parallel_loop3A_240 = arith.mulf %parallel_loop3A_239, %parallel_loop3A_238 : vector<16xf32>
      %parallel_loop3A_241 = vector.extract_strided_slice %parallel_loop3A_216 {offsets = [3], sizes = [1], strides = [1]} : vector<16xf32> to vector<1xf32>
      %parallel_loop3A_242 = vector.extract %parallel_loop3A_241[0] : f32 from vector<1xf32>
      %parallel_loop3A_243 = arith.index_cast %parallel_loop3A_212 : i32 to index
      %parallel_loop3A_244 = arith.constant 48 : index
      %parallel_loop3A_245 = tpu.vector_load %arg10[%parallel_loop3A_243, %parallel_loop3A_244] {strides = array<i32>} : memref<128x96xf32, #tpu.memory_space<vmem>>, vector<1x16xf32>,
      %parallel_loop3A_246 = vector.shape_cast %parallel_loop3A_245 : vector<1x16xf32> to vector<16xf32>
      %parallel_loop3A_247 = vector.broadcast %parallel_loop3A_242 : f32 to vector<16xf32>
      %parallel_loop3A_248 = arith.mulf %parallel_loop3A_247, %parallel_loop3A_246 : vector<16xf32>
      %parallel_loop3A_249 = vector.extract_strided_slice %parallel_loop3A_216 {offsets = [4], sizes = [1], strides = [1]} : vector<16xf32> to vector<1xf32>
      %parallel_loop3A_250 = vector.extract %parallel_loop3A_249[0] : f32 from vector<1xf32>
      %parallel_loop3A_251 = arith.index_cast %parallel_loop3A_212 : i32 to index
      %parallel_loop3A_252 = arith.constant 64 : index
      %parallel_loop3A_253 = tpu.vector_load %arg10[%parallel_loop3A_251, %parallel_loop3A_252] {strides = array<i32>} : memref<128x96xf32, #tpu.memory_space<vmem>>, vector<1x16xf32>,
      %parallel_loop3A_254 = vector.shape_cast %parallel_loop3A_253 : vector<1x16xf32> to vector<16xf32>
      %parallel_loop3A_255 = vector.broadcast %parallel_loop3A_250 : f32 to vector<16xf32>
      %parallel_loop3A_256 = arith.mulf %parallel_loop3A_255, %parallel_loop3A_254 : vector<16xf32>
      %parallel_loop3A_257 = arith.index_cast %parallel_loop3A_212 : i32 to index
      %parallel_loop3A_258 = arith.constant 80 : index
      %parallel_loop3A_259 = tpu.vector_load %arg10[%parallel_loop3A_257, %parallel_loop3A_258] {strides = array<i32>} : memref<128x96xf32, #tpu.memory_space<vmem>>, vector<1x16xf32>,
      %parallel_loop3A_260 = vector.shape_cast %parallel_loop3A_259 : vector<1x16xf32> to vector<16xf32>
      %parallel_loop3A_261 = arith.addf %parallel_loop3A_224, %parallel_loop3A_232 : vector<16xf32>
      %parallel_loop3A_262 = arith.addf %parallel_loop3A_240, %parallel_loop3A_248 : vector<16xf32>
      %parallel_loop3A_263 = arith.addf %parallel_loop3A_256, %parallel_loop3A_260 : vector<16xf32>
      %parallel_loop3A_264 = arith.addf %parallel_loop3A_261, %parallel_loop3A_262 : vector<16xf32>
      %parallel_loop3A_265 = arith.addf %parallel_loop3A_264, %parallel_loop3A_263 : vector<16xf32>
      %parallel_loop3A_266 = arith.index_cast %parallel_loop3A_212 : i32 to index
      %parallel_loop3A_267 = arith.constant 0 : index
      %parallel_loop3A_268 = tpu.vector_load %arg14[%parallel_loop3A_266, %parallel_loop3A_267] {strides = array<i32>} : memref<128x16xf32, #tpu.memory_space<vmem>>, vector<1x16xf32>,
      %parallel_loop3A_269 = vector.shape_cast %parallel_loop3A_268 : vector<1x16xf32> to vector<16xf32>
      %parallel_loop3A_270 = vector.shape_cast %parallel_loop3A_265 : vector<16xf32> to vector<1x16xf32>
      tpu.vector_store %arg14[%parallel_loop3A_266, %parallel_loop3A_267], %parallel_loop3A_270 {strides = array<i32>} : memref<128x16xf32, #tpu.memory_space<vmem>>, vector<1x16xf32>,
    } {sc.loop_unroll_factor = 4 : i64, sc.parallel_access}
    %dma_start3A_183 = arith.constant 39 : i32
    %dma_start3A_184 = arith.constant 0 : i32
    %dma_start3A_185 = tpu.memref_slice %arg8[%dma_start3A_183, %dma_start3A_184] : memref<40x128xi32, #tpu.memory_space<vmem>> -> memref<1x128xi32, #tpu.memory_space<vmem>>
    %dma_start3A_186 = tpu.memref_squeeze %dma_start3A_185 : memref<1x128xi32, #tpu.memory_space<vmem>> -> memref<128xi32, #tpu.memory_space<vmem>>
    %dma_start3A_187 = arith.constant 0 : i32
    %dma_start3A_188 = arith.constant 0 : i32
    %dma_start3A_189 = tpu.memref_slice %arg16[%dma_start3A_187, %dma_start3A_188] : memref<10016x16xf32, #tpu.memory_space<vmem_shared>> -> memref<10016x16xf32, #tpu.memory_space<vmem_shared>>
    tpu.enqueue_indirect_dma source(%arg14 : memref<128x16xf32, #tpu.memory_space<vmem>>) target(%dma_start3A_189 : memref<10016x16xf32, #tpu.memory_space<vmem_shared>>) offsets(%dma_start3A_186 : memref<128xi32, #tpu.memory_space<vmem>>) semaphore(%arg20 : memref<!tpu.dma_semaphore, #tpu.memory_space<semaphore_mem>>) {add = true}
    %dma_wait3A_190 = arith.constant 0 : i32
    %dma_wait3A_191 = arith.constant 0 : i32
    %dma_wait3A_192 = tpu.memref_slice %arg8[%dma_wait3A_190, %dma_wait3A_191] : memref<40x128xi32, #tpu.memory_space<vmem>> -> memref<1x128xi32, #tpu.memory_space<vmem>>
    %dma_wait3A_193 = tpu.memref_squeeze %dma_wait3A_192 : memref<1x128xi32, #tpu.memory_space<vmem>> -> memref<128xi32, #tpu.memory_space<vmem>>
    %dma_wait3A_194 = arith.constant 0 : i32
    %dma_wait3A_195 = arith.constant 0 : i32
    %dma_wait3A_196 = tpu.memref_slice %arg16[%dma_wait3A_194, %dma_wait3A_195] : memref<10016x16xf32, #tpu.memory_space<vmem_shared>> -> memref<10016x16xf32, #tpu.memory_space<vmem_shared>>
    tpu.wait_indirect_dma semaphore(%arg19 : memref<!tpu.dma_semaphore, #tpu.memory_space<semaphore_mem>>) src(%arg13 : memref<128x16xf32, #tpu.memory_space<vmem>>) dst(%dma_wait3A_196 : memref<10016x16xf32, #tpu.memory_space<vmem_shared>>)
    %dma_wait3A_197 = arith.constant 0 : i32
    %dma_wait3A_198 = arith.constant 0 : i32
    %dma_wait3A_199 = tpu.memref_slice %arg8[%dma_wait3A_197, %dma_wait3A_198] : memref<40x128xi32, #tpu.memory_space<vmem>> -> memref<1x128xi32, #tpu.memory_space<vmem>>
    %dma_wait3A_200 = tpu.memref_squeeze %dma_wait3A_199 : memref<1x128xi32, #tpu.memory_space<vmem>> -> memref<128xi32, #tpu.memory_space<vmem>>
    %dma_wait3A_201 = arith.constant 0 : i32
    %dma_wait3A_202 = arith.constant 0 : i32
    %dma_wait3A_203 = tpu.memref_slice %arg16[%dma_wait3A_201, %dma_wait3A_202] : memref<10016x16xf32, #tpu.memory_space<vmem_shared>> -> memref<10016x16xf32, #tpu.memory_space<vmem_shared>>
    tpu.wait_indirect_dma semaphore(%arg20 : memref<!tpu.dma_semaphore, #tpu.memory_space<semaphore_mem>>) src(%arg14 : memref<128x16xf32, #tpu.memory_space<vmem>>) dst(%dma_wait3A_203 : memref<10016x16xf32, #tpu.memory_space<vmem_shared>>)
    %barrier3A_204 = arith.constant 0 : index
    tpu.barrier barrier_id(%barrier3A_204)
    %mul3A_205 = arith.constant 626 : i32
    %mul3A_206 = arith.muli %arg1, %mul3A_205 : i32
    %mul3A_207 = arith.constant 10016 : i32
    %mul3A_208 = arith.muli %arg0, %mul3A_207 : i32
    %mul3A_209 = arith.constant 626 : i32
    %mul3A_210 = arith.muli %arg1, %mul3A_209 : i32
    %add3A_211 = arith.addi %mul3A_208, %mul3A_210 : i32
    "tpu.region"() ({
      %run_scoped3A = tpu.sem_alloc : memref<!tpu.dma_semaphore, #tpu.memory_space<semaphore_mem>>
      %dma_start3A_212 = arith.constant 0 : i32
      %dma_start3A_213 = tpu.memref_slice %arg6[%add3A_211, %dma_start3A_212] : memref<20032x16xf32, #tpu.memory_space<hbm>> -> memref<626x16xf32, #tpu.memory_space<hbm>>
      %dma_start3A_214 = arith.constant 0 : i32
      %dma_start3A_215 = tpu.memref_slice %arg16[%mul3A_206, %dma_start3A_214] : memref<10016x16xf32, #tpu.memory_space<vmem_shared>> -> memref<626x16xf32, #tpu.memory_space<vmem_shared>>
      tpu.enqueue_dma source(%dma_start3A_215 : memref<626x16xf32, #tpu.memory_space<vmem_shared>>) target(%dma_start3A_213 : memref<626x16xf32, #tpu.memory_space<hbm>>) target_semaphore(%run_scoped3A : memref<!tpu.dma_semaphore, #tpu.memory_space<semaphore_mem>>)
      %dma_wait3A_216 = arith.constant 0 : i32
      %dma_wait3A_217 = tpu.memref_slice %arg6[%add3A_211, %dma_wait3A_216] : memref<20032x16xf32, #tpu.memory_space<hbm>> -> memref<626x16xf32, #tpu.memory_space<hbm>>
      %dma_wait3A_218 = arith.constant 0 : i32
      %dma_wait3A_219 = tpu.memref_slice %arg16[%mul3A_206, %dma_wait3A_218] : memref<10016x16xf32, #tpu.memory_space<vmem_shared>> -> memref<626x16xf32, #tpu.memory_space<vmem_shared>>
      tpu.wait_dma2 semaphore(%run_scoped3A : memref<!tpu.dma_semaphore, #tpu.memory_space<semaphore_mem>>) src(%dma_wait3A_219 : memref<626x16xf32, #tpu.memory_space<vmem_shared>>) dst(%dma_wait3A_217 : memref<626x16xf32, #tpu.memory_space<hbm>>)
      tpu.yield
    }) : () -> ()
    return
  }
}

module attributes {stable_mosaic.version = 14 : i64} {
  func.func @_pro_body(%arg0: i32, %arg1: memref<2048x16xf32, #tpu.memory_space<vmem>>, %arg2: memref<16x15xf32, #tpu.memory_space<vmem>>, %arg3: memref<1x15xf32, #tpu.memory_space<vmem>>, %arg4: memref<10000x128xf32, #tpu.memory_space<vmem>>, %arg5: memref<128x16xf32, #tpu.memory_space<vmem>>, %arg6: memref<1x16xf32, #tpu.memory_space<vmem>>, %arg7: memref<16x96xf32, #tpu.memory_space<vmem>>, %arg8: memref<2048x16xf32, #tpu.memory_space<vmem>>, %arg9: memref<2048x16xf32, #tpu.memory_space<vmem>>, %arg10: memref<2048x16xf32, #tpu.memory_space<vmem>>, %arg11: memref<10000x16xf32, #tpu.memory_space<vmem>>, %arg12: memref<10000x96xf32, #tpu.memory_space<vmem>>) attributes {dimension_semantics = [#tpu.dimension_semantics<arbitrary>], iteration_bounds = array<i64: 80>, scalar_prefetch = 0 : i64, scratch_operands = 0 : i64, tpu.core_type = #tpu.core_type<tc>, window_params = [{transform_indices = @transform_0, window_bounds = array<i64: 2048, 16>}, {pipeline_mode = #tpu.pipeline_mode<synchronous>, transform_indices = @transform_1, window_bounds = array<i64: 16, 15>}, {pipeline_mode = #tpu.pipeline_mode<synchronous>, transform_indices = @transform_2, window_bounds = array<i64: 1, 15>}, {pipeline_mode = #tpu.pipeline_mode<synchronous>, transform_indices = @transform_3, window_bounds = array<i64: 10000, 128>}, {pipeline_mode = #tpu.pipeline_mode<synchronous>, transform_indices = @transform_4, window_bounds = array<i64: 128, 16>}, {pipeline_mode = #tpu.pipeline_mode<synchronous>, transform_indices = @transform_5, window_bounds = array<i64: 1, 16>}, {pipeline_mode = #tpu.pipeline_mode<synchronous>, transform_indices = @transform_6, window_bounds = array<i64: 16, 96>}, {transform_indices = @transform_7, window_bounds = array<i64: 2048, 16>}, {transform_indices = @transform_8, window_bounds = array<i64: 2048, 16>}, {transform_indices = @transform_9, window_bounds = array<i64: 2048, 16>}, {pipeline_mode = #tpu.pipeline_mode<synchronous>, transform_indices = @transform_10, window_bounds = array<i64: 10000, 16>}, {pipeline_mode = #tpu.pipeline_mode<synchronous>, transform_indices = @transform_11, window_bounds = array<i64: 10000, 96>}]} {
    %get3A = arith.constant 0 : index
    %get3A_0 = arith.constant 0 : index
    %get3A_1 = vector.load %arg1[%get3A, %get3A_0] : memref<2048x16xf32, #tpu.memory_space<vmem>>, vector<2048x16xf32>
    %get3A_2 = arith.constant 0 : index
    %get3A_3 = arith.constant 0 : index
    %get3A_4 = vector.load %arg2[%get3A_2, %get3A_3] : memref<16x15xf32, #tpu.memory_space<vmem>>, vector<16x15xf32>
    %dot_general3A = arith.constant dense<0.000000e+00> : vector<2048x15xf32>
    %dot_general3A_5 = tpu.matmul %get3A_1, %get3A_4, %dot_general3A {dimension_numbers = #tpu.dot_dimension_numbers<[1], [0], [0], [1], [0, 0, 1, 1], [], []>, precision = #tpu.contract_precision<fp32>, transpose_lhs_hint = false} : vector<2048x16xf32>, vector<16x15xf32>, vector<2048x15xf32> -> vector<2048x15xf32>
    %get3A_6 = arith.constant 0 : index
    %get3A_7 = arith.constant 0 : index
    %get3A_8 = vector.load %arg3[%get3A_6, %get3A_7] : memref<1x15xf32, #tpu.memory_space<vmem>>, vector<1x15xf32>
    %add3A = vector.broadcast %get3A_8 : vector<1x15xf32> to vector<2048x15xf32>
    %add3A_9 = arith.addf %dot_general3A_5, %add3A : vector<2048x15xf32>
    %max3A = arith.constant 0.000000e+00 : f32
    %max3A_10 = vector.broadcast %max3A : f32 to vector<2048x15xf32>
    %max3A_11 = arith.maximumf %add3A_9, %max3A_10 : vector<2048x15xf32>
    %broadcast_in_dim3A = arith.constant 1.000000e+00 : f32
    %broadcast_in_dim3A_12 = vector.broadcast %broadcast_in_dim3A : f32 to vector<2048x1xf32>
    %broadcast_in_dim3A_13 = arith.constant 0.000000e+00 : f32
    %broadcast_in_dim3A_14 = vector.broadcast %broadcast_in_dim3A_13 : f32 to vector<2048x10xf32>
    %slice3A = vector.extract_strided_slice %max3A_11 {offsets = [0, 0], sizes = [2048, 5], strides = [1, 1]} : vector<2048x15xf32> to vector<2048x5xf32>
    %concatenate3A = tpu.concatenate %slice3A, %broadcast_in_dim3A_12, %broadcast_in_dim3A_14 in 1 : vector<2048x5xf32>, vector<2048x1xf32>, vector<2048x10xf32> -> vector<2048x16xf32>
    %swap3A = arith.constant 0 : index
    %swap3A_15 = arith.constant 0 : index
    %swap3A_16 = vector.load %arg8[%swap3A, %swap3A_15] : memref<2048x16xf32, #tpu.memory_space<vmem>>, vector<2048x16xf32>
    tpu.vector_store %arg8[%swap3A, %swap3A_15], %concatenate3A {strides = array<i32>} : memref<2048x16xf32, #tpu.memory_space<vmem>>, vector<2048x16xf32>,
    %slice3A_17 = vector.extract_strided_slice %max3A_11 {offsets = [0, 5], sizes = [2048, 5], strides = [1, 1]} : vector<2048x15xf32> to vector<2048x5xf32>
    %concatenate3A_18 = tpu.concatenate %slice3A_17, %broadcast_in_dim3A_12, %broadcast_in_dim3A_14 in 1 : vector<2048x5xf32>, vector<2048x1xf32>, vector<2048x10xf32> -> vector<2048x16xf32>
    %swap3A_19 = arith.constant 0 : index
    %swap3A_20 = arith.constant 0 : index
    %swap3A_21 = vector.load %arg9[%swap3A_19, %swap3A_20] : memref<2048x16xf32, #tpu.memory_space<vmem>>, vector<2048x16xf32>
    tpu.vector_store %arg9[%swap3A_19, %swap3A_20], %concatenate3A_18 {strides = array<i32>} : memref<2048x16xf32, #tpu.memory_space<vmem>>, vector<2048x16xf32>,
    %slice3A_22 = vector.extract_strided_slice %max3A_11 {offsets = [0, 10], sizes = [2048, 5], strides = [1, 1]} : vector<2048x15xf32> to vector<2048x5xf32>
    %concatenate3A_23 = tpu.concatenate %slice3A_22, %broadcast_in_dim3A_12, %broadcast_in_dim3A_14 in 1 : vector<2048x5xf32>, vector<2048x1xf32>, vector<2048x10xf32> -> vector<2048x16xf32>
    %swap3A_24 = arith.constant 0 : index
    %swap3A_25 = arith.constant 0 : index
    %swap3A_26 = vector.load %arg10[%swap3A_24, %swap3A_25] : memref<2048x16xf32, #tpu.memory_space<vmem>>, vector<2048x16xf32>
    tpu.vector_store %arg10[%swap3A_24, %swap3A_25], %concatenate3A_23 {strides = array<i32>} : memref<2048x16xf32, #tpu.memory_space<vmem>>, vector<2048x16xf32>,
    %eq3A = arith.constant 0 : i32
    %eq3A_27 = arith.cmpi eq, %arg0, %eq3A : i32
    %convert_element_type3A = arith.extui %eq3A_27 : i1 to i32
    %cond3A = arith.constant 0 : i32
    %cond3A_28 = arith.cmpi ne, %convert_element_type3A, %cond3A : i32
    scf.if %cond3A_28 {
      %get3A_29 = arith.constant 0 : index
      %get3A_30 = arith.constant 0 : index
      %get3A_31 = vector.load %arg4[%get3A_29, %get3A_30] : memref<10000x128xf32, #tpu.memory_space<vmem>>, vector<10000x128xf32>
      %get3A_32 = arith.constant 0 : index
      %get3A_33 = arith.constant 0 : index
      %get3A_34 = vector.load %arg5[%get3A_32, %get3A_33] : memref<128x16xf32, #tpu.memory_space<vmem>>, vector<128x16xf32>
      %dot_general3A_35 = arith.constant dense<0.000000e+00> : vector<10000x16xf32>
      %dot_general3A_36 = tpu.matmul %get3A_31, %get3A_34, %dot_general3A_35 {dimension_numbers = #tpu.dot_dimension_numbers<[1], [0], [0], [1], [0, 0, 1, 1], [], []>, precision = #tpu.contract_precision<fp32>, transpose_lhs_hint = false} : vector<10000x128xf32>, vector<128x16xf32>, vector<10000x16xf32> -> vector<10000x16xf32>
      %get3A_37 = arith.constant 0 : index
      %get3A_38 = arith.constant 0 : index
      %get3A_39 = vector.load %arg6[%get3A_37, %get3A_38] : memref<1x16xf32, #tpu.memory_space<vmem>>, vector<1x16xf32>
      %add3A_40 = vector.broadcast %get3A_39 : vector<1x16xf32> to vector<10000x16xf32>
      %add3A_41 = arith.addf %dot_general3A_36, %add3A_40 : vector<10000x16xf32>
      %gt3A = arith.constant 0.000000e+00 : f32
      %gt3A_42 = vector.broadcast %gt3A : f32 to vector<10000x16xf32>
      %gt3A_43 = arith.cmpf ogt, %add3A_41, %gt3A_42 : vector<10000x16xf32>
      %mul3A = arith.constant 0.00999999977 : f32
      %mul3A_44 = vector.broadcast %mul3A : f32 to vector<10000x16xf32>
      %mul3A_45 = arith.mulf %mul3A_44, %add3A_41 : vector<10000x16xf32>
      %select_n3A = arith.select %gt3A_43, %add3A_41, %mul3A_45 : vector<10000x16xi1>, vector<10000x16xf32>
      %swap3A_46 = arith.constant 0 : index
      %swap3A_47 = arith.constant 0 : index
      %swap3A_48 = vector.load %arg11[%swap3A_46, %swap3A_47] : memref<10000x16xf32, #tpu.memory_space<vmem>>, vector<10000x16xf32>
      tpu.vector_store %arg11[%swap3A_46, %swap3A_47], %select_n3A {strides = array<i32>} : memref<10000x16xf32, #tpu.memory_space<vmem>>, vector<10000x16xf32>,
      %get3A_49 = arith.constant 0 : index
      %get3A_50 = arith.constant 0 : index
      %get3A_51 = vector.load %arg7[%get3A_49, %get3A_50] : memref<16x96xf32, #tpu.memory_space<vmem>>, vector<16x96xf32>
      %dot_general3A_52 = arith.constant dense<0.000000e+00> : vector<10000x96xf32>
      %dot_general3A_53 = tpu.matmul %select_n3A, %get3A_51, %dot_general3A_52 {dimension_numbers = #tpu.dot_dimension_numbers<[1], [0], [0], [1], [0, 0, 1, 1], [], []>, precision = #tpu.contract_precision<fp32>, transpose_lhs_hint = false} : vector<10000x16xf32>, vector<16x96xf32>, vector<10000x96xf32> -> vector<10000x96xf32>
      %swap3A_54 = arith.constant 0 : index
      %swap3A_55 = arith.constant 0 : index
      %swap3A_56 = vector.load %arg12[%swap3A_54, %swap3A_55] : memref<10000x96xf32, #tpu.memory_space<vmem>>, vector<10000x96xf32>
      tpu.vector_store %arg12[%swap3A_54, %swap3A_55], %dot_general3A_53 {strides = array<i32>} : memref<10000x96xf32, #tpu.memory_space<vmem>>, vector<10000x96xf32>,
    } else {
    }
    return
  }
  func.func @transform_0(%arg0: i32) -> (i32, i32) {
    %c0_i32 = arith.constant 0 : i32
    %c0_i32_0 = arith.constant 0 : i32
    return %arg0, %c0_i32 : i32, i32
  }
  func.func @transform_1(%arg0: i32) -> (i32, i32) {
    %c0_i32 = arith.constant 0 : i32
    %c0_i32_0 = arith.constant 0 : i32
    %c0_i32_1 = arith.constant 0 : i32
    return %c0_i32, %c0_i32_0 : i32, i32
  }
  func.func @transform_2(%arg0: i32) -> (i32, i32) {
    %c0_i32 = arith.constant 0 : i32
    %c0_i32_0 = arith.constant 0 : i32
    %c0_i32_1 = arith.constant 0 : i32
    return %c0_i32, %c0_i32_0 : i32, i32
  }
  func.func @transform_3(%arg0: i32) -> (i32, i32) {
    %c0_i32 = arith.constant 0 : i32
    %c0_i32_0 = arith.constant 0 : i32
    %c0_i32_1 = arith.constant 0 : i32
    return %c0_i32, %c0_i32_0 : i32, i32
  }
  func.func @transform_4(%arg0: i32) -> (i32, i32) {
    %c0_i32 = arith.constant 0 : i32
    %c0_i32_0 = arith.constant 0 : i32
    %c0_i32_1 = arith.constant 0 : i32
    return %c0_i32, %c0_i32_0 : i32, i32
  }
  func.func @transform_5(%arg0: i32) -> (i32, i32) {
    %c0_i32 = arith.constant 0 : i32
    %c0_i32_0 = arith.constant 0 : i32
    %c0_i32_1 = arith.constant 0 : i32
    return %c0_i32, %c0_i32_0 : i32, i32
  }
  func.func @transform_6(%arg0: i32) -> (i32, i32) {
    %c0_i32 = arith.constant 0 : i32
    %c0_i32_0 = arith.constant 0 : i32
    %c0_i32_1 = arith.constant 0 : i32
    return %c0_i32, %c0_i32_0 : i32, i32
  }
  func.func @transform_7(%arg0: i32) -> (i32, i32) {
    %c0_i32 = arith.constant 0 : i32
    %c0_i32_0 = arith.constant 0 : i32
    return %arg0, %c0_i32 : i32, i32
  }
  func.func @transform_8(%arg0: i32) -> (i32, i32) {
    %c0_i32 = arith.constant 0 : i32
    %c0_i32_0 = arith.constant 0 : i32
    return %arg0, %c0_i32 : i32, i32
  }
  func.func @transform_9(%arg0: i32) -> (i32, i32) {
    %c0_i32 = arith.constant 0 : i32
    %c0_i32_0 = arith.constant 0 : i32
    return %arg0, %c0_i32 : i32, i32
  }
  func.func @transform_10(%arg0: i32) -> (i32, i32) {
    %c0_i32 = arith.constant 0 : i32
    %c0_i32_0 = arith.constant 0 : i32
    %c0_i32_1 = arith.constant 0 : i32
    return %c0_i32, %c0_i32_0 : i32, i32
  }
  func.func @transform_11(%arg0: i32) -> (i32, i32) {
    %c0_i32 = arith.constant 0 : i32
    %c0_i32_0 = arith.constant 0 : i32
    %c0_i32_1 = arith.constant 0 : i32
    return %c0_i32, %c0_i32_0 : i32, i32
  }
}

module attributes {stable_mosaic.version = 14 : i64} {
  func.func @_upd_body(%arg0: memref<20032x16xf32, #tpu.memory_space<vmem>>, %arg1: memref<10000x16xf32, #tpu.memory_space<vmem>>, %arg2: memref<16x16xf32, #tpu.memory_space<vmem>>, %arg3: memref<1x16xf32, #tpu.memory_space<vmem>>, %arg4: memref<1x16xf32, #tpu.memory_space<vmem>>, %arg5: memref<1x16xf32, #tpu.memory_space<vmem>>, %arg6: memref<16x96xf32, #tpu.memory_space<vmem>>, %arg7: memref<10000x16xf32, #tpu.memory_space<vmem>>, %arg8: memref<10000x96xf32, #tpu.memory_space<vmem>>) attributes {dimension_semantics = [], scalar_prefetch = 0 : i64, scratch_operands = 0 : i64, tpu.core_type = #tpu.core_type<tc>} {
    %get3A = arith.constant 0 : index
    %get3A_0 = arith.constant 0 : index
    %get3A_1 = vector.load %arg0[%get3A, %get3A_0] : memref<20032x16xf32, #tpu.memory_space<vmem>>, vector<10000x16xf32>
    %get3A_2 = arith.constant 10016 : index
    %get3A_3 = arith.constant 0 : index
    %get3A_4 = vector.load %arg0[%get3A_2, %get3A_3] : memref<20032x16xf32, #tpu.memory_space<vmem>>, vector<10000x16xf32>
    %add3A = arith.addf %get3A_1, %get3A_4 : vector<10000x16xf32>
    %get3A_5 = arith.constant 0 : index
    %get3A_6 = arith.constant 0 : index
    %get3A_7 = vector.load %arg1[%get3A_5, %get3A_6] : memref<10000x16xf32, #tpu.memory_space<vmem>>, vector<10000x16xf32>
    %get3A_8 = arith.constant 0 : index
    %get3A_9 = arith.constant 0 : index
    %get3A_10 = vector.load %arg2[%get3A_8, %get3A_9] : memref<16x16xf32, #tpu.memory_space<vmem>>, vector<16x16xf32>
    %dot_general3A = arith.constant dense<0.000000e+00> : vector<10000x16xf32>
    %dot_general3A_11 = tpu.matmul %get3A_7, %get3A_10, %dot_general3A {dimension_numbers = #tpu.dot_dimension_numbers<[1], [0], [0], [1], [0, 0, 1, 1], [], []>, precision = #tpu.contract_precision<fp32>, transpose_lhs_hint = false} : vector<10000x16xf32>, vector<16x16xf32>, vector<10000x16xf32> -> vector<10000x16xf32>
    %add3A_12 = arith.addf %add3A, %dot_general3A_11 : vector<10000x16xf32>
    %get3A_13 = arith.constant 0 : index
    %get3A_14 = arith.constant 0 : index
    %get3A_15 = vector.load %arg3[%get3A_13, %get3A_14] : memref<1x16xf32, #tpu.memory_space<vmem>>, vector<1x16xf32>
    %add3A_16 = vector.broadcast %get3A_15 : vector<1x16xf32> to vector<10000x16xf32>
    %add3A_17 = arith.addf %add3A_12, %add3A_16 : vector<10000x16xf32>
    %reduce_sum3A = arith.constant dense<0.000000e+00> : vector<16xf32>
    %reduce_sum3A_18 = vector.multi_reduction <add>, %add3A_17, %reduce_sum3A [0] : vector<10000x16xf32> to vector<16xf32>
    %broadcast_in_dim3A = vector.shape_cast %reduce_sum3A_18 : vector<16xf32> to vector<1x16xf32>
    %div3A = arith.constant 1.000000e+04 : f32
    %div3A_19 = vector.broadcast %div3A : f32 to vector<1x16xf32>
    %div3A_20 = arith.divf %broadcast_in_dim3A, %div3A_19 : vector<1x16xf32>
    %sub3A = vector.broadcast %div3A_20 : vector<1x16xf32> to vector<10000x16xf32>
    %sub3A_21 = arith.subf %add3A_17, %sub3A : vector<10000x16xf32>
    %integer_pow3A = arith.mulf %sub3A_21, %sub3A_21 : vector<10000x16xf32>
    %reduce_sum3A_22 = arith.constant dense<0.000000e+00> : vector<16xf32>
    %reduce_sum3A_23 = vector.multi_reduction <add>, %integer_pow3A, %reduce_sum3A_22 [0] : vector<10000x16xf32> to vector<16xf32>
    %broadcast_in_dim3A_24 = vector.shape_cast %reduce_sum3A_23 : vector<16xf32> to vector<1x16xf32>
    %div3A_25 = arith.constant 1.000000e+04 : f32
    %div3A_26 = vector.broadcast %div3A_25 : f32 to vector<1x16xf32>
    %div3A_27 = arith.divf %broadcast_in_dim3A_24, %div3A_26 : vector<1x16xf32>
    %sub3A_28 = vector.broadcast %div3A_20 : vector<1x16xf32> to vector<10000x16xf32>
    %sub3A_29 = arith.subf %add3A_17, %sub3A_28 : vector<10000x16xf32>
    %add3A_30 = arith.constant 9.99999974E-6 : f32
    %add3A_31 = vector.broadcast %add3A_30 : f32 to vector<1x16xf32>
    %add3A_32 = arith.addf %div3A_27, %add3A_31 : vector<1x16xf32>
    %rsqrt3A = math.rsqrt %add3A_32 : vector<1x16xf32>
    %mul3A = vector.broadcast %rsqrt3A : vector<1x16xf32> to vector<10000x16xf32>
    %mul3A_33 = arith.mulf %sub3A_29, %mul3A : vector<10000x16xf32>
    %get3A_34 = arith.constant 0 : index
    %get3A_35 = arith.constant 0 : index
    %get3A_36 = vector.load %arg4[%get3A_34, %get3A_35] : memref<1x16xf32, #tpu.memory_space<vmem>>, vector<1x16xf32>
    %mul3A_37 = vector.broadcast %get3A_36 : vector<1x16xf32> to vector<10000x16xf32>
    %mul3A_38 = arith.mulf %mul3A_33, %mul3A_37 : vector<10000x16xf32>
    %get3A_39 = arith.constant 0 : index
    %get3A_40 = arith.constant 0 : index
    %get3A_41 = vector.load %arg5[%get3A_39, %get3A_40] : memref<1x16xf32, #tpu.memory_space<vmem>>, vector<1x16xf32>
    %add3A_42 = vector.broadcast %get3A_41 : vector<1x16xf32> to vector<10000x16xf32>
    %add3A_43 = arith.addf %mul3A_38, %add3A_42 : vector<10000x16xf32>
    %gt3A = arith.constant 0.000000e+00 : f32
    %gt3A_44 = vector.broadcast %gt3A : f32 to vector<10000x16xf32>
    %gt3A_45 = arith.cmpf ogt, %add3A_43, %gt3A_44 : vector<10000x16xf32>
    %mul3A_46 = arith.constant 0.00999999977 : f32
    %mul3A_47 = vector.broadcast %mul3A_46 : f32 to vector<10000x16xf32>
    %mul3A_48 = arith.mulf %mul3A_47, %add3A_43 : vector<10000x16xf32>
    %select_n3A = arith.select %gt3A_45, %add3A_43, %mul3A_48 : vector<10000x16xi1>, vector<10000x16xf32>
    %swap3A = arith.constant 0 : index
    %swap3A_49 = arith.constant 0 : index
    %swap3A_50 = vector.load %arg7[%swap3A, %swap3A_49] : memref<10000x16xf32, #tpu.memory_space<vmem>>, vector<10000x16xf32>
    tpu.vector_store %arg7[%swap3A, %swap3A_49], %select_n3A {strides = array<i32>} : memref<10000x16xf32, #tpu.memory_space<vmem>>, vector<10000x16xf32>,
    %get3A_51 = arith.constant 0 : index
    %get3A_52 = arith.constant 0 : index
    %get3A_53 = vector.load %arg6[%get3A_51, %get3A_52] : memref<16x96xf32, #tpu.memory_space<vmem>>, vector<16x96xf32>
    %dot_general3A_54 = arith.constant dense<0.000000e+00> : vector<10000x96xf32>
    %dot_general3A_55 = tpu.matmul %select_n3A, %get3A_53, %dot_general3A_54 {dimension_numbers = #tpu.dot_dimension_numbers<[1], [0], [0], [1], [0, 0, 1, 1], [], []>, precision = #tpu.contract_precision<fp32>, transpose_lhs_hint = false} : vector<10000x16xf32>, vector<16x96xf32>, vector<10000x96xf32> -> vector<10000x96xf32>
    %swap3A_56 = arith.constant 0 : index
    %swap3A_57 = arith.constant 0 : index
    %swap3A_58 = vector.load %arg8[%swap3A_56, %swap3A_57] : memref<10000x96xf32, #tpu.memory_space<vmem>>, vector<10000x96xf32>
    tpu.vector_store %arg8[%swap3A_56, %swap3A_57], %dot_general3A_55 {strides = array<i32>} : memref<10000x96xf32, #tpu.memory_space<vmem>>, vector<10000x96xf32>,
    return
  }
}

module attributes {stable_mosaic.version = 14 : i64} {
  func.func @_last_body(%arg0: memref<20032x16xf32, #tpu.memory_space<vmem>>, %arg1: memref<10000x16xf32, #tpu.memory_space<vmem>>, %arg2: memref<16x16xf32, #tpu.memory_space<vmem>>, %arg3: memref<1x16xf32, #tpu.memory_space<vmem>>, %arg4: memref<1x16xf32, #tpu.memory_space<vmem>>, %arg5: memref<1x16xf32, #tpu.memory_space<vmem>>, %arg6: memref<10x1000xi32, #tpu.memory_space<vmem>>, %arg7: memref<1x16xf32, #tpu.memory_space<vmem>>, %arg8: memref<1x1xf32, #tpu.memory_space<vmem>>, %arg9: memref<512x1xf32, #tpu.memory_space<vmem>>) attributes {dimension_semantics = [], scalar_prefetch = 0 : i64, scratch_operands = 0 : i64, tpu.core_type = #tpu.core_type<tc>} {
    %get3A = arith.constant 0 : index
    %get3A_0 = arith.constant 0 : index
    %get3A_1 = vector.load %arg0[%get3A, %get3A_0] : memref<20032x16xf32, #tpu.memory_space<vmem>>, vector<10000x16xf32>
    %get3A_2 = arith.constant 10016 : index
    %get3A_3 = arith.constant 0 : index
    %get3A_4 = vector.load %arg0[%get3A_2, %get3A_3] : memref<20032x16xf32, #tpu.memory_space<vmem>>, vector<10000x16xf32>
    %add3A = arith.addf %get3A_1, %get3A_4 : vector<10000x16xf32>
    %get3A_5 = arith.constant 0 : index
    %get3A_6 = arith.constant 0 : index
    %get3A_7 = vector.load %arg1[%get3A_5, %get3A_6] : memref<10000x16xf32, #tpu.memory_space<vmem>>, vector<10000x16xf32>
    %get3A_8 = arith.constant 0 : index
    %get3A_9 = arith.constant 0 : index
    %get3A_10 = vector.load %arg2[%get3A_8, %get3A_9] : memref<16x16xf32, #tpu.memory_space<vmem>>, vector<16x16xf32>
    %dot_general3A = arith.constant dense<0.000000e+00> : vector<10000x16xf32>
    %dot_general3A_11 = tpu.matmul %get3A_7, %get3A_10, %dot_general3A {dimension_numbers = #tpu.dot_dimension_numbers<[1], [0], [0], [1], [0, 0, 1, 1], [], []>, precision = #tpu.contract_precision<fp32>, transpose_lhs_hint = false} : vector<10000x16xf32>, vector<16x16xf32>, vector<10000x16xf32> -> vector<10000x16xf32>
    %add3A_12 = arith.addf %add3A, %dot_general3A_11 : vector<10000x16xf32>
    %get3A_13 = arith.constant 0 : index
    %get3A_14 = arith.constant 0 : index
    %get3A_15 = vector.load %arg3[%get3A_13, %get3A_14] : memref<1x16xf32, #tpu.memory_space<vmem>>, vector<1x16xf32>
    %add3A_16 = vector.broadcast %get3A_15 : vector<1x16xf32> to vector<10000x16xf32>
    %add3A_17 = arith.addf %add3A_12, %add3A_16 : vector<10000x16xf32>
    %reduce_sum3A = arith.constant dense<0.000000e+00> : vector<16xf32>
    %reduce_sum3A_18 = vector.multi_reduction <add>, %add3A_17, %reduce_sum3A [0] : vector<10000x16xf32> to vector<16xf32>
    %broadcast_in_dim3A = vector.shape_cast %reduce_sum3A_18 : vector<16xf32> to vector<1x16xf32>
    %div3A = arith.constant 1.000000e+04 : f32
    %div3A_19 = vector.broadcast %div3A : f32 to vector<1x16xf32>
    %div3A_20 = arith.divf %broadcast_in_dim3A, %div3A_19 : vector<1x16xf32>
    %sub3A = vector.broadcast %div3A_20 : vector<1x16xf32> to vector<10000x16xf32>
    %sub3A_21 = arith.subf %add3A_17, %sub3A : vector<10000x16xf32>
    %integer_pow3A = arith.mulf %sub3A_21, %sub3A_21 : vector<10000x16xf32>
    %reduce_sum3A_22 = arith.constant dense<0.000000e+00> : vector<16xf32>
    %reduce_sum3A_23 = vector.multi_reduction <add>, %integer_pow3A, %reduce_sum3A_22 [0] : vector<10000x16xf32> to vector<16xf32>
    %broadcast_in_dim3A_24 = vector.shape_cast %reduce_sum3A_23 : vector<16xf32> to vector<1x16xf32>
    %div3A_25 = arith.constant 1.000000e+04 : f32
    %div3A_26 = vector.broadcast %div3A_25 : f32 to vector<1x16xf32>
    %div3A_27 = arith.divf %broadcast_in_dim3A_24, %div3A_26 : vector<1x16xf32>
    %sub3A_28 = vector.broadcast %div3A_20 : vector<1x16xf32> to vector<10000x16xf32>
    %sub3A_29 = arith.subf %add3A_17, %sub3A_28 : vector<10000x16xf32>
    %add3A_30 = arith.constant 9.99999974E-6 : f32
    %add3A_31 = vector.broadcast %add3A_30 : f32 to vector<1x16xf32>
    %add3A_32 = arith.addf %div3A_27, %add3A_31 : vector<1x16xf32>
    %rsqrt3A = math.rsqrt %add3A_32 : vector<1x16xf32>
    %mul3A = vector.broadcast %rsqrt3A : vector<1x16xf32> to vector<10000x16xf32>
    %mul3A_33 = arith.mulf %sub3A_29, %mul3A : vector<10000x16xf32>
    %get3A_34 = arith.constant 0 : index
    %get3A_35 = arith.constant 0 : index
    %get3A_36 = vector.load %arg4[%get3A_34, %get3A_35] : memref<1x16xf32, #tpu.memory_space<vmem>>, vector<1x16xf32>
    %mul3A_37 = vector.broadcast %get3A_36 : vector<1x16xf32> to vector<10000x16xf32>
    %mul3A_38 = arith.mulf %mul3A_33, %mul3A_37 : vector<10000x16xf32>
    %get3A_39 = arith.constant 0 : index
    %get3A_40 = arith.constant 0 : index
    %get3A_41 = vector.load %arg5[%get3A_39, %get3A_40] : memref<1x16xf32, #tpu.memory_space<vmem>>, vector<1x16xf32>
    %add3A_42 = vector.broadcast %get3A_41 : vector<1x16xf32> to vector<10000x16xf32>
    %add3A_43 = arith.addf %mul3A_38, %add3A_42 : vector<10000x16xf32>
    %broadcast_in_dim3A_44 = arith.constant 0.000000e+00 : f32
    %broadcast_in_dim3A_45 = vector.broadcast %broadcast_in_dim3A_44 : f32 to vector<512x16xf32>
    %iota3A = tpu.iota {dimensions = array<i32: 0>} : vector<512x1000xi32>
    %get3A_46 = arith.constant 0 : index
    %get3A_47 = arith.constant 0 : index
    %get3A_48 = vector.load %arg6[%get3A_46, %get3A_47] : memref<10x1000xi32, #tpu.memory_space<vmem>>, vector<1x1000xi32>
    %eq3A = vector.broadcast %get3A_48 : vector<1x1000xi32> to vector<512x1000xi32>
    %eq3A_49 = arith.cmpi eq, %eq3A, %iota3A : vector<512x1000xi32>
    %convert_element_type3A = arith.extui %eq3A_49 : vector<512x1000xi1> to vector<512x1000xi32>
    %convert_element_type3A_50 = arith.sitofp %convert_element_type3A : vector<512x1000xi32> to vector<512x1000xf32>
    %slice3A = vector.extract_strided_slice %add3A_43 {offsets = [0, 0], sizes = [1000, 16], strides = [1, 1]} : vector<10000x16xf32> to vector<1000x16xf32>
    %dot_general3A_51 = arith.constant dense<0.000000e+00> : vector<512x16xf32>
    %dot_general3A_52 = tpu.matmul %convert_element_type3A_50, %slice3A, %dot_general3A_51 {dimension_numbers = #tpu.dot_dimension_numbers<[1], [0], [0], [1], [0, 0, 1, 1], [], []>, precision = #tpu.contract_precision<fp32>, transpose_lhs_hint = false} : vector<512x1000xf32>, vector<1000x16xf32>, vector<512x16xf32> -> vector<512x16xf32>
    %add3A_53 = arith.addf %broadcast_in_dim3A_45, %dot_general3A_52 : vector<512x16xf32>
    %get3A_54 = arith.constant 1 : index
    %get3A_55 = arith.constant 0 : index
    %get3A_56 = vector.load %arg6[%get3A_54, %get3A_55] : memref<10x1000xi32, #tpu.memory_space<vmem>>, vector<1x1000xi32>
    %eq3A_57 = vector.broadcast %get3A_56 : vector<1x1000xi32> to vector<512x1000xi32>
    %eq3A_58 = arith.cmpi eq, %eq3A_57, %iota3A : vector<512x1000xi32>
    %convert_element_type3A_59 = arith.extui %eq3A_58 : vector<512x1000xi1> to vector<512x1000xi32>
    %convert_element_type3A_60 = arith.sitofp %convert_element_type3A_59 : vector<512x1000xi32> to vector<512x1000xf32>
    %slice3A_61 = vector.extract_strided_slice %add3A_43 {offsets = [1000, 0], sizes = [1000, 16], strides = [1, 1]} : vector<10000x16xf32> to vector<1000x16xf32>
    %dot_general3A_62 = arith.constant dense<0.000000e+00> : vector<512x16xf32>
    %dot_general3A_63 = tpu.matmul %convert_element_type3A_60, %slice3A_61, %dot_general3A_62 {dimension_numbers = #tpu.dot_dimension_numbers<[1], [0], [0], [1], [0, 0, 1, 1], [], []>, precision = #tpu.contract_precision<fp32>, transpose_lhs_hint = false} : vector<512x1000xf32>, vector<1000x16xf32>, vector<512x16xf32> -> vector<512x16xf32>
    %add3A_64 = arith.addf %add3A_53, %dot_general3A_63 : vector<512x16xf32>
    %get3A_65 = arith.constant 2 : index
    %get3A_66 = arith.constant 0 : index
    %get3A_67 = vector.load %arg6[%get3A_65, %get3A_66] : memref<10x1000xi32, #tpu.memory_space<vmem>>, vector<1x1000xi32>
    %eq3A_68 = vector.broadcast %get3A_67 : vector<1x1000xi32> to vector<512x1000xi32>
    %eq3A_69 = arith.cmpi eq, %eq3A_68, %iota3A : vector<512x1000xi32>
    %convert_element_type3A_70 = arith.extui %eq3A_69 : vector<512x1000xi1> to vector<512x1000xi32>
    %convert_element_type3A_71 = arith.sitofp %convert_element_type3A_70 : vector<512x1000xi32> to vector<512x1000xf32>
    %slice3A_72 = vector.extract_strided_slice %add3A_43 {offsets = [2000, 0], sizes = [1000, 16], strides = [1, 1]} : vector<10000x16xf32> to vector<1000x16xf32>
    %dot_general3A_73 = arith.constant dense<0.000000e+00> : vector<512x16xf32>
    %dot_general3A_74 = tpu.matmul %convert_element_type3A_71, %slice3A_72, %dot_general3A_73 {dimension_numbers = #tpu.dot_dimension_numbers<[1], [0], [0], [1], [0, 0, 1, 1], [], []>, precision = #tpu.contract_precision<fp32>, transpose_lhs_hint = false} : vector<512x1000xf32>, vector<1000x16xf32>, vector<512x16xf32> -> vector<512x16xf32>
    %add3A_75 = arith.addf %add3A_64, %dot_general3A_74 : vector<512x16xf32>
    %get3A_76 = arith.constant 3 : index
    %get3A_77 = arith.constant 0 : index
    %get3A_78 = vector.load %arg6[%get3A_76, %get3A_77] : memref<10x1000xi32, #tpu.memory_space<vmem>>, vector<1x1000xi32>
    %eq3A_79 = vector.broadcast %get3A_78 : vector<1x1000xi32> to vector<512x1000xi32>
    %eq3A_80 = arith.cmpi eq, %eq3A_79, %iota3A : vector<512x1000xi32>
    %convert_element_type3A_81 = arith.extui %eq3A_80 : vector<512x1000xi1> to vector<512x1000xi32>
    %convert_element_type3A_82 = arith.sitofp %convert_element_type3A_81 : vector<512x1000xi32> to vector<512x1000xf32>
    %slice3A_83 = vector.extract_strided_slice %add3A_43 {offsets = [3000, 0], sizes = [1000, 16], strides = [1, 1]} : vector<10000x16xf32> to vector<1000x16xf32>
    %dot_general3A_84 = arith.constant dense<0.000000e+00> : vector<512x16xf32>
    %dot_general3A_85 = tpu.matmul %convert_element_type3A_82, %slice3A_83, %dot_general3A_84 {dimension_numbers = #tpu.dot_dimension_numbers<[1], [0], [0], [1], [0, 0, 1, 1], [], []>, precision = #tpu.contract_precision<fp32>, transpose_lhs_hint = false} : vector<512x1000xf32>, vector<1000x16xf32>, vector<512x16xf32> -> vector<512x16xf32>
    %add3A_86 = arith.addf %add3A_75, %dot_general3A_85 : vector<512x16xf32>
    %get3A_87 = arith.constant 4 : index
    %get3A_88 = arith.constant 0 : index
    %get3A_89 = vector.load %arg6[%get3A_87, %get3A_88] : memref<10x1000xi32, #tpu.memory_space<vmem>>, vector<1x1000xi32>
    %eq3A_90 = vector.broadcast %get3A_89 : vector<1x1000xi32> to vector<512x1000xi32>
    %eq3A_91 = arith.cmpi eq, %eq3A_90, %iota3A : vector<512x1000xi32>
    %convert_element_type3A_92 = arith.extui %eq3A_91 : vector<512x1000xi1> to vector<512x1000xi32>
    %convert_element_type3A_93 = arith.sitofp %convert_element_type3A_92 : vector<512x1000xi32> to vector<512x1000xf32>
    %slice3A_94 = vector.extract_strided_slice %add3A_43 {offsets = [4000, 0], sizes = [1000, 16], strides = [1, 1]} : vector<10000x16xf32> to vector<1000x16xf32>
    %dot_general3A_95 = arith.constant dense<0.000000e+00> : vector<512x16xf32>
    %dot_general3A_96 = tpu.matmul %convert_element_type3A_93, %slice3A_94, %dot_general3A_95 {dimension_numbers = #tpu.dot_dimension_numbers<[1], [0], [0], [1], [0, 0, 1, 1], [], []>, precision = #tpu.contract_precision<fp32>, transpose_lhs_hint = false} : vector<512x1000xf32>, vector<1000x16xf32>, vector<512x16xf32> -> vector<512x16xf32>
    %add3A_97 = arith.addf %add3A_86, %dot_general3A_96 : vector<512x16xf32>
    %get3A_98 = arith.constant 5 : index
    %get3A_99 = arith.constant 0 : index
    %get3A_100 = vector.load %arg6[%get3A_98, %get3A_99] : memref<10x1000xi32, #tpu.memory_space<vmem>>, vector<1x1000xi32>
    %eq3A_101 = vector.broadcast %get3A_100 : vector<1x1000xi32> to vector<512x1000xi32>
    %eq3A_102 = arith.cmpi eq, %eq3A_101, %iota3A : vector<512x1000xi32>
    %convert_element_type3A_103 = arith.extui %eq3A_102 : vector<512x1000xi1> to vector<512x1000xi32>
    %convert_element_type3A_104 = arith.sitofp %convert_element_type3A_103 : vector<512x1000xi32> to vector<512x1000xf32>
    %slice3A_105 = vector.extract_strided_slice %add3A_43 {offsets = [5000, 0], sizes = [1000, 16], strides = [1, 1]} : vector<10000x16xf32> to vector<1000x16xf32>
    %dot_general3A_106 = arith.constant dense<0.000000e+00> : vector<512x16xf32>
    %dot_general3A_107 = tpu.matmul %convert_element_type3A_104, %slice3A_105, %dot_general3A_106 {dimension_numbers = #tpu.dot_dimension_numbers<[1], [0], [0], [1], [0, 0, 1, 1], [], []>, precision = #tpu.contract_precision<fp32>, transpose_lhs_hint = false} : vector<512x1000xf32>, vector<1000x16xf32>, vector<512x16xf32> -> vector<512x16xf32>
    %add3A_108 = arith.addf %add3A_97, %dot_general3A_107 : vector<512x16xf32>
    %get3A_109 = arith.constant 6 : index
    %get3A_110 = arith.constant 0 : index
    %get3A_111 = vector.load %arg6[%get3A_109, %get3A_110] : memref<10x1000xi32, #tpu.memory_space<vmem>>, vector<1x1000xi32>
    %eq3A_112 = vector.broadcast %get3A_111 : vector<1x1000xi32> to vector<512x1000xi32>
    %eq3A_113 = arith.cmpi eq, %eq3A_112, %iota3A : vector<512x1000xi32>
    %convert_element_type3A_114 = arith.extui %eq3A_113 : vector<512x1000xi1> to vector<512x1000xi32>
    %convert_element_type3A_115 = arith.sitofp %convert_element_type3A_114 : vector<512x1000xi32> to vector<512x1000xf32>
    %slice3A_116 = vector.extract_strided_slice %add3A_43 {offsets = [6000, 0], sizes = [1000, 16], strides = [1, 1]} : vector<10000x16xf32> to vector<1000x16xf32>
    %dot_general3A_117 = arith.constant dense<0.000000e+00> : vector<512x16xf32>
    %dot_general3A_118 = tpu.matmul %convert_element_type3A_115, %slice3A_116, %dot_general3A_117 {dimension_numbers = #tpu.dot_dimension_numbers<[1], [0], [0], [1], [0, 0, 1, 1], [], []>, precision = #tpu.contract_precision<fp32>, transpose_lhs_hint = false} : vector<512x1000xf32>, vector<1000x16xf32>, vector<512x16xf32> -> vector<512x16xf32>
    %add3A_119 = arith.addf %add3A_108, %dot_general3A_118 : vector<512x16xf32>
    %get3A_120 = arith.constant 7 : index
    %get3A_121 = arith.constant 0 : index
    %get3A_122 = vector.load %arg6[%get3A_120, %get3A_121] : memref<10x1000xi32, #tpu.memory_space<vmem>>, vector<1x1000xi32>
    %eq3A_123 = vector.broadcast %get3A_122 : vector<1x1000xi32> to vector<512x1000xi32>
    %eq3A_124 = arith.cmpi eq, %eq3A_123, %iota3A : vector<512x1000xi32>
    %convert_element_type3A_125 = arith.extui %eq3A_124 : vector<512x1000xi1> to vector<512x1000xi32>
    %convert_element_type3A_126 = arith.sitofp %convert_element_type3A_125 : vector<512x1000xi32> to vector<512x1000xf32>
    %slice3A_127 = vector.extract_strided_slice %add3A_43 {offsets = [7000, 0], sizes = [1000, 16], strides = [1, 1]} : vector<10000x16xf32> to vector<1000x16xf32>
    %dot_general3A_128 = arith.constant dense<0.000000e+00> : vector<512x16xf32>
    %dot_general3A_129 = tpu.matmul %convert_element_type3A_126, %slice3A_127, %dot_general3A_128 {dimension_numbers = #tpu.dot_dimension_numbers<[1], [0], [0], [1], [0, 0, 1, 1], [], []>, precision = #tpu.contract_precision<fp32>, transpose_lhs_hint = false} : vector<512x1000xf32>, vector<1000x16xf32>, vector<512x16xf32> -> vector<512x16xf32>
    %add3A_130 = arith.addf %add3A_119, %dot_general3A_129 : vector<512x16xf32>
    %get3A_131 = arith.constant 8 : index
    %get3A_132 = arith.constant 0 : index
    %get3A_133 = vector.load %arg6[%get3A_131, %get3A_132] : memref<10x1000xi32, #tpu.memory_space<vmem>>, vector<1x1000xi32>
    %eq3A_134 = vector.broadcast %get3A_133 : vector<1x1000xi32> to vector<512x1000xi32>
    %eq3A_135 = arith.cmpi eq, %eq3A_134, %iota3A : vector<512x1000xi32>
    %convert_element_type3A_136 = arith.extui %eq3A_135 : vector<512x1000xi1> to vector<512x1000xi32>
    %convert_element_type3A_137 = arith.sitofp %convert_element_type3A_136 : vector<512x1000xi32> to vector<512x1000xf32>
    %slice3A_138 = vector.extract_strided_slice %add3A_43 {offsets = [8000, 0], sizes = [1000, 16], strides = [1, 1]} : vector<10000x16xf32> to vector<1000x16xf32>
    %dot_general3A_139 = arith.constant dense<0.000000e+00> : vector<512x16xf32>
    %dot_general3A_140 = tpu.matmul %convert_element_type3A_137, %slice3A_138, %dot_general3A_139 {dimension_numbers = #tpu.dot_dimension_numbers<[1], [0], [0], [1], [0, 0, 1, 1], [], []>, precision = #tpu.contract_precision<fp32>, transpose_lhs_hint = false} : vector<512x1000xf32>, vector<1000x16xf32>, vector<512x16xf32> -> vector<512x16xf32>
    %add3A_141 = arith.addf %add3A_130, %dot_general3A_140 : vector<512x16xf32>
    %get3A_142 = arith.constant 9 : index
    %get3A_143 = arith.constant 0 : index
    %get3A_144 = vector.load %arg6[%get3A_142, %get3A_143] : memref<10x1000xi32, #tpu.memory_space<vmem>>, vector<1x1000xi32>
    %eq3A_145 = vector.broadcast %get3A_144 : vector<1x1000xi32> to vector<512x1000xi32>
    %eq3A_146 = arith.cmpi eq, %eq3A_145, %iota3A : vector<512x1000xi32>
    %convert_element_type3A_147 = arith.extui %eq3A_146 : vector<512x1000xi1> to vector<512x1000xi32>
    %convert_element_type3A_148 = arith.sitofp %convert_element_type3A_147 : vector<512x1000xi32> to vector<512x1000xf32>
    %slice3A_149 = vector.extract_strided_slice %add3A_43 {offsets = [9000, 0], sizes = [1000, 16], strides = [1, 1]} : vector<10000x16xf32> to vector<1000x16xf32>
    %dot_general3A_150 = arith.constant dense<0.000000e+00> : vector<512x16xf32>
    %dot_general3A_151 = tpu.matmul %convert_element_type3A_148, %slice3A_149, %dot_general3A_150 {dimension_numbers = #tpu.dot_dimension_numbers<[1], [0], [0], [1], [0, 0, 1, 1], [], []>, precision = #tpu.contract_precision<fp32>, transpose_lhs_hint = false} : vector<512x1000xf32>, vector<1000x16xf32>, vector<512x16xf32> -> vector<512x16xf32>
    %add3A_152 = arith.addf %add3A_141, %dot_general3A_151 : vector<512x16xf32>
    %get3A_153 = arith.constant 0 : index
    %get3A_154 = arith.constant 0 : index
    %get3A_155 = vector.load %arg7[%get3A_153, %get3A_154] : memref<1x16xf32, #tpu.memory_space<vmem>>, vector<1x16xf32>
    %mul3A_156 = vector.broadcast %get3A_155 : vector<1x16xf32> to vector<512x16xf32>
    %mul3A_157 = arith.mulf %add3A_152, %mul3A_156 : vector<512x16xf32>
    %reduce_sum3A_158 = arith.constant dense<0.000000e+00> : vector<512xf32>
    %reduce_sum3A_159 = vector.multi_reduction <add>, %mul3A_157, %reduce_sum3A_158 [1] : vector<512x16xf32> to vector<512xf32>
    %broadcast_in_dim3A_160 = vector.shape_cast %reduce_sum3A_159 : vector<512xf32> to vector<512x1xf32>
    %get3A_161 = arith.constant 0 : index
    %get3A_162 = arith.constant 0 : index
    %get3A_163 = vector.load %arg8[%get3A_161, %get3A_162] : memref<1x1xf32, #tpu.memory_space<vmem>>, vector<1x1xf32>
    %add3A_164 = vector.broadcast %get3A_163 : vector<1x1xf32> to vector<512x1xf32>
    %add3A_165 = arith.addf %broadcast_in_dim3A_160, %add3A_164 : vector<512x1xf32>
    %swap3A = arith.constant 0 : index
    %swap3A_166 = arith.constant 0 : index
    %swap3A_167 = vector.load %arg9[%swap3A, %swap3A_166] : memref<512x1xf32, #tpu.memory_space<vmem>>, vector<512x1xf32>
    tpu.vector_store %arg9[%swap3A, %swap3A_166], %add3A_165 {strides = array<i32>} : memref<512x1xf32, #tpu.memory_space<vmem>>, vector<512x1xf32>,
    return
  }
}

</mosaic_0001>

<sc_bundles>
// kernel: kernel.12.cloned.1.call-start
scs
__scs_entry_jumppad:
0x0: {  	(pc) =	sbr.rel $0x88, $3  }
0x1: {  	(tag) =	ssettag $0x0;
	lr =	simm.s32 $0x1  }
0x2: {  	[smem:$0x3F91] =	sst lr;
	_ =	strace $0xD0000000  }
0x3: {  	_ = 	snop  }
0x4: {  	_ = 	snop  }
0x5: {  	_ = 	snop  }
0x6: {  	_ = 	snop  }
0x7: {  	_ = 	snop  }
__scs_overlays_trampoline_lowered:
0x8: {  	[smem:$0x3FA0] =	sst s0  }
0x9: {  	[smem:$0x3FA1] =	sst s1  }
0xa: {  	[smem:$0x3FA2] =	sst s2  }
0xb: {  	[smem:$0x3FA3] =	sst s3  }
0xc: {  	[smem:$0x3FA4] =	sst s4  }
0xd: {  	[smem:$0x3FA5] =	sst s5  }
0xe: {  	[smem:$0x3FA6] =	sst s6  }
0xf: {  	[smem:$0x3FA7] =	sst s7  }
0x10: {  	[smem:$0x3FA8] =	sst s8  }
0x11: {  	[smem:$0x3FA9] =	sst s9;
	s0 =	simm.s32 @!p0 $0x0  }
0x12: {  	s1 =	sld [smem:$0x3F8F];
	s0 =	simm.s32 @p0 $0x1  }
0x13: {  	[smem:$0x3FAA] =	sst s0;
	s0 =	simm.s32 @!p1 $0x0  }
0x14: {  	s2 =	sld [smem:$0x3F8E];
	s0 =	simm.s32 @p1 $0x1  }
0x15: {  	[smem:$0x3FAB] =	sst s0;
	s0 =	simm.s32 @!p2 $0x0  }
0x16: {  	s3 =	sld [smem:$0x3FDB];
	s0 =	simm.s32 @p2 $0x1  }
0x17: {  	s4 =	simm.s32 $0x1BF5;
	[smem:$0x3FAD] =	sst s0  }
0x18: {  	s0 =	sld [smem:$0x3F90];
	_ =	swait.ge [sflag:s4], $0x0  }
0x19: {  	s7 =	sld [smem:$0x3F91]  }
0x1a: {  	s8 =	sadd.s32 $0xFFFFE003, lr  }
0x1b: {  	s9 =	sadd.s32 $0xFFFFFEF7, lr;
	s5 =	simm.s32 $0xFFFFFFFF;
	p2 =	slt.u32 s8, $0xFFFFF086  }
0x1c: {  	p1 =	slt.u32 s9, $0xF7A;
	s5 =	simm.s32 @!p2 $0x0  }
0x1d: {  	s5 =	simm.s32 @p1 $0x1;
	p0 =	seq.s32 s7, s2  }
0x1e: {  	s7 =	smul.u32 @!p0 $0xF7A, s2;
	p2 =	seq.s32 @!p0 s5, $0x0  }
0x1f: {  	s9 =	smul.u32 $0xF7A, s1;
	s8 =	simm.s32 @!p0 $0x1BF5;
	p2 =	por !p2, p0  }
0x20: {  	[sflag:s8] =	ssyncset.s32 @!p0 $0xFFFFF086;
	s6 =	sadd.s32 @!p0 s3, s7;
	s7 =	simm.s32 @!p0 $0x108  }
0x21: {  	s3 =	sadd.s32 s3, s9;
	s6 =	sadd.s32 @!p0 $0x88, s6;
	s7 =	simm.s32 @p2 $0x1082  }
0x22: {  	[simem:s7], [sflag:s8] =	dma.local @!p0 [hbm:s6], $0xF7A  }
0x23: {  	s9 =	sor.u32 $0xD0000000, s2;
	s6 =	simm.s32 $0x108;
	_ =	swait.ge @!p0 [sflag:s8], $0x0  }
0x24: {  	s3 =	sadd.s32 $0x88, s3;
	s6 =	simm.s32 @!p1 $0x1082;
	[sflag:s4] =	ssyncset.s32 $0xFFFFF086  }
0x25: {  	[simem:s6], [sflag:s4] =	dma.local [hbm:s3], $0xF7A  }
0x26: {  	[smem:$0x3F91] =	sst s1;
	(tag) =	ssettag s2;
	_ =	strace s9  }
0x27: {  	s1 =	sld [smem:$0x3FA1]  }
0x28: {  	s2 =	sld [smem:$0x3FA2]  }
0x29: {  	s4 =	sld [smem:$0x3FA4]  }
0x2a: {  	p0 =	seq.s32 s5, $0x0;
	s5 =	sld [smem:$0x3FA5]  }
0x2b: {  	s6 =	sld [smem:$0x3FA6]  }
0x2c: {  	s7 =	sld [smem:$0x3FA7]  }
0x2d: {  	s3 =	simm.s32 $0x108;
	s8 =	sld [smem:$0x3FA8]  }
0x2e: {  	s3 =	simm.s32 @!p0 $0x1082;
	s9 =	sld [smem:$0x3FA9]  }
0x2f: {  	lr =	sadd.s32 s0, s3;
	s0 =	sld [smem:$0x3FA0]  }
0x30: {  	s3 =	sld [smem:$0x3FA3]  }
0x31: {  	[smem:$0x3FAC] =	sst s10  }
0x32: {  	s10 =	sld [smem:$0x3FAA];
	_ =	sdelay $0x3  }
0x33: {  	p0 =	seq.s32 s10, $0x1;
	s10 =	sld [smem:$0x3FAC];
	_ =	sdelay $0x3  }
0x34: {  	[smem:$0x3FAC] =	sst s10  }
0x35: {  	s10 =	sld [smem:$0x3FAB];
	_ =	sdelay $0x3  }
0x36: {  	p1 =	seq.s32 s10, $0x1;
	s10 =	sld [smem:$0x3FAC];
	_ =	sdelay $0x3  }
0x37: {  	[smem:$0x3FAC] =	sst s10  }
0x38: {  	s10 =	sld [smem:$0x3FAD]  }
0x39: {  	_ = 	snop;
	(pc) =	sbr.ind lr, $3  }
0x3a: {  	_ = 	snop  }
0x3b: {  	_ = 	snop  }
0x3c: {  	p2 =	seq.s32 s10, $0x1;
	s10 =	sld [smem:$0x3FAC]  }
0x3d: {  	_ =	shalt  }
0x3e: {  	_ =	shalt  }
0x3f: {  	_ =	shalt  }
0x40: {  	_ =	shalt  }
0x41: {  	_ =	shalt  }
0x42: {  	_ =	shalt  }
0x43: {  	_ =	shalt  }
0x44: {  	_ =	shalt  }
0x45: {  	_ =	shalt  }
0x46: {  	_ =	shalt  }
0x47: {  	_ =	shalt  }
0x48: {  	_ =	shalt  }
0x49: {  	_ =	shalt  }
0x4a: {  	_ =	shalt  }
0x4b: {  	_ =	shalt  }
0x4c: {  	_ =	shalt  }
0x4d: {  	_ =	shalt  }
0x4e: {  	_ =	shalt  }
0x4f: {  	_ =	shalt  }
0x50: {  	_ =	shalt  }
0x51: {  	_ =	shalt  }
0x52: {  	_ =	shalt  }
0x53: {  	_ =	shalt  }
0x54: {  	_ =	shalt  }
0x55: {  	_ =	shalt  }
0x56: {  	_ =	shalt  }
0x57: {  	_ =	shalt  }
0x58: {  	_ =	shalt  }
0x59: {  	_ =	shalt  }
0x5a: {  	_ =	shalt  }
0x5b: {  	_ =	shalt  }
0x5c: {  	_ =	shalt  }
0x5d: {  	_ =	shalt  }
0x5e: {  	_ =	shalt  }
0x5f: {  	_ =	shalt  }
0x60: {  	_ =	shalt  }
0x61: {  	_ =	shalt  }
0x62: {  	_ =	shalt  }
0x63: {  	_ =	shalt  }
0x64: {  	_ =	shalt  }
0x65: {  	_ =	shalt  }
0x66: {  	_ =	shalt  }
0x67: {  	_ =	shalt  }
0x68: {  	_ =	shalt  }
0x69: {  	_ =	shalt  }
0x6a: {  	_ =	shalt  }
0x6b: {  	_ =	shalt  }
0x6c: {  	_ =	shalt  }
0x6d: {  	_ =	shalt  }
0x6e: {  	_ =	shalt  }
0x6f: {  	_ =	shalt  }
0x70: {  	_ =	shalt  }
0x71: {  	_ =	shalt  }
0x72: {  	_ =	shalt  }
0x73: {  	_ =	shalt  }
0x74: {  	_ =	shalt  }
0x75: {  	_ =	shalt  }
0x76: {  	_ =	shalt  }
0x77: {  	_ =	shalt  }
0x78: {  	_ =	shalt  }
0x79: {  	_ =	shalt  }
0x7a: {  	_ =	shalt  }
0x7b: {  	_ =	shalt  }
0x7c: {  	_ =	shalt  }
0x7d: {  	_ =	shalt  }
0x7e: {  	_ =	shalt  }
0x7f: {  	_ =	shalt  }
0x80: {  	_ =	shalt  }
0x81: {  	_ =	shalt  }
0x82: {  	_ =	shalt  }
0x83: {  	_ =	shalt  }
0x84: {  	_ =	shalt  }
0x85: {  	_ =	shalt  }
0x86: {  	_ =	shalt  }
0x87: {  	_ =	shalt  }
.Lfunc_end0:
.L_simem_size_0:
called_computation.1_lowered:
.L_overlay_start_0:
0x88: {  	s2 =	sld [smem:$0x3FD9]  }
0x89: {  	s3 =	sld [smem:$0x3FFE];
	_ =	sdelay $0x1  }
0x8a: {  	s1 =	srdreg.scid  }
0x8b: {  	s0 =	sand.u32 $0x1, s1  }
0x8c: {  	s16 =	sshll.u32 s0, $0xA;
	s2 =	sadd.s32 s3, s2  }
0x8d: {  	s2 =	sadd.s32 s2, s16  }
0x8e: {  	[smem:$0x3FB8] =	sst s2  }
0x8f: {  	_ = 	snop  }
0x90: {  	(tm) =	ssettm $0x1  }
0x91: {  	s17 =	sld [smem:$0x3FFB];
	_ =	sdelay $0x3  }
0x92: {  	_ =	strace s17  }
0x93: {  	s2 =	sld [smem:$0x3FFC];
	_ =	sdelay $0x3  }
0x94: {  	_ =	strace s2  }
0x95: {  	s2 =	sld [smem:$0x3FFD];
	_ =	sdelay $0x3  }
0x96: {  	_ =	strace s2  }
0x97: {  	_ =	strace $0x8FFFFFFF  }
0x98: {  	s18 =	sld [smem:$0x3FDB];
	_ =	sdelay $0x1  }
0x99: {  	s19 =	simm.s32 $_scs_section_size  }
0x9a: {  	s4 =	simm.s32 $_size__tile_overlayer_lowered;
	s5 =	simm.s32 $_tile_overlayer_lowered  }
0x9b: {  	s22 =	simm.s32 $0x1BFF;
	s21 =	sshll.u32 s5, $0x1;
	s2 =	sadd.s32 s19, s18  }
0x9c: {  	s6 =	simm.s32 $0x0;
	s20 =	sshll.u32 s4, $0x1;
	s4 =	sadd.s32 s21, s2  }
0x9d: {  	[timem:s6], [sflag:s22] =	dma.local [hbm:s4], s20  }
0x9e: {  	_ =	swait.ge [sflag:s22], s20  }
0x9f: {  	s3 =	ssub.s32 $0x0, s20;
	[sflag:s22] =	ssyncset.done $0x0  }
0xa0: {  	[sflag:s22] =	ssyncadd.s32 s3;
	_ =	sdelay $0x1  }
0xa1: {  	s23 =	simm.s32 $0x1B8B  }
0xa2: {  	_ =	swait.ge [sflag:s23], $0x1  }
0xa3: {  	[sflag:s23] =	ssyncset.done $0x0  }
0xa4: {  	s25 =	simm.s32 $0x1B8E;
	s24 =	sld [smem:$0x3FFE];
	[sflag:s23] =	ssyncadd.s32 $0xFFFFFFFF  }
0xa5: {  	s26 =	simm.s32 $execute0_lowered;
	[smem:$0x3FD2] =	sst s25  }
0xa6: {  	s4 =	sshll.u32 s26, $0x1;
	_ =	strace $0x80000049;
	[dreg:$0x1] =	wrdreg $0xFFFFFFFF  }
0xa7: {  	s28 =	simm.s32 $_size_execute0_lowered;
	s2 =	sadd.s32 s2, s4;
	[dreg:$0x0] =	wrdreg $0x0  }
0xa8: {  	s4 =	sshll.u32 s28, $0x1;
	[dreg:$0x2] =	wrdreg s2  }
0xa9: {  	[dreg:$0x3] =	wrdreg s4  }
0xaa: {  	[dreg:$0x4] =	wrdreg $0xC0  }
0xab: {  	_ =	task [dreg:s6], $0x5FFFF  }
0xac: {  	[dreg:$0x1] =	wrdreg $0xFFFFFFFF  }
0xad: {  	[dreg:$0x0] =	wrdreg $0x60  }
0xae: {  	[dreg:$0x2] =	wrdreg s24  }
0xaf: {  	[dreg:$0x3] =	wrdreg $0xCF200  }
0xb0: {  	[dreg:$0x4] =	wrdreg $0x9  }
0xb1: {  	_ =	task.clear_ibuf [dreg:s6], $0x5FFFF;
	_ =	strace $0x90000049  }
0xb2: {  	s29 =	simm.s32 $0x9;
	_ =	strace $0x8000004B  }
0xb3: {  	_ =	swait.ge [sflag:s29], $0x1  }
0xb4: {  	[sflag:s29] =	ssyncadd.s32 $0xFFFFFFFF  }
0xb5: {  	_ =	strace $0x9000004B  }
0xb6: {  	_ =	sfence  }
0xb7: {  	s30 =	sld [smem:$0x0];
	_ =	sdelay $0x2  }
0xb8: {  	s31 =	sshll.u32 s1, $0xD;
	s1 =	sshrl.u32 s1, $0x2  }
0xb9: {  	s3 =	sand.u32 $0x4000, s31;
	s1 =	sadd.s32 s1, s30  }
0xba: {  	s0 =	sor.u32 s3, s0;
	s1 =	sshll.u32 s1, $0x11  }
0xbb: {  	s0 =	sor.u32 s1, s0  }
0xbc: {  	s0 =	sadd.s32 $0x8F2B, s0  }
0xbd: {  	[sflag:s0] =	ssyncadd.remote.s32 $0x1  }
0xbe: {  	_ =	sfence.sel $0xFFFF  }
0xbf: {  	[dreg:$0x0] =	wrdreg $0xFFFFFFFF;
	(pc) =	sbr.abs _section_cstart, $3  }
0xc0: {  	[dreg:$0x1] =	wrdreg $0xFFFFFFFF  }
0xc1: {  	_ =	task.clear_ibuf [dreg:s6], $0x2FFFF;
	_ =	strace $0x9FFFFFFF  }
0xc2: {  	(tm) =	ssettm $0x7FFFFFFF  }
0xc3: {  	_ =	shalt  }
tec
execute0_lowered:
.L_overlay_start_1:
0x0: {  	(tag) =	ssettag $0x1  }
0x1: {  	s0 =	srdreg.scid  }
0x2: {  	s10 =	stileid.u32;
	s6 =	rddreg [dreg:$0x0]  }
0x3: {  	s2 =	rddreg [dreg:$0x1];
	s3 =	simm.s32 $0x0;
	s17 =	simm.s32 $0x5  }
0x4: {  	s19 =	simm.s32 $0x80;
	s20 =	simm.s32 $0x2800;
	s28 =	simm.s32 $0x2  }
0x5: {  	s30 =	simm.s32 $0xA000;
	s31 =	simm.s32 $0x3;
	s8 =	smul.u32 $0x4E4, s10  }
0x6: {  	s0 =	sand.u32 $0x1, s0;
	s1 =	sshll.u32 s10, $0x1;
	s21 =	smul.u32 $0x9C80, s10  }
0x7: {  	s16 =	simm.s32 $0x0;
	s1 =	sor.u32 s0, s1;
	s9 =	smul.u32 $0x4E40, s0  }
0x8: {  	[smem:$0x7FF] =	sst s3;
	s4 =	sadd.s32 $0x1400, s6;
	s7 =	smul.u32 $0x280, s1  }
0x9: {  	s5 =	sadd.s32 $0x82800, s6;
	s0 =	ssub.s32 $0x2, s0;
	s22 =	smul.u32 $0x2800, s1  }
0xa: {  	_ =	strace $0x8000004A;
	s23 =	sshrl.u32 s0, $0x1;
	s11 =	smul.u32 $0x14000, s1  }
0xb: {  	s10 =	smul.u32 $0x1400, s1;
	s1 =	simm.s32 $0x4;
	s8 =	sadd.s32 s8, s9  }
0xc: {  	s9 =	sshrl.u32 s21, $0x2;
	s0 =	ssub.s32 s0, s23;
	s21 =	simm.s32 $0x8800  }
0xd: {  	s23 =	simm.s32 $0x9800;
	s7 =	sadd.s32 s7, s6;
	s8 =	sadd.s32 s8, s6  }
0xe: {  	s6 =	sadd.s32 s9, s2;
	s9 =	sadd.s32 s5, s22;
	s25 =	sshrl.u32 s11, $0x3  }
0xf: {  	s15 =	smax.u32 s0, $0x1;
	s11 =	simm.s32 $0x1400;
	s22 =	simm.s32 $0x1  }
0x10: {  	s24 =	sadd.s32 $0x73A00, s7;
	s7 =	sadd.s32 $0x6EA00, s7;
	s26 =	sadd.s32 $0x100, s9  }
0x11: {  	s29 =	sadd.s32 s5, s25;
	s12 =	sadd.s32 $0x200, s9;
	[dreg:$0x3] =	wrdreg s24  }
0x12: {  	s14 =	sadd.s32 $0x78A00, s8;
	s25 =	simm.s32 $0x9000;
	[dreg:$0x4] =	wrdreg s7  }
0x13: {  	v0 =	vimm.f32 $0.0e+00;
	[dreg:$0x5] =	wrdreg s26;
	s13 =	sadd.s32 $0x2700, s29;
	s24 =	simm.s32 $0x5800  }
.LBB2_1:
0x14: {  	s0 =	simm.s32 $0x40;
	s7 =	simm.s32 $0x0  }
.LBB2_2:
0x15: {  	p0 =	sne.s32 s0, $0x9C40;
	[tilespmem:s7+$0xA800] =	vst v0;
	s7 =	smov.u32 s0;
	s0 =	sadd.s32 $0x40, s0  }
.Ltmp0:
0x16: {  	(pc) =	sbr.rel @p0 .LBB2_2-.Ltmp0, $2  }
0x17: {  	_ =	sdelay $0x2  }
0x18: {  	s7 =	sshra.s32 s7, $0x2  }
0x19: {  	[tilespmem:s7+$0xA800] =	vst v0;
	s0 =	simm.s32 $0xA800  }
0x1a: {  	[spmem:s6] =	stream.linear.scatter [tilespmem:s0], [sflag:$0x5], $0x2720, $0x38;
	[tilespmem:$0xF640] =	vst v63  }
0x1b: {  	_ =	swait.ge [sflag:s17], $0x2720  }
0x1c: {  	[sflag:s17] =	ssyncset.done $0x0  }
0x1d: {  	s18 =	rddreg [dreg:$0x3];
	[sflag:s17] =	ssyncadd.s32 $0xFFFFD8E0  }
0x1e: {  	[tilespmem:s3], [sflag:$0x5] =	stream.linear.gather [hbm4b:s18+s3], $0x1400, $0x38;
	[tilespmem:$0xF640] =	vst v63  }
0x1f: {  	_ =	swait.ge [sflag:s17], $0x1400  }
0x20: {  	[sflag:s17] =	ssyncset.done $0x0  }
0x21: {  	s26 =	rddreg [dreg:$0x4];
	[sflag:s17] =	ssyncadd.s32 $0xFFFFEC00  }
0x22: {  	[tilespmem:s11], [sflag:$0x5] =	stream.linear.gather [hbm4b:s26+s3], $0x1400, $0x38;
	[tilespmem:$0xF640] =	vst v63  }
0x23: {  	_ =	swait.ge [sflag:s17], $0x1400  }
0x24: {  	[sflag:s17] =	ssyncset.done $0x0  }
0x25: {  	[sflag:s17] =	ssyncadd.s32 $0xFFFFEC00  }
0x26: {  	[bflag:$0x0] =	sbarrier.arrive $0xFFFF  }
0x27: {  	[tilespmem:s20], [sflag:$0x1] =	stream.indirect.gather [hbm4b:s4+s19], $0x60, s3, s19, $0xb8;
	[tilespmem:$0xF640] =	vst v63  }
0x28: {  	_ = 	snop  }
0x29: {  	[tilespmem:s21], [sflag:$0x1] =	stream.linear.gather [hbm4b:s9+s3], $0x800, $0x38;
	[tilespmem:$0xF640] =	vst v63  }
0x2a: {  	_ =	swait.ge [sflag:s22], $0x3000  }
0x2b: {  	[sflag:s22] =	ssyncset.done $0x0  }
0x2c: {  	[sflag:s22] =	ssyncadd.s32 $0xFFFFD000  }
0x2d: {  	_ =	swait.ge [sflag:s22], $0x800  }
0x2e: {  	[sflag:s22] =	ssyncset.done $0x0  }
0x2f: {  	s29 =	simm.s32 $0x8820;
	[sflag:s22] =	ssyncadd.s32 $0xFFFFF800  }
0x30: {  	s0 =	simm.s32 $0x28C0;
	v1 =	vld [tilespmem:s29+$0x10]  }
0x31: {  	v2 =	vld [tilespmem:s0+$0x60]  }
0x32: {  	v3 =	vld [tilespmem:s0+$0x70]  }
0x33: {  	v6 =	vld [tilespmem:s29+$0xFFFFFFF0]  }
0x34: {  	v9 =	vld [tilespmem:s29+$0x0]  }
0x35: {  	v14 =	vld [tilespmem:s29+$0xFFFFFFE0]  }
0x36: {  	v4 =	vld [tilespmem:s0+$0x80]  }
0x37: {  	v5 =	vld [tilespmem:s0+$0x90];
	v8 =	vbroadcast v1, $0x4;
	v10 =	vbroadcast v1, $0x0  }
0x38: {  	v7 =	vld [tilespmem:s0+$0xA0];
	v11 =	vbroadcast v1, $0x1;
	v13 =	vbroadcast v1, $0x2  }
0x39: {  	v12 =	vld [tilespmem:s0+$0xB0];
	v1 =	vbroadcast v1, $0x3;
	v17 =	vbroadcast v6, $0x3  }
0x3a: {  	v15 =	vld [tilespmem:s0+$0xFFFFFF60];
	v18 =	vbroadcast v9, $0x0;
	v20 =	vbroadcast v14, $0x0  }
0x3b: {  	v16 =	vld [tilespmem:s0+$0xFFFFFF70];
	v21 =	vbroadcast v14, $0x1;
	v23 =	vbroadcast v14, $0x2  }
0x3c: {  	v19 =	vld [tilespmem:s0+$0xFFFFFFA0];
	v24 =	vbroadcast v14, $0x3;
	v58 =	vbroadcast v9, $0x1  }
0x3d: {  	v57 =	vld [tilespmem:s0+$0xFFFFFFD0];
	v26 =	vbroadcast v9, $0x2;
	v61 =	vbroadcast v9, $0x3  }
0x3e: {  	v22 =	vld [tilespmem:s0+$0xFFFFFFB0];
	v2 =	vmul.f32 v2, v10;
	v3 =	vmul.f32 v3, v11  }
0x3f: {  	v10 =	vld [tilespmem:s0+$0xFFFFFF40];
	v4 =	vmul.f32 v4, v13;
	v1 =	vmul.f32 v5, v1  }
0x40: {  	v5 =	vld [tilespmem:s0+$0xFFFFFF50];
	v11 =	vbroadcast v6, $0x0;
	v13 =	vbroadcast v6, $0x1  }
0x41: {  	v25 =	vld [tilespmem:s0+$0xFFFFFFC0];
	v7 =	vmul.f32 v7, v8;
	v8 =	vbroadcast v6, $0x2  }
0x42: {  	v59 =	vld [tilespmem:s0+$0x0];
	v15 =	vmul.f32 v15, v23;
	v17 =	vmul.f32 v57, v17;
	v2 =	vadd.f32 v3, v2  }
0x43: {  	v60 =	vld [tilespmem:s0+$0x10];
	v3 =	vmul.f32 v16, v24;
	v1 =	vadd.f32 v1, v4;
	v4 =	vmul.f32 v19, v11  }
0x44: {  	v11 =	vld [tilespmem:s0+$0x20];
	v7 =	vadd.f32 v12, v7;
	v12 =	vbroadcast v14, $0x4;
	v13 =	vmul.f32 v22, v13  }
0x45: {  	v14 =	vld [tilespmem:s0+$0x30];
	v10 =	vmul.f32 v10, v20;
	v5 =	vmul.f32 v5, v21  }
0x46: {  	v62 =	vld [tilespmem:s0+$0xFFFFFF80];
	v8 =	vmul.f32 v25, v8;
	v1 =	vadd.f32 v1, v2;
	v15 =	vadd.f32 v3, v15  }
0x47: {  	v2 =	vbroadcast v6, $0x4;
	v4 =	vadd.f32 v13, v4;
	v10 =	vadd.f32 v5, v10;
	v5 =	vld [tilespmem:s0+$0xFFFFFFE0]  }
0x48: {  	v3 =	vbroadcast v9, $0x4;
	v9 =	vadd.f32 v17, v8;
	v6 =	vld [tilespmem:s0+$0x40];
	v13 =	vadd.f32 v7, v1  }
0x49: {  	s7 =	simm.s32 $0x9820;
	v63 =	vmul.f32 v59, v18;
	v16 =	vmul.f32 v60, v58;
	v7 =	vld [tilespmem:s0+$0xFFFFFF90]  }
0x4a: {  	v8 =	vld [tilespmem:s0+$0xFFFFFFF0];
	v4 =	vadd.f32 v9, v4;
	v11 =	vmul.f32 v11, v26;
	[tilespmem:s7+$0x10] =	vst v13;
	v13 =	vmul.f32 v14, v61  }
0x4b: {  	s8 =	simm.s32 $0x8860;
	s18 =	simm.s32 $0x0;
	v12 =	vmul.f32 v62, v12;
	v9 =	vld [tilespmem:s0+$0x50];
	v1 =	vadd.f32 v15, v10;
	v10 =	vadd.f32 v16, v63  }
.LBB2_4:
0x4c: {  	v14 =	vld [tilespmem:s8+$0x10];
	v2 =	vmul.f32 v5, v2;
	v5 =	vadd.f32 v13, v11;
	s0 =	sadd.s32 $0x180, s0  }
0x4d: {  	v11 =	vld [tilespmem:s0+$0x60];
	v3 =	vmul.f32 v6, v3  }
0x4e: {  	s18 =	sadd.s32 $0x4, s18;
	v6 =	vld [tilespmem:s0+$0x70];
	v7 =	vadd.f32 v7, v12;
	v5 =	vadd.f32 v5, v10  }
0x4f: {  	p0 =	slt.u32 s18, $0x7C;
	v10 =	vld [tilespmem:s0+$0x80];
	v2 =	vadd.f32 v8, v2  }
0x50: {  	v8 =	vld [tilespmem:s0+$0x90];
	v1 =	vadd.f32 v7, v1;
	v3 =	vadd.f32 v9, v3  }
0x51: {  	v7 =	vld [tilespmem:s8+$0xFFFFFFF0];
	v9 =	vbroadcast v14, $0x4;
	v2 =	vadd.f32 v2, v4  }
0x52: {  	v4 =	vbroadcast v14, $0x0;
	v12 =	vbroadcast v14, $0x1;
	v13 =	vld [tilespmem:s0+$0xA0];
	[tilespmem:s7+$0xFFFFFFE0] =	vst v1;
	v1 =	vadd.f32 v3, v5  }
0x53: {  	v5 =	vbroadcast v14, $0x2;
	v14 =	vbroadcast v14, $0x3;
	v3 =	vld [tilespmem:s8+$0x0];
	[tilespmem:s7+$0xFFFFFFF0] =	vst v2  }
0x54: {  	v2 =	vmul.f32 v11, v4;
	v4 =	vmul.f32 v6, v12;
	v6 =	vld [tilespmem:s0+$0xB0];
	[tilespmem:s7+$0x0] =	vst v1  }
0x55: {  	v5 =	vmul.f32 v10, v5;
	v1 =	vld [tilespmem:s8+$0xFFFFFFE0];
	v8 =	vmul.f32 v8, v14  }
0x56: {  	v10 =	vld [tilespmem:s0+$0xFFFFFF40];
	v11 =	vbroadcast v7, $0x0;
	v12 =	vbroadcast v7, $0x1  }
0x57: {  	v2 =	vadd.f32 v4, v2;
	v14 =	vld [tilespmem:s0+$0xFFFFFF50];
	v9 =	vmul.f32 v13, v9;
	v4 =	vadd.f32 v8, v5  }
0x58: {  	v8 =	vbroadcast v7, $0x2;
	v13 =	vbroadcast v7, $0x3;
	v5 =	vld [tilespmem:s0+$0xFFFFFF60]  }
0x59: {  	v16 =	vbroadcast v3, $0x0;
	v15 =	vld [tilespmem:s0+$0xFFFFFF70];
	v6 =	vadd.f32 v6, v9;
	v2 =	vadd.f32 v4, v2  }
0x5a: {  	v4 =	vbroadcast v1, $0x0;
	v9 =	vbroadcast v1, $0x1;
	v17 =	vld [tilespmem:s0+$0xFFFFFFA0]  }
0x5b: {  	v18 =	vbroadcast v1, $0x2;
	v19 =	vbroadcast v1, $0x3;
	v20 =	vld [tilespmem:s0+$0xFFFFFFB0];
	v2 =	vadd.f32 v6, v2  }
0x5c: {  	s7 =	sadd.s32 $0x40, s7;
	v21 =	vbroadcast v3, $0x1;
	v22 =	vbroadcast v3, $0x2;
	v6 =	vld [tilespmem:s0+$0xFFFFFFC0]  }
0x5d: {  	v23 =	vbroadcast v3, $0x3;
	v4 =	vmul.f32 v10, v4;
	v10 =	vld [tilespmem:s0+$0xFFFFFFD0];
	[tilespmem:s7+$0x10] =	vst v2  }
0x5e: {  	v2 =	vmul.f32 v14, v9;
	v5 =	vmul.f32 v5, v18;
	v9 =	vld [tilespmem:s0+$0x0]  }
0x5f: {  	v14 =	vmul.f32 v15, v19;
	v11 =	vmul.f32 v17, v11;
	v15 =	vld [tilespmem:s0+$0x10]  }
0x60: {  	v17 =	vbroadcast v1, $0x4;
	v1 =	vadd.f32 v2, v4;
	v4 =	vmul.f32 v20, v12;
	v12 =	vld [tilespmem:s0+$0x20]  }
0x61: {  	v2 =	vbroadcast v7, $0x4;
	v5 =	vadd.f32 v14, v5;
	v6 =	vmul.f32 v6, v8;
	v14 =	vld [tilespmem:s0+$0x30]  }
0x62: {  	v3 =	vbroadcast v3, $0x4;
	v18 =	vld [tilespmem:s0+$0xFFFFFF80];
	v7 =	vmul.f32 v10, v13;
	v4 =	vadd.f32 v4, v11  }
.Ltmp1:
0x63: {  	v1 =	vadd.f32 v5, v1;
	v5 =	vld [tilespmem:s0+$0xFFFFFFE0];
	v9 =	vmul.f32 v9, v16;
	(pc) =	sbr.rel @p0 .LBB2_4-.Ltmp1, $4  }
0x64: {  	v10 =	vadd.f32 v7, v6;
	v15 =	vmul.f32 v15, v21;
	v6 =	vld [tilespmem:s0+$0x40]  }
0x65: {  	v7 =	vld [tilespmem:s0+$0xFFFFFF90];
	v11 =	vmul.f32 v12, v22  }
0x66: {  	v8 =	vld [tilespmem:s0+$0xFFFFFFF0];
	v4 =	vadd.f32 v10, v4;
	v13 =	vmul.f32 v14, v23;
	v10 =	vadd.f32 v15, v9  }
0x67: {  	s8 =	sadd.s32 $0x40, s8;
	v12 =	vmul.f32 v18, v17;
	v9 =	vld [tilespmem:s0+$0x50]  }
0x68: {  	_ = 	snop  }
0x69: {  	v2 =	vmul.f32 v5, v2;
	v5 =	vadd.f32 v13, v11  }
0x6a: {  	v3 =	vmul.f32 v6, v3;
	v6 =	vadd.f32 v7, v12  }
0x6b: {  	v5 =	vadd.f32 v5, v10;
	v2 =	vadd.f32 v8, v2  }
0x6c: {  	v1 =	vadd.f32 v6, v1;
	v3 =	vadd.f32 v9, v3  }
0x6d: {  	v2 =	vadd.f32 v2, v4  }
0x6e: {  	[tilespmem:s7+$0xFFFFFFE0] =	vst v1;
	v1 =	vadd.f32 v3, v5  }
0x6f: {  	[tilespmem:s7+$0xFFFFFFF0] =	vst v2  }
0x70: {  	[tilespmem:s7+$0x0] =	vst v1  }
0x71: {  	[spmem:s2] =	stream.indirect.scatter.add.f32 [tilespmem:s23], [sflag:$0x3], $0x10, s11, s19, $0xb8;
	[tilespmem:$0xF640] =	vst v63  }
0x72: {  	_ = 	snop  }
0x73: {  	[tilespmem:s24], [sflag:$0x2] =	stream.indirect.gather [hbm4b:s4+s19], $0x60, s19, s19, $0xb8;
	[tilespmem:$0xF640] =	vst v63  }
0x74: {  	s0 =	rddreg [dreg:$0x5]  }
0x75: {  	[tilespmem:s25], [sflag:$0x2] =	stream.linear.gather [hbm4b:s0+s3], $0x800, $0x38;
	[tilespmem:$0xF640] =	vst v63  }
0x76: {  	s26 =	simm.s32 $0x100  }
0x77: {  	[tilespmem:s20], [sflag:$0x1] =	stream.indirect.gather [hbm4b:s4+s19], $0x60, s26, s19, $0xb8;
	[tilespmem:$0xF640] =	vst v63  }
0x78: {  	_ = 	snop  }
0x79: {  	[tilespmem:s21], [sflag:$0x1] =	stream.linear.gather [hbm4b:s12+s3], $0x800, $0x38;
	[tilespmem:$0xF640] =	vst v63  }
0x7a: {  	_ =	swait.ge [sflag:s28], $0x3000  }
0x7b: {  	[sflag:s28] =	ssyncset.done $0x0  }
0x7c: {  	[sflag:s28] =	ssyncadd.s32 $0xFFFFD000  }
0x7d: {  	_ =	swait.ge [sflag:s28], $0x800  }
0x7e: {  	[sflag:s28] =	ssyncset.done $0x0  }
0x7f: {  	s29 =	simm.s32 $0x9020;
	[sflag:s28] =	ssyncadd.s32 $0xFFFFF800  }
0x80: {  	s0 =	simm.s32 $0x58C0;
	v1 =	vld [tilespmem:s29+$0x10]  }
0x81: {  	v2 =	vld [tilespmem:s0+$0x60]  }
0x82: {  	v3 =	vld [tilespmem:s0+$0x70]  }
0x83: {  	v6 =	vld [tilespmem:s29+$0xFFFFFFF0]  }
0x84: {  	v9 =	vld [tilespmem:s29+$0x0]  }
0x85: {  	v14 =	vld [tilespmem:s29+$0xFFFFFFE0]  }
0x86: {  	v4 =	vld [tilespmem:s0+$0x80]  }
0x87: {  	v5 =	vld [tilespmem:s0+$0x90];
	v8 =	vbroadcast v1, $0x4;
	v10 =	vbroadcast v1, $0x0  }
0x88: {  	v7 =	vld [tilespmem:s0+$0xA0];
	v11 =	vbroadcast v1, $0x1;
	v13 =	vbroadcast v1, $0x2  }
0x89: {  	v12 =	vld [tilespmem:s0+$0xB0];
	v1 =	vbroadcast v1, $0x3;
	v17 =	vbroadcast v6, $0x3  }
0x8a: {  	v15 =	vld [tilespmem:s0+$0xFFFFFF60];
	v18 =	vbroadcast v9, $0x0;
	v20 =	vbroadcast v14, $0x0  }
0x8b: {  	v16 =	vld [tilespmem:s0+$0xFFFFFF70];
	v21 =	vbroadcast v14, $0x1;
	v23 =	vbroadcast v14, $0x2  }
0x8c: {  	v19 =	vld [tilespmem:s0+$0xFFFFFFA0];
	v24 =	vbroadcast v14, $0x3;
	v58 =	vbroadcast v9, $0x1  }
0x8d: {  	v57 =	vld [tilespmem:s0+$0xFFFFFFD0];
	v26 =	vbroadcast v9, $0x2;
	v61 =	vbroadcast v9, $0x3  }
0x8e: {  	v22 =	vld [tilespmem:s0+$0xFFFFFFB0];
	v2 =	vmul.f32 v2, v10;
	v3 =	vmul.f32 v3, v11  }
0x8f: {  	v10 =	vld [tilespmem:s0+$0xFFFFFF40];
	v4 =	vmul.f32 v4, v13;
	v1 =	vmul.f32 v5, v1  }
0x90: {  	v5 =	vld [tilespmem:s0+$0xFFFFFF50];
	v11 =	vbroadcast v6, $0x0;
	v13 =	vbroadcast v6, $0x1  }
0x91: {  	v25 =	vld [tilespmem:s0+$0xFFFFFFC0];
	v7 =	vmul.f32 v7, v8;
	v8 =	vbroadcast v6, $0x2  }
0x92: {  	v59 =	vld [tilespmem:s0+$0x0];
	v15 =	vmul.f32 v15, v23;
	v17 =	vmul.f32 v57, v17;
	v2 =	vadd.f32 v3, v2  }
0x93: {  	v60 =	vld [tilespmem:s0+$0x10];
	v3 =	vmul.f32 v16, v24;
	v1 =	vadd.f32 v1, v4;
	v4 =	vmul.f32 v19, v11  }
0x94: {  	v11 =	vld [tilespmem:s0+$0x20];
	v7 =	vadd.f32 v12, v7;
	v12 =	vbroadcast v14, $0x4;
	v13 =	vmul.f32 v22, v13  }
0x95: {  	v14 =	vld [tilespmem:s0+$0x30];
	v10 =	vmul.f32 v10, v20;
	v5 =	vmul.f32 v5, v21  }
0x96: {  	v62 =	vld [tilespmem:s0+$0xFFFFFF80];
	v8 =	vmul.f32 v25, v8;
	v1 =	vadd.f32 v1, v2;
	v15 =	vadd.f32 v3, v15  }
0x97: {  	v2 =	vbroadcast v6, $0x4;
	v4 =	vadd.f32 v13, v4;
	v10 =	vadd.f32 v5, v10;
	v5 =	vld [tilespmem:s0+$0xFFFFFFE0]  }
0x98: {  	v3 =	vbroadcast v9, $0x4;
	v9 =	vadd.f32 v17, v8;
	v6 =	vld [tilespmem:s0+$0x40];
	v13 =	vadd.f32 v7, v1  }
0x99: {  	s7 =	simm.s32 $0xA020;
	v63 =	vmul.f32 v59, v18;
	v16 =	vmul.f32 v60, v58;
	v7 =	vld [tilespmem:s0+$0xFFFFFF90]  }
0x9a: {  	v8 =	vld [tilespmem:s0+$0xFFFFFFF0];
	v4 =	vadd.f32 v9, v4;
	v11 =	vmul.f32 v11, v26;
	[tilespmem:s7+$0x10] =	vst v13;
	v13 =	vmul.f32 v14, v61  }
0x9b: {  	s18 =	simm.s32 $0x0;
	s8 =	simm.s32 $0x9060;
	v12 =	vmul.f32 v62, v12;
	v9 =	vld [tilespmem:s0+$0x50];
	v1 =	vadd.f32 v15, v10;
	v10 =	vadd.f32 v16, v63  }
.LBB2_6:
0x9c: {  	v14 =	vld [tilespmem:s8+$0x10];
	v2 =	vmul.f32 v5, v2;
	v5 =	vadd.f32 v13, v11;
	s0 =	sadd.s32 $0x180, s0  }
0x9d: {  	v11 =	vld [tilespmem:s0+$0x60];
	v3 =	vmul.f32 v6, v3  }
0x9e: {  	s18 =	sadd.s32 $0x4, s18;
	v6 =	vld [tilespmem:s0+$0x70];
	v7 =	vadd.f32 v7, v12;
	v5 =	vadd.f32 v5, v10  }
0x9f: {  	p0 =	slt.u32 s18, $0x7C;
	v10 =	vld [tilespmem:s0+$0x80];
	v2 =	vadd.f32 v8, v2  }
0xa0: {  	v8 =	vld [tilespmem:s0+$0x90];
	v1 =	vadd.f32 v7, v1;
	v3 =	vadd.f32 v9, v3  }
0xa1: {  	v7 =	vld [tilespmem:s8+$0xFFFFFFF0];
	v9 =	vbroadcast v14, $0x4;
	v2 =	vadd.f32 v2, v4  }
0xa2: {  	v4 =	vbroadcast v14, $0x0;
	v12 =	vbroadcast v14, $0x1;
	v13 =	vld [tilespmem:s0+$0xA0];
	[tilespmem:s7+$0xFFFFFFE0] =	vst v1;
	v1 =	vadd.f32 v3, v5  }
0xa3: {  	v5 =	vbroadcast v14, $0x2;
	v14 =	vbroadcast v14, $0x3;
	v3 =	vld [tilespmem:s8+$0x0];
	[tilespmem:s7+$0xFFFFFFF0] =	vst v2  }
0xa4: {  	v2 =	vmul.f32 v11, v4;
	v4 =	vmul.f32 v6, v12;
	v6 =	vld [tilespmem:s0+$0xB0];
	[tilespmem:s7+$0x0] =	vst v1  }
0xa5: {  	v5 =	vmul.f32 v10, v5;
	v1 =	vld [tilespmem:s8+$0xFFFFFFE0];
	v8 =	vmul.f32 v8, v14  }
0xa6: {  	v10 =	vld [tilespmem:s0+$0xFFFFFF40];
	v11 =	vbroadcast v7, $0x0;
	v12 =	vbroadcast v7, $0x1  }
0xa7: {  	v2 =	vadd.f32 v4, v2;
	v14 =	vld [tilespmem:s0+$0xFFFFFF50];
	v9 =	vmul.f32 v13, v9;
	v4 =	vadd.f32 v8, v5  }
0xa8: {  	v8 =	vbroadcast v7, $0x2;
	v13 =	vbroadcast v7, $0x3;
	v5 =	vld [tilespmem:s0+$0xFFFFFF60]  }
0xa9: {  	v16 =	vbroadcast v3, $0x0;
	v15 =	vld [tilespmem:s0+$0xFFFFFF70];
	v6 =	vadd.f32 v6, v9;
	v2 =	vadd.f32 v4, v2  }
0xaa: {  	v4 =	vbroadcast v1, $0x0;
	v9 =	vbroadcast v1, $0x1;
	v17 =	vld [tilespmem:s0+$0xFFFFFFA0]  }
0xab: {  	v18 =	vbroadcast v1, $0x2;
	v19 =	vbroadcast v1, $0x3;
	v20 =	vld [tilespmem:s0+$0xFFFFFFB0];
	v2 =	vadd.f32 v6, v2  }
0xac: {  	s7 =	sadd.s32 $0x40, s7;
	v21 =	vbroadcast v3, $0x1;
	v22 =	vbroadcast v3, $0x2;
	v6 =	vld [tilespmem:s0+$0xFFFFFFC0]  }
0xad: {  	v23 =	vbroadcast v3, $0x3;
	v4 =	vmul.f32 v10, v4;
	v10 =	vld [tilespmem:s0+$0xFFFFFFD0];
	[tilespmem:s7+$0x10] =	vst v2  }
0xae: {  	v2 =	vmul.f32 v14, v9;
	v5 =	vmul.f32 v5, v18;
	v9 =	vld [tilespmem:s0+$0x0]  }
0xaf: {  	v14 =	vmul.f32 v15, v19;
	v11 =	vmul.f32 v17, v11;
	v15 =	vld [tilespmem:s0+$0x10]  }
0xb0: {  	v17 =	vbroadcast v1, $0x4;
	v1 =	vadd.f32 v2, v4;
	v4 =	vmul.f32 v20, v12;
	v12 =	vld [tilespmem:s0+$0x20]  }
0xb1: {  	v2 =	vbroadcast v7, $0x4;
	v5 =	vadd.f32 v14, v5;
	v6 =	vmul.f32 v6, v8;
	v14 =	vld [tilespmem:s0+$0x30]  }
0xb2: {  	v3 =	vbroadcast v3, $0x4;
	v18 =	vld [tilespmem:s0+$0xFFFFFF80];
	v7 =	vmul.f32 v10, v13;
	v4 =	vadd.f32 v4, v11  }
.Ltmp2:
0xb3: {  	v1 =	vadd.f32 v5, v1;
	v5 =	vld [tilespmem:s0+$0xFFFFFFE0];
	v9 =	vmul.f32 v9, v16;
	(pc) =	sbr.rel @p0 .LBB2_6-.Ltmp2, $4  }
0xb4: {  	v10 =	vadd.f32 v7, v6;
	v15 =	vmul.f32 v15, v21;
	v6 =	vld [tilespmem:s0+$0x40]  }
0xb5: {  	v7 =	vld [tilespmem:s0+$0xFFFFFF90];
	v11 =	vmul.f32 v12, v22  }
0xb6: {  	v8 =	vld [tilespmem:s0+$0xFFFFFFF0];
	v4 =	vadd.f32 v10, v4;
	v13 =	vmul.f32 v14, v23;
	v10 =	vadd.f32 v15, v9  }
0xb7: {  	s8 =	sadd.s32 $0x40, s8;
	v12 =	vmul.f32 v18, v17;
	v9 =	vld [tilespmem:s0+$0x50]  }
0xb8: {  	_ = 	snop  }
0xb9: {  	v2 =	vmul.f32 v5, v2;
	v62 =	vadd.f32 v13, v11  }
0xba: {  	v3 =	vmul.f32 v6, v3;
	v63 =	vadd.f32 v7, v12  }
0xbb: {  	v5 =	vadd.f32 v62, v10;
	v2 =	vadd.f32 v8, v2  }
0xbc: {  	v1 =	vadd.f32 v63, v1;
	v3 =	vadd.f32 v9, v3  }
0xbd: {  	v2 =	vadd.f32 v2, v4  }
0xbe: {  	[tilespmem:s7+$0xFFFFFFE0] =	vst v1;
	v1 =	vadd.f32 v3, v5  }
0xbf: {  	[tilespmem:s7+$0xFFFFFFF0] =	vst v2  }
0xc0: {  	s0 =	simm.s32 $0x1480;
	s26 =	simm.s32 $0x1;
	[tilespmem:s7+$0x0] =	vst v1  }
0xc1: {  	[spmem:s2] =	stream.indirect.scatter.add.f32 [tilespmem:s30], [sflag:$0x4], $0x10, s0, s19, $0xb8;
	[tilespmem:$0xF640] =	vst v63  }
.LBB2_8:
0xc2: {  	s0 =	sshll.u32 s26, $0x8  }
0xc3: {  	s29 =	sor.u32 $0x80, s0  }
0xc4: {  	[tilespmem:s24], [sflag:$0x2] =	stream.indirect.gather [hbm4b:s4+s19], $0x60, s29, s19, $0xb8;
	[tilespmem:$0xF640] =	vst v63  }
0xc5: {  	s7 =	sadd.s32 s10, s29  }
0xc6: {  	s7 =	sshll.u32 s7, $0x1  }
0xc7: {  	s7 =	sand.u32 $0x1FFFFF00, s7  }
0xc8: {  	s7 =	sadd.s32 s5, s7  }
0xc9: {  	[tilespmem:s25], [sflag:$0x2] =	stream.linear.gather [hbm4b:s7+s3], $0x800, $0x38;
	[tilespmem:$0xF640] =	vst v63  }
0xca: {  	_ =	swait.ge [sflag:s22], $0x3000  }
0xcb: {  	[sflag:s22] =	ssyncset.done $0x0  }
0xcc: {  	[sflag:s22] =	ssyncadd.s32 $0xFFFFD000  }
0xcd: {  	_ =	swait.ge [sflag:s22], $0x800  }
0xce: {  	[sflag:s22] =	ssyncset.done $0x0  }
0xcf: {  	[sflag:s22] =	ssyncadd.s32 $0xFFFFF800  }
0xd0: {  	_ =	swait.ge [sflag:s31], $0x800  }
0xd1: {  	[sflag:s31] =	ssyncset.done $0x0  }
0xd2: {  	s11 =	simm.s32 $0x8820;
	[sflag:s31] =	ssyncadd.s32 $0xFFFFF800  }
0xd3: {  	s18 =	simm.s32 $0x28C0;
	v1 =	vld [tilespmem:s11+$0x10]  }
0xd4: {  	v2 =	vld [tilespmem:s18+$0x60]  }
0xd5: {  	v3 =	vld [tilespmem:s18+$0x70]  }
0xd6: {  	v6 =	vld [tilespmem:s11+$0xFFFFFFF0]  }
0xd7: {  	v9 =	vld [tilespmem:s11+$0x0]  }
0xd8: {  	v14 =	vld [tilespmem:s11+$0xFFFFFFE0]  }
0xd9: {  	v4 =	vld [tilespmem:s18+$0x80]  }
0xda: {  	v5 =	vld [tilespmem:s18+$0x90];
	v8 =	vbroadcast v1, $0x4;
	v10 =	vbroadcast v1, $0x0  }
0xdb: {  	v7 =	vld [tilespmem:s18+$0xA0];
	v11 =	vbroadcast v1, $0x1;
	v13 =	vbroadcast v1, $0x2  }
0xdc: {  	v12 =	vld [tilespmem:s18+$0xB0];
	v1 =	vbroadcast v1, $0x3;
	v17 =	vbroadcast v6, $0x3  }
0xdd: {  	v15 =	vld [tilespmem:s18+$0xFFFFFF60];
	v18 =	vbroadcast v9, $0x0;
	v20 =	vbroadcast v14, $0x0  }
0xde: {  	v16 =	vld [tilespmem:s18+$0xFFFFFF70];
	v21 =	vbroadcast v14, $0x1;
	v23 =	vbroadcast v14, $0x2  }
0xdf: {  	v19 =	vld [tilespmem:s18+$0xFFFFFFA0];
	v24 =	vbroadcast v14, $0x3;
	v58 =	vbroadcast v9, $0x1  }
0xe0: {  	v57 =	vld [tilespmem:s18+$0xFFFFFFD0];
	v26 =	vbroadcast v9, $0x2;
	v61 =	vbroadcast v9, $0x3  }
0xe1: {  	v22 =	vld [tilespmem:s18+$0xFFFFFFB0];
	v2 =	vmul.f32 v2, v10;
	v3 =	vmul.f32 v3, v11  }
0xe2: {  	v10 =	vld [tilespmem:s18+$0xFFFFFF40];
	v4 =	vmul.f32 v4, v13;
	v1 =	vmul.f32 v5, v1  }
0xe3: {  	v5 =	vld [tilespmem:s18+$0xFFFFFF50];
	v11 =	vbroadcast v6, $0x0;
	v13 =	vbroadcast v6, $0x1  }
0xe4: {  	v25 =	vld [tilespmem:s18+$0xFFFFFFC0];
	v7 =	vmul.f32 v7, v8;
	v8 =	vbroadcast v6, $0x2  }
0xe5: {  	v59 =	vld [tilespmem:s18+$0x0];
	v15 =	vmul.f32 v15, v23;
	v17 =	vmul.f32 v57, v17;
	v2 =	vadd.f32 v3, v2  }
0xe6: {  	v60 =	vld [tilespmem:s18+$0x10];
	v3 =	vmul.f32 v16, v24;
	v1 =	vadd.f32 v1, v4;
	v4 =	vmul.f32 v19, v11  }
0xe7: {  	v11 =	vld [tilespmem:s18+$0x20];
	v7 =	vadd.f32 v12, v7;
	v12 =	vbroadcast v14, $0x4;
	v13 =	vmul.f32 v22, v13  }
0xe8: {  	v14 =	vld [tilespmem:s18+$0x30];
	v10 =	vmul.f32 v10, v20;
	v5 =	vmul.f32 v5, v21  }
0xe9: {  	v62 =	vld [tilespmem:s18+$0xFFFFFF80];
	v8 =	vmul.f32 v25, v8;
	v1 =	vadd.f32 v1, v2;
	v15 =	vadd.f32 v3, v15  }
0xea: {  	v2 =	vbroadcast v6, $0x4;
	v4 =	vadd.f32 v13, v4;
	v10 =	vadd.f32 v5, v10;
	v5 =	vld [tilespmem:s18+$0xFFFFFFE0]  }
0xeb: {  	v3 =	vbroadcast v9, $0x4;
	v9 =	vadd.f32 v17, v8;
	v6 =	vld [tilespmem:s18+$0x40];
	v13 =	vadd.f32 v7, v1  }
0xec: {  	s7 =	simm.s32 $0x9820;
	v63 =	vmul.f32 v59, v18;
	v16 =	vmul.f32 v60, v58;
	v7 =	vld [tilespmem:s18+$0xFFFFFF90]  }
0xed: {  	v8 =	vld [tilespmem:s18+$0xFFFFFFF0];
	v4 =	vadd.f32 v9, v4;
	v11 =	vmul.f32 v11, v26;
	[tilespmem:s7+$0x10] =	vst v13;
	v13 =	vmul.f32 v14, v61  }
0xee: {  	s8 =	simm.s32 $0x0;
	s11 =	simm.s32 $0x8860;
	v12 =	vmul.f32 v62, v12;
	v9 =	vld [tilespmem:s18+$0x50];
	v1 =	vadd.f32 v15, v10;
	v10 =	vadd.f32 v16, v63  }
.LBB2_9:
0xef: {  	v14 =	vld [tilespmem:s11+$0x10];
	v2 =	vmul.f32 v5, v2;
	v5 =	vadd.f32 v13, v11;
	s18 =	sadd.s32 $0x180, s18  }
0xf0: {  	v11 =	vld [tilespmem:s18+$0x60];
	v3 =	vmul.f32 v6, v3  }
0xf1: {  	s8 =	sadd.s32 $0x4, s8;
	v6 =	vld [tilespmem:s18+$0x70];
	v7 =	vadd.f32 v7, v12;
	v5 =	vadd.f32 v5, v10  }
0xf2: {  	p0 =	slt.u32 s8, $0x7C;
	v10 =	vld [tilespmem:s18+$0x80];
	v2 =	vadd.f32 v8, v2  }
0xf3: {  	v8 =	vld [tilespmem:s18+$0x90];
	v1 =	vadd.f32 v7, v1;
	v3 =	vadd.f32 v9, v3  }
0xf4: {  	v7 =	vld [tilespmem:s11+$0xFFFFFFF0];
	v9 =	vbroadcast v14, $0x4;
	v2 =	vadd.f32 v2, v4  }
0xf5: {  	v4 =	vbroadcast v14, $0x0;
	v12 =	vbroadcast v14, $0x1;
	v13 =	vld [tilespmem:s18+$0xA0];
	[tilespmem:s7+$0xFFFFFFE0] =	vst v1;
	v1 =	vadd.f32 v3, v5  }
0xf6: {  	v5 =	vbroadcast v14, $0x2;
	v14 =	vbroadcast v14, $0x3;
	v3 =	vld [tilespmem:s11+$0x0];
	[tilespmem:s7+$0xFFFFFFF0] =	vst v2  }
0xf7: {  	v2 =	vmul.f32 v11, v4;
	v4 =	vmul.f32 v6, v12;
	v6 =	vld [tilespmem:s18+$0xB0];
	[tilespmem:s7+$0x0] =	vst v1  }
0xf8: {  	v5 =	vmul.f32 v10, v5;
	v1 =	vld [tilespmem:s11+$0xFFFFFFE0];
	v8 =	vmul.f32 v8, v14  }
0xf9: {  	v10 =	vld [tilespmem:s18+$0xFFFFFF40];
	v11 =	vbroadcast v7, $0x0;
	v12 =	vbroadcast v7, $0x1  }
0xfa: {  	v2 =	vadd.f32 v4, v2;
	v14 =	vld [tilespmem:s18+$0xFFFFFF50];
	v9 =	vmul.f32 v13, v9;
	v4 =	vadd.f32 v8, v5  }
0xfb: {  	v8 =	vbroadcast v7, $0x2;
	v13 =	vbroadcast v7, $0x3;
	v5 =	vld [tilespmem:s18+$0xFFFFFF60]  }
0xfc: {  	v16 =	vbroadcast v3, $0x0;
	v15 =	vld [tilespmem:s18+$0xFFFFFF70];
	v6 =	vadd.f32 v6, v9;
	v2 =	vadd.f32 v4, v2  }
0xfd: {  	v4 =	vbroadcast v1, $0x0;
	v9 =	vbroadcast v1, $0x1;
	v17 =	vld [tilespmem:s18+$0xFFFFFFA0]  }
0xfe: {  	v18 =	vbroadcast v1, $0x2;
	v19 =	vbroadcast v1, $0x3;
	v20 =	vld [tilespmem:s18+$0xFFFFFFB0];
	v2 =	vadd.f32 v6, v2  }
0xff: {  	s7 =	sadd.s32 $0x40, s7;
	v21 =	vbroadcast v3, $0x1;
	v22 =	vbroadcast v3, $0x2;
	v6 =	vld [tilespmem:s18+$0xFFFFFFC0]  }
0x100: {  	v23 =	vbroadcast v3, $0x3;
	v4 =	vmul.f32 v10, v4;
	v10 =	vld [tilespmem:s18+$0xFFFFFFD0];
	[tilespmem:s7+$0x10] =	vst v2  }
0x101: {  	v2 =	vmul.f32 v14, v9;
	v5 =	vmul.f32 v5, v18;
	v9 =	vld [tilespmem:s18+$0x0]  }
0x102: {  	v14 =	vmul.f32 v15, v19;
	v11 =	vmul.f32 v17, v11;
	v15 =	vld [tilespmem:s18+$0x10]  }
0x103: {  	v17 =	vbroadcast v1, $0x4;
	v1 =	vadd.f32 v2, v4;
	v4 =	vmul.f32 v20, v12;
	v12 =	vld [tilespmem:s18+$0x20]  }
0x104: {  	v2 =	vbroadcast v7, $0x4;
	v5 =	vadd.f32 v14, v5;
	v6 =	vmul.f32 v6, v8;
	v14 =	vld [tilespmem:s18+$0x30]  }
0x105: {  	v3 =	vbroadcast v3, $0x4;
	v18 =	vld [tilespmem:s18+$0xFFFFFF80];
	v7 =	vmul.f32 v10, v13;
	v4 =	vadd.f32 v4, v11  }
.Ltmp3:
0x106: {  	v1 =	vadd.f32 v5, v1;
	v5 =	vld [tilespmem:s18+$0xFFFFFFE0];
	v9 =	vmul.f32 v9, v16;
	(pc) =	sbr.rel @p0 .LBB2_9-.Ltmp3, $4  }
0x107: {  	v10 =	vadd.f32 v7, v6;
	v15 =	vmul.f32 v15, v21;
	v6 =	vld [tilespmem:s18+$0x40]  }
0x108: {  	v7 =	vld [tilespmem:s18+$0xFFFFFF90];
	v11 =	vmul.f32 v12, v22  }
0x109: {  	v8 =	vld [tilespmem:s18+$0xFFFFFFF0];
	v4 =	vadd.f32 v10, v4;
	v13 =	vmul.f32 v14, v23;
	v10 =	vadd.f32 v15, v9  }
0x10a: {  	s11 =	sadd.s32 $0x40, s11;
	v12 =	vmul.f32 v18, v17;
	v9 =	vld [tilespmem:s18+$0x50]  }
0x10b: {  	_ = 	snop  }
0x10c: {  	v2 =	vmul.f32 v5, v2;
	v5 =	vadd.f32 v13, v11  }
0x10d: {  	v3 =	vmul.f32 v6, v3;
	v6 =	vadd.f32 v7, v12  }
0x10e: {  	v5 =	vadd.f32 v5, v10;
	v2 =	vadd.f32 v8, v2  }
0x10f: {  	v1 =	vadd.f32 v6, v1;
	v3 =	vadd.f32 v9, v3  }
0x110: {  	v2 =	vadd.f32 v2, v4  }
0x111: {  	[tilespmem:s7+$0xFFFFFFE0] =	vst v1;
	v1 =	vadd.f32 v3, v5  }
0x112: {  	s8 =	sand.u32 $0x3FFFFF00, s0;
	s11 =	sadd.s32 $0x100, s0;
	[tilespmem:s7+$0xFFFFFFF0] =	vst v2  }
0x113: {  	s8 =	sadd.s32 $0x1400, s8;
	s0 =	sadd.s32 s10, s11;
	[tilespmem:s7+$0x0] =	vst v1  }
0x114: {  	[spmem:s2] =	stream.indirect.scatter.add.f32 [tilespmem:s23], [sflag:$0x3], $0x10, s8, s19, $0xb8;
	[tilespmem:$0xF640] =	vst v63  }
0x115: {  	s0 =	sshll.u32 s0, $0x1  }
0x116: {  	[tilespmem:s20], [sflag:$0x1] =	stream.indirect.gather [hbm4b:s4+s19], $0x60, s11, s19, $0xb8;
	[tilespmem:$0xF640] =	vst v63  }
0x117: {  	s0 =	sadd.s32 s5, s0  }
0x118: {  	[tilespmem:s21], [sflag:$0x1] =	stream.linear.gather [hbm4b:s0+s3], $0x800, $0x38;
	[tilespmem:$0xF640] =	vst v63  }
0x119: {  	_ =	swait.ge [sflag:s28], $0x3000  }
0x11a: {  	[sflag:s28] =	ssyncset.done $0x0  }
0x11b: {  	[sflag:s28] =	ssyncadd.s32 $0xFFFFD000  }
0x11c: {  	_ =	swait.ge [sflag:s28], $0x800  }
0x11d: {  	[sflag:s28] =	ssyncset.done $0x0  }
0x11e: {  	[sflag:s28] =	ssyncadd.s32 $0xFFFFF800  }
0x11f: {  	_ =	swait.ge [sflag:s1], $0x800  }
0x120: {  	[sflag:s1] =	ssyncset.done $0x0  }
0x121: {  	s18 =	simm.s32 $0x9020;
	[sflag:s1] =	ssyncadd.s32 $0xFFFFF800  }
0x122: {  	s0 =	simm.s32 $0x58C0;
	v1 =	vld [tilespmem:s18+$0x10]  }
0x123: {  	v2 =	vld [tilespmem:s0+$0x60]  }
0x124: {  	v3 =	vld [tilespmem:s0+$0x70]  }
0x125: {  	v6 =	vld [tilespmem:s18+$0xFFFFFFF0]  }
0x126: {  	v9 =	vld [tilespmem:s18+$0x0]  }
0x127: {  	v14 =	vld [tilespmem:s18+$0xFFFFFFE0]  }
0x128: {  	v4 =	vld [tilespmem:s0+$0x80]  }
0x129: {  	v5 =	vld [tilespmem:s0+$0x90];
	v8 =	vbroadcast v1, $0x4;
	v10 =	vbroadcast v1, $0x0  }
0x12a: {  	v7 =	vld [tilespmem:s0+$0xA0];
	v11 =	vbroadcast v1, $0x1;
	v13 =	vbroadcast v1, $0x2  }
0x12b: {  	v12 =	vld [tilespmem:s0+$0xB0];
	v1 =	vbroadcast v1, $0x3;
	v17 =	vbroadcast v6, $0x3  }
0x12c: {  	v15 =	vld [tilespmem:s0+$0xFFFFFF60];
	v18 =	vbroadcast v9, $0x0;
	v20 =	vbroadcast v14, $0x0  }
0x12d: {  	v16 =	vld [tilespmem:s0+$0xFFFFFF70];
	v21 =	vbroadcast v14, $0x1;
	v23 =	vbroadcast v14, $0x2  }
0x12e: {  	v19 =	vld [tilespmem:s0+$0xFFFFFFA0];
	v24 =	vbroadcast v14, $0x3;
	v58 =	vbroadcast v9, $0x1  }
0x12f: {  	v57 =	vld [tilespmem:s0+$0xFFFFFFD0];
	v26 =	vbroadcast v9, $0x2;
	v61 =	vbroadcast v9, $0x3  }
0x130: {  	v22 =	vld [tilespmem:s0+$0xFFFFFFB0];
	v2 =	vmul.f32 v2, v10;
	v3 =	vmul.f32 v3, v11  }
0x131: {  	v10 =	vld [tilespmem:s0+$0xFFFFFF40];
	v4 =	vmul.f32 v4, v13;
	v1 =	vmul.f32 v5, v1  }
0x132: {  	v5 =	vld [tilespmem:s0+$0xFFFFFF50];
	v11 =	vbroadcast v6, $0x0;
	v13 =	vbroadcast v6, $0x1  }
0x133: {  	v25 =	vld [tilespmem:s0+$0xFFFFFFC0];
	v7 =	vmul.f32 v7, v8;
	v8 =	vbroadcast v6, $0x2  }
0x134: {  	v59 =	vld [tilespmem:s0+$0x0];
	v15 =	vmul.f32 v15, v23;
	v17 =	vmul.f32 v57, v17;
	v2 =	vadd.f32 v3, v2  }
0x135: {  	v60 =	vld [tilespmem:s0+$0x10];
	v3 =	vmul.f32 v16, v24;
	v1 =	vadd.f32 v1, v4;
	v4 =	vmul.f32 v19, v11  }
0x136: {  	v11 =	vld [tilespmem:s0+$0x20];
	v7 =	vadd.f32 v12, v7;
	v12 =	vbroadcast v14, $0x4;
	v13 =	vmul.f32 v22, v13  }
0x137: {  	v14 =	vld [tilespmem:s0+$0x30];
	v10 =	vmul.f32 v10, v20;
	v5 =	vmul.f32 v5, v21  }
0x138: {  	v62 =	vld [tilespmem:s0+$0xFFFFFF80];
	v8 =	vmul.f32 v25, v8;
	v1 =	vadd.f32 v1, v2;
	v15 =	vadd.f32 v3, v15  }
0x139: {  	v2 =	vbroadcast v6, $0x4;
	v4 =	vadd.f32 v13, v4;
	v10 =	vadd.f32 v5, v10;
	v5 =	vld [tilespmem:s0+$0xFFFFFFE0]  }
0x13a: {  	v3 =	vbroadcast v9, $0x4;
	v9 =	vadd.f32 v17, v8;
	v6 =	vld [tilespmem:s0+$0x40];
	v13 =	vadd.f32 v7, v1  }
0x13b: {  	s7 =	simm.s32 $0xA020;
	v63 =	vmul.f32 v59, v18;
	v16 =	vmul.f32 v60, v58;
	v7 =	vld [tilespmem:s0+$0xFFFFFF90]  }
0x13c: {  	v8 =	vld [tilespmem:s0+$0xFFFFFFF0];
	v4 =	vadd.f32 v9, v4;
	v11 =	vmul.f32 v11, v26;
	[tilespmem:s7+$0x10] =	vst v13;
	v13 =	vmul.f32 v14, v61  }
0x13d: {  	s8 =	simm.s32 $0x0;
	s11 =	simm.s32 $0x9060;
	v12 =	vmul.f32 v62, v12;
	v9 =	vld [tilespmem:s0+$0x50];
	v1 =	vadd.f32 v15, v10;
	v10 =	vadd.f32 v16, v63  }
.LBB2_11:
0x13e: {  	v14 =	vld [tilespmem:s11+$0x10];
	v2 =	vmul.f32 v5, v2;
	v5 =	vadd.f32 v13, v11;
	s0 =	sadd.s32 $0x180, s0  }
0x13f: {  	v11 =	vld [tilespmem:s0+$0x60];
	v3 =	vmul.f32 v6, v3  }
0x140: {  	s8 =	sadd.s32 $0x4, s8;
	v6 =	vld [tilespmem:s0+$0x70];
	v7 =	vadd.f32 v7, v12;
	v5 =	vadd.f32 v5, v10  }
0x141: {  	p0 =	slt.u32 s8, $0x7C;
	v10 =	vld [tilespmem:s0+$0x80];
	v2 =	vadd.f32 v8, v2  }
0x142: {  	v8 =	vld [tilespmem:s0+$0x90];
	v1 =	vadd.f32 v7, v1;
	v3 =	vadd.f32 v9, v3  }
0x143: {  	v7 =	vld [tilespmem:s11+$0xFFFFFFF0];
	v9 =	vbroadcast v14, $0x4;
	v2 =	vadd.f32 v2, v4  }
0x144: {  	v4 =	vbroadcast v14, $0x0;
	v12 =	vbroadcast v14, $0x1;
	v13 =	vld [tilespmem:s0+$0xA0];
	[tilespmem:s7+$0xFFFFFFE0] =	vst v1;
	v1 =	vadd.f32 v3, v5  }
0x145: {  	v5 =	vbroadcast v14, $0x2;
	v14 =	vbroadcast v14, $0x3;
	v3 =	vld [tilespmem:s11+$0x0];
	[tilespmem:s7+$0xFFFFFFF0] =	vst v2  }
0x146: {  	v2 =	vmul.f32 v11, v4;
	v4 =	vmul.f32 v6, v12;
	v6 =	vld [tilespmem:s0+$0xB0];
	[tilespmem:s7+$0x0] =	vst v1  }
0x147: {  	v5 =	vmul.f32 v10, v5;
	v1 =	vld [tilespmem:s11+$0xFFFFFFE0];
	v8 =	vmul.f32 v8, v14  }
0x148: {  	v10 =	vld [tilespmem:s0+$0xFFFFFF40];
	v11 =	vbroadcast v7, $0x0;
	v12 =	vbroadcast v7, $0x1  }
0x149: {  	v2 =	vadd.f32 v4, v2;
	v14 =	vld [tilespmem:s0+$0xFFFFFF50];
	v9 =	vmul.f32 v13, v9;
	v4 =	vadd.f32 v8, v5  }
0x14a: {  	v8 =	vbroadcast v7, $0x2;
	v13 =	vbroadcast v7, $0x3;
	v5 =	vld [tilespmem:s0+$0xFFFFFF60]  }
0x14b: {  	v16 =	vbroadcast v3, $0x0;
	v15 =	vld [tilespmem:s0+$0xFFFFFF70];
	v6 =	vadd.f32 v6, v9;
	v2 =	vadd.f32 v4, v2  }
0x14c: {  	v4 =	vbroadcast v1, $0x0;
	v9 =	vbroadcast v1, $0x1;
	v17 =	vld [tilespmem:s0+$0xFFFFFFA0]  }
0x14d: {  	v18 =	vbroadcast v1, $0x2;
	v19 =	vbroadcast v1, $0x3;
	v20 =	vld [tilespmem:s0+$0xFFFFFFB0];
	v2 =	vadd.f32 v6, v2  }
0x14e: {  	s7 =	sadd.s32 $0x40, s7;
	v21 =	vbroadcast v3, $0x1;
	v22 =	vbroadcast v3, $0x2;
	v6 =	vld [tilespmem:s0+$0xFFFFFFC0]  }
0x14f: {  	v23 =	vbroadcast v3, $0x3;
	v4 =	vmul.f32 v10, v4;
	v10 =	vld [tilespmem:s0+$0xFFFFFFD0];
	[tilespmem:s7+$0x10] =	vst v2  }
0x150: {  	v2 =	vmul.f32 v14, v9;
	v5 =	vmul.f32 v5, v18;
	v9 =	vld [tilespmem:s0+$0x0]  }
0x151: {  	v14 =	vmul.f32 v15, v19;
	v11 =	vmul.f32 v17, v11;
	v15 =	vld [tilespmem:s0+$0x10]  }
0x152: {  	v17 =	vbroadcast v1, $0x4;
	v1 =	vadd.f32 v2, v4;
	v4 =	vmul.f32 v20, v12;
	v12 =	vld [tilespmem:s0+$0x20]  }
0x153: {  	v2 =	vbroadcast v7, $0x4;
	v5 =	vadd.f32 v14, v5;
	v6 =	vmul.f32 v6, v8;
	v14 =	vld [tilespmem:s0+$0x30]  }
0x154: {  	v3 =	vbroadcast v3, $0x4;
	v18 =	vld [tilespmem:s0+$0xFFFFFF80];
	v7 =	vmul.f32 v10, v13;
	v4 =	vadd.f32 v4, v11  }
.Ltmp4:
0x155: {  	v1 =	vadd.f32 v5, v1;
	v5 =	vld [tilespmem:s0+$0xFFFFFFE0];
	v9 =	vmul.f32 v9, v16;
	(pc) =	sbr.rel @p0 .LBB2_11-.Ltmp4, $4  }
0x156: {  	v10 =	vadd.f32 v7, v6;
	v15 =	vmul.f32 v15, v21;
	v6 =	vld [tilespmem:s0+$0x40]  }
0x157: {  	v7 =	vld [tilespmem:s0+$0xFFFFFF90];
	v11 =	vmul.f32 v12, v22  }
0x158: {  	v8 =	vld [tilespmem:s0+$0xFFFFFFF0];
	v4 =	vadd.f32 v10, v4;
	v13 =	vmul.f32 v14, v23;
	v10 =	vadd.f32 v15, v9  }
0x159: {  	s11 =	sadd.s32 $0x40, s11;
	v12 =	vmul.f32 v18, v17;
	v9 =	vld [tilespmem:s0+$0x50]  }
0x15a: {  	_ = 	snop  }
0x15b: {  	v2 =	vmul.f32 v5, v2;
	v62 =	vadd.f32 v13, v11  }
0x15c: {  	v3 =	vmul.f32 v6, v3;
	v63 =	vadd.f32 v7, v12  }
0x15d: {  	s26 =	sadd.s32 $0x1, s26;
	v5 =	vadd.f32 v62, v10;
	v2 =	vadd.f32 v8, v2  }
0x15e: {  	p0 =	sne.s32 s26, $0x13;
	v1 =	vadd.f32 v63, v1;
	v3 =	vadd.f32 v9, v3  }
.Ltmp5:
0x15f: {  	v2 =	vadd.f32 v2, v4;
	(pc) =	sbr.rel @p0 .LBB2_8-.Ltmp5, $4  }
0x160: {  	[tilespmem:s7+$0xFFFFFFE0] =	vst v1;
	v1 =	vadd.f32 v3, v5  }
0x161: {  	[tilespmem:s7+$0xFFFFFFF0] =	vst v2  }
0x162: {  	s0 =	sadd.s32 $0x1400, s29;
	[tilespmem:s7+$0x0] =	vst v1  }
0x163: {  	[spmem:s2] =	stream.indirect.scatter.add.f32 [tilespmem:s30], [sflag:$0x4], $0x10, s0, s19, $0xb8;
	[tilespmem:$0xF640] =	vst v63  }
0x164: {  	s0 =	simm.s32 $0x1380  }
0x165: {  	[tilespmem:s24], [sflag:$0x2] =	stream.indirect.gather [hbm4b:s4+s19], $0x60, s0, s19, $0xb8;
	[tilespmem:$0xF640] =	vst v63  }
0x166: {  	_ = 	snop  }
0x167: {  	[tilespmem:s25], [sflag:$0x2] =	stream.linear.gather [hbm4b:s13+s3], $0x800, $0x38;
	[tilespmem:$0xF640] =	vst v63  }
0x168: {  	_ =	swait.ge [sflag:s22], $0x3000  }
0x169: {  	[sflag:s22] =	ssyncset.done $0x0  }
0x16a: {  	[sflag:s22] =	ssyncadd.s32 $0xFFFFD000  }
0x16b: {  	_ =	swait.ge [sflag:s22], $0x800  }
0x16c: {  	[sflag:s22] =	ssyncset.done $0x0  }
0x16d: {  	[sflag:s22] =	ssyncadd.s32 $0xFFFFF800  }
0x16e: {  	_ =	swait.ge [sflag:s31], $0x800  }
0x16f: {  	[sflag:s31] =	ssyncset.done $0x0  }
0x170: {  	s7 =	simm.s32 $0x8820;
	[sflag:s31] =	ssyncadd.s32 $0xFFFFF800  }
0x171: {  	s0 =	simm.s32 $0x28C0;
	v1 =	vld [tilespmem:s7+$0x10]  }
0x172: {  	v2 =	vld [tilespmem:s0+$0x60]  }
0x173: {  	v3 =	vld [tilespmem:s0+$0x70]  }
0x174: {  	v6 =	vld [tilespmem:s7+$0xFFFFFFF0]  }
0x175: {  	v9 =	vld [tilespmem:s7+$0x0]  }
0x176: {  	v14 =	vld [tilespmem:s7+$0xFFFFFFE0]  }
0x177: {  	v4 =	vld [tilespmem:s0+$0x80]  }
0x178: {  	v5 =	vld [tilespmem:s0+$0x90];
	v8 =	vbroadcast v1, $0x4;
	v10 =	vbroadcast v1, $0x0  }
0x179: {  	v7 =	vld [tilespmem:s0+$0xA0];
	v11 =	vbroadcast v1, $0x1;
	v13 =	vbroadcast v1, $0x2  }
0x17a: {  	v12 =	vld [tilespmem:s0+$0xB0];
	v1 =	vbroadcast v1, $0x3;
	v17 =	vbroadcast v6, $0x3  }
0x17b: {  	v15 =	vld [tilespmem:s0+$0xFFFFFF60];
	v18 =	vbroadcast v9, $0x0;
	v20 =	vbroadcast v14, $0x0  }
0x17c: {  	v16 =	vld [tilespmem:s0+$0xFFFFFF70];
	v21 =	vbroadcast v14, $0x1;
	v23 =	vbroadcast v14, $0x2  }
0x17d: {  	v19 =	vld [tilespmem:s0+$0xFFFFFFA0];
	v24 =	vbroadcast v14, $0x3;
	v58 =	vbroadcast v9, $0x1  }
0x17e: {  	v57 =	vld [tilespmem:s0+$0xFFFFFFD0];
	v26 =	vbroadcast v9, $0x2;
	v61 =	vbroadcast v9, $0x3  }
0x17f: {  	v22 =	vld [tilespmem:s0+$0xFFFFFFB0];
	v2 =	vmul.f32 v2, v10;
	v3 =	vmul.f32 v3, v11  }
0x180: {  	v10 =	vld [tilespmem:s0+$0xFFFFFF40];
	v4 =	vmul.f32 v4, v13;
	v1 =	vmul.f32 v5, v1  }
0x181: {  	v5 =	vld [tilespmem:s0+$0xFFFFFF50];
	v11 =	vbroadcast v6, $0x0;
	v13 =	vbroadcast v6, $0x1  }
0x182: {  	v25 =	vld [tilespmem:s0+$0xFFFFFFC0];
	v7 =	vmul.f32 v7, v8;
	v8 =	vbroadcast v6, $0x2  }
0x183: {  	v59 =	vld [tilespmem:s0+$0x0];
	v15 =	vmul.f32 v15, v23;
	v17 =	vmul.f32 v57, v17;
	v2 =	vadd.f32 v3, v2  }
0x184: {  	v60 =	vld [tilespmem:s0+$0x10];
	v3 =	vmul.f32 v16, v24;
	v1 =	vadd.f32 v1, v4;
	v4 =	vmul.f32 v19, v11  }
0x185: {  	v11 =	vld [tilespmem:s0+$0x20];
	v7 =	vadd.f32 v12, v7;
	v12 =	vbroadcast v14, $0x4;
	v13 =	vmul.f32 v22, v13  }
0x186: {  	v14 =	vld [tilespmem:s0+$0x30];
	v10 =	vmul.f32 v10, v20;
	v5 =	vmul.f32 v5, v21  }
0x187: {  	v62 =	vld [tilespmem:s0+$0xFFFFFF80];
	v8 =	vmul.f32 v25, v8;
	v1 =	vadd.f32 v1, v2;
	v15 =	vadd.f32 v3, v15  }
0x188: {  	v2 =	vbroadcast v6, $0x4;
	v4 =	vadd.f32 v13, v4;
	v10 =	vadd.f32 v5, v10;
	v5 =	vld [tilespmem:s0+$0xFFFFFFE0]  }
0x189: {  	v3 =	vbroadcast v9, $0x4;
	v9 =	vadd.f32 v17, v8;
	v6 =	vld [tilespmem:s0+$0x40];
	v13 =	vadd.f32 v7, v1  }
0x18a: {  	s7 =	simm.s32 $0x9820;
	v63 =	vmul.f32 v59, v18;
	v16 =	vmul.f32 v60, v58;
	v7 =	vld [tilespmem:s0+$0xFFFFFF90]  }
0x18b: {  	v8 =	vld [tilespmem:s0+$0xFFFFFFF0];
	v4 =	vadd.f32 v9, v4;
	v11 =	vmul.f32 v11, v26;
	[tilespmem:s7+$0x10] =	vst v13;
	v13 =	vmul.f32 v14, v61  }
0x18c: {  	s8 =	simm.s32 $0x0;
	s11 =	simm.s32 $0x8860;
	v12 =	vmul.f32 v62, v12;
	v9 =	vld [tilespmem:s0+$0x50];
	v1 =	vadd.f32 v15, v10;
	v10 =	vadd.f32 v16, v63  }
.LBB2_14:
0x18d: {  	v14 =	vld [tilespmem:s11+$0x10];
	v2 =	vmul.f32 v5, v2;
	v5 =	vadd.f32 v13, v11;
	s0 =	sadd.s32 $0x180, s0  }
0x18e: {  	v11 =	vld [tilespmem:s0+$0x60];
	v3 =	vmul.f32 v6, v3  }
0x18f: {  	s8 =	sadd.s32 $0x4, s8;
	v6 =	vld [tilespmem:s0+$0x70];
	v7 =	vadd.f32 v7, v12;
	v5 =	vadd.f32 v5, v10  }
0x190: {  	p0 =	slt.u32 s8, $0x7C;
	v10 =	vld [tilespmem:s0+$0x80];
	v2 =	vadd.f32 v8, v2  }
0x191: {  	v8 =	vld [tilespmem:s0+$0x90];
	v1 =	vadd.f32 v7, v1;
	v3 =	vadd.f32 v9, v3  }
0x192: {  	v7 =	vld [tilespmem:s11+$0xFFFFFFF0];
	v9 =	vbroadcast v14, $0x4;
	v2 =	vadd.f32 v2, v4  }
0x193: {  	v4 =	vbroadcast v14, $0x0;
	v12 =	vbroadcast v14, $0x1;
	v13 =	vld [tilespmem:s0+$0xA0];
	[tilespmem:s7+$0xFFFFFFE0] =	vst v1;
	v1 =	vadd.f32 v3, v5  }
0x194: {  	v5 =	vbroadcast v14, $0x2;
	v14 =	vbroadcast v14, $0x3;
	v3 =	vld [tilespmem:s11+$0x0];
	[tilespmem:s7+$0xFFFFFFF0] =	vst v2  }
0x195: {  	v2 =	vmul.f32 v11, v4;
	v4 =	vmul.f32 v6, v12;
	v6 =	vld [tilespmem:s0+$0xB0];
	[tilespmem:s7+$0x0] =	vst v1  }
0x196: {  	v5 =	vmul.f32 v10, v5;
	v1 =	vld [tilespmem:s11+$0xFFFFFFE0];
	v8 =	vmul.f32 v8, v14  }
0x197: {  	v10 =	vld [tilespmem:s0+$0xFFFFFF40];
	v11 =	vbroadcast v7, $0x0;
	v12 =	vbroadcast v7, $0x1  }
0x198: {  	v2 =	vadd.f32 v4, v2;
	v14 =	vld [tilespmem:s0+$0xFFFFFF50];
	v9 =	vmul.f32 v13, v9;
	v4 =	vadd.f32 v8, v5  }
0x199: {  	v8 =	vbroadcast v7, $0x2;
	v13 =	vbroadcast v7, $0x3;
	v5 =	vld [tilespmem:s0+$0xFFFFFF60]  }
0x19a: {  	v16 =	vbroadcast v3, $0x0;
	v15 =	vld [tilespmem:s0+$0xFFFFFF70];
	v6 =	vadd.f32 v6, v9;
	v2 =	vadd.f32 v4, v2  }
0x19b: {  	v4 =	vbroadcast v1, $0x0;
	v9 =	vbroadcast v1, $0x1;
	v17 =	vld [tilespmem:s0+$0xFFFFFFA0]  }
0x19c: {  	v18 =	vbroadcast v1, $0x2;
	v19 =	vbroadcast v1, $0x3;
	v20 =	vld [tilespmem:s0+$0xFFFFFFB0];
	v2 =	vadd.f32 v6, v2  }
0x19d: {  	s7 =	sadd.s32 $0x40, s7;
	v21 =	vbroadcast v3, $0x1;
	v22 =	vbroadcast v3, $0x2;
	v6 =	vld [tilespmem:s0+$0xFFFFFFC0]  }
0x19e: {  	v23 =	vbroadcast v3, $0x3;
	v4 =	vmul.f32 v10, v4;
	v10 =	vld [tilespmem:s0+$0xFFFFFFD0];
	[tilespmem:s7+$0x10] =	vst v2  }
0x19f: {  	v2 =	vmul.f32 v14, v9;
	v5 =	vmul.f32 v5, v18;
	v9 =	vld [tilespmem:s0+$0x0]  }
0x1a0: {  	v14 =	vmul.f32 v15, v19;
	v11 =	vmul.f32 v17, v11;
	v15 =	vld [tilespmem:s0+$0x10]  }
0x1a1: {  	v17 =	vbroadcast v1, $0x4;
	v1 =	vadd.f32 v2, v4;
	v4 =	vmul.f32 v20, v12;
	v12 =	vld [tilespmem:s0+$0x20]  }
0x1a2: {  	v2 =	vbroadcast v7, $0x4;
	v5 =	vadd.f32 v14, v5;
	v6 =	vmul.f32 v6, v8;
	v14 =	vld [tilespmem:s0+$0x30]  }
0x1a3: {  	v3 =	vbroadcast v3, $0x4;
	v18 =	vld [tilespmem:s0+$0xFFFFFF80];
	v7 =	vmul.f32 v10, v13;
	v4 =	vadd.f32 v4, v11  }
.Ltmp6:
0x1a4: {  	v1 =	vadd.f32 v5, v1;
	v5 =	vld [tilespmem:s0+$0xFFFFFFE0];
	v9 =	vmul.f32 v9, v16;
	(pc) =	sbr.rel @p0 .LBB2_14-.Ltmp6, $4  }
0x1a5: {  	v10 =	vadd.f32 v7, v6;
	v15 =	vmul.f32 v15, v21;
	v6 =	vld [tilespmem:s0+$0x40]  }
0x1a6: {  	v7 =	vld [tilespmem:s0+$0xFFFFFF90];
	v11 =	vmul.f32 v12, v22  }
0x1a7: {  	v8 =	vld [tilespmem:s0+$0xFFFFFFF0];
	v4 =	vadd.f32 v10, v4;
	v13 =	vmul.f32 v14, v23;
	v10 =	vadd.f32 v15, v9  }
0x1a8: {  	s11 =	sadd.s32 $0x40, s11;
	v12 =	vmul.f32 v18, v17;
	v9 =	vld [tilespmem:s0+$0x50]  }
0x1a9: {  	_ = 	snop  }
0x1aa: {  	v2 =	vmul.f32 v5, v2;
	v5 =	vadd.f32 v13, v11  }
0x1ab: {  	v3 =	vmul.f32 v6, v3;
	v6 =	vadd.f32 v7, v12  }
0x1ac: {  	v5 =	vadd.f32 v5, v10;
	v2 =	vadd.f32 v8, v2  }
0x1ad: {  	v1 =	vadd.f32 v6, v1;
	v3 =	vadd.f32 v9, v3  }
0x1ae: {  	v2 =	vadd.f32 v2, v4  }
0x1af: {  	[tilespmem:s7+$0xFFFFFFE0] =	vst v1;
	v1 =	vadd.f32 v3, v5  }
0x1b0: {  	[tilespmem:s7+$0xFFFFFFF0] =	vst v2  }
0x1b1: {  	s0 =	simm.s32 $0x2700;
	[tilespmem:s7+$0x0] =	vst v1  }
0x1b2: {  	[spmem:s2] =	stream.indirect.scatter.add.f32 [tilespmem:s23], [sflag:$0x3], $0x10, s0, s19, $0xb8;
	[tilespmem:$0xF640] =	vst v63  }
0x1b3: {  	_ =	swait.ge [sflag:s28], $0x3000  }
0x1b4: {  	[sflag:s28] =	ssyncset.done $0x0  }
0x1b5: {  	[sflag:s28] =	ssyncadd.s32 $0xFFFFD000  }
0x1b6: {  	_ =	swait.ge [sflag:s28], $0x800  }
0x1b7: {  	[sflag:s28] =	ssyncset.done $0x0  }
0x1b8: {  	[sflag:s28] =	ssyncadd.s32 $0xFFFFF800  }
0x1b9: {  	_ =	swait.ge [sflag:s1], $0x800  }
0x1ba: {  	[sflag:s1] =	ssyncset.done $0x0  }
0x1bb: {  	s29 =	simm.s32 $0x9020;
	[sflag:s1] =	ssyncadd.s32 $0xFFFFF800  }
0x1bc: {  	s0 =	simm.s32 $0x58C0;
	v1 =	vld [tilespmem:s29+$0x10]  }
0x1bd: {  	v2 =	vld [tilespmem:s0+$0x60]  }
0x1be: {  	v3 =	vld [tilespmem:s0+$0x70]  }
0x1bf: {  	v6 =	vld [tilespmem:s29+$0xFFFFFFF0]  }
0x1c0: {  	v9 =	vld [tilespmem:s29+$0x0]  }
0x1c1: {  	v14 =	vld [tilespmem:s29+$0xFFFFFFE0]  }
0x1c2: {  	v4 =	vld [tilespmem:s0+$0x80]  }
0x1c3: {  	v5 =	vld [tilespmem:s0+$0x90];
	v8 =	vbroadcast v1, $0x4;
	v10 =	vbroadcast v1, $0x0  }
0x1c4: {  	v7 =	vld [tilespmem:s0+$0xA0];
	v11 =	vbroadcast v1, $0x1;
	v13 =	vbroadcast v1, $0x2  }
0x1c5: {  	v12 =	vld [tilespmem:s0+$0xB0];
	v1 =	vbroadcast v1, $0x3;
	v17 =	vbroadcast v6, $0x3  }
0x1c6: {  	v15 =	vld [tilespmem:s0+$0xFFFFFF60];
	v18 =	vbroadcast v9, $0x0;
	v20 =	vbroadcast v14, $0x0  }
0x1c7: {  	v16 =	vld [tilespmem:s0+$0xFFFFFF70];
	v21 =	vbroadcast v14, $0x1;
	v23 =	vbroadcast v14, $0x2  }
0x1c8: {  	v19 =	vld [tilespmem:s0+$0xFFFFFFA0];
	v24 =	vbroadcast v14, $0x3;
	v58 =	vbroadcast v9, $0x1  }
0x1c9: {  	v57 =	vld [tilespmem:s0+$0xFFFFFFD0];
	v26 =	vbroadcast v9, $0x2;
	v61 =	vbroadcast v9, $0x3  }
0x1ca: {  	v22 =	vld [tilespmem:s0+$0xFFFFFFB0];
	v2 =	vmul.f32 v2, v10;
	v3 =	vmul.f32 v3, v11  }
0x1cb: {  	v10 =	vld [tilespmem:s0+$0xFFFFFF40];
	v4 =	vmul.f32 v4, v13;
	v1 =	vmul.f32 v5, v1  }
0x1cc: {  	v5 =	vld [tilespmem:s0+$0xFFFFFF50];
	v11 =	vbroadcast v6, $0x0;
	v13 =	vbroadcast v6, $0x1  }
0x1cd: {  	v25 =	vld [tilespmem:s0+$0xFFFFFFC0];
	v7 =	vmul.f32 v7, v8;
	v8 =	vbroadcast v6, $0x2  }
0x1ce: {  	v59 =	vld [tilespmem:s0+$0x0];
	v15 =	vmul.f32 v15, v23;
	v17 =	vmul.f32 v57, v17;
	v2 =	vadd.f32 v3, v2  }
0x1cf: {  	v60 =	vld [tilespmem:s0+$0x10];
	v3 =	vmul.f32 v16, v24;
	v1 =	vadd.f32 v1, v4;
	v4 =	vmul.f32 v19, v11  }
0x1d0: {  	v11 =	vld [tilespmem:s0+$0x20];
	v7 =	vadd.f32 v12, v7;
	v12 =	vbroadcast v14, $0x4;
	v13 =	vmul.f32 v22, v13  }
0x1d1: {  	v14 =	vld [tilespmem:s0+$0x30];
	v10 =	vmul.f32 v10, v20;
	v5 =	vmul.f32 v5, v21  }
0x1d2: {  	v62 =	vld [tilespmem:s0+$0xFFFFFF80];
	v8 =	vmul.f32 v25, v8;
	v1 =	vadd.f32 v1, v2;
	v15 =	vadd.f32 v3, v15  }
0x1d3: {  	v2 =	vbroadcast v6, $0x4;
	v4 =	vadd.f32 v13, v4;
	v10 =	vadd.f32 v5, v10;
	v5 =	vld [tilespmem:s0+$0xFFFFFFE0]  }
0x1d4: {  	v3 =	vbroadcast v9, $0x4;
	v9 =	vadd.f32 v17, v8;
	v6 =	vld [tilespmem:s0+$0x40];
	v13 =	vadd.f32 v7, v1  }
0x1d5: {  	s7 =	simm.s32 $0xA020;
	v63 =	vmul.f32 v59, v18;
	v16 =	vmul.f32 v60, v58;
	v7 =	vld [tilespmem:s0+$0xFFFFFF90]  }
0x1d6: {  	v8 =	vld [tilespmem:s0+$0xFFFFFFF0];
	v4 =	vadd.f32 v9, v4;
	v11 =	vmul.f32 v11, v26;
	[tilespmem:s7+$0x10] =	vst v13;
	v13 =	vmul.f32 v14, v61  }
0x1d7: {  	s8 =	simm.s32 $0x0;
	s11 =	simm.s32 $0x9060;
	v12 =	vmul.f32 v62, v12;
	v9 =	vld [tilespmem:s0+$0x50];
	v1 =	vadd.f32 v15, v10;
	v10 =	vadd.f32 v16, v63  }
.LBB2_16:
0x1d8: {  	v14 =	vld [tilespmem:s11+$0x10];
	v2 =	vmul.f32 v5, v2;
	v5 =	vadd.f32 v13, v11;
	s0 =	sadd.s32 $0x180, s0  }
0x1d9: {  	v11 =	vld [tilespmem:s0+$0x60];
	v3 =	vmul.f32 v6, v3  }
0x1da: {  	s8 =	sadd.s32 $0x4, s8;
	v6 =	vld [tilespmem:s0+$0x70];
	v7 =	vadd.f32 v7, v12;
	v5 =	vadd.f32 v5, v10  }
0x1db: {  	p0 =	slt.u32 s8, $0x7C;
	v10 =	vld [tilespmem:s0+$0x80];
	v2 =	vadd.f32 v8, v2  }
0x1dc: {  	v8 =	vld [tilespmem:s0+$0x90];
	v1 =	vadd.f32 v7, v1;
	v3 =	vadd.f32 v9, v3  }
0x1dd: {  	v7 =	vld [tilespmem:s11+$0xFFFFFFF0];
	v9 =	vbroadcast v14, $0x4;
	v2 =	vadd.f32 v2, v4  }
0x1de: {  	v4 =	vbroadcast v14, $0x0;
	v12 =	vbroadcast v14, $0x1;
	v13 =	vld [tilespmem:s0+$0xA0];
	[tilespmem:s7+$0xFFFFFFE0] =	vst v1;
	v1 =	vadd.f32 v3, v5  }
0x1df: {  	v5 =	vbroadcast v14, $0x2;
	v14 =	vbroadcast v14, $0x3;
	v3 =	vld [tilespmem:s11+$0x0];
	[tilespmem:s7+$0xFFFFFFF0] =	vst v2  }
0x1e0: {  	v2 =	vmul.f32 v11, v4;
	v4 =	vmul.f32 v6, v12;
	v6 =	vld [tilespmem:s0+$0xB0];
	[tilespmem:s7+$0x0] =	vst v1  }
0x1e1: {  	v5 =	vmul.f32 v10, v5;
	v1 =	vld [tilespmem:s11+$0xFFFFFFE0];
	v8 =	vmul.f32 v8, v14  }
0x1e2: {  	v10 =	vld [tilespmem:s0+$0xFFFFFF40];
	v11 =	vbroadcast v7, $0x0;
	v12 =	vbroadcast v7, $0x1  }
0x1e3: {  	v2 =	vadd.f32 v4, v2;
	v14 =	vld [tilespmem:s0+$0xFFFFFF50];
	v9 =	vmul.f32 v13, v9;
	v4 =	vadd.f32 v8, v5  }
0x1e4: {  	v8 =	vbroadcast v7, $0x2;
	v13 =	vbroadcast v7, $0x3;
	v5 =	vld [tilespmem:s0+$0xFFFFFF60]  }
0x1e5: {  	v16 =	vbroadcast v3, $0x0;
	v15 =	vld [tilespmem:s0+$0xFFFFFF70];
	v6 =	vadd.f32 v6, v9;
	v2 =	vadd.f32 v4, v2  }
0x1e6: {  	v4 =	vbroadcast v1, $0x0;
	v9 =	vbroadcast v1, $0x1;
	v17 =	vld [tilespmem:s0+$0xFFFFFFA0]  }
0x1e7: {  	v18 =	vbroadcast v1, $0x2;
	v19 =	vbroadcast v1, $0x3;
	v20 =	vld [tilespmem:s0+$0xFFFFFFB0];
	v2 =	vadd.f32 v6, v2  }
0x1e8: {  	s7 =	sadd.s32 $0x40, s7;
	v21 =	vbroadcast v3, $0x1;
	v22 =	vbroadcast v3, $0x2;
	v6 =	vld [tilespmem:s0+$0xFFFFFFC0]  }
0x1e9: {  	v23 =	vbroadcast v3, $0x3;
	v4 =	vmul.f32 v10, v4;
	v10 =	vld [tilespmem:s0+$0xFFFFFFD0];
	[tilespmem:s7+$0x10] =	vst v2  }
0x1ea: {  	v2 =	vmul.f32 v14, v9;
	v5 =	vmul.f32 v5, v18;
	v9 =	vld [tilespmem:s0+$0x0]  }
0x1eb: {  	v14 =	vmul.f32 v15, v19;
	v11 =	vmul.f32 v17, v11;
	v15 =	vld [tilespmem:s0+$0x10]  }
0x1ec: {  	v17 =	vbroadcast v1, $0x4;
	v1 =	vadd.f32 v2, v4;
	v4 =	vmul.f32 v20, v12;
	v12 =	vld [tilespmem:s0+$0x20]  }
0x1ed: {  	v2 =	vbroadcast v7, $0x4;
	v5 =	vadd.f32 v14, v5;
	v6 =	vmul.f32 v6, v8;
	v14 =	vld [tilespmem:s0+$0x30]  }
0x1ee: {  	v3 =	vbroadcast v3, $0x4;
	v18 =	vld [tilespmem:s0+$0xFFFFFF80];
	v7 =	vmul.f32 v10, v13;
	v4 =	vadd.f32 v4, v11  }
.Ltmp7:
0x1ef: {  	v1 =	vadd.f32 v5, v1;
	v5 =	vld [tilespmem:s0+$0xFFFFFFE0];
	v9 =	vmul.f32 v9, v16;
	(pc) =	sbr.rel @p0 .LBB2_16-.Ltmp7, $4  }
0x1f0: {  	v10 =	vadd.f32 v7, v6;
	v15 =	vmul.f32 v15, v21;
	v6 =	vld [tilespmem:s0+$0x40]  }
0x1f1: {  	v7 =	vld [tilespmem:s0+$0xFFFFFF90];
	v11 =	vmul.f32 v12, v22  }
0x1f2: {  	v8 =	vld [tilespmem:s0+$0xFFFFFFF0];
	v4 =	vadd.f32 v10, v4;
	v13 =	vmul.f32 v14, v23;
	v10 =	vadd.f32 v15, v9  }
0x1f3: {  	s11 =	sadd.s32 $0x40, s11;
	v12 =	vmul.f32 v18, v17;
	v9 =	vld [tilespmem:s0+$0x50]  }
0x1f4: {  	_ = 	snop  }
0x1f5: {  	v2 =	vmul.f32 v5, v2;
	v62 =	vadd.f32 v13, v11  }
0x1f6: {  	v3 =	vmul.f32 v6, v3;
	v63 =	vadd.f32 v7, v12  }
0x1f7: {  	v5 =	vadd.f32 v62, v10;
	v2 =	vadd.f32 v8, v2  }
0x1f8: {  	v1 =	vadd.f32 v63, v1;
	v3 =	vadd.f32 v9, v3  }
0x1f9: {  	v2 =	vadd.f32 v2, v4  }
0x1fa: {  	[tilespmem:s7+$0xFFFFFFE0] =	vst v1;
	v1 =	vadd.f32 v3, v5  }
0x1fb: {  	[tilespmem:s7+$0xFFFFFFF0] =	vst v2  }
0x1fc: {  	s0 =	simm.s32 $0x2780;
	[tilespmem:s7+$0x0] =	vst v1  }
0x1fd: {  	[spmem:s2] =	stream.indirect.scatter.add.f32 [tilespmem:s30], [sflag:$0x4], $0x10, s0, s19, $0xb8;
	[tilespmem:$0xF640] =	vst v63  }
0x1fe: {  	_ =	swait.ge [sflag:s31], $0x800  }
0x1ff: {  	[sflag:s31] =	ssyncset.done $0x0  }
0x200: {  	[sflag:s31] =	ssyncadd.s32 $0xFFFFF800  }
0x201: {  	s26 =	stileid.u32;
	_ =	swait.ge [sflag:s1], $0x800  }
0x202: {  	s29 =	sshrl.u32 s6, $0x3;
	s16 =	sadd.s32 $0x1, s16;
	[sflag:s1] =	ssyncset.done $0x0  }
0x203: {  	p0 =	sne.s32 s16, s15;
	s0 =	sshll.u32 s26, $0x6;
	[sflag:s1] =	ssyncadd.s32 $0xFFFFF800  }
.Ltmp8:
0x204: {  	s0 =	sor.u32 $0x1C05, s0;
	[bflag:$0x0] =	sbarrier.arrive $0xFFFF;
	(pc) =	sbr.rel @p0 .LBB2_1-.Ltmp8, $4  }
0x205: {  	[hbm:s14], [sflag:s0] =	dma.local [spmem:s29], $0x4E4  }
0x206: {  	_ =	swait.ge [sflag:s17], $0x4E4  }
0x207: {  	[sflag:s17] =	ssyncset.done $0x0  }
0x208: {  	s11 =	simm.s32 $0x1400;
	[sflag:s17] =	ssyncadd.s32 $0xFFFFFB1C  }
0x209: {  	_ =	sfence.sel $0x180000  }
0x20a: {  	[bflag:$0x0] =	sbarrier.arrive $0xFFFF  }
0x20b: {  	_ =	strace $0x9000004A  }
0x20c: {  	s0 =	stileid.u32;
	[bflag:$0x2] =	sbarrier.arrive $0xFFFF  }
0x20d: {  	p0 =	sne.s32 s0, $0x0;
	s0 =	rddreg [dreg:$0x2]  }
0x20e: {  	s0 =	sadd.s32 @!p0 $0x100000, s0  }
0x20f: {  	[sflag:s0] =	ssyncadd.tile.s32 @!p0 $0x1;
	_ =	shalt  }
.Lfunc_end2:
_tile_overlayer_lowered:
.L_overlay_start_2:
0x210: {  	(tag) =	ssettag $0x2  }
0x211: {  	s0 =	rddreg [dreg:$0x0];
	s2 =	stileid.u32  }
0x212: {  	s1 =	rddreg [dreg:$0x1];
	p0 =	sne.s32 s2, $0x0  }
0x213: {  	s3 =	rddreg [dreg:$0x2];
	[bflag:$0x3] =	sbarrier.arrive $0xFFFF;
	s2 =	simm.s32 @!p0 $0x1C05  }
0x214: {  	[timem:s3], [sflag:s2] =	dma.local @!p0 [hbm:s0], s1  }
0x215: {  	s0 =	simm.s32 @!p0 $0x5  }
0x216: {  	_ =	swait.ge @!p0 [sflag:s0], s1  }
0x217: {  	s1 =	ssub.s32 @!p0 $0x0, s1;
	[sflag:s0] =	ssyncset.done @!p0 $0x0  }
0x218: {  	[sflag:s0] =	ssyncadd.s32 @!p0 s1  }
0x219: {  	[bflag:$0x3] =	sbarrier.arrive $0xFFFF  }
0x21a: {  	_ =	shalt  }

// kernel: kernel.15.cloned.1.call-start
scs
__scs_entry_jumppad:
0x0: {  	(pc) =	sbr.rel $0x88, $3  }
0x1: {  	(tag) =	ssettag $0x0;
	lr =	simm.s32 $0x1  }
0x2: {  	[smem:$0x3F91] =	sst lr;
	_ =	strace $0xD0000000  }
0x3: {  	_ = 	snop  }
0x4: {  	_ = 	snop  }
0x5: {  	_ = 	snop  }
0x6: {  	_ = 	snop  }
0x7: {  	_ = 	snop  }
__scs_overlays_trampoline_lowered:
0x8: {  	[smem:$0x3FA0] =	sst s0  }
0x9: {  	[smem:$0x3FA1] =	sst s1  }
0xa: {  	[smem:$0x3FA2] =	sst s2  }
0xb: {  	[smem:$0x3FA3] =	sst s3  }
0xc: {  	[smem:$0x3FA4] =	sst s4  }
0xd: {  	[smem:$0x3FA5] =	sst s5  }
0xe: {  	[smem:$0x3FA6] =	sst s6  }
0xf: {  	[smem:$0x3FA7] =	sst s7  }
0x10: {  	[smem:$0x3FA8] =	sst s8  }
0x11: {  	[smem:$0x3FA9] =	sst s9;
	s0 =	simm.s32 @!p0 $0x0  }
0x12: {  	s1 =	sld [smem:$0x3F8F];
	s0 =	simm.s32 @p0 $0x1  }
0x13: {  	[smem:$0x3FAA] =	sst s0;
	s0 =	simm.s32 @!p1 $0x0  }
0x14: {  	s2 =	sld [smem:$0x3F8E];
	s0 =	simm.s32 @p1 $0x1  }
0x15: {  	[smem:$0x3FAB] =	sst s0;
	s0 =	simm.s32 @!p2 $0x0  }
0x16: {  	s3 =	sld [smem:$0x3FDB];
	s0 =	simm.s32 @p2 $0x1  }
0x17: {  	s4 =	simm.s32 $0x1BF5;
	[smem:$0x3FAD] =	sst s0  }
0x18: {  	s0 =	sld [smem:$0x3F90];
	_ =	swait.ge [sflag:s4], $0x0  }
0x19: {  	s7 =	sld [smem:$0x3F91]  }
0x1a: {  	s8 =	sadd.s32 $0xFFFFE003, lr  }
0x1b: {  	s9 =	sadd.s32 $0xFFFFFEF7, lr;
	s5 =	simm.s32 $0xFFFFFFFF;
	p2 =	slt.u32 s8, $0xFFFFF086  }
0x1c: {  	p1 =	slt.u32 s9, $0xF7A;
	s5 =	simm.s32 @!p2 $0x0  }
0x1d: {  	s5 =	simm.s32 @p1 $0x1;
	p0 =	seq.s32 s7, s2  }
0x1e: {  	s7 =	smul.u32 @!p0 $0xF7A, s2;
	p2 =	seq.s32 @!p0 s5, $0x0  }
0x1f: {  	s9 =	smul.u32 $0xF7A, s1;
	s8 =	simm.s32 @!p0 $0x1BF5;
	p2 =	por !p2, p0  }
0x20: {  	[sflag:s8] =	ssyncset.s32 @!p0 $0xFFFFF086;
	s6 =	sadd.s32 @!p0 s3, s7;
	s7 =	simm.s32 @!p0 $0x108  }
0x21: {  	s3 =	sadd.s32 s3, s9;
	s6 =	sadd.s32 @!p0 $0x88, s6;
	s7 =	simm.s32 @p2 $0x1082  }
0x22: {  	[simem:s7], [sflag:s8] =	dma.local @!p0 [hbm:s6], $0xF7A  }
0x23: {  	s9 =	sor.u32 $0xD0000000, s2;
	s6 =	simm.s32 $0x108;
	_ =	swait.ge @!p0 [sflag:s8], $0x0  }
0x24: {  	s3 =	sadd.s32 $0x88, s3;
	s6 =	simm.s32 @!p1 $0x1082;
	[sflag:s4] =	ssyncset.s32 $0xFFFFF086  }
0x25: {  	[simem:s6], [sflag:s4] =	dma.local [hbm:s3], $0xF7A  }
0x26: {  	[smem:$0x3F91] =	sst s1;
	(tag) =	ssettag s2;
	_ =	strace s9  }
0x27: {  	s1 =	sld [smem:$0x3FA1]  }
0x28: {  	s2 =	sld [smem:$0x3FA2]  }
0x29: {  	s4 =	sld [smem:$0x3FA4]  }
0x2a: {  	p0 =	seq.s32 s5, $0x0;
	s5 =	sld [smem:$0x3FA5]  }
0x2b: {  	s6 =	sld [smem:$0x3FA6]  }
0x2c: {  	s7 =	sld [smem:$0x3FA7]  }
0x2d: {  	s3 =	simm.s32 $0x108;
	s8 =	sld [smem:$0x3FA8]  }
0x2e: {  	s3 =	simm.s32 @!p0 $0x1082;
	s9 =	sld [smem:$0x3FA9]  }
0x2f: {  	lr =	sadd.s32 s0, s3;
	s0 =	sld [smem:$0x3FA0]  }
0x30: {  	s3 =	sld [smem:$0x3FA3]  }
0x31: {  	[smem:$0x3FAC] =	sst s10  }
0x32: {  	s10 =	sld [smem:$0x3FAA];
	_ =	sdelay $0x3  }
0x33: {  	p0 =	seq.s32 s10, $0x1;
	s10 =	sld [smem:$0x3FAC];
	_ =	sdelay $0x3  }
0x34: {  	[smem:$0x3FAC] =	sst s10  }
0x35: {  	s10 =	sld [smem:$0x3FAB];
	_ =	sdelay $0x3  }
0x36: {  	p1 =	seq.s32 s10, $0x1;
	s10 =	sld [smem:$0x3FAC];
	_ =	sdelay $0x3  }
0x37: {  	[smem:$0x3FAC] =	sst s10  }
0x38: {  	s10 =	sld [smem:$0x3FAD]  }
0x39: {  	_ = 	snop;
	(pc) =	sbr.ind lr, $3  }
0x3a: {  	_ = 	snop  }
0x3b: {  	_ = 	snop  }
0x3c: {  	p2 =	seq.s32 s10, $0x1;
	s10 =	sld [smem:$0x3FAC]  }
0x3d: {  	_ =	shalt  }
0x3e: {  	_ =	shalt  }
0x3f: {  	_ =	shalt  }
0x40: {  	_ =	shalt  }
0x41: {  	_ =	shalt  }
0x42: {  	_ =	shalt  }
0x43: {  	_ =	shalt  }
0x44: {  	_ =	shalt  }
0x45: {  	_ =	shalt  }
0x46: {  	_ =	shalt  }
0x47: {  	_ =	shalt  }
0x48: {  	_ =	shalt  }
0x49: {  	_ =	shalt  }
0x4a: {  	_ =	shalt  }
0x4b: {  	_ =	shalt  }
0x4c: {  	_ =	shalt  }
0x4d: {  	_ =	shalt  }
0x4e: {  	_ =	shalt  }
0x4f: {  	_ =	shalt  }
0x50: {  	_ =	shalt  }
0x51: {  	_ =	shalt  }
0x52: {  	_ =	shalt  }
0x53: {  	_ =	shalt  }
0x54: {  	_ =	shalt  }
0x55: {  	_ =	shalt  }
0x56: {  	_ =	shalt  }
0x57: {  	_ =	shalt  }
0x58: {  	_ =	shalt  }
0x59: {  	_ =	shalt  }
0x5a: {  	_ =	shalt  }
0x5b: {  	_ =	shalt  }
0x5c: {  	_ =	shalt  }
0x5d: {  	_ =	shalt  }
0x5e: {  	_ =	shalt  }
0x5f: {  	_ =	shalt  }
0x60: {  	_ =	shalt  }
0x61: {  	_ =	shalt  }
0x62: {  	_ =	shalt  }
0x63: {  	_ =	shalt  }
0x64: {  	_ =	shalt  }
0x65: {  	_ =	shalt  }
0x66: {  	_ =	shalt  }
0x67: {  	_ =	shalt  }
0x68: {  	_ =	shalt  }
0x69: {  	_ =	shalt  }
0x6a: {  	_ =	shalt  }
0x6b: {  	_ =	shalt  }
0x6c: {  	_ =	shalt  }
0x6d: {  	_ =	shalt  }
0x6e: {  	_ =	shalt  }
0x6f: {  	_ =	shalt  }
0x70: {  	_ =	shalt  }
0x71: {  	_ =	shalt  }
0x72: {  	_ =	shalt  }
0x73: {  	_ =	shalt  }
0x74: {  	_ =	shalt  }
0x75: {  	_ =	shalt  }
0x76: {  	_ =	shalt  }
0x77: {  	_ =	shalt  }
0x78: {  	_ =	shalt  }
0x79: {  	_ =	shalt  }
0x7a: {  	_ =	shalt  }
0x7b: {  	_ =	shalt  }
0x7c: {  	_ =	shalt  }
0x7d: {  	_ =	shalt  }
0x7e: {  	_ =	shalt  }
0x7f: {  	_ =	shalt  }
0x80: {  	_ =	shalt  }
0x81: {  	_ =	shalt  }
0x82: {  	_ =	shalt  }
0x83: {  	_ =	shalt  }
0x84: {  	_ =	shalt  }
0x85: {  	_ =	shalt  }
0x86: {  	_ =	shalt  }
0x87: {  	_ =	shalt  }
.Lfunc_end0:
.L_simem_size_0:
called_computation.2_lowered:
.L_overlay_start_0:
0x88: {  	s2 =	sld [smem:$0x3FD9]  }
0x89: {  	s3 =	sld [smem:$0x3FFE];
	_ =	sdelay $0x1  }
0x8a: {  	s1 =	srdreg.scid  }
0x8b: {  	s0 =	sand.u32 $0x1, s1  }
0x8c: {  	s16 =	sshll.u32 s0, $0xA;
	s2 =	sadd.s32 s3, s2  }
0x8d: {  	s2 =	sadd.s32 s2, s16  }
0x8e: {  	[smem:$0x3FB8] =	sst s2  }
0x8f: {  	_ = 	snop  }
0x90: {  	(tm) =	ssettm $0x1  }
0x91: {  	s17 =	sld [smem:$0x3FFB];
	_ =	sdelay $0x3  }
0x92: {  	_ =	strace s17  }
0x93: {  	s2 =	sld [smem:$0x3FFC];
	_ =	sdelay $0x3  }
0x94: {  	_ =	strace s2  }
0x95: {  	s2 =	sld [smem:$0x3FFD];
	_ =	sdelay $0x3  }
0x96: {  	_ =	strace s2  }
0x97: {  	_ =	strace $0x8FFFFFFF  }
0x98: {  	s18 =	sld [smem:$0x3FDB];
	_ =	sdelay $0x1  }
0x99: {  	s19 =	simm.s32 $_scs_section_size  }
0x9a: {  	s4 =	simm.s32 $_size__tile_overlayer_lowered;
	s5 =	simm.s32 $_tile_overlayer_lowered  }
0x9b: {  	s22 =	simm.s32 $0x1BFF;
	s21 =	sshll.u32 s5, $0x1;
	s2 =	sadd.s32 s19, s18  }
0x9c: {  	s6 =	simm.s32 $0x0;
	s20 =	sshll.u32 s4, $0x1;
	s4 =	sadd.s32 s21, s2  }
0x9d: {  	[timem:s6], [sflag:s22] =	dma.local [hbm:s4], s20  }
0x9e: {  	_ =	swait.ge [sflag:s22], s20  }
0x9f: {  	s3 =	ssub.s32 $0x0, s20;
	[sflag:s22] =	ssyncset.done $0x0  }
0xa0: {  	[sflag:s22] =	ssyncadd.s32 s3;
	_ =	sdelay $0x1  }
0xa1: {  	s23 =	simm.s32 $0x1B8B  }
0xa2: {  	_ =	swait.ge [sflag:s23], $0x1  }
0xa3: {  	[sflag:s23] =	ssyncset.done $0x0  }
0xa4: {  	s25 =	simm.s32 $0x1B8E;
	s24 =	sld [smem:$0x3FFE];
	[sflag:s23] =	ssyncadd.s32 $0xFFFFFFFF  }
0xa5: {  	s26 =	simm.s32 $execute0_lowered;
	[smem:$0x3FD2] =	sst s25  }
0xa6: {  	s4 =	sshll.u32 s26, $0x1;
	_ =	strace $0x8000004C;
	[dreg:$0x1] =	wrdreg $0xFFFFFFFF  }
0xa7: {  	s28 =	simm.s32 $_size_execute0_lowered;
	s2 =	sadd.s32 s2, s4;
	[dreg:$0x0] =	wrdreg $0x0  }
0xa8: {  	s4 =	sshll.u32 s28, $0x1;
	[dreg:$0x2] =	wrdreg s2  }
0xa9: {  	[dreg:$0x3] =	wrdreg s4  }
0xaa: {  	[dreg:$0x4] =	wrdreg $0xC0  }
0xab: {  	_ =	task [dreg:s6], $0x5FFFF  }
0xac: {  	[dreg:$0x1] =	wrdreg $0xFFFFFFFF  }
0xad: {  	[dreg:$0x0] =	wrdreg $0x60  }
0xae: {  	[dreg:$0x2] =	wrdreg s24  }
0xaf: {  	[dreg:$0x3] =	wrdreg $0xCF200  }
0xb0: {  	[dreg:$0x4] =	wrdreg $0x9  }
0xb1: {  	_ =	task.clear_ibuf [dreg:s6], $0x5FFFF;
	_ =	strace $0x9000004C  }
0xb2: {  	s29 =	simm.s32 $0x9;
	_ =	strace $0x8000004E  }
0xb3: {  	_ =	swait.ge [sflag:s29], $0x1  }
0xb4: {  	[sflag:s29] =	ssyncadd.s32 $0xFFFFFFFF  }
0xb5: {  	_ =	strace $0x9000004E  }
0xb6: {  	_ =	sfence  }
0xb7: {  	s30 =	sld [smem:$0x0];
	_ =	sdelay $0x2  }
0xb8: {  	s31 =	sshll.u32 s1, $0xD;
	s1 =	sshrl.u32 s1, $0x2  }
0xb9: {  	s3 =	sand.u32 $0x4000, s31;
	s1 =	sadd.s32 s1, s30  }
0xba: {  	s0 =	sor.u32 s3, s0;
	s1 =	sshll.u32 s1, $0x11  }
0xbb: {  	s0 =	sor.u32 s1, s0  }
0xbc: {  	s0 =	sadd.s32 $0x8F2B, s0  }
0xbd: {  	[sflag:s0] =	ssyncadd.remote.s32 $0x1  }
0xbe: {  	_ =	sfence.sel $0xFFFF  }
0xbf: {  	[dreg:$0x0] =	wrdreg $0xFFFFFFFF;
	(pc) =	sbr.abs _section_cstart, $3  }
0xc0: {  	[dreg:$0x1] =	wrdreg $0xFFFFFFFF  }
0xc1: {  	_ =	task.clear_ibuf [dreg:s6], $0x2FFFF;
	_ =	strace $0x9FFFFFFF  }
0xc2: {  	(tm) =	ssettm $0x7FFFFFFF  }
0xc3: {  	_ =	shalt  }
tec
execute0_lowered:
.L_overlay_start_1:
0x0: {  	(tag) =	ssettag $0x1  }
0x1: {  	s0 =	srdreg.scid  }
0x2: {  	s10 =	stileid.u32;
	s6 =	rddreg [dreg:$0x0]  }
0x3: {  	s2 =	rddreg [dreg:$0x1];
	s3 =	simm.s32 $0x0;
	s17 =	simm.s32 $0x5  }
0x4: {  	s19 =	simm.s32 $0x80;
	s20 =	simm.s32 $0x2800;
	s28 =	simm.s32 $0x2  }
0x5: {  	s30 =	simm.s32 $0xA000;
	s31 =	simm.s32 $0x3;
	s8 =	smul.u32 $0x4E4, s10  }
0x6: {  	s0 =	sand.u32 $0x1, s0;
	s1 =	sshll.u32 s10, $0x1;
	s21 =	smul.u32 $0x9C80, s10  }
0x7: {  	s16 =	simm.s32 $0x0;
	s1 =	sor.u32 s0, s1;
	s9 =	smul.u32 $0x4E40, s0  }
0x8: {  	[smem:$0x7FF] =	sst s3;
	s4 =	sadd.s32 $0x78A00, s6;
	s7 =	smul.u32 $0x280, s1  }
0x9: {  	s5 =	sadd.s32 $0xD2800, s6;
	s0 =	ssub.s32 $0x2, s0;
	s22 =	smul.u32 $0x2800, s1  }
0xa: {  	_ =	strace $0x8000004D;
	s23 =	sshrl.u32 s0, $0x1;
	s11 =	smul.u32 $0x14000, s1  }
0xb: {  	s10 =	smul.u32 $0x1400, s1;
	s1 =	simm.s32 $0x4;
	s8 =	sadd.s32 s8, s9  }
0xc: {  	s9 =	sshrl.u32 s21, $0x2;
	s0 =	ssub.s32 s0, s23;
	s21 =	simm.s32 $0x8800  }
0xd: {  	s23 =	simm.s32 $0x9800;
	s7 =	sadd.s32 s7, s6;
	s8 =	sadd.s32 s8, s6  }
0xe: {  	s6 =	sadd.s32 s9, s2;
	s9 =	sadd.s32 s5, s22;
	s25 =	sshrl.u32 s11, $0x3  }
0xf: {  	s15 =	smax.u32 s0, $0x1;
	s11 =	simm.s32 $0x1400;
	s22 =	simm.s32 $0x1  }
0x10: {  	s24 =	sadd.s32 $0x73A00, s7;
	s7 =	sadd.s32 $0x6EA00, s7;
	s26 =	sadd.s32 $0x100, s9  }
0x11: {  	s29 =	sadd.s32 s5, s25;
	s12 =	sadd.s32 $0x200, s9;
	[dreg:$0x3] =	wrdreg s24  }
0x12: {  	s14 =	sadd.s32 $0x96000, s8;
	s25 =	simm.s32 $0x9000;
	[dreg:$0x4] =	wrdreg s7  }
0x13: {  	v0 =	vimm.f32 $0.0e+00;
	[dreg:$0x5] =	wrdreg s26;
	s13 =	sadd.s32 $0x2700, s29;
	s24 =	simm.s32 $0x5800  }
.LBB2_1:
0x14: {  	s0 =	simm.s32 $0x40;
	s7 =	simm.s32 $0x0  }
.LBB2_2:
0x15: {  	p0 =	sne.s32 s0, $0x9C40;
	[tilespmem:s7+$0xA800] =	vst v0;
	s7 =	smov.u32 s0;
	s0 =	sadd.s32 $0x40, s0  }
.Ltmp0:
0x16: {  	(pc) =	sbr.rel @p0 .LBB2_2-.Ltmp0, $2  }
0x17: {  	_ =	sdelay $0x2  }
0x18: {  	s7 =	sshra.s32 s7, $0x2  }
0x19: {  	[tilespmem:s7+$0xA800] =	vst v0;
	s0 =	simm.s32 $0xA800  }
0x1a: {  	[spmem:s6] =	stream.linear.scatter [tilespmem:s0], [sflag:$0x5], $0x2720, $0x38;
	[tilespmem:$0xF640] =	vst v63  }
0x1b: {  	_ =	swait.ge [sflag:s17], $0x2720  }
0x1c: {  	[sflag:s17] =	ssyncset.done $0x0  }
0x1d: {  	s18 =	rddreg [dreg:$0x3];
	[sflag:s17] =	ssyncadd.s32 $0xFFFFD8E0  }
0x1e: {  	[tilespmem:s3], [sflag:$0x5] =	stream.linear.gather [hbm4b:s18+s3], $0x1400, $0x38;
	[tilespmem:$0xF640] =	vst v63  }
0x1f: {  	_ =	swait.ge [sflag:s17], $0x1400  }
0x20: {  	[sflag:s17] =	ssyncset.done $0x0  }
0x21: {  	s26 =	rddreg [dreg:$0x4];
	[sflag:s17] =	ssyncadd.s32 $0xFFFFEC00  }
0x22: {  	[tilespmem:s11], [sflag:$0x5] =	stream.linear.gather [hbm4b:s26+s3], $0x1400, $0x38;
	[tilespmem:$0xF640] =	vst v63  }
0x23: {  	_ =	swait.ge [sflag:s17], $0x1400  }
0x24: {  	[sflag:s17] =	ssyncset.done $0x0  }
0x25: {  	[sflag:s17] =	ssyncadd.s32 $0xFFFFEC00  }
0x26: {  	[bflag:$0x0] =	sbarrier.arrive $0xFFFF  }
0x27: {  	[tilespmem:s20], [sflag:$0x1] =	stream.indirect.gather [hbm4b:s4+s19], $0x60, s3, s19, $0xb8;
	[tilespmem:$0xF640] =	vst v63  }
0x28: {  	_ = 	snop  }
0x29: {  	[tilespmem:s21], [sflag:$0x1] =	stream.linear.gather [hbm4b:s9+s3], $0x800, $0x38;
	[tilespmem:$0xF640] =	vst v63  }
0x2a: {  	_ =	swait.ge [sflag:s22], $0x3000  }
0x2b: {  	[sflag:s22] =	ssyncset.done $0x0  }
0x2c: {  	[sflag:s22] =	ssyncadd.s32 $0xFFFFD000  }
0x2d: {  	_ =	swait.ge [sflag:s22], $0x800  }
0x2e: {  	[sflag:s22] =	ssyncset.done $0x0  }
0x2f: {  	s29 =	simm.s32 $0x8820;
	[sflag:s22] =	ssyncadd.s32 $0xFFFFF800  }
0x30: {  	s0 =	simm.s32 $0x28C0;
	v1 =	vld [tilespmem:s29+$0x10]  }
0x31: {  	v2 =	vld [tilespmem:s0+$0x60]  }
0x32: {  	v3 =	vld [tilespmem:s0+$0x70]  }
0x33: {  	v6 =	vld [tilespmem:s29+$0xFFFFFFF0]  }
0x34: {  	v9 =	vld [tilespmem:s29+$0x0]  }
0x35: {  	v14 =	vld [tilespmem:s29+$0xFFFFFFE0]  }
0x36: {  	v4 =	vld [tilespmem:s0+$0x80]  }
0x37: {  	v5 =	vld [tilespmem:s0+$0x90];
	v8 =	vbroadcast v1, $0x4;
	v10 =	vbroadcast v1, $0x0  }
0x38: {  	v7 =	vld [tilespmem:s0+$0xA0];
	v11 =	vbroadcast v1, $0x1;
	v13 =	vbroadcast v1, $0x2  }
0x39: {  	v12 =	vld [tilespmem:s0+$0xB0];
	v1 =	vbroadcast v1, $0x3;
	v17 =	vbroadcast v6, $0x3  }
0x3a: {  	v15 =	vld [tilespmem:s0+$0xFFFFFF60];
	v18 =	vbroadcast v9, $0x0;
	v20 =	vbroadcast v14, $0x0  }
0x3b: {  	v16 =	vld [tilespmem:s0+$0xFFFFFF70];
	v21 =	vbroadcast v14, $0x1;
	v23 =	vbroadcast v14, $0x2  }
0x3c: {  	v19 =	vld [tilespmem:s0+$0xFFFFFFA0];
	v24 =	vbroadcast v14, $0x3;
	v58 =	vbroadcast v9, $0x1  }
0x3d: {  	v57 =	vld [tilespmem:s0+$0xFFFFFFD0];
	v26 =	vbroadcast v9, $0x2;
	v61 =	vbroadcast v9, $0x3  }
0x3e: {  	v22 =	vld [tilespmem:s0+$0xFFFFFFB0];
	v2 =	vmul.f32 v2, v10;
	v3 =	vmul.f32 v3, v11  }
0x3f: {  	v10 =	vld [tilespmem:s0+$0xFFFFFF40];
	v4 =	vmul.f32 v4, v13;
	v1 =	vmul.f32 v5, v1  }
0x40: {  	v5 =	vld [tilespmem:s0+$0xFFFFFF50];
	v11 =	vbroadcast v6, $0x0;
	v13 =	vbroadcast v6, $0x1  }
0x41: {  	v25 =	vld [tilespmem:s0+$0xFFFFFFC0];
	v7 =	vmul.f32 v7, v8;
	v8 =	vbroadcast v6, $0x2  }
0x42: {  	v59 =	vld [tilespmem:s0+$0x0];
	v15 =	vmul.f32 v15, v23;
	v17 =	vmul.f32 v57, v17;
	v2 =	vadd.f32 v3, v2  }
0x43: {  	v60 =	vld [tilespmem:s0+$0x10];
	v3 =	vmul.f32 v16, v24;
	v1 =	vadd.f32 v1, v4;
	v4 =	vmul.f32 v19, v11  }
0x44: {  	v11 =	vld [tilespmem:s0+$0x20];
	v7 =	vadd.f32 v12, v7;
	v12 =	vbroadcast v14, $0x4;
	v13 =	vmul.f32 v22, v13  }
0x45: {  	v14 =	vld [tilespmem:s0+$0x30];
	v10 =	vmul.f32 v10, v20;
	v5 =	vmul.f32 v5, v21  }
0x46: {  	v62 =	vld [tilespmem:s0+$0xFFFFFF80];
	v8 =	vmul.f32 v25, v8;
	v1 =	vadd.f32 v1, v2;
	v15 =	vadd.f32 v3, v15  }
0x47: {  	v2 =	vbroadcast v6, $0x4;
	v4 =	vadd.f32 v13, v4;
	v10 =	vadd.f32 v5, v10;
	v5 =	vld [tilespmem:s0+$0xFFFFFFE0]  }
0x48: {  	v3 =	vbroadcast v9, $0x4;
	v9 =	vadd.f32 v17, v8;
	v6 =	vld [tilespmem:s0+$0x40];
	v13 =	vadd.f32 v7, v1  }
0x49: {  	s7 =	simm.s32 $0x9820;
	v63 =	vmul.f32 v59, v18;
	v16 =	vmul.f32 v60, v58;
	v7 =	vld [tilespmem:s0+$0xFFFFFF90]  }
0x4a: {  	v8 =	vld [tilespmem:s0+$0xFFFFFFF0];
	v4 =	vadd.f32 v9, v4;
	v11 =	vmul.f32 v11, v26;
	[tilespmem:s7+$0x10] =	vst v13;
	v13 =	vmul.f32 v14, v61  }
0x4b: {  	s8 =	simm.s32 $0x8860;
	s18 =	simm.s32 $0x0;
	v12 =	vmul.f32 v62, v12;
	v9 =	vld [tilespmem:s0+$0x50];
	v1 =	vadd.f32 v15, v10;
	v10 =	vadd.f32 v16, v63  }
.LBB2_4:
0x4c: {  	v14 =	vld [tilespmem:s8+$0x10];
	v2 =	vmul.f32 v5, v2;
	v5 =	vadd.f32 v13, v11;
	s0 =	sadd.s32 $0x180, s0  }
0x4d: {  	v11 =	vld [tilespmem:s0+$0x60];
	v3 =	vmul.f32 v6, v3  }
0x4e: {  	s18 =	sadd.s32 $0x4, s18;
	v6 =	vld [tilespmem:s0+$0x70];
	v7 =	vadd.f32 v7, v12;
	v5 =	vadd.f32 v5, v10  }
0x4f: {  	p0 =	slt.u32 s18, $0x7C;
	v10 =	vld [tilespmem:s0+$0x80];
	v2 =	vadd.f32 v8, v2  }
0x50: {  	v8 =	vld [tilespmem:s0+$0x90];
	v1 =	vadd.f32 v7, v1;
	v3 =	vadd.f32 v9, v3  }
0x51: {  	v7 =	vld [tilespmem:s8+$0xFFFFFFF0];
	v9 =	vbroadcast v14, $0x4;
	v2 =	vadd.f32 v2, v4  }
0x52: {  	v4 =	vbroadcast v14, $0x0;
	v12 =	vbroadcast v14, $0x1;
	v13 =	vld [tilespmem:s0+$0xA0];
	[tilespmem:s7+$0xFFFFFFE0] =	vst v1;
	v1 =	vadd.f32 v3, v5  }
0x53: {  	v5 =	vbroadcast v14, $0x2;
	v14 =	vbroadcast v14, $0x3;
	v3 =	vld [tilespmem:s8+$0x0];
	[tilespmem:s7+$0xFFFFFFF0] =	vst v2  }
0x54: {  	v2 =	vmul.f32 v11, v4;
	v4 =	vmul.f32 v6, v12;
	v6 =	vld [tilespmem:s0+$0xB0];
	[tilespmem:s7+$0x0] =	vst v1  }
0x55: {  	v5 =	vmul.f32 v10, v5;
	v1 =	vld [tilespmem:s8+$0xFFFFFFE0];
	v8 =	vmul.f32 v8, v14  }
0x56: {  	v10 =	vld [tilespmem:s0+$0xFFFFFF40];
	v11 =	vbroadcast v7, $0x0;
	v12 =	vbroadcast v7, $0x1  }
0x57: {  	v2 =	vadd.f32 v4, v2;
	v14 =	vld [tilespmem:s0+$0xFFFFFF50];
	v9 =	vmul.f32 v13, v9;
	v4 =	vadd.f32 v8, v5  }
0x58: {  	v8 =	vbroadcast v7, $0x2;
	v13 =	vbroadcast v7, $0x3;
	v5 =	vld [tilespmem:s0+$0xFFFFFF60]  }
0x59: {  	v16 =	vbroadcast v3, $0x0;
	v15 =	vld [tilespmem:s0+$0xFFFFFF70];
	v6 =	vadd.f32 v6, v9;
	v2 =	vadd.f32 v4, v2  }
0x5a: {  	v4 =	vbroadcast v1, $0x0;
	v9 =	vbroadcast v1, $0x1;
	v17 =	vld [tilespmem:s0+$0xFFFFFFA0]  }
0x5b: {  	v18 =	vbroadcast v1, $0x2;
	v19 =	vbroadcast v1, $0x3;
	v20 =	vld [tilespmem:s0+$0xFFFFFFB0];
	v2 =	vadd.f32 v6, v2  }
0x5c: {  	s7 =	sadd.s32 $0x40, s7;
	v21 =	vbroadcast v3, $0x1;
	v22 =	vbroadcast v3, $0x2;
	v6 =	vld [tilespmem:s0+$0xFFFFFFC0]  }
0x5d: {  	v23 =	vbroadcast v3, $0x3;
	v4 =	vmul.f32 v10, v4;
	v10 =	vld [tilespmem:s0+$0xFFFFFFD0];
	[tilespmem:s7+$0x10] =	vst v2  }
0x5e: {  	v2 =	vmul.f32 v14, v9;
	v5 =	vmul.f32 v5, v18;
	v9 =	vld [tilespmem:s0+$0x0]  }
0x5f: {  	v14 =	vmul.f32 v15, v19;
	v11 =	vmul.f32 v17, v11;
	v15 =	vld [tilespmem:s0+$0x10]  }
0x60: {  	v17 =	vbroadcast v1, $0x4;
	v1 =	vadd.f32 v2, v4;
	v4 =	vmul.f32 v20, v12;
	v12 =	vld [tilespmem:s0+$0x20]  }
0x61: {  	v2 =	vbroadcast v7, $0x4;
	v5 =	vadd.f32 v14, v5;
	v6 =	vmul.f32 v6, v8;
	v14 =	vld [tilespmem:s0+$0x30]  }
0x62: {  	v3 =	vbroadcast v3, $0x4;
	v18 =	vld [tilespmem:s0+$0xFFFFFF80];
	v7 =	vmul.f32 v10, v13;
	v4 =	vadd.f32 v4, v11  }
.Ltmp1:
0x63: {  	v1 =	vadd.f32 v5, v1;
	v5 =	vld [tilespmem:s0+$0xFFFFFFE0];
	v9 =	vmul.f32 v9, v16;
	(pc) =	sbr.rel @p0 .LBB2_4-.Ltmp1, $4  }
0x64: {  	v10 =	vadd.f32 v7, v6;
	v15 =	vmul.f32 v15, v21;
	v6 =	vld [tilespmem:s0+$0x40]  }
0x65: {  	v7 =	vld [tilespmem:s0+$0xFFFFFF90];
	v11 =	vmul.f32 v12, v22  }
0x66: {  	v8 =	vld [tilespmem:s0+$0xFFFFFFF0];
	v4 =	vadd.f32 v10, v4;
	v13 =	vmul.f32 v14, v23;
	v10 =	vadd.f32 v15, v9  }
0x67: {  	s8 =	sadd.s32 $0x40, s8;
	v12 =	vmul.f32 v18, v17;
	v9 =	vld [tilespmem:s0+$0x50]  }
0x68: {  	_ = 	snop  }
0x69: {  	v2 =	vmul.f32 v5, v2;
	v5 =	vadd.f32 v13, v11  }
0x6a: {  	v3 =	vmul.f32 v6, v3;
	v6 =	vadd.f32 v7, v12  }
0x6b: {  	v5 =	vadd.f32 v5, v10;
	v2 =	vadd.f32 v8, v2  }
0x6c: {  	v1 =	vadd.f32 v6, v1;
	v3 =	vadd.f32 v9, v3  }
0x6d: {  	v2 =	vadd.f32 v2, v4  }
0x6e: {  	[tilespmem:s7+$0xFFFFFFE0] =	vst v1;
	v1 =	vadd.f32 v3, v5  }
0x6f: {  	[tilespmem:s7+$0xFFFFFFF0] =	vst v2  }
0x70: {  	[tilespmem:s7+$0x0] =	vst v1  }
0x71: {  	[spmem:s2] =	stream.indirect.scatter.add.f32 [tilespmem:s23], [sflag:$0x3], $0x10, s11, s19, $0xb8;
	[tilespmem:$0xF640] =	vst v63  }
0x72: {  	_ = 	snop  }
0x73: {  	[tilespmem:s24], [sflag:$0x2] =	stream.indirect.gather [hbm4b:s4+s19], $0x60, s19, s19, $0xb8;
	[tilespmem:$0xF640] =	vst v63  }
0x74: {  	s0 =	rddreg [dreg:$0x5]  }
0x75: {  	[tilespmem:s25], [sflag:$0x2] =	stream.linear.gather [hbm4b:s0+s3], $0x800, $0x38;
	[tilespmem:$0xF640] =	vst v63  }
0x76: {  	s26 =	simm.s32 $0x100  }
0x77: {  	[tilespmem:s20], [sflag:$0x1] =	stream.indirect.gather [hbm4b:s4+s19], $0x60, s26, s19, $0xb8;
	[tilespmem:$0xF640] =	vst v63  }
0x78: {  	_ = 	snop  }
0x79: {  	[tilespmem:s21], [sflag:$0x1] =	stream.linear.gather [hbm4b:s12+s3], $0x800, $0x38;
	[tilespmem:$0xF640] =	vst v63  }
0x7a: {  	_ =	swait.ge [sflag:s28], $0x3000  }
0x7b: {  	[sflag:s28] =	ssyncset.done $0x0  }
0x7c: {  	[sflag:s28] =	ssyncadd.s32 $0xFFFFD000  }
0x7d: {  	_ =	swait.ge [sflag:s28], $0x800  }
0x7e: {  	[sflag:s28] =	ssyncset.done $0x0  }
0x7f: {  	s29 =	simm.s32 $0x9020;
	[sflag:s28] =	ssyncadd.s32 $0xFFFFF800  }
0x80: {  	s0 =	simm.s32 $0x58C0;
	v1 =	vld [tilespmem:s29+$0x10]  }
0x81: {  	v2 =	vld [tilespmem:s0+$0x60]  }
0x82: {  	v3 =	vld [tilespmem:s0+$0x70]  }
0x83: {  	v6 =	vld [tilespmem:s29+$0xFFFFFFF0]  }
0x84: {  	v9 =	vld [tilespmem:s29+$0x0]  }
0x85: {  	v14 =	vld [tilespmem:s29+$0xFFFFFFE0]  }
0x86: {  	v4 =	vld [tilespmem:s0+$0x80]  }
0x87: {  	v5 =	vld [tilespmem:s0+$0x90];
	v8 =	vbroadcast v1, $0x4;
	v10 =	vbroadcast v1, $0x0  }
0x88: {  	v7 =	vld [tilespmem:s0+$0xA0];
	v11 =	vbroadcast v1, $0x1;
	v13 =	vbroadcast v1, $0x2  }
0x89: {  	v12 =	vld [tilespmem:s0+$0xB0];
	v1 =	vbroadcast v1, $0x3;
	v17 =	vbroadcast v6, $0x3  }
0x8a: {  	v15 =	vld [tilespmem:s0+$0xFFFFFF60];
	v18 =	vbroadcast v9, $0x0;
	v20 =	vbroadcast v14, $0x0  }
0x8b: {  	v16 =	vld [tilespmem:s0+$0xFFFFFF70];
	v21 =	vbroadcast v14, $0x1;
	v23 =	vbroadcast v14, $0x2  }
0x8c: {  	v19 =	vld [tilespmem:s0+$0xFFFFFFA0];
	v24 =	vbroadcast v14, $0x3;
	v58 =	vbroadcast v9, $0x1  }
0x8d: {  	v57 =	vld [tilespmem:s0+$0xFFFFFFD0];
	v26 =	vbroadcast v9, $0x2;
	v61 =	vbroadcast v9, $0x3  }
0x8e: {  	v22 =	vld [tilespmem:s0+$0xFFFFFFB0];
	v2 =	vmul.f32 v2, v10;
	v3 =	vmul.f32 v3, v11  }
0x8f: {  	v10 =	vld [tilespmem:s0+$0xFFFFFF40];
	v4 =	vmul.f32 v4, v13;
	v1 =	vmul.f32 v5, v1  }
0x90: {  	v5 =	vld [tilespmem:s0+$0xFFFFFF50];
	v11 =	vbroadcast v6, $0x0;
	v13 =	vbroadcast v6, $0x1  }
0x91: {  	v25 =	vld [tilespmem:s0+$0xFFFFFFC0];
	v7 =	vmul.f32 v7, v8;
	v8 =	vbroadcast v6, $0x2  }
0x92: {  	v59 =	vld [tilespmem:s0+$0x0];
	v15 =	vmul.f32 v15, v23;
	v17 =	vmul.f32 v57, v17;
	v2 =	vadd.f32 v3, v2  }
0x93: {  	v60 =	vld [tilespmem:s0+$0x10];
	v3 =	vmul.f32 v16, v24;
	v1 =	vadd.f32 v1, v4;
	v4 =	vmul.f32 v19, v11  }
0x94: {  	v11 =	vld [tilespmem:s0+$0x20];
	v7 =	vadd.f32 v12, v7;
	v12 =	vbroadcast v14, $0x4;
	v13 =	vmul.f32 v22, v13  }
0x95: {  	v14 =	vld [tilespmem:s0+$0x30];
	v10 =	vmul.f32 v10, v20;
	v5 =	vmul.f32 v5, v21  }
0x96: {  	v62 =	vld [tilespmem:s0+$0xFFFFFF80];
	v8 =	vmul.f32 v25, v8;
	v1 =	vadd.f32 v1, v2;
	v15 =	vadd.f32 v3, v15  }
0x97: {  	v2 =	vbroadcast v6, $0x4;
	v4 =	vadd.f32 v13, v4;
	v10 =	vadd.f32 v5, v10;
	v5 =	vld [tilespmem:s0+$0xFFFFFFE0]  }
0x98: {  	v3 =	vbroadcast v9, $0x4;
	v9 =	vadd.f32 v17, v8;
	v6 =	vld [tilespmem:s0+$0x40];
	v13 =	vadd.f32 v7, v1  }
0x99: {  	s7 =	simm.s32 $0xA020;
	v63 =	vmul.f32 v59, v18;
	v16 =	vmul.f32 v60, v58;
	v7 =	vld [tilespmem:s0+$0xFFFFFF90]  }
0x9a: {  	v8 =	vld [tilespmem:s0+$0xFFFFFFF0];
	v4 =	vadd.f32 v9, v4;
	v11 =	vmul.f32 v11, v26;
	[tilespmem:s7+$0x10] =	vst v13;
	v13 =	vmul.f32 v14, v61  }
0x9b: {  	s18 =	simm.s32 $0x0;
	s8 =	simm.s32 $0x9060;
	v12 =	vmul.f32 v62, v12;
	v9 =	vld [tilespmem:s0+$0x50];
	v1 =	vadd.f32 v15, v10;
	v10 =	vadd.f32 v16, v63  }
.LBB2_6:
0x9c: {  	v14 =	vld [tilespmem:s8+$0x10];
	v2 =	vmul.f32 v5, v2;
	v5 =	vadd.f32 v13, v11;
	s0 =	sadd.s32 $0x180, s0  }
0x9d: {  	v11 =	vld [tilespmem:s0+$0x60];
	v3 =	vmul.f32 v6, v3  }
0x9e: {  	s18 =	sadd.s32 $0x4, s18;
	v6 =	vld [tilespmem:s0+$0x70];
	v7 =	vadd.f32 v7, v12;
	v5 =	vadd.f32 v5, v10  }
0x9f: {  	p0 =	slt.u32 s18, $0x7C;
	v10 =	vld [tilespmem:s0+$0x80];
	v2 =	vadd.f32 v8, v2  }
0xa0: {  	v8 =	vld [tilespmem:s0+$0x90];
	v1 =	vadd.f32 v7, v1;
	v3 =	vadd.f32 v9, v3  }
0xa1: {  	v7 =	vld [tilespmem:s8+$0xFFFFFFF0];
	v9 =	vbroadcast v14, $0x4;
	v2 =	vadd.f32 v2, v4  }
0xa2: {  	v4 =	vbroadcast v14, $0x0;
	v12 =	vbroadcast v14, $0x1;
	v13 =	vld [tilespmem:s0+$0xA0];
	[tilespmem:s7+$0xFFFFFFE0] =	vst v1;
	v1 =	vadd.f32 v3, v5  }
0xa3: {  	v5 =	vbroadcast v14, $0x2;
	v14 =	vbroadcast v14, $0x3;
	v3 =	vld [tilespmem:s8+$0x0];
	[tilespmem:s7+$0xFFFFFFF0] =	vst v2  }
0xa4: {  	v2 =	vmul.f32 v11, v4;
	v4 =	vmul.f32 v6, v12;
	v6 =	vld [tilespmem:s0+$0xB0];
	[tilespmem:s7+$0x0] =	vst v1  }
0xa5: {  	v5 =	vmul.f32 v10, v5;
	v1 =	vld [tilespmem:s8+$0xFFFFFFE0];
	v8 =	vmul.f32 v8, v14  }
0xa6: {  	v10 =	vld [tilespmem:s0+$0xFFFFFF40];
	v11 =	vbroadcast v7, $0x0;
	v12 =	vbroadcast v7, $0x1  }
0xa7: {  	v2 =	vadd.f32 v4, v2;
	v14 =	vld [tilespmem:s0+$0xFFFFFF50];
	v9 =	vmul.f32 v13, v9;
	v4 =	vadd.f32 v8, v5  }
0xa8: {  	v8 =	vbroadcast v7, $0x2;
	v13 =	vbroadcast v7, $0x3;
	v5 =	vld [tilespmem:s0+$0xFFFFFF60]  }
0xa9: {  	v16 =	vbroadcast v3, $0x0;
	v15 =	vld [tilespmem:s0+$0xFFFFFF70];
	v6 =	vadd.f32 v6, v9;
	v2 =	vadd.f32 v4, v2  }
0xaa: {  	v4 =	vbroadcast v1, $0x0;
	v9 =	vbroadcast v1, $0x1;
	v17 =	vld [tilespmem:s0+$0xFFFFFFA0]  }
0xab: {  	v18 =	vbroadcast v1, $0x2;
	v19 =	vbroadcast v1, $0x3;
	v20 =	vld [tilespmem:s0+$0xFFFFFFB0];
	v2 =	vadd.f32 v6, v2  }
0xac: {  	s7 =	sadd.s32 $0x40, s7;
	v21 =	vbroadcast v3, $0x1;
	v22 =	vbroadcast v3, $0x2;
	v6 =	vld [tilespmem:s0+$0xFFFFFFC0]  }
0xad: {  	v23 =	vbroadcast v3, $0x3;
	v4 =	vmul.f32 v10, v4;
	v10 =	vld [tilespmem:s0+$0xFFFFFFD0];
	[tilespmem:s7+$0x10] =	vst v2  }
0xae: {  	v2 =	vmul.f32 v14, v9;
	v5 =	vmul.f32 v5, v18;
	v9 =	vld [tilespmem:s0+$0x0]  }
0xaf: {  	v14 =	vmul.f32 v15, v19;
	v11 =	vmul.f32 v17, v11;
	v15 =	vld [tilespmem:s0+$0x10]  }
0xb0: {  	v17 =	vbroadcast v1, $0x4;
	v1 =	vadd.f32 v2, v4;
	v4 =	vmul.f32 v20, v12;
	v12 =	vld [tilespmem:s0+$0x20]  }
0xb1: {  	v2 =	vbroadcast v7, $0x4;
	v5 =	vadd.f32 v14, v5;
	v6 =	vmul.f32 v6, v8;
	v14 =	vld [tilespmem:s0+$0x30]  }
0xb2: {  	v3 =	vbroadcast v3, $0x4;
	v18 =	vld [tilespmem:s0+$0xFFFFFF80];
	v7 =	vmul.f32 v10, v13;
	v4 =	vadd.f32 v4, v11  }
.Ltmp2:
0xb3: {  	v1 =	vadd.f32 v5, v1;
	v5 =	vld [tilespmem:s0+$0xFFFFFFE0];
	v9 =	vmul.f32 v9, v16;
	(pc) =	sbr.rel @p0 .LBB2_6-.Ltmp2, $4  }
0xb4: {  	v10 =	vadd.f32 v7, v6;
	v15 =	vmul.f32 v15, v21;
	v6 =	vld [tilespmem:s0+$0x40]  }
0xb5: {  	v7 =	vld [tilespmem:s0+$0xFFFFFF90];
	v11 =	vmul.f32 v12, v22  }
0xb6: {  	v8 =	vld [tilespmem:s0+$0xFFFFFFF0];
	v4 =	vadd.f32 v10, v4;
	v13 =	vmul.f32 v14, v23;
	v10 =	vadd.f32 v15, v9  }
0xb7: {  	s8 =	sadd.s32 $0x40, s8;
	v12 =	vmul.f32 v18, v17;
	v9 =	vld [tilespmem:s0+$0x50]  }
0xb8: {  	_ = 	snop  }
0xb9: {  	v2 =	vmul.f32 v5, v2;
	v62 =	vadd.f32 v13, v11  }
0xba: {  	v3 =	vmul.f32 v6, v3;
	v63 =	vadd.f32 v7, v12  }
0xbb: {  	v5 =	vadd.f32 v62, v10;
	v2 =	vadd.f32 v8, v2  }
0xbc: {  	v1 =	vadd.f32 v63, v1;
	v3 =	vadd.f32 v9, v3  }
0xbd: {  	v2 =	vadd.f32 v2, v4  }
0xbe: {  	[tilespmem:s7+$0xFFFFFFE0] =	vst v1;
	v1 =	vadd.f32 v3, v5  }
0xbf: {  	[tilespmem:s7+$0xFFFFFFF0] =	vst v2  }
0xc0: {  	s0 =	simm.s32 $0x1480;
	s26 =	simm.s32 $0x1;
	[tilespmem:s7+$0x0] =	vst v1  }
0xc1: {  	[spmem:s2] =	stream.indirect.scatter.add.f32 [tilespmem:s30], [sflag:$0x4], $0x10, s0, s19, $0xb8;
	[tilespmem:$0xF640] =	vst v63  }
.LBB2_8:
0xc2: {  	s0 =	sshll.u32 s26, $0x8  }
0xc3: {  	s29 =	sor.u32 $0x80, s0  }
0xc4: {  	[tilespmem:s24], [sflag:$0x2] =	stream.indirect.gather [hbm4b:s4+s19], $0x60, s29, s19, $0xb8;
	[tilespmem:$0xF640] =	vst v63  }
0xc5: {  	s7 =	sadd.s32 s10, s29  }
0xc6: {  	s7 =	sshll.u32 s7, $0x1  }
0xc7: {  	s7 =	sand.u32 $0x1FFFFF00, s7  }
0xc8: {  	s7 =	sadd.s32 s5, s7  }
0xc9: {  	[tilespmem:s25], [sflag:$0x2] =	stream.linear.gather [hbm4b:s7+s3], $0x800, $0x38;
	[tilespmem:$0xF640] =	vst v63  }
0xca: {  	_ =	swait.ge [sflag:s22], $0x3000  }
0xcb: {  	[sflag:s22] =	ssyncset.done $0x0  }
0xcc: {  	[sflag:s22] =	ssyncadd.s32 $0xFFFFD000  }
0xcd: {  	_ =	swait.ge [sflag:s22], $0x800  }
0xce: {  	[sflag:s22] =	ssyncset.done $0x0  }
0xcf: {  	[sflag:s22] =	ssyncadd.s32 $0xFFFFF800  }
0xd0: {  	_ =	swait.ge [sflag:s31], $0x800  }
0xd1: {  	[sflag:s31] =	ssyncset.done $0x0  }
0xd2: {  	s11 =	simm.s32 $0x8820;
	[sflag:s31] =	ssyncadd.s32 $0xFFFFF800  }
0xd3: {  	s18 =	simm.s32 $0x28C0;
	v1 =	vld [tilespmem:s11+$0x10]  }
0xd4: {  	v2 =	vld [tilespmem:s18+$0x60]  }
0xd5: {  	v3 =	vld [tilespmem:s18+$0x70]  }
0xd6: {  	v6 =	vld [tilespmem:s11+$0xFFFFFFF0]  }
0xd7: {  	v9 =	vld [tilespmem:s11+$0x0]  }
0xd8: {  	v14 =	vld [tilespmem:s11+$0xFFFFFFE0]  }
0xd9: {  	v4 =	vld [tilespmem:s18+$0x80]  }
0xda: {  	v5 =	vld [tilespmem:s18+$0x90];
	v8 =	vbroadcast v1, $0x4;
	v10 =	vbroadcast v1, $0x0  }
0xdb: {  	v7 =	vld [tilespmem:s18+$0xA0];
	v11 =	vbroadcast v1, $0x1;
	v13 =	vbroadcast v1, $0x2  }
0xdc: {  	v12 =	vld [tilespmem:s18+$0xB0];
	v1 =	vbroadcast v1, $0x3;
	v17 =	vbroadcast v6, $0x3  }
0xdd: {  	v15 =	vld [tilespmem:s18+$0xFFFFFF60];
	v18 =	vbroadcast v9, $0x0;
	v20 =	vbroadcast v14, $0x0  }
0xde: {  	v16 =	vld [tilespmem:s18+$0xFFFFFF70];
	v21 =	vbroadcast v14, $0x1;
	v23 =	vbroadcast v14, $0x2  }
0xdf: {  	v19 =	vld [tilespmem:s18+$0xFFFFFFA0];
	v24 =	vbroadcast v14, $0x3;
	v58 =	vbroadcast v9, $0x1  }
0xe0: {  	v57 =	vld [tilespmem:s18+$0xFFFFFFD0];
	v26 =	vbroadcast v9, $0x2;
	v61 =	vbroadcast v9, $0x3  }
0xe1: {  	v22 =	vld [tilespmem:s18+$0xFFFFFFB0];
	v2 =	vmul.f32 v2, v10;
	v3 =	vmul.f32 v3, v11  }
0xe2: {  	v10 =	vld [tilespmem:s18+$0xFFFFFF40];
	v4 =	vmul.f32 v4, v13;
	v1 =	vmul.f32 v5, v1  }
0xe3: {  	v5 =	vld [tilespmem:s18+$0xFFFFFF50];
	v11 =	vbroadcast v6, $0x0;
	v13 =	vbroadcast v6, $0x1  }
0xe4: {  	v25 =	vld [tilespmem:s18+$0xFFFFFFC0];
	v7 =	vmul.f32 v7, v8;
	v8 =	vbroadcast v6, $0x2  }
0xe5: {  	v59 =	vld [tilespmem:s18+$0x0];
	v15 =	vmul.f32 v15, v23;
	v17 =	vmul.f32 v57, v17;
	v2 =	vadd.f32 v3, v2  }
0xe6: {  	v60 =	vld [tilespmem:s18+$0x10];
	v3 =	vmul.f32 v16, v24;
	v1 =	vadd.f32 v1, v4;
	v4 =	vmul.f32 v19, v11  }
0xe7: {  	v11 =	vld [tilespmem:s18+$0x20];
	v7 =	vadd.f32 v12, v7;
	v12 =	vbroadcast v14, $0x4;
	v13 =	vmul.f32 v22, v13  }
0xe8: {  	v14 =	vld [tilespmem:s18+$0x30];
	v10 =	vmul.f32 v10, v20;
	v5 =	vmul.f32 v5, v21  }
0xe9: {  	v62 =	vld [tilespmem:s18+$0xFFFFFF80];
	v8 =	vmul.f32 v25, v8;
	v1 =	vadd.f32 v1, v2;
	v15 =	vadd.f32 v3, v15  }
0xea: {  	v2 =	vbroadcast v6, $0x4;
	v4 =	vadd.f32 v13, v4;
	v10 =	vadd.f32 v5, v10;
	v5 =	vld [tilespmem:s18+$0xFFFFFFE0]  }
0xeb: {  	v3 =	vbroadcast v9, $0x4;
	v9 =	vadd.f32 v17, v8;
	v6 =	vld [tilespmem:s18+$0x40];
	v13 =	vadd.f32 v7, v1  }
0xec: {  	s7 =	simm.s32 $0x9820;
	v63 =	vmul.f32 v59, v18;
	v16 =	vmul.f32 v60, v58;
	v7 =	vld [tilespmem:s18+$0xFFFFFF90]  }
0xed: {  	v8 =	vld [tilespmem:s18+$0xFFFFFFF0];
	v4 =	vadd.f32 v9, v4;
	v11 =	vmul.f32 v11, v26;
	[tilespmem:s7+$0x10] =	vst v13;
	v13 =	vmul.f32 v14, v61  }
0xee: {  	s8 =	simm.s32 $0x0;
	s11 =	simm.s32 $0x8860;
	v12 =	vmul.f32 v62, v12;
	v9 =	vld [tilespmem:s18+$0x50];
	v1 =	vadd.f32 v15, v10;
	v10 =	vadd.f32 v16, v63  }
.LBB2_9:
0xef: {  	v14 =	vld [tilespmem:s11+$0x10];
	v2 =	vmul.f32 v5, v2;
	v5 =	vadd.f32 v13, v11;
	s18 =	sadd.s32 $0x180, s18  }
0xf0: {  	v11 =	vld [tilespmem:s18+$0x60];
	v3 =	vmul.f32 v6, v3  }
0xf1: {  	s8 =	sadd.s32 $0x4, s8;
	v6 =	vld [tilespmem:s18+$0x70];
	v7 =	vadd.f32 v7, v12;
	v5 =	vadd.f32 v5, v10  }
0xf2: {  	p0 =	slt.u32 s8, $0x7C;
	v10 =	vld [tilespmem:s18+$0x80];
	v2 =	vadd.f32 v8, v2  }
0xf3: {  	v8 =	vld [tilespmem:s18+$0x90];
	v1 =	vadd.f32 v7, v1;
	v3 =	vadd.f32 v9, v3  }
0xf4: {  	v7 =	vld [tilespmem:s11+$0xFFFFFFF0];
	v9 =	vbroadcast v14, $0x4;
	v2 =	vadd.f32 v2, v4  }
0xf5: {  	v4 =	vbroadcast v14, $0x0;
	v12 =	vbroadcast v14, $0x1;
	v13 =	vld [tilespmem:s18+$0xA0];
	[tilespmem:s7+$0xFFFFFFE0] =	vst v1;
	v1 =	vadd.f32 v3, v5  }
0xf6: {  	v5 =	vbroadcast v14, $0x2;
	v14 =	vbroadcast v14, $0x3;
	v3 =	vld [tilespmem:s11+$0x0];
	[tilespmem:s7+$0xFFFFFFF0] =	vst v2  }
0xf7: {  	v2 =	vmul.f32 v11, v4;
	v4 =	vmul.f32 v6, v12;
	v6 =	vld [tilespmem:s18+$0xB0];
	[tilespmem:s7+$0x0] =	vst v1  }
0xf8: {  	v5 =	vmul.f32 v10, v5;
	v1 =	vld [tilespmem:s11+$0xFFFFFFE0];
	v8 =	vmul.f32 v8, v14  }
0xf9: {  	v10 =	vld [tilespmem:s18+$0xFFFFFF40];
	v11 =	vbroadcast v7, $0x0;
	v12 =	vbroadcast v7, $0x1  }
0xfa: {  	v2 =	vadd.f32 v4, v2;
	v14 =	vld [tilespmem:s18+$0xFFFFFF50];
	v9 =	vmul.f32 v13, v9;
	v4 =	vadd.f32 v8, v5  }
0xfb: {  	v8 =	vbroadcast v7, $0x2;
	v13 =	vbroadcast v7, $0x3;
	v5 =	vld [tilespmem:s18+$0xFFFFFF60]  }
0xfc: {  	v16 =	vbroadcast v3, $0x0;
	v15 =	vld [tilespmem:s18+$0xFFFFFF70];
	v6 =	vadd.f32 v6, v9;
	v2 =	vadd.f32 v4, v2  }
0xfd: {  	v4 =	vbroadcast v1, $0x0;
	v9 =	vbroadcast v1, $0x1;
	v17 =	vld [tilespmem:s18+$0xFFFFFFA0]  }
0xfe: {  	v18 =	vbroadcast v1, $0x2;
	v19 =	vbroadcast v1, $0x3;
	v20 =	vld [tilespmem:s18+$0xFFFFFFB0];
	v2 =	vadd.f32 v6, v2  }
0xff: {  	s7 =	sadd.s32 $0x40, s7;
	v21 =	vbroadcast v3, $0x1;
	v22 =	vbroadcast v3, $0x2;
	v6 =	vld [tilespmem:s18+$0xFFFFFFC0]  }
0x100: {  	v23 =	vbroadcast v3, $0x3;
	v4 =	vmul.f32 v10, v4;
	v10 =	vld [tilespmem:s18+$0xFFFFFFD0];
	[tilespmem:s7+$0x10] =	vst v2  }
0x101: {  	v2 =	vmul.f32 v14, v9;
	v5 =	vmul.f32 v5, v18;
	v9 =	vld [tilespmem:s18+$0x0]  }
0x102: {  	v14 =	vmul.f32 v15, v19;
	v11 =	vmul.f32 v17, v11;
	v15 =	vld [tilespmem:s18+$0x10]  }
0x103: {  	v17 =	vbroadcast v1, $0x4;
	v1 =	vadd.f32 v2, v4;
	v4 =	vmul.f32 v20, v12;
	v12 =	vld [tilespmem:s18+$0x20]  }
0x104: {  	v2 =	vbroadcast v7, $0x4;
	v5 =	vadd.f32 v14, v5;
	v6 =	vmul.f32 v6, v8;
	v14 =	vld [tilespmem:s18+$0x30]  }
0x105: {  	v3 =	vbroadcast v3, $0x4;
	v18 =	vld [tilespmem:s18+$0xFFFFFF80];
	v7 =	vmul.f32 v10, v13;
	v4 =	vadd.f32 v4, v11  }
.Ltmp3:
0x106: {  	v1 =	vadd.f32 v5, v1;
	v5 =	vld [tilespmem:s18+$0xFFFFFFE0];
	v9 =	vmul.f32 v9, v16;
	(pc) =	sbr.rel @p0 .LBB2_9-.Ltmp3, $4  }
0x107: {  	v10 =	vadd.f32 v7, v6;
	v15 =	vmul.f32 v15, v21;
	v6 =	vld [tilespmem:s18+$0x40]  }
0x108: {  	v7 =	vld [tilespmem:s18+$0xFFFFFF90];
	v11 =	vmul.f32 v12, v22  }
0x109: {  	v8 =	vld [tilespmem:s18+$0xFFFFFFF0];
	v4 =	vadd.f32 v10, v4;
	v13 =	vmul.f32 v14, v23;
	v10 =	vadd.f32 v15, v9  }
0x10a: {  	s11 =	sadd.s32 $0x40, s11;
	v12 =	vmul.f32 v18, v17;
	v9 =	vld [tilespmem:s18+$0x50]  }
0x10b: {  	_ = 	snop  }
0x10c: {  	v2 =	vmul.f32 v5, v2;
	v5 =	vadd.f32 v13, v11  }
0x10d: {  	v3 =	vmul.f32 v6, v3;
	v6 =	vadd.f32 v7, v12  }
0x10e: {  	v5 =	vadd.f32 v5, v10;
	v2 =	vadd.f32 v8, v2  }
0x10f: {  	v1 =	vadd.f32 v6, v1;
	v3 =	vadd.f32 v9, v3  }
0x110: {  	v2 =	vadd.f32 v2, v4  }
0x111: {  	[tilespmem:s7+$0xFFFFFFE0] =	vst v1;
	v1 =	vadd.f32 v3, v5  }
0x112: {  	s8 =	sand.u32 $0x3FFFFF00, s0;
	s11 =	sadd.s32 $0x100, s0;
	[tilespmem:s7+$0xFFFFFFF0] =	vst v2  }
0x113: {  	s8 =	sadd.s32 $0x1400, s8;
	s0 =	sadd.s32 s10, s11;
	[tilespmem:s7+$0x0] =	vst v1  }
0x114: {  	[spmem:s2] =	stream.indirect.scatter.add.f32 [tilespmem:s23], [sflag:$0x3], $0x10, s8, s19, $0xb8;
	[tilespmem:$0xF640] =	vst v63  }
0x115: {  	s0 =	sshll.u32 s0, $0x1  }
0x116: {  	[tilespmem:s20], [sflag:$0x1] =	stream.indirect.gather [hbm4b:s4+s19], $0x60, s11, s19, $0xb8;
	[tilespmem:$0xF640] =	vst v63  }
0x117: {  	s0 =	sadd.s32 s5, s0  }
0x118: {  	[tilespmem:s21], [sflag:$0x1] =	stream.linear.gather [hbm4b:s0+s3], $0x800, $0x38;
	[tilespmem:$0xF640] =	vst v63  }
0x119: {  	_ =	swait.ge [sflag:s28], $0x3000  }
0x11a: {  	[sflag:s28] =	ssyncset.done $0x0  }
0x11b: {  	[sflag:s28] =	ssyncadd.s32 $0xFFFFD000  }
0x11c: {  	_ =	swait.ge [sflag:s28], $0x800  }
0x11d: {  	[sflag:s28] =	ssyncset.done $0x0  }
0x11e: {  	[sflag:s28] =	ssyncadd.s32 $0xFFFFF800  }
0x11f: {  	_ =	swait.ge [sflag:s1], $0x800  }
0x120: {  	[sflag:s1] =	ssyncset.done $0x0  }
0x121: {  	s18 =	simm.s32 $0x9020;
	[sflag:s1] =	ssyncadd.s32 $0xFFFFF800  }
0x122: {  	s0 =	simm.s32 $0x58C0;
	v1 =	vld [tilespmem:s18+$0x10]  }
0x123: {  	v2 =	vld [tilespmem:s0+$0x60]  }
0x124: {  	v3 =	vld [tilespmem:s0+$0x70]  }
0x125: {  	v6 =	vld [tilespmem:s18+$0xFFFFFFF0]  }
0x126: {  	v9 =	vld [tilespmem:s18+$0x0]  }
0x127: {  	v14 =	vld [tilespmem:s18+$0xFFFFFFE0]  }
0x128: {  	v4 =	vld [tilespmem:s0+$0x80]  }
0x129: {  	v5 =	vld [tilespmem:s0+$0x90];
	v8 =	vbroadcast v1, $0x4;
	v10 =	vbroadcast v1, $0x0  }
0x12a: {  	v7 =	vld [tilespmem:s0+$0xA0];
	v11 =	vbroadcast v1, $0x1;
	v13 =	vbroadcast v1, $0x2  }
0x12b: {  	v12 =	vld [tilespmem:s0+$0xB0];
	v1 =	vbroadcast v1, $0x3;
	v17 =	vbroadcast v6, $0x3  }
0x12c: {  	v15 =	vld [tilespmem:s0+$0xFFFFFF60];
	v18 =	vbroadcast v9, $0x0;
	v20 =	vbroadcast v14, $0x0  }
0x12d: {  	v16 =	vld [tilespmem:s0+$0xFFFFFF70];
	v21 =	vbroadcast v14, $0x1;
	v23 =	vbroadcast v14, $0x2  }
0x12e: {  	v19 =	vld [tilespmem:s0+$0xFFFFFFA0];
	v24 =	vbroadcast v14, $0x3;
	v58 =	vbroadcast v9, $0x1  }
0x12f: {  	v57 =	vld [tilespmem:s0+$0xFFFFFFD0];
	v26 =	vbroadcast v9, $0x2;
	v61 =	vbroadcast v9, $0x3  }
0x130: {  	v22 =	vld [tilespmem:s0+$0xFFFFFFB0];
	v2 =	vmul.f32 v2, v10;
	v3 =	vmul.f32 v3, v11  }
0x131: {  	v10 =	vld [tilespmem:s0+$0xFFFFFF40];
	v4 =	vmul.f32 v4, v13;
	v1 =	vmul.f32 v5, v1  }
0x132: {  	v5 =	vld [tilespmem:s0+$0xFFFFFF50];
	v11 =	vbroadcast v6, $0x0;
	v13 =	vbroadcast v6, $0x1  }
0x133: {  	v25 =	vld [tilespmem:s0+$0xFFFFFFC0];
	v7 =	vmul.f32 v7, v8;
	v8 =	vbroadcast v6, $0x2  }
0x134: {  	v59 =	vld [tilespmem:s0+$0x0];
	v15 =	vmul.f32 v15, v23;
	v17 =	vmul.f32 v57, v17;
	v2 =	vadd.f32 v3, v2  }
0x135: {  	v60 =	vld [tilespmem:s0+$0x10];
	v3 =	vmul.f32 v16, v24;
	v1 =	vadd.f32 v1, v4;
	v4 =	vmul.f32 v19, v11  }
0x136: {  	v11 =	vld [tilespmem:s0+$0x20];
	v7 =	vadd.f32 v12, v7;
	v12 =	vbroadcast v14, $0x4;
	v13 =	vmul.f32 v22, v13  }
0x137: {  	v14 =	vld [tilespmem:s0+$0x30];
	v10 =	vmul.f32 v10, v20;
	v5 =	vmul.f32 v5, v21  }
0x138: {  	v62 =	vld [tilespmem:s0+$0xFFFFFF80];
	v8 =	vmul.f32 v25, v8;
	v1 =	vadd.f32 v1, v2;
	v15 =	vadd.f32 v3, v15  }
0x139: {  	v2 =	vbroadcast v6, $0x4;
	v4 =	vadd.f32 v13, v4;
	v10 =	vadd.f32 v5, v10;
	v5 =	vld [tilespmem:s0+$0xFFFFFFE0]  }
0x13a: {  	v3 =	vbroadcast v9, $0x4;
	v9 =	vadd.f32 v17, v8;
	v6 =	vld [tilespmem:s0+$0x40];
	v13 =	vadd.f32 v7, v1  }
0x13b: {  	s7 =	simm.s32 $0xA020;
	v63 =	vmul.f32 v59, v18;
	v16 =	vmul.f32 v60, v58;
	v7 =	vld [tilespmem:s0+$0xFFFFFF90]  }
0x13c: {  	v8 =	vld [tilespmem:s0+$0xFFFFFFF0];
	v4 =	vadd.f32 v9, v4;
	v11 =	vmul.f32 v11, v26;
	[tilespmem:s7+$0x10] =	vst v13;
	v13 =	vmul.f32 v14, v61  }
0x13d: {  	s8 =	simm.s32 $0x0;
	s11 =	simm.s32 $0x9060;
	v12 =	vmul.f32 v62, v12;
	v9 =	vld [tilespmem:s0+$0x50];
	v1 =	vadd.f32 v15, v10;
	v10 =	vadd.f32 v16, v63  }
.LBB2_11:
0x13e: {  	v14 =	vld [tilespmem:s11+$0x10];
	v2 =	vmul.f32 v5, v2;
	v5 =	vadd.f32 v13, v11;
	s0 =	sadd.s32 $0x180, s0  }
0x13f: {  	v11 =	vld [tilespmem:s0+$0x60];
	v3 =	vmul.f32 v6, v3  }
0x140: {  	s8 =	sadd.s32 $0x4, s8;
	v6 =	vld [tilespmem:s0+$0x70];
	v7 =	vadd.f32 v7, v12;
	v5 =	vadd.f32 v5, v10  }
0x141: {  	p0 =	slt.u32 s8, $0x7C;
	v10 =	vld [tilespmem:s0+$0x80];
	v2 =	vadd.f32 v8, v2  }
0x142: {  	v8 =	vld [tilespmem:s0+$0x90];
	v1 =	vadd.f32 v7, v1;
	v3 =	vadd.f32 v9, v3  }
0x143: {  	v7 =	vld [tilespmem:s11+$0xFFFFFFF0];
	v9 =	vbroadcast v14, $0x4;
	v2 =	vadd.f32 v2, v4  }
0x144: {  	v4 =	vbroadcast v14, $0x0;
	v12 =	vbroadcast v14, $0x1;
	v13 =	vld [tilespmem:s0+$0xA0];
	[tilespmem:s7+$0xFFFFFFE0] =	vst v1;
	v1 =	vadd.f32 v3, v5  }
0x145: {  	v5 =	vbroadcast v14, $0x2;
	v14 =	vbroadcast v14, $0x3;
	v3 =	vld [tilespmem:s11+$0x0];
	[tilespmem:s7+$0xFFFFFFF0] =	vst v2  }
0x146: {  	v2 =	vmul.f32 v11, v4;
	v4 =	vmul.f32 v6, v12;
	v6 =	vld [tilespmem:s0+$0xB0];
	[tilespmem:s7+$0x0] =	vst v1  }
0x147: {  	v5 =	vmul.f32 v10, v5;
	v1 =	vld [tilespmem:s11+$0xFFFFFFE0];
	v8 =	vmul.f32 v8, v14  }
0x148: {  	v10 =	vld [tilespmem:s0+$0xFFFFFF40];
	v11 =	vbroadcast v7, $0x0;
	v12 =	vbroadcast v7, $0x1  }
0x149: {  	v2 =	vadd.f32 v4, v2;
	v14 =	vld [tilespmem:s0+$0xFFFFFF50];
	v9 =	vmul.f32 v13, v9;
	v4 =	vadd.f32 v8, v5  }
0x14a: {  	v8 =	vbroadcast v7, $0x2;
	v13 =	vbroadcast v7, $0x3;
	v5 =	vld [tilespmem:s0+$0xFFFFFF60]  }
0x14b: {  	v16 =	vbroadcast v3, $0x0;
	v15 =	vld [tilespmem:s0+$0xFFFFFF70];
	v6 =	vadd.f32 v6, v9;
	v2 =	vadd.f32 v4, v2  }
0x14c: {  	v4 =	vbroadcast v1, $0x0;
	v9 =	vbroadcast v1, $0x1;
	v17 =	vld [tilespmem:s0+$0xFFFFFFA0]  }
0x14d: {  	v18 =	vbroadcast v1, $0x2;
	v19 =	vbroadcast v1, $0x3;
	v20 =	vld [tilespmem:s0+$0xFFFFFFB0];
	v2 =	vadd.f32 v6, v2  }
0x14e: {  	s7 =	sadd.s32 $0x40, s7;
	v21 =	vbroadcast v3, $0x1;
	v22 =	vbroadcast v3, $0x2;
	v6 =	vld [tilespmem:s0+$0xFFFFFFC0]  }
0x14f: {  	v23 =	vbroadcast v3, $0x3;
	v4 =	vmul.f32 v10, v4;
	v10 =	vld [tilespmem:s0+$0xFFFFFFD0];
	[tilespmem:s7+$0x10] =	vst v2  }
0x150: {  	v2 =	vmul.f32 v14, v9;
	v5 =	vmul.f32 v5, v18;
	v9 =	vld [tilespmem:s0+$0x0]  }
0x151: {  	v14 =	vmul.f32 v15, v19;
	v11 =	vmul.f32 v17, v11;
	v15 =	vld [tilespmem:s0+$0x10]  }
0x152: {  	v17 =	vbroadcast v1, $0x4;
	v1 =	vadd.f32 v2, v4;
	v4 =	vmul.f32 v20, v12;
	v12 =	vld [tilespmem:s0+$0x20]  }
0x153: {  	v2 =	vbroadcast v7, $0x4;
	v5 =	vadd.f32 v14, v5;
	v6 =	vmul.f32 v6, v8;
	v14 =	vld [tilespmem:s0+$0x30]  }
0x154: {  	v3 =	vbroadcast v3, $0x4;
	v18 =	vld [tilespmem:s0+$0xFFFFFF80];
	v7 =	vmul.f32 v10, v13;
	v4 =	vadd.f32 v4, v11  }
.Ltmp4:
0x155: {  	v1 =	vadd.f32 v5, v1;
	v5 =	vld [tilespmem:s0+$0xFFFFFFE0];
	v9 =	vmul.f32 v9, v16;
	(pc) =	sbr.rel @p0 .LBB2_11-.Ltmp4, $4  }
0x156: {  	v10 =	vadd.f32 v7, v6;
	v15 =	vmul.f32 v15, v21;
	v6 =	vld [tilespmem:s0+$0x40]  }
0x157: {  	v7 =	vld [tilespmem:s0+$0xFFFFFF90];
	v11 =	vmul.f32 v12, v22  }
0x158: {  	v8 =	vld [tilespmem:s0+$0xFFFFFFF0];
	v4 =	vadd.f32 v10, v4;
	v13 =	vmul.f32 v14, v23;
	v10 =	vadd.f32 v15, v9  }
0x159: {  	s11 =	sadd.s32 $0x40, s11;
	v12 =	vmul.f32 v18, v17;
	v9 =	vld [tilespmem:s0+$0x50]  }
0x15a: {  	_ = 	snop  }
0x15b: {  	v2 =	vmul.f32 v5, v2;
	v62 =	vadd.f32 v13, v11  }
0x15c: {  	v3 =	vmul.f32 v6, v3;
	v63 =	vadd.f32 v7, v12  }
0x15d: {  	s26 =	sadd.s32 $0x1, s26;
	v5 =	vadd.f32 v62, v10;
	v2 =	vadd.f32 v8, v2  }
0x15e: {  	p0 =	sne.s32 s26, $0x13;
	v1 =	vadd.f32 v63, v1;
	v3 =	vadd.f32 v9, v3  }
.Ltmp5:
0x15f: {  	v2 =	vadd.f32 v2, v4;
	(pc) =	sbr.rel @p0 .LBB2_8-.Ltmp5, $4  }
0x160: {  	[tilespmem:s7+$0xFFFFFFE0] =	vst v1;
	v1 =	vadd.f32 v3, v5  }
0x161: {  	[tilespmem:s7+$0xFFFFFFF0] =	vst v2  }
0x162: {  	s0 =	sadd.s32 $0x1400, s29;
	[tilespmem:s7+$0x0] =	vst v1  }
0x163: {  	[spmem:s2] =	stream.indirect.scatter.add.f32 [tilespmem:s30], [sflag:$0x4], $0x10, s0, s19, $0xb8;
	[tilespmem:$0xF640] =	vst v63  }
0x164: {  	s0 =	simm.s32 $0x1380  }
0x165: {  	[tilespmem:s24], [sflag:$0x2] =	stream.indirect.gather [hbm4b:s4+s19], $0x60, s0, s19, $0xb8;
	[tilespmem:$0xF640] =	vst v63  }
0x166: {  	_ = 	snop  }
0x167: {  	[tilespmem:s25], [sflag:$0x2] =	stream.linear.gather [hbm4b:s13+s3], $0x800, $0x38;
	[tilespmem:$0xF640] =	vst v63  }
0x168: {  	_ =	swait.ge [sflag:s22], $0x3000  }
0x169: {  	[sflag:s22] =	ssyncset.done $0x0  }
0x16a: {  	[sflag:s22] =	ssyncadd.s32 $0xFFFFD000  }
0x16b: {  	_ =	swait.ge [sflag:s22], $0x800  }
0x16c: {  	[sflag:s22] =	ssyncset.done $0x0  }
0x16d: {  	[sflag:s22] =	ssyncadd.s32 $0xFFFFF800  }
0x16e: {  	_ =	swait.ge [sflag:s31], $0x800  }
0x16f: {  	[sflag:s31] =	ssyncset.done $0x0  }
0x170: {  	s7 =	simm.s32 $0x8820;
	[sflag:s31] =	ssyncadd.s32 $0xFFFFF800  }
0x171: {  	s0 =	simm.s32 $0x28C0;
	v1 =	vld [tilespmem:s7+$0x10]  }
0x172: {  	v2 =	vld [tilespmem:s0+$0x60]  }
0x173: {  	v3 =	vld [tilespmem:s0+$0x70]  }
0x174: {  	v6 =	vld [tilespmem:s7+$0xFFFFFFF0]  }
0x175: {  	v9 =	vld [tilespmem:s7+$0x0]  }
0x176: {  	v14 =	vld [tilespmem:s7+$0xFFFFFFE0]  }
0x177: {  	v4 =	vld [tilespmem:s0+$0x80]  }
0x178: {  	v5 =	vld [tilespmem:s0+$0x90];
	v8 =	vbroadcast v1, $0x4;
	v10 =	vbroadcast v1, $0x0  }
0x179: {  	v7 =	vld [tilespmem:s0+$0xA0];
	v11 =	vbroadcast v1, $0x1;
	v13 =	vbroadcast v1, $0x2  }
0x17a: {  	v12 =	vld [tilespmem:s0+$0xB0];
	v1 =	vbroadcast v1, $0x3;
	v17 =	vbroadcast v6, $0x3  }
0x17b: {  	v15 =	vld [tilespmem:s0+$0xFFFFFF60];
	v18 =	vbroadcast v9, $0x0;
	v20 =	vbroadcast v14, $0x0  }
0x17c: {  	v16 =	vld [tilespmem:s0+$0xFFFFFF70];
	v21 =	vbroadcast v14, $0x1;
	v23 =	vbroadcast v14, $0x2  }
0x17d: {  	v19 =	vld [tilespmem:s0+$0xFFFFFFA0];
	v24 =	vbroadcast v14, $0x3;
	v58 =	vbroadcast v9, $0x1  }
0x17e: {  	v57 =	vld [tilespmem:s0+$0xFFFFFFD0];
	v26 =	vbroadcast v9, $0x2;
	v61 =	vbroadcast v9, $0x3  }
0x17f: {  	v22 =	vld [tilespmem:s0+$0xFFFFFFB0];
	v2 =	vmul.f32 v2, v10;
	v3 =	vmul.f32 v3, v11  }
0x180: {  	v10 =	vld [tilespmem:s0+$0xFFFFFF40];
	v4 =	vmul.f32 v4, v13;
	v1 =	vmul.f32 v5, v1  }
0x181: {  	v5 =	vld [tilespmem:s0+$0xFFFFFF50];
	v11 =	vbroadcast v6, $0x0;
	v13 =	vbroadcast v6, $0x1  }
0x182: {  	v25 =	vld [tilespmem:s0+$0xFFFFFFC0];
	v7 =	vmul.f32 v7, v8;
	v8 =	vbroadcast v6, $0x2  }
0x183: {  	v59 =	vld [tilespmem:s0+$0x0];
	v15 =	vmul.f32 v15, v23;
	v17 =	vmul.f32 v57, v17;
	v2 =	vadd.f32 v3, v2  }
0x184: {  	v60 =	vld [tilespmem:s0+$0x10];
	v3 =	vmul.f32 v16, v24;
	v1 =	vadd.f32 v1, v4;
	v4 =	vmul.f32 v19, v11  }
0x185: {  	v11 =	vld [tilespmem:s0+$0x20];
	v7 =	vadd.f32 v12, v7;
	v12 =	vbroadcast v14, $0x4;
	v13 =	vmul.f32 v22, v13  }
0x186: {  	v14 =	vld [tilespmem:s0+$0x30];
	v10 =	vmul.f32 v10, v20;
	v5 =	vmul.f32 v5, v21  }
0x187: {  	v62 =	vld [tilespmem:s0+$0xFFFFFF80];
	v8 =	vmul.f32 v25, v8;
	v1 =	vadd.f32 v1, v2;
	v15 =	vadd.f32 v3, v15  }
0x188: {  	v2 =	vbroadcast v6, $0x4;
	v4 =	vadd.f32 v13, v4;
	v10 =	vadd.f32 v5, v10;
	v5 =	vld [tilespmem:s0+$0xFFFFFFE0]  }
0x189: {  	v3 =	vbroadcast v9, $0x4;
	v9 =	vadd.f32 v17, v8;
	v6 =	vld [tilespmem:s0+$0x40];
	v13 =	vadd.f32 v7, v1  }
0x18a: {  	s7 =	simm.s32 $0x9820;
	v63 =	vmul.f32 v59, v18;
	v16 =	vmul.f32 v60, v58;
	v7 =	vld [tilespmem:s0+$0xFFFFFF90]  }
0x18b: {  	v8 =	vld [tilespmem:s0+$0xFFFFFFF0];
	v4 =	vadd.f32 v9, v4;
	v11 =	vmul.f32 v11, v26;
	[tilespmem:s7+$0x10] =	vst v13;
	v13 =	vmul.f32 v14, v61  }
0x18c: {  	s8 =	simm.s32 $0x0;
	s11 =	simm.s32 $0x8860;
	v12 =	vmul.f32 v62, v12;
	v9 =	vld [tilespmem:s0+$0x50];
	v1 =	vadd.f32 v15, v10;
	v10 =	vadd.f32 v16, v63  }
.LBB2_14:
0x18d: {  	v14 =	vld [tilespmem:s11+$0x10];
	v2 =	vmul.f32 v5, v2;
	v5 =	vadd.f32 v13, v11;
	s0 =	sadd.s32 $0x180, s0  }
0x18e: {  	v11 =	vld [tilespmem:s0+$0x60];
	v3 =	vmul.f32 v6, v3  }
0x18f: {  	s8 =	sadd.s32 $0x4, s8;
	v6 =	vld [tilespmem:s0+$0x70];
	v7 =	vadd.f32 v7, v12;
	v5 =	vadd.f32 v5, v10  }
0x190: {  	p0 =	slt.u32 s8, $0x7C;
	v10 =	vld [tilespmem:s0+$0x80];
	v2 =	vadd.f32 v8, v2  }
0x191: {  	v8 =	vld [tilespmem:s0+$0x90];
	v1 =	vadd.f32 v7, v1;
	v3 =	vadd.f32 v9, v3  }
0x192: {  	v7 =	vld [tilespmem:s11+$0xFFFFFFF0];
	v9 =	vbroadcast v14, $0x4;
	v2 =	vadd.f32 v2, v4  }
0x193: {  	v4 =	vbroadcast v14, $0x0;
	v12 =	vbroadcast v14, $0x1;
	v13 =	vld [tilespmem:s0+$0xA0];
	[tilespmem:s7+$0xFFFFFFE0] =	vst v1;
	v1 =	vadd.f32 v3, v5  }
0x194: {  	v5 =	vbroadcast v14, $0x2;
	v14 =	vbroadcast v14, $0x3;
	v3 =	vld [tilespmem:s11+$0x0];
	[tilespmem:s7+$0xFFFFFFF0] =	vst v2  }
0x195: {  	v2 =	vmul.f32 v11, v4;
	v4 =	vmul.f32 v6, v12;
	v6 =	vld [tilespmem:s0+$0xB0];
	[tilespmem:s7+$0x0] =	vst v1  }
0x196: {  	v5 =	vmul.f32 v10, v5;
	v1 =	vld [tilespmem:s11+$0xFFFFFFE0];
	v8 =	vmul.f32 v8, v14  }
0x197: {  	v10 =	vld [tilespmem:s0+$0xFFFFFF40];
	v11 =	vbroadcast v7, $0x0;
	v12 =	vbroadcast v7, $0x1  }
0x198: {  	v2 =	vadd.f32 v4, v2;
	v14 =	vld [tilespmem:s0+$0xFFFFFF50];
	v9 =	vmul.f32 v13, v9;
	v4 =	vadd.f32 v8, v5  }
0x199: {  	v8 =	vbroadcast v7, $0x2;
	v13 =	vbroadcast v7, $0x3;
	v5 =	vld [tilespmem:s0+$0xFFFFFF60]  }
0x19a: {  	v16 =	vbroadcast v3, $0x0;
	v15 =	vld [tilespmem:s0+$0xFFFFFF70];
	v6 =	vadd.f32 v6, v9;
	v2 =	vadd.f32 v4, v2  }
0x19b: {  	v4 =	vbroadcast v1, $0x0;
	v9 =	vbroadcast v1, $0x1;
	v17 =	vld [tilespmem:s0+$0xFFFFFFA0]  }
0x19c: {  	v18 =	vbroadcast v1, $0x2;
	v19 =	vbroadcast v1, $0x3;
	v20 =	vld [tilespmem:s0+$0xFFFFFFB0];
	v2 =	vadd.f32 v6, v2  }
0x19d: {  	s7 =	sadd.s32 $0x40, s7;
	v21 =	vbroadcast v3, $0x1;
	v22 =	vbroadcast v3, $0x2;
	v6 =	vld [tilespmem:s0+$0xFFFFFFC0]  }
0x19e: {  	v23 =	vbroadcast v3, $0x3;
	v4 =	vmul.f32 v10, v4;
	v10 =	vld [tilespmem:s0+$0xFFFFFFD0];
	[tilespmem:s7+$0x10] =	vst v2  }
0x19f: {  	v2 =	vmul.f32 v14, v9;
	v5 =	vmul.f32 v5, v18;
	v9 =	vld [tilespmem:s0+$0x0]  }
0x1a0: {  	v14 =	vmul.f32 v15, v19;
	v11 =	vmul.f32 v17, v11;
	v15 =	vld [tilespmem:s0+$0x10]  }
0x1a1: {  	v17 =	vbroadcast v1, $0x4;
	v1 =	vadd.f32 v2, v4;
	v4 =	vmul.f32 v20, v12;
	v12 =	vld [tilespmem:s0+$0x20]  }
0x1a2: {  	v2 =	vbroadcast v7, $0x4;
	v5 =	vadd.f32 v14, v5;
	v6 =	vmul.f32 v6, v8;
	v14 =	vld [tilespmem:s0+$0x30]  }
0x1a3: {  	v3 =	vbroadcast v3, $0x4;
	v18 =	vld [tilespmem:s0+$0xFFFFFF80];
	v7 =	vmul.f32 v10, v13;
	v4 =	vadd.f32 v4, v11  }
.Ltmp6:
0x1a4: {  	v1 =	vadd.f32 v5, v1;
	v5 =	vld [tilespmem:s0+$0xFFFFFFE0];
	v9 =	vmul.f32 v9, v16;
	(pc) =	sbr.rel @p0 .LBB2_14-.Ltmp6, $4  }
0x1a5: {  	v10 =	vadd.f32 v7, v6;
	v15 =	vmul.f32 v15, v21;
	v6 =	vld [tilespmem:s0+$0x40]  }
0x1a6: {  	v7 =	vld [tilespmem:s0+$0xFFFFFF90];
	v11 =	vmul.f32 v12, v22  }
0x1a7: {  	v8 =	vld [tilespmem:s0+$0xFFFFFFF0];
	v4 =	vadd.f32 v10, v4;
	v13 =	vmul.f32 v14, v23;
	v10 =	vadd.f32 v15, v9  }
0x1a8: {  	s11 =	sadd.s32 $0x40, s11;
	v12 =	vmul.f32 v18, v17;
	v9 =	vld [tilespmem:s0+$0x50]  }
0x1a9: {  	_ = 	snop  }
0x1aa: {  	v2 =	vmul.f32 v5, v2;
	v5 =	vadd.f32 v13, v11  }
0x1ab: {  	v3 =	vmul.f32 v6, v3;
	v6 =	vadd.f32 v7, v12  }
0x1ac: {  	v5 =	vadd.f32 v5, v10;
	v2 =	vadd.f32 v8, v2  }
0x1ad: {  	v1 =	vadd.f32 v6, v1;
	v3 =	vadd.f32 v9, v3  }
0x1ae: {  	v2 =	vadd.f32 v2, v4  }
0x1af: {  	[tilespmem:s7+$0xFFFFFFE0] =	vst v1;
	v1 =	vadd.f32 v3, v5  }
0x1b0: {  	[tilespmem:s7+$0xFFFFFFF0] =	vst v2  }
0x1b1: {  	s0 =	simm.s32 $0x2700;
	[tilespmem:s7+$0x0] =	vst v1  }
0x1b2: {  	[spmem:s2] =	stream.indirect.scatter.add.f32 [tilespmem:s23], [sflag:$0x3], $0x10, s0, s19, $0xb8;
	[tilespmem:$0xF640] =	vst v63  }
0x1b3: {  	_ =	swait.ge [sflag:s28], $0x3000  }
0x1b4: {  	[sflag:s28] =	ssyncset.done $0x0  }
0x1b5: {  	[sflag:s28] =	ssyncadd.s32 $0xFFFFD000  }
0x1b6: {  	_ =	swait.ge [sflag:s28], $0x800  }
0x1b7: {  	[sflag:s28] =	ssyncset.done $0x0  }
0x1b8: {  	[sflag:s28] =	ssyncadd.s32 $0xFFFFF800  }
0x1b9: {  	_ =	swait.ge [sflag:s1], $0x800  }
0x1ba: {  	[sflag:s1] =	ssyncset.done $0x0  }
0x1bb: {  	s29 =	simm.s32 $0x9020;
	[sflag:s1] =	ssyncadd.s32 $0xFFFFF800  }
0x1bc: {  	s0 =	simm.s32 $0x58C0;
	v1 =	vld [tilespmem:s29+$0x10]  }
0x1bd: {  	v2 =	vld [tilespmem:s0+$0x60]  }
0x1be: {  	v3 =	vld [tilespmem:s0+$0x70]  }
0x1bf: {  	v6 =	vld [tilespmem:s29+$0xFFFFFFF0]  }
0x1c0: {  	v9 =	vld [tilespmem:s29+$0x0]  }
0x1c1: {  	v14 =	vld [tilespmem:s29+$0xFFFFFFE0]  }
0x1c2: {  	v4 =	vld [tilespmem:s0+$0x80]  }
0x1c3: {  	v5 =	vld [tilespmem:s0+$0x90];
	v8 =	vbroadcast v1, $0x4;
	v10 =	vbroadcast v1, $0x0  }
0x1c4: {  	v7 =	vld [tilespmem:s0+$0xA0];
	v11 =	vbroadcast v1, $0x1;
	v13 =	vbroadcast v1, $0x2  }
0x1c5: {  	v12 =	vld [tilespmem:s0+$0xB0];
	v1 =	vbroadcast v1, $0x3;
	v17 =	vbroadcast v6, $0x3  }
0x1c6: {  	v15 =	vld [tilespmem:s0+$0xFFFFFF60];
	v18 =	vbroadcast v9, $0x0;
	v20 =	vbroadcast v14, $0x0  }
0x1c7: {  	v16 =	vld [tilespmem:s0+$0xFFFFFF70];
	v21 =	vbroadcast v14, $0x1;
	v23 =	vbroadcast v14, $0x2  }
0x1c8: {  	v19 =	vld [tilespmem:s0+$0xFFFFFFA0];
	v24 =	vbroadcast v14, $0x3;
	v58 =	vbroadcast v9, $0x1  }
0x1c9: {  	v57 =	vld [tilespmem:s0+$0xFFFFFFD0];
	v26 =	vbroadcast v9, $0x2;
	v61 =	vbroadcast v9, $0x3  }
0x1ca: {  	v22 =	vld [tilespmem:s0+$0xFFFFFFB0];
	v2 =	vmul.f32 v2, v10;
	v3 =	vmul.f32 v3, v11  }
0x1cb: {  	v10 =	vld [tilespmem:s0+$0xFFFFFF40];
	v4 =	vmul.f32 v4, v13;
	v1 =	vmul.f32 v5, v1  }
0x1cc: {  	v5 =	vld [tilespmem:s0+$0xFFFFFF50];
	v11 =	vbroadcast v6, $0x0;
	v13 =	vbroadcast v6, $0x1  }
0x1cd: {  	v25 =	vld [tilespmem:s0+$0xFFFFFFC0];
	v7 =	vmul.f32 v7, v8;
	v8 =	vbroadcast v6, $0x2  }
0x1ce: {  	v59 =	vld [tilespmem:s0+$0x0];
	v15 =	vmul.f32 v15, v23;
	v17 =	vmul.f32 v57, v17;
	v2 =	vadd.f32 v3, v2  }
0x1cf: {  	v60 =	vld [tilespmem:s0+$0x10];
	v3 =	vmul.f32 v16, v24;
	v1 =	vadd.f32 v1, v4;
	v4 =	vmul.f32 v19, v11  }
0x1d0: {  	v11 =	vld [tilespmem:s0+$0x20];
	v7 =	vadd.f32 v12, v7;
	v12 =	vbroadcast v14, $0x4;
	v13 =	vmul.f32 v22, v13  }
0x1d1: {  	v14 =	vld [tilespmem:s0+$0x30];
	v10 =	vmul.f32 v10, v20;
	v5 =	vmul.f32 v5, v21  }
0x1d2: {  	v62 =	vld [tilespmem:s0+$0xFFFFFF80];
	v8 =	vmul.f32 v25, v8;
	v1 =	vadd.f32 v1, v2;
	v15 =	vadd.f32 v3, v15  }
0x1d3: {  	v2 =	vbroadcast v6, $0x4;
	v4 =	vadd.f32 v13, v4;
	v10 =	vadd.f32 v5, v10;
	v5 =	vld [tilespmem:s0+$0xFFFFFFE0]  }
0x1d4: {  	v3 =	vbroadcast v9, $0x4;
	v9 =	vadd.f32 v17, v8;
	v6 =	vld [tilespmem:s0+$0x40];
	v13 =	vadd.f32 v7, v1  }
0x1d5: {  	s7 =	simm.s32 $0xA020;
	v63 =	vmul.f32 v59, v18;
	v16 =	vmul.f32 v60, v58;
	v7 =	vld [tilespmem:s0+$0xFFFFFF90]  }
0x1d6: {  	v8 =	vld [tilespmem:s0+$0xFFFFFFF0];
	v4 =	vadd.f32 v9, v4;
	v11 =	vmul.f32 v11, v26;
	[tilespmem:s7+$0x10] =	vst v13;
	v13 =	vmul.f32 v14, v61  }
0x1d7: {  	s8 =	simm.s32 $0x0;
	s11 =	simm.s32 $0x9060;
	v12 =	vmul.f32 v62, v12;
	v9 =	vld [tilespmem:s0+$0x50];
	v1 =	vadd.f32 v15, v10;
	v10 =	vadd.f32 v16, v63  }
.LBB2_16:
0x1d8: {  	v14 =	vld [tilespmem:s11+$0x10];
	v2 =	vmul.f32 v5, v2;
	v5 =	vadd.f32 v13, v11;
	s0 =	sadd.s32 $0x180, s0  }
0x1d9: {  	v11 =	vld [tilespmem:s0+$0x60];
	v3 =	vmul.f32 v6, v3  }
0x1da: {  	s8 =	sadd.s32 $0x4, s8;
	v6 =	vld [tilespmem:s0+$0x70];
	v7 =	vadd.f32 v7, v12;
	v5 =	vadd.f32 v5, v10  }
0x1db: {  	p0 =	slt.u32 s8, $0x7C;
	v10 =	vld [tilespmem:s0+$0x80];
	v2 =	vadd.f32 v8, v2  }
0x1dc: {  	v8 =	vld [tilespmem:s0+$0x90];
	v1 =	vadd.f32 v7, v1;
	v3 =	vadd.f32 v9, v3  }
0x1dd: {  	v7 =	vld [tilespmem:s11+$0xFFFFFFF0];
	v9 =	vbroadcast v14, $0x4;
	v2 =	vadd.f32 v2, v4  }
0x1de: {  	v4 =	vbroadcast v14, $0x0;
	v12 =	vbroadcast v14, $0x1;
	v13 =	vld [tilespmem:s0+$0xA0];
	[tilespmem:s7+$0xFFFFFFE0] =	vst v1;
	v1 =	vadd.f32 v3, v5  }
0x1df: {  	v5 =	vbroadcast v14, $0x2;
	v14 =	vbroadcast v14, $0x3;
	v3 =	vld [tilespmem:s11+$0x0];
	[tilespmem:s7+$0xFFFFFFF0] =	vst v2  }
0x1e0: {  	v2 =	vmul.f32 v11, v4;
	v4 =	vmul.f32 v6, v12;
	v6 =	vld [tilespmem:s0+$0xB0];
	[tilespmem:s7+$0x0] =	vst v1  }
0x1e1: {  	v5 =	vmul.f32 v10, v5;
	v1 =	vld [tilespmem:s11+$0xFFFFFFE0];
	v8 =	vmul.f32 v8, v14  }
0x1e2: {  	v10 =	vld [tilespmem:s0+$0xFFFFFF40];
	v11 =	vbroadcast v7, $0x0;
	v12 =	vbroadcast v7, $0x1  }
0x1e3: {  	v2 =	vadd.f32 v4, v2;
	v14 =	vld [tilespmem:s0+$0xFFFFFF50];
	v9 =	vmul.f32 v13, v9;
	v4 =	vadd.f32 v8, v5  }
0x1e4: {  	v8 =	vbroadcast v7, $0x2;
	v13 =	vbroadcast v7, $0x3;
	v5 =	vld [tilespmem:s0+$0xFFFFFF60]  }
0x1e5: {  	v16 =	vbroadcast v3, $0x0;
	v15 =	vld [tilespmem:s0+$0xFFFFFF70];
	v6 =	vadd.f32 v6, v9;
	v2 =	vadd.f32 v4, v2  }
0x1e6: {  	v4 =	vbroadcast v1, $0x0;
	v9 =	vbroadcast v1, $0x1;
	v17 =	vld [tilespmem:s0+$0xFFFFFFA0]  }
0x1e7: {  	v18 =	vbroadcast v1, $0x2;
	v19 =	vbroadcast v1, $0x3;
	v20 =	vld [tilespmem:s0+$0xFFFFFFB0];
	v2 =	vadd.f32 v6, v2  }
0x1e8: {  	s7 =	sadd.s32 $0x40, s7;
	v21 =	vbroadcast v3, $0x1;
	v22 =	vbroadcast v3, $0x2;
	v6 =	vld [tilespmem:s0+$0xFFFFFFC0]  }
0x1e9: {  	v23 =	vbroadcast v3, $0x3;
	v4 =	vmul.f32 v10, v4;
	v10 =	vld [tilespmem:s0+$0xFFFFFFD0];
	[tilespmem:s7+$0x10] =	vst v2  }
0x1ea: {  	v2 =	vmul.f32 v14, v9;
	v5 =	vmul.f32 v5, v18;
	v9 =	vld [tilespmem:s0+$0x0]  }
0x1eb: {  	v14 =	vmul.f32 v15, v19;
	v11 =	vmul.f32 v17, v11;
	v15 =	vld [tilespmem:s0+$0x10]  }
0x1ec: {  	v17 =	vbroadcast v1, $0x4;
	v1 =	vadd.f32 v2, v4;
	v4 =	vmul.f32 v20, v12;
	v12 =	vld [tilespmem:s0+$0x20]  }
0x1ed: {  	v2 =	vbroadcast v7, $0x4;
	v5 =	vadd.f32 v14, v5;
	v6 =	vmul.f32 v6, v8;
	v14 =	vld [tilespmem:s0+$0x30]  }
0x1ee: {  	v3 =	vbroadcast v3, $0x4;
	v18 =	vld [tilespmem:s0+$0xFFFFFF80];
	v7 =	vmul.f32 v10, v13;
	v4 =	vadd.f32 v4, v11  }
.Ltmp7:
0x1ef: {  	v1 =	vadd.f32 v5, v1;
	v5 =	vld [tilespmem:s0+$0xFFFFFFE0];
	v9 =	vmul.f32 v9, v16;
	(pc) =	sbr.rel @p0 .LBB2_16-.Ltmp7, $4  }
0x1f0: {  	v10 =	vadd.f32 v7, v6;
	v15 =	vmul.f32 v15, v21;
	v6 =	vld [tilespmem:s0+$0x40]  }
0x1f1: {  	v7 =	vld [tilespmem:s0+$0xFFFFFF90];
	v11 =	vmul.f32 v12, v22  }
0x1f2: {  	v8 =	vld [tilespmem:s0+$0xFFFFFFF0];
	v4 =	vadd.f32 v10, v4;
	v13 =	vmul.f32 v14, v23;
	v10 =	vadd.f32 v15, v9  }
0x1f3: {  	s11 =	sadd.s32 $0x40, s11;
	v12 =	vmul.f32 v18, v17;
	v9 =	vld [tilespmem:s0+$0x50]  }
0x1f4: {  	_ = 	snop  }
0x1f5: {  	v2 =	vmul.f32 v5, v2;
	v62 =	vadd.f32 v13, v11  }
0x1f6: {  	v3 =	vmul.f32 v6, v3;
	v63 =	vadd.f32 v7, v12  }
0x1f7: {  	v5 =	vadd.f32 v62, v10;
	v2 =	vadd.f32 v8, v2  }
0x1f8: {  	v1 =	vadd.f32 v63, v1;
	v3 =	vadd.f32 v9, v3  }
0x1f9: {  	v2 =	vadd.f32 v2, v4  }
0x1fa: {  	[tilespmem:s7+$0xFFFFFFE0] =	vst v1;
	v1 =	vadd.f32 v3, v5  }
0x1fb: {  	[tilespmem:s7+$0xFFFFFFF0] =	vst v2  }
0x1fc: {  	s0 =	simm.s32 $0x2780;
	[tilespmem:s7+$0x0] =	vst v1  }
0x1fd: {  	[spmem:s2] =	stream.indirect.scatter.add.f32 [tilespmem:s30], [sflag:$0x4], $0x10, s0, s19, $0xb8;
	[tilespmem:$0xF640] =	vst v63  }
0x1fe: {  	_ =	swait.ge [sflag:s31], $0x800  }
0x1ff: {  	[sflag:s31] =	ssyncset.done $0x0  }
0x200: {  	[sflag:s31] =	ssyncadd.s32 $0xFFFFF800  }
0x201: {  	s26 =	stileid.u32;
	_ =	swait.ge [sflag:s1], $0x800  }
0x202: {  	s29 =	sshrl.u32 s6, $0x3;
	s16 =	sadd.s32 $0x1, s16;
	[sflag:s1] =	ssyncset.done $0x0  }
0x203: {  	p0 =	sne.s32 s16, s15;
	s0 =	sshll.u32 s26, $0x6;
	[sflag:s1] =	ssyncadd.s32 $0xFFFFF800  }
.Ltmp8:
0x204: {  	s0 =	sor.u32 $0x1C05, s0;
	[bflag:$0x0] =	sbarrier.arrive $0xFFFF;
	(pc) =	sbr.rel @p0 .LBB2_1-.Ltmp8, $4  }
0x205: {  	[hbm:s14], [sflag:s0] =	dma.local [spmem:s29], $0x4E4  }
0x206: {  	_ =	swait.ge [sflag:s17], $0x4E4  }
0x207: {  	[sflag:s17] =	ssyncset.done $0x0  }
0x208: {  	s11 =	simm.s32 $0x1400;
	[sflag:s17] =	ssyncadd.s32 $0xFFFFFB1C  }
0x209: {  	_ =	sfence.sel $0x180000  }
0x20a: {  	[bflag:$0x0] =	sbarrier.arrive $0xFFFF  }
0x20b: {  	_ =	strace $0x9000004D  }
0x20c: {  	s0 =	stileid.u32;
	[bflag:$0x2] =	sbarrier.arrive $0xFFFF  }
0x20d: {  	p0 =	sne.s32 s0, $0x0;
	s0 =	rddreg [dreg:$0x2]  }
0x20e: {  	s0 =	sadd.s32 @!p0 $0x100000, s0  }
0x20f: {  	[sflag:s0] =	ssyncadd.tile.s32 @!p0 $0x1;
	_ =	shalt  }
.Lfunc_end2:
_tile_overlayer_lowered:
.L_overlay_start_2:
0x210: {  	(tag) =	ssettag $0x2  }
0x211: {  	s0 =	rddreg [dreg:$0x0];
	s2 =	stileid.u32  }
0x212: {  	s1 =	rddreg [dreg:$0x1];
	p0 =	sne.s32 s2, $0x0  }
0x213: {  	s3 =	rddreg [dreg:$0x2];
	[bflag:$0x3] =	sbarrier.arrive $0xFFFF;
	s2 =	simm.s32 @!p0 $0x1C05  }
0x214: {  	[timem:s3], [sflag:s2] =	dma.local @!p0 [hbm:s0], s1  }
0x215: {  	s0 =	simm.s32 @!p0 $0x5  }
0x216: {  	_ =	swait.ge @!p0 [sflag:s0], s1  }
0x217: {  	s1 =	ssub.s32 @!p0 $0x0, s1;
	[sflag:s0] =	ssyncset.done @!p0 $0x0  }
0x218: {  	[sflag:s0] =	ssyncadd.s32 @!p0 s1  }
0x219: {  	[bflag:$0x3] =	sbarrier.arrive $0xFFFF  }
0x21a: {  	_ =	shalt  }

// kernel: kernel.9.cloned.1.call-start
scs
__scs_entry_jumppad:
0x0: {  	(pc) =	sbr.rel $0x88, $3  }
0x1: {  	(tag) =	ssettag $0x0;
	lr =	simm.s32 $0x1  }
0x2: {  	[smem:$0x3F91] =	sst lr;
	_ =	strace $0xD0000000  }
0x3: {  	_ = 	snop  }
0x4: {  	_ = 	snop  }
0x5: {  	_ = 	snop  }
0x6: {  	_ = 	snop  }
0x7: {  	_ = 	snop  }
__scs_overlays_trampoline_lowered:
0x8: {  	[smem:$0x3FA0] =	sst s0  }
0x9: {  	[smem:$0x3FA1] =	sst s1  }
0xa: {  	[smem:$0x3FA2] =	sst s2  }
0xb: {  	[smem:$0x3FA3] =	sst s3  }
0xc: {  	[smem:$0x3FA4] =	sst s4  }
0xd: {  	[smem:$0x3FA5] =	sst s5  }
0xe: {  	[smem:$0x3FA6] =	sst s6  }
0xf: {  	[smem:$0x3FA7] =	sst s7  }
0x10: {  	[smem:$0x3FA8] =	sst s8  }
0x11: {  	[smem:$0x3FA9] =	sst s9;
	s0 =	simm.s32 @!p0 $0x0  }
0x12: {  	s1 =	sld [smem:$0x3F8F];
	s0 =	simm.s32 @p0 $0x1  }
0x13: {  	[smem:$0x3FAA] =	sst s0;
	s0 =	simm.s32 @!p1 $0x0  }
0x14: {  	s2 =	sld [smem:$0x3F8E];
	s0 =	simm.s32 @p1 $0x1  }
0x15: {  	[smem:$0x3FAB] =	sst s0;
	s0 =	simm.s32 @!p2 $0x0  }
0x16: {  	s3 =	sld [smem:$0x3FDB];
	s0 =	simm.s32 @p2 $0x1  }
0x17: {  	s4 =	simm.s32 $0x1BF5;
	[smem:$0x3FAD] =	sst s0  }
0x18: {  	s0 =	sld [smem:$0x3F90];
	_ =	swait.ge [sflag:s4], $0x0  }
0x19: {  	s7 =	sld [smem:$0x3F91]  }
0x1a: {  	s8 =	sadd.s32 $0xFFFFE003, lr  }
0x1b: {  	s9 =	sadd.s32 $0xFFFFFEF7, lr;
	s5 =	simm.s32 $0xFFFFFFFF;
	p2 =	slt.u32 s8, $0xFFFFF086  }
0x1c: {  	p1 =	slt.u32 s9, $0xF7A;
	s5 =	simm.s32 @!p2 $0x0  }
0x1d: {  	s5 =	simm.s32 @p1 $0x1;
	p0 =	seq.s32 s7, s2  }
0x1e: {  	s7 =	smul.u32 @!p0 $0xF7A, s2;
	p2 =	seq.s32 @!p0 s5, $0x0  }
0x1f: {  	s9 =	smul.u32 $0xF7A, s1;
	s8 =	simm.s32 @!p0 $0x1BF5;
	p2 =	por !p2, p0  }
0x20: {  	[sflag:s8] =	ssyncset.s32 @!p0 $0xFFFFF086;
	s6 =	sadd.s32 @!p0 s3, s7;
	s7 =	simm.s32 @!p0 $0x108  }
0x21: {  	s3 =	sadd.s32 s3, s9;
	s6 =	sadd.s32 @!p0 $0x88, s6;
	s7 =	simm.s32 @p2 $0x1082  }
0x22: {  	[simem:s7], [sflag:s8] =	dma.local @!p0 [hbm:s6], $0xF7A  }
0x23: {  	s9 =	sor.u32 $0xD0000000, s2;
	s6 =	simm.s32 $0x108;
	_ =	swait.ge @!p0 [sflag:s8], $0x0  }
0x24: {  	s3 =	sadd.s32 $0x88, s3;
	s6 =	simm.s32 @!p1 $0x1082;
	[sflag:s4] =	ssyncset.s32 $0xFFFFF086  }
0x25: {  	[simem:s6], [sflag:s4] =	dma.local [hbm:s3], $0xF7A  }
0x26: {  	[smem:$0x3F91] =	sst s1;
	(tag) =	ssettag s2;
	_ =	strace s9  }
0x27: {  	s1 =	sld [smem:$0x3FA1]  }
0x28: {  	s2 =	sld [smem:$0x3FA2]  }
0x29: {  	s4 =	sld [smem:$0x3FA4]  }
0x2a: {  	p0 =	seq.s32 s5, $0x0;
	s5 =	sld [smem:$0x3FA5]  }
0x2b: {  	s6 =	sld [smem:$0x3FA6]  }
0x2c: {  	s7 =	sld [smem:$0x3FA7]  }
0x2d: {  	s3 =	simm.s32 $0x108;
	s8 =	sld [smem:$0x3FA8]  }
0x2e: {  	s3 =	simm.s32 @!p0 $0x1082;
	s9 =	sld [smem:$0x3FA9]  }
0x2f: {  	lr =	sadd.s32 s0, s3;
	s0 =	sld [smem:$0x3FA0]  }
0x30: {  	s3 =	sld [smem:$0x3FA3]  }
0x31: {  	[smem:$0x3FAC] =	sst s10  }
0x32: {  	s10 =	sld [smem:$0x3FAA];
	_ =	sdelay $0x3  }
0x33: {  	p0 =	seq.s32 s10, $0x1;
	s10 =	sld [smem:$0x3FAC];
	_ =	sdelay $0x3  }
0x34: {  	[smem:$0x3FAC] =	sst s10  }
0x35: {  	s10 =	sld [smem:$0x3FAB];
	_ =	sdelay $0x3  }
0x36: {  	p1 =	seq.s32 s10, $0x1;
	s10 =	sld [smem:$0x3FAC];
	_ =	sdelay $0x3  }
0x37: {  	[smem:$0x3FAC] =	sst s10  }
0x38: {  	s10 =	sld [smem:$0x3FAD]  }
0x39: {  	_ = 	snop;
	(pc) =	sbr.ind lr, $3  }
0x3a: {  	_ = 	snop  }
0x3b: {  	_ = 	snop  }
0x3c: {  	p2 =	seq.s32 s10, $0x1;
	s10 =	sld [smem:$0x3FAC]  }
0x3d: {  	_ =	shalt  }
0x3e: {  	_ =	shalt  }
0x3f: {  	_ =	shalt  }
0x40: {  	_ =	shalt  }
0x41: {  	_ =	shalt  }
0x42: {  	_ =	shalt  }
0x43: {  	_ =	shalt  }
0x44: {  	_ =	shalt  }
0x45: {  	_ =	shalt  }
0x46: {  	_ =	shalt  }
0x47: {  	_ =	shalt  }
0x48: {  	_ =	shalt  }
0x49: {  	_ =	shalt  }
0x4a: {  	_ =	shalt  }
0x4b: {  	_ =	shalt  }
0x4c: {  	_ =	shalt  }
0x4d: {  	_ =	shalt  }
0x4e: {  	_ =	shalt  }
0x4f: {  	_ =	shalt  }
0x50: {  	_ =	shalt  }
0x51: {  	_ =	shalt  }
0x52: {  	_ =	shalt  }
0x53: {  	_ =	shalt  }
0x54: {  	_ =	shalt  }
0x55: {  	_ =	shalt  }
0x56: {  	_ =	shalt  }
0x57: {  	_ =	shalt  }
0x58: {  	_ =	shalt  }
0x59: {  	_ =	shalt  }
0x5a: {  	_ =	shalt  }
0x5b: {  	_ =	shalt  }
0x5c: {  	_ =	shalt  }
0x5d: {  	_ =	shalt  }
0x5e: {  	_ =	shalt  }
0x5f: {  	_ =	shalt  }
0x60: {  	_ =	shalt  }
0x61: {  	_ =	shalt  }
0x62: {  	_ =	shalt  }
0x63: {  	_ =	shalt  }
0x64: {  	_ =	shalt  }
0x65: {  	_ =	shalt  }
0x66: {  	_ =	shalt  }
0x67: {  	_ =	shalt  }
0x68: {  	_ =	shalt  }
0x69: {  	_ =	shalt  }
0x6a: {  	_ =	shalt  }
0x6b: {  	_ =	shalt  }
0x6c: {  	_ =	shalt  }
0x6d: {  	_ =	shalt  }
0x6e: {  	_ =	shalt  }
0x6f: {  	_ =	shalt  }
0x70: {  	_ =	shalt  }
0x71: {  	_ =	shalt  }
0x72: {  	_ =	shalt  }
0x73: {  	_ =	shalt  }
0x74: {  	_ =	shalt  }
0x75: {  	_ =	shalt  }
0x76: {  	_ =	shalt  }
0x77: {  	_ =	shalt  }
0x78: {  	_ =	shalt  }
0x79: {  	_ =	shalt  }
0x7a: {  	_ =	shalt  }
0x7b: {  	_ =	shalt  }
0x7c: {  	_ =	shalt  }
0x7d: {  	_ =	shalt  }
0x7e: {  	_ =	shalt  }
0x7f: {  	_ =	shalt  }
0x80: {  	_ =	shalt  }
0x81: {  	_ =	shalt  }
0x82: {  	_ =	shalt  }
0x83: {  	_ =	shalt  }
0x84: {  	_ =	shalt  }
0x85: {  	_ =	shalt  }
0x86: {  	_ =	shalt  }
0x87: {  	_ =	shalt  }
.Lfunc_end0:
.L_simem_size_0:
called_computation_lowered:
.L_overlay_start_0:
0x88: {  	s2 =	sld [smem:$0x3FD9]  }
0x89: {  	s3 =	sld [smem:$0x3FFE];
	_ =	sdelay $0x1  }
0x8a: {  	s1 =	srdreg.scid  }
0x8b: {  	s0 =	sand.u32 $0x1, s1  }
0x8c: {  	s16 =	sshll.u32 s0, $0xA;
	s2 =	sadd.s32 s3, s2  }
0x8d: {  	s2 =	sadd.s32 s2, s16  }
0x8e: {  	[smem:$0x3FB8] =	sst s2  }
0x8f: {  	_ = 	snop  }
0x90: {  	(tm) =	ssettm $0x1  }
0x91: {  	s17 =	sld [smem:$0x3FFB];
	_ =	sdelay $0x3  }
0x92: {  	_ =	strace s17  }
0x93: {  	s2 =	sld [smem:$0x3FFC];
	_ =	sdelay $0x3  }
0x94: {  	_ =	strace s2  }
0x95: {  	s2 =	sld [smem:$0x3FFD];
	_ =	sdelay $0x3  }
0x96: {  	_ =	strace s2  }
0x97: {  	_ =	strace $0x8FFFFFFF  }
0x98: {  	s18 =	sld [smem:$0x3FDB];
	_ =	sdelay $0x1  }
0x99: {  	s19 =	simm.s32 $_scs_section_size  }
0x9a: {  	s4 =	simm.s32 $_size__tile_overlayer_lowered;
	s5 =	simm.s32 $_tile_overlayer_lowered  }
0x9b: {  	s22 =	simm.s32 $0x1BFF;
	s21 =	sshll.u32 s5, $0x1;
	s2 =	sadd.s32 s19, s18  }
0x9c: {  	s6 =	simm.s32 $0x0;
	s20 =	sshll.u32 s4, $0x1;
	s4 =	sadd.s32 s21, s2  }
0x9d: {  	[timem:s6], [sflag:s22] =	dma.local [hbm:s4], s20  }
0x9e: {  	_ =	swait.ge [sflag:s22], s20  }
0x9f: {  	s3 =	ssub.s32 $0x0, s20;
	[sflag:s22] =	ssyncset.done $0x0  }
0xa0: {  	[sflag:s22] =	ssyncadd.s32 s3;
	_ =	sdelay $0x1  }
0xa1: {  	s23 =	simm.s32 $0x1B8B  }
0xa2: {  	_ =	swait.ge [sflag:s23], $0x1  }
0xa3: {  	[sflag:s23] =	ssyncset.done $0x0  }
0xa4: {  	s25 =	simm.s32 $0x1B8E;
	s24 =	sld [smem:$0x3FFE];
	[sflag:s23] =	ssyncadd.s32 $0xFFFFFFFF  }
0xa5: {  	s26 =	simm.s32 $execute0_lowered;
	[smem:$0x3FD2] =	sst s25  }
0xa6: {  	s4 =	sshll.u32 s26, $0x1;
	_ =	strace $0x80000046;
	[dreg:$0x1] =	wrdreg $0xFFFFFFFF  }
0xa7: {  	s28 =	simm.s32 $_size_execute0_lowered;
	s2 =	sadd.s32 s2, s4;
	[dreg:$0x0] =	wrdreg $0x0  }
0xa8: {  	s4 =	sshll.u32 s28, $0x1;
	[dreg:$0x2] =	wrdreg s2  }
0xa9: {  	[dreg:$0x3] =	wrdreg s4  }
0xaa: {  	[dreg:$0x4] =	wrdreg $0xC0  }
0xab: {  	_ =	task [dreg:s6], $0x5FFFF  }
0xac: {  	[dreg:$0x1] =	wrdreg $0xFFFFFFFF  }
0xad: {  	[dreg:$0x0] =	wrdreg $0x60  }
0xae: {  	[dreg:$0x2] =	wrdreg s24  }
0xaf: {  	[dreg:$0x3] =	wrdreg $0xCF200  }
0xb0: {  	[dreg:$0x4] =	wrdreg $0x9  }
0xb1: {  	_ =	task.clear_ibuf [dreg:s6], $0x5FFFF;
	_ =	strace $0x90000046  }
0xb2: {  	s29 =	simm.s32 $0x9;
	_ =	strace $0x80000048  }
0xb3: {  	_ =	swait.ge [sflag:s29], $0x1  }
0xb4: {  	[sflag:s29] =	ssyncadd.s32 $0xFFFFFFFF  }
0xb5: {  	_ =	strace $0x90000048  }
0xb6: {  	_ =	sfence  }
0xb7: {  	s30 =	sld [smem:$0x0];
	_ =	sdelay $0x2  }
0xb8: {  	s31 =	sshll.u32 s1, $0xD;
	s1 =	sshrl.u32 s1, $0x2  }
0xb9: {  	s3 =	sand.u32 $0x4000, s31;
	s1 =	sadd.s32 s1, s30  }
0xba: {  	s0 =	sor.u32 s3, s0;
	s1 =	sshll.u32 s1, $0x11  }
0xbb: {  	s0 =	sor.u32 s1, s0  }
0xbc: {  	s0 =	sadd.s32 $0x8F2B, s0  }
0xbd: {  	[sflag:s0] =	ssyncadd.remote.s32 $0x1  }
0xbe: {  	_ =	sfence.sel $0xFFFF  }
0xbf: {  	[dreg:$0x0] =	wrdreg $0xFFFFFFFF;
	(pc) =	sbr.abs _section_cstart, $3  }
0xc0: {  	[dreg:$0x1] =	wrdreg $0xFFFFFFFF  }
0xc1: {  	_ =	task.clear_ibuf [dreg:s6], $0x2FFFF;
	_ =	strace $0x9FFFFFFF  }
0xc2: {  	(tm) =	ssettm $0x7FFFFFFF  }
0xc3: {  	_ =	shalt  }
tec
execute0_lowered:
.L_overlay_start_1:
0x0: {  	(tag) =	ssettag $0x1  }
0x1: {  	s0 =	srdreg.scid  }
0x2: {  	s10 =	stileid.u32;
	s6 =	rddreg [dreg:$0x0]  }
0x3: {  	s2 =	rddreg [dreg:$0x1];
	s3 =	simm.s32 $0x0;
	s17 =	simm.s32 $0x5  }
0x4: {  	s19 =	simm.s32 $0x80;
	s20 =	simm.s32 $0x2800;
	s28 =	simm.s32 $0x2  }
0x5: {  	s30 =	simm.s32 $0xA000;
	s31 =	simm.s32 $0x3;
	s8 =	smul.u32 $0x4E4, s10  }
0x6: {  	s0 =	sand.u32 $0x1, s0;
	s1 =	sshll.u32 s10, $0x1;
	s21 =	smul.u32 $0x9C80, s10  }
0x7: {  	s16 =	simm.s32 $0x0;
	s1 =	sor.u32 s0, s1;
	s9 =	smul.u32 $0x4E40, s0  }
0x8: {  	[smem:$0x7FF] =	sst s3;
	s4 =	sadd.s32 $0x51400, s6;
	s7 =	smul.u32 $0x280, s1  }
0x9: {  	s5 =	sadd.s32 $0x1400, s6;
	s0 =	ssub.s32 $0x2, s0;
	s22 =	smul.u32 $0x2800, s1  }
0xa: {  	_ =	strace $0x80000047;
	s23 =	sshrl.u32 s0, $0x1;
	s11 =	smul.u32 $0x14000, s1  }
0xb: {  	s10 =	smul.u32 $0x1400, s1;
	s1 =	simm.s32 $0x4;
	s8 =	sadd.s32 s8, s9  }
0xc: {  	s9 =	sshrl.u32 s21, $0x2;
	s0 =	ssub.s32 s0, s23;
	s21 =	simm.s32 $0x8800  }
0xd: {  	s23 =	simm.s32 $0x9800;
	s7 =	sadd.s32 s7, s6;
	s8 =	sadd.s32 s8, s6  }
0xe: {  	s6 =	sadd.s32 s9, s2;
	s9 =	sadd.s32 s5, s22;
	s25 =	sshrl.u32 s11, $0x3  }
0xf: {  	s15 =	smax.u32 s0, $0x1;
	s11 =	simm.s32 $0x1400;
	s22 =	simm.s32 $0x1  }
0x10: {  	s24 =	sadd.s32 $0x73A00, s7;
	s7 =	sadd.s32 $0x6EA00, s7;
	s26 =	sadd.s32 $0x100, s9  }
0x11: {  	s29 =	sadd.s32 s5, s25;
	s12 =	sadd.s32 $0x200, s9;
	[dreg:$0x3] =	wrdreg s24  }
0x12: {  	s14 =	sadd.s32 $0x78A00, s8;
	s25 =	simm.s32 $0x9000;
	[dreg:$0x4] =	wrdreg s7  }
0x13: {  	v0 =	vimm.f32 $0.0e+00;
	[dreg:$0x5] =	wrdreg s26;
	s13 =	sadd.s32 $0x2700, s29;
	s24 =	simm.s32 $0x5800  }
.LBB2_1:
0x14: {  	s0 =	simm.s32 $0x40;
	s7 =	simm.s32 $0x0  }
.LBB2_2:
0x15: {  	p0 =	sne.s32 s0, $0x9C40;
	[tilespmem:s7+$0xA800] =	vst v0;
	s7 =	smov.u32 s0;
	s0 =	sadd.s32 $0x40, s0  }
.Ltmp0:
0x16: {  	(pc) =	sbr.rel @p0 .LBB2_2-.Ltmp0, $2  }
0x17: {  	_ =	sdelay $0x2  }
0x18: {  	s7 =	sshra.s32 s7, $0x2  }
0x19: {  	[tilespmem:s7+$0xA800] =	vst v0;
	s0 =	simm.s32 $0xA800  }
0x1a: {  	[spmem:s6] =	stream.linear.scatter [tilespmem:s0], [sflag:$0x5], $0x2720, $0x38;
	[tilespmem:$0xF640] =	vst v63  }
0x1b: {  	_ =	swait.ge [sflag:s17], $0x2720  }
0x1c: {  	[sflag:s17] =	ssyncset.done $0x0  }
0x1d: {  	s18 =	rddreg [dreg:$0x3];
	[sflag:s17] =	ssyncadd.s32 $0xFFFFD8E0  }
0x1e: {  	[tilespmem:s3], [sflag:$0x5] =	stream.linear.gather [hbm4b:s18+s3], $0x1400, $0x38;
	[tilespmem:$0xF640] =	vst v63  }
0x1f: {  	_ =	swait.ge [sflag:s17], $0x1400  }
0x20: {  	[sflag:s17] =	ssyncset.done $0x0  }
0x21: {  	s26 =	rddreg [dreg:$0x4];
	[sflag:s17] =	ssyncadd.s32 $0xFFFFEC00  }
0x22: {  	[tilespmem:s11], [sflag:$0x5] =	stream.linear.gather [hbm4b:s26+s3], $0x1400, $0x38;
	[tilespmem:$0xF640] =	vst v63  }
0x23: {  	_ =	swait.ge [sflag:s17], $0x1400  }
0x24: {  	[sflag:s17] =	ssyncset.done $0x0  }
0x25: {  	[sflag:s17] =	ssyncadd.s32 $0xFFFFEC00  }
0x26: {  	[bflag:$0x0] =	sbarrier.arrive $0xFFFF  }
0x27: {  	[tilespmem:s20], [sflag:$0x1] =	stream.indirect.gather [hbm4b:s4+s19], $0x60, s3, s19, $0xb8;
	[tilespmem:$0xF640] =	vst v63  }
0x28: {  	_ = 	snop  }
0x29: {  	[tilespmem:s21], [sflag:$0x1] =	stream.linear.gather [hbm4b:s9+s3], $0x800, $0x38;
	[tilespmem:$0xF640] =	vst v63  }
0x2a: {  	_ =	swait.ge [sflag:s22], $0x3000  }
0x2b: {  	[sflag:s22] =	ssyncset.done $0x0  }
0x2c: {  	[sflag:s22] =	ssyncadd.s32 $0xFFFFD000  }
0x2d: {  	_ =	swait.ge [sflag:s22], $0x800  }
0x2e: {  	[sflag:s22] =	ssyncset.done $0x0  }
0x2f: {  	s29 =	simm.s32 $0x8820;
	[sflag:s22] =	ssyncadd.s32 $0xFFFFF800  }
0x30: {  	s0 =	simm.s32 $0x28C0;
	v1 =	vld [tilespmem:s29+$0x10]  }
0x31: {  	v2 =	vld [tilespmem:s0+$0x60]  }
0x32: {  	v3 =	vld [tilespmem:s0+$0x70]  }
0x33: {  	v6 =	vld [tilespmem:s29+$0xFFFFFFF0]  }
0x34: {  	v9 =	vld [tilespmem:s29+$0x0]  }
0x35: {  	v14 =	vld [tilespmem:s29+$0xFFFFFFE0]  }
0x36: {  	v4 =	vld [tilespmem:s0+$0x80]  }
0x37: {  	v5 =	vld [tilespmem:s0+$0x90];
	v8 =	vbroadcast v1, $0x4;
	v10 =	vbroadcast v1, $0x0  }
0x38: {  	v7 =	vld [tilespmem:s0+$0xA0];
	v11 =	vbroadcast v1, $0x1;
	v13 =	vbroadcast v1, $0x2  }
0x39: {  	v12 =	vld [tilespmem:s0+$0xB0];
	v1 =	vbroadcast v1, $0x3;
	v17 =	vbroadcast v6, $0x3  }
0x3a: {  	v15 =	vld [tilespmem:s0+$0xFFFFFF60];
	v18 =	vbroadcast v9, $0x0;
	v20 =	vbroadcast v14, $0x0  }
0x3b: {  	v16 =	vld [tilespmem:s0+$0xFFFFFF70];
	v21 =	vbroadcast v14, $0x1;
	v23 =	vbroadcast v14, $0x2  }
0x3c: {  	v19 =	vld [tilespmem:s0+$0xFFFFFFA0];
	v24 =	vbroadcast v14, $0x3;
	v58 =	vbroadcast v9, $0x1  }
0x3d: {  	v57 =	vld [tilespmem:s0+$0xFFFFFFD0];
	v26 =	vbroadcast v9, $0x2;
	v61 =	vbroadcast v9, $0x3  }
0x3e: {  	v22 =	vld [tilespmem:s0+$0xFFFFFFB0];
	v2 =	vmul.f32 v2, v10;
	v3 =	vmul.f32 v3, v11  }
0x3f: {  	v10 =	vld [tilespmem:s0+$0xFFFFFF40];
	v4 =	vmul.f32 v4, v13;
	v1 =	vmul.f32 v5, v1  }
0x40: {  	v5 =	vld [tilespmem:s0+$0xFFFFFF50];
	v11 =	vbroadcast v6, $0x0;
	v13 =	vbroadcast v6, $0x1  }
0x41: {  	v25 =	vld [tilespmem:s0+$0xFFFFFFC0];
	v7 =	vmul.f32 v7, v8;
	v8 =	vbroadcast v6, $0x2  }
0x42: {  	v59 =	vld [tilespmem:s0+$0x0];
	v15 =	vmul.f32 v15, v23;
	v17 =	vmul.f32 v57, v17;
	v2 =	vadd.f32 v3, v2  }
0x43: {  	v60 =	vld [tilespmem:s0+$0x10];
	v3 =	vmul.f32 v16, v24;
	v1 =	vadd.f32 v1, v4;
	v4 =	vmul.f32 v19, v11  }
0x44: {  	v11 =	vld [tilespmem:s0+$0x20];
	v7 =	vadd.f32 v12, v7;
	v12 =	vbroadcast v14, $0x4;
	v13 =	vmul.f32 v22, v13  }
0x45: {  	v14 =	vld [tilespmem:s0+$0x30];
	v10 =	vmul.f32 v10, v20;
	v5 =	vmul.f32 v5, v21  }
0x46: {  	v62 =	vld [tilespmem:s0+$0xFFFFFF80];
	v8 =	vmul.f32 v25, v8;
	v1 =	vadd.f32 v1, v2;
	v15 =	vadd.f32 v3, v15  }
0x47: {  	v2 =	vbroadcast v6, $0x4;
	v4 =	vadd.f32 v13, v4;
	v10 =	vadd.f32 v5, v10;
	v5 =	vld [tilespmem:s0+$0xFFFFFFE0]  }
0x48: {  	v3 =	vbroadcast v9, $0x4;
	v9 =	vadd.f32 v17, v8;
	v6 =	vld [tilespmem:s0+$0x40];
	v13 =	vadd.f32 v7, v1  }
0x49: {  	s7 =	simm.s32 $0x9820;
	v63 =	vmul.f32 v59, v18;
	v16 =	vmul.f32 v60, v58;
	v7 =	vld [tilespmem:s0+$0xFFFFFF90]  }
0x4a: {  	v8 =	vld [tilespmem:s0+$0xFFFFFFF0];
	v4 =	vadd.f32 v9, v4;
	v11 =	vmul.f32 v11, v26;
	[tilespmem:s7+$0x10] =	vst v13;
	v13 =	vmul.f32 v14, v61  }
0x4b: {  	s8 =	simm.s32 $0x8860;
	s18 =	simm.s32 $0x0;
	v12 =	vmul.f32 v62, v12;
	v9 =	vld [tilespmem:s0+$0x50];
	v1 =	vadd.f32 v15, v10;
	v10 =	vadd.f32 v16, v63  }
.LBB2_4:
0x4c: {  	v14 =	vld [tilespmem:s8+$0x10];
	v2 =	vmul.f32 v5, v2;
	v5 =	vadd.f32 v13, v11;
	s0 =	sadd.s32 $0x180, s0  }
0x4d: {  	v11 =	vld [tilespmem:s0+$0x60];
	v3 =	vmul.f32 v6, v3  }
0x4e: {  	s18 =	sadd.s32 $0x4, s18;
	v6 =	vld [tilespmem:s0+$0x70];
	v7 =	vadd.f32 v7, v12;
	v5 =	vadd.f32 v5, v10  }
0x4f: {  	p0 =	slt.u32 s18, $0x7C;
	v10 =	vld [tilespmem:s0+$0x80];
	v2 =	vadd.f32 v8, v2  }
0x50: {  	v8 =	vld [tilespmem:s0+$0x90];
	v1 =	vadd.f32 v7, v1;
	v3 =	vadd.f32 v9, v3  }
0x51: {  	v7 =	vld [tilespmem:s8+$0xFFFFFFF0];
	v9 =	vbroadcast v14, $0x4;
	v2 =	vadd.f32 v2, v4  }
0x52: {  	v4 =	vbroadcast v14, $0x0;
	v12 =	vbroadcast v14, $0x1;
	v13 =	vld [tilespmem:s0+$0xA0];
	[tilespmem:s7+$0xFFFFFFE0] =	vst v1;
	v1 =	vadd.f32 v3, v5  }
0x53: {  	v5 =	vbroadcast v14, $0x2;
	v14 =	vbroadcast v14, $0x3;
	v3 =	vld [tilespmem:s8+$0x0];
	[tilespmem:s7+$0xFFFFFFF0] =	vst v2  }
0x54: {  	v2 =	vmul.f32 v11, v4;
	v4 =	vmul.f32 v6, v12;
	v6 =	vld [tilespmem:s0+$0xB0];
	[tilespmem:s7+$0x0] =	vst v1  }
0x55: {  	v5 =	vmul.f32 v10, v5;
	v1 =	vld [tilespmem:s8+$0xFFFFFFE0];
	v8 =	vmul.f32 v8, v14  }
0x56: {  	v10 =	vld [tilespmem:s0+$0xFFFFFF40];
	v11 =	vbroadcast v7, $0x0;
	v12 =	vbroadcast v7, $0x1  }
0x57: {  	v2 =	vadd.f32 v4, v2;
	v14 =	vld [tilespmem:s0+$0xFFFFFF50];
	v9 =	vmul.f32 v13, v9;
	v4 =	vadd.f32 v8, v5  }
0x58: {  	v8 =	vbroadcast v7, $0x2;
	v13 =	vbroadcast v7, $0x3;
	v5 =	vld [tilespmem:s0+$0xFFFFFF60]  }
0x59: {  	v16 =	vbroadcast v3, $0x0;
	v15 =	vld [tilespmem:s0+$0xFFFFFF70];
	v6 =	vadd.f32 v6, v9;
	v2 =	vadd.f32 v4, v2  }
0x5a: {  	v4 =	vbroadcast v1, $0x0;
	v9 =	vbroadcast v1, $0x1;
	v17 =	vld [tilespmem:s0+$0xFFFFFFA0]  }
0x5b: {  	v18 =	vbroadcast v1, $0x2;
	v19 =	vbroadcast v1, $0x3;
	v20 =	vld [tilespmem:s0+$0xFFFFFFB0];
	v2 =	vadd.f32 v6, v2  }
0x5c: {  	s7 =	sadd.s32 $0x40, s7;
	v21 =	vbroadcast v3, $0x1;
	v22 =	vbroadcast v3, $0x2;
	v6 =	vld [tilespmem:s0+$0xFFFFFFC0]  }
0x5d: {  	v23 =	vbroadcast v3, $0x3;
	v4 =	vmul.f32 v10, v4;
	v10 =	vld [tilespmem:s0+$0xFFFFFFD0];
	[tilespmem:s7+$0x10] =	vst v2  }
0x5e: {  	v2 =	vmul.f32 v14, v9;
	v5 =	vmul.f32 v5, v18;
	v9 =	vld [tilespmem:s0+$0x0]  }
0x5f: {  	v14 =	vmul.f32 v15, v19;
	v11 =	vmul.f32 v17, v11;
	v15 =	vld [tilespmem:s0+$0x10]  }
0x60: {  	v17 =	vbroadcast v1, $0x4;
	v1 =	vadd.f32 v2, v4;
	v4 =	vmul.f32 v20, v12;
	v12 =	vld [tilespmem:s0+$0x20]  }
0x61: {  	v2 =	vbroadcast v7, $0x4;
	v5 =	vadd.f32 v14, v5;
	v6 =	vmul.f32 v6, v8;
	v14 =	vld [tilespmem:s0+$0x30]  }
0x62: {  	v3 =	vbroadcast v3, $0x4;
	v18 =	vld [tilespmem:s0+$0xFFFFFF80];
	v7 =	vmul.f32 v10, v13;
	v4 =	vadd.f32 v4, v11  }
.Ltmp1:
0x63: {  	v1 =	vadd.f32 v5, v1;
	v5 =	vld [tilespmem:s0+$0xFFFFFFE0];
	v9 =	vmul.f32 v9, v16;
	(pc) =	sbr.rel @p0 .LBB2_4-.Ltmp1, $4  }
0x64: {  	v10 =	vadd.f32 v7, v6;
	v15 =	vmul.f32 v15, v21;
	v6 =	vld [tilespmem:s0+$0x40]  }
0x65: {  	v7 =	vld [tilespmem:s0+$0xFFFFFF90];
	v11 =	vmul.f32 v12, v22  }
0x66: {  	v8 =	vld [tilespmem:s0+$0xFFFFFFF0];
	v4 =	vadd.f32 v10, v4;
	v13 =	vmul.f32 v14, v23;
	v10 =	vadd.f32 v15, v9  }
0x67: {  	s8 =	sadd.s32 $0x40, s8;
	v12 =	vmul.f32 v18, v17;
	v9 =	vld [tilespmem:s0+$0x50]  }
0x68: {  	_ = 	snop  }
0x69: {  	v2 =	vmul.f32 v5, v2;
	v5 =	vadd.f32 v13, v11  }
0x6a: {  	v3 =	vmul.f32 v6, v3;
	v6 =	vadd.f32 v7, v12  }
0x6b: {  	v5 =	vadd.f32 v5, v10;
	v2 =	vadd.f32 v8, v2  }
0x6c: {  	v1 =	vadd.f32 v6, v1;
	v3 =	vadd.f32 v9, v3  }
0x6d: {  	v2 =	vadd.f32 v2, v4  }
0x6e: {  	[tilespmem:s7+$0xFFFFFFE0] =	vst v1;
	v1 =	vadd.f32 v3, v5  }
0x6f: {  	[tilespmem:s7+$0xFFFFFFF0] =	vst v2  }
0x70: {  	[tilespmem:s7+$0x0] =	vst v1  }
0x71: {  	[spmem:s2] =	stream.indirect.scatter.add.f32 [tilespmem:s23], [sflag:$0x3], $0x10, s11, s19, $0xb8;
	[tilespmem:$0xF640] =	vst v63  }
0x72: {  	_ = 	snop  }
0x73: {  	[tilespmem:s24], [sflag:$0x2] =	stream.indirect.gather [hbm4b:s4+s19], $0x60, s19, s19, $0xb8;
	[tilespmem:$0xF640] =	vst v63  }
0x74: {  	s0 =	rddreg [dreg:$0x5]  }
0x75: {  	[tilespmem:s25], [sflag:$0x2] =	stream.linear.gather [hbm4b:s0+s3], $0x800, $0x38;
	[tilespmem:$0xF640] =	vst v63  }
0x76: {  	s26 =	simm.s32 $0x100  }
0x77: {  	[tilespmem:s20], [sflag:$0x1] =	stream.indirect.gather [hbm4b:s4+s19], $0x60, s26, s19, $0xb8;
	[tilespmem:$0xF640] =	vst v63  }
0x78: {  	_ = 	snop  }
0x79: {  	[tilespmem:s21], [sflag:$0x1] =	stream.linear.gather [hbm4b:s12+s3], $0x800, $0x38;
	[tilespmem:$0xF640] =	vst v63  }
0x7a: {  	_ =	swait.ge [sflag:s28], $0x3000  }
0x7b: {  	[sflag:s28] =	ssyncset.done $0x0  }
0x7c: {  	[sflag:s28] =	ssyncadd.s32 $0xFFFFD000  }
0x7d: {  	_ =	swait.ge [sflag:s28], $0x800  }
0x7e: {  	[sflag:s28] =	ssyncset.done $0x0  }
0x7f: {  	s29 =	simm.s32 $0x9020;
	[sflag:s28] =	ssyncadd.s32 $0xFFFFF800  }
0x80: {  	s0 =	simm.s32 $0x58C0;
	v1 =	vld [tilespmem:s29+$0x10]  }
0x81: {  	v2 =	vld [tilespmem:s0+$0x60]  }
0x82: {  	v3 =	vld [tilespmem:s0+$0x70]  }
0x83: {  	v6 =	vld [tilespmem:s29+$0xFFFFFFF0]  }
0x84: {  	v9 =	vld [tilespmem:s29+$0x0]  }
0x85: {  	v14 =	vld [tilespmem:s29+$0xFFFFFFE0]  }
0x86: {  	v4 =	vld [tilespmem:s0+$0x80]  }
0x87: {  	v5 =	vld [tilespmem:s0+$0x90];
	v8 =	vbroadcast v1, $0x4;
	v10 =	vbroadcast v1, $0x0  }
0x88: {  	v7 =	vld [tilespmem:s0+$0xA0];
	v11 =	vbroadcast v1, $0x1;
	v13 =	vbroadcast v1, $0x2  }
0x89: {  	v12 =	vld [tilespmem:s0+$0xB0];
	v1 =	vbroadcast v1, $0x3;
	v17 =	vbroadcast v6, $0x3  }
0x8a: {  	v15 =	vld [tilespmem:s0+$0xFFFFFF60];
	v18 =	vbroadcast v9, $0x0;
	v20 =	vbroadcast v14, $0x0  }
0x8b: {  	v16 =	vld [tilespmem:s0+$0xFFFFFF70];
	v21 =	vbroadcast v14, $0x1;
	v23 =	vbroadcast v14, $0x2  }
0x8c: {  	v19 =	vld [tilespmem:s0+$0xFFFFFFA0];
	v24 =	vbroadcast v14, $0x3;
	v58 =	vbroadcast v9, $0x1  }
0x8d: {  	v57 =	vld [tilespmem:s0+$0xFFFFFFD0];
	v26 =	vbroadcast v9, $0x2;
	v61 =	vbroadcast v9, $0x3  }
0x8e: {  	v22 =	vld [tilespmem:s0+$0xFFFFFFB0];
	v2 =	vmul.f32 v2, v10;
	v3 =	vmul.f32 v3, v11  }
0x8f: {  	v10 =	vld [tilespmem:s0+$0xFFFFFF40];
	v4 =	vmul.f32 v4, v13;
	v1 =	vmul.f32 v5, v1  }
0x90: {  	v5 =	vld [tilespmem:s0+$0xFFFFFF50];
	v11 =	vbroadcast v6, $0x0;
	v13 =	vbroadcast v6, $0x1  }
0x91: {  	v25 =	vld [tilespmem:s0+$0xFFFFFFC0];
	v7 =	vmul.f32 v7, v8;
	v8 =	vbroadcast v6, $0x2  }
0x92: {  	v59 =	vld [tilespmem:s0+$0x0];
	v15 =	vmul.f32 v15, v23;
	v17 =	vmul.f32 v57, v17;
	v2 =	vadd.f32 v3, v2  }
0x93: {  	v60 =	vld [tilespmem:s0+$0x10];
	v3 =	vmul.f32 v16, v24;
	v1 =	vadd.f32 v1, v4;
	v4 =	vmul.f32 v19, v11  }
0x94: {  	v11 =	vld [tilespmem:s0+$0x20];
	v7 =	vadd.f32 v12, v7;
	v12 =	vbroadcast v14, $0x4;
	v13 =	vmul.f32 v22, v13  }
0x95: {  	v14 =	vld [tilespmem:s0+$0x30];
	v10 =	vmul.f32 v10, v20;
	v5 =	vmul.f32 v5, v21  }
0x96: {  	v62 =	vld [tilespmem:s0+$0xFFFFFF80];
	v8 =	vmul.f32 v25, v8;
	v1 =	vadd.f32 v1, v2;
	v15 =	vadd.f32 v3, v15  }
0x97: {  	v2 =	vbroadcast v6, $0x4;
	v4 =	vadd.f32 v13, v4;
	v10 =	vadd.f32 v5, v10;
	v5 =	vld [tilespmem:s0+$0xFFFFFFE0]  }
0x98: {  	v3 =	vbroadcast v9, $0x4;
	v9 =	vadd.f32 v17, v8;
	v6 =	vld [tilespmem:s0+$0x40];
	v13 =	vadd.f32 v7, v1  }
0x99: {  	s7 =	simm.s32 $0xA020;
	v63 =	vmul.f32 v59, v18;
	v16 =	vmul.f32 v60, v58;
	v7 =	vld [tilespmem:s0+$0xFFFFFF90]  }
0x9a: {  	v8 =	vld [tilespmem:s0+$0xFFFFFFF0];
	v4 =	vadd.f32 v9, v4;
	v11 =	vmul.f32 v11, v26;
	[tilespmem:s7+$0x10] =	vst v13;
	v13 =	vmul.f32 v14, v61  }
0x9b: {  	s18 =	simm.s32 $0x0;
	s8 =	simm.s32 $0x9060;
	v12 =	vmul.f32 v62, v12;
	v9 =	vld [tilespmem:s0+$0x50];
	v1 =	vadd.f32 v15, v10;
	v10 =	vadd.f32 v16, v63  }
.LBB2_6:
0x9c: {  	v14 =	vld [tilespmem:s8+$0x10];
	v2 =	vmul.f32 v5, v2;
	v5 =	vadd.f32 v13, v11;
	s0 =	sadd.s32 $0x180, s0  }
0x9d: {  	v11 =	vld [tilespmem:s0+$0x60];
	v3 =	vmul.f32 v6, v3  }
0x9e: {  	s18 =	sadd.s32 $0x4, s18;
	v6 =	vld [tilespmem:s0+$0x70];
	v7 =	vadd.f32 v7, v12;
	v5 =	vadd.f32 v5, v10  }
0x9f: {  	p0 =	slt.u32 s18, $0x7C;
	v10 =	vld [tilespmem:s0+$0x80];
	v2 =	vadd.f32 v8, v2  }
0xa0: {  	v8 =	vld [tilespmem:s0+$0x90];
	v1 =	vadd.f32 v7, v1;
	v3 =	vadd.f32 v9, v3  }
0xa1: {  	v7 =	vld [tilespmem:s8+$0xFFFFFFF0];
	v9 =	vbroadcast v14, $0x4;
	v2 =	vadd.f32 v2, v4  }
0xa2: {  	v4 =	vbroadcast v14, $0x0;
	v12 =	vbroadcast v14, $0x1;
	v13 =	vld [tilespmem:s0+$0xA0];
	[tilespmem:s7+$0xFFFFFFE0] =	vst v1;
	v1 =	vadd.f32 v3, v5  }
0xa3: {  	v5 =	vbroadcast v14, $0x2;
	v14 =	vbroadcast v14, $0x3;
	v3 =	vld [tilespmem:s8+$0x0];
	[tilespmem:s7+$0xFFFFFFF0] =	vst v2  }
0xa4: {  	v2 =	vmul.f32 v11, v4;
	v4 =	vmul.f32 v6, v12;
	v6 =	vld [tilespmem:s0+$0xB0];
	[tilespmem:s7+$0x0] =	vst v1  }
0xa5: {  	v5 =	vmul.f32 v10, v5;
	v1 =	vld [tilespmem:s8+$0xFFFFFFE0];
	v8 =	vmul.f32 v8, v14  }
0xa6: {  	v10 =	vld [tilespmem:s0+$0xFFFFFF40];
	v11 =	vbroadcast v7, $0x0;
	v12 =	vbroadcast v7, $0x1  }
0xa7: {  	v2 =	vadd.f32 v4, v2;
	v14 =	vld [tilespmem:s0+$0xFFFFFF50];
	v9 =	vmul.f32 v13, v9;
	v4 =	vadd.f32 v8, v5  }
0xa8: {  	v8 =	vbroadcast v7, $0x2;
	v13 =	vbroadcast v7, $0x3;
	v5 =	vld [tilespmem:s0+$0xFFFFFF60]  }
0xa9: {  	v16 =	vbroadcast v3, $0x0;
	v15 =	vld [tilespmem:s0+$0xFFFFFF70];
	v6 =	vadd.f32 v6, v9;
	v2 =	vadd.f32 v4, v2  }
0xaa: {  	v4 =	vbroadcast v1, $0x0;
	v9 =	vbroadcast v1, $0x1;
	v17 =	vld [tilespmem:s0+$0xFFFFFFA0]  }
0xab: {  	v18 =	vbroadcast v1, $0x2;
	v19 =	vbroadcast v1, $0x3;
	v20 =	vld [tilespmem:s0+$0xFFFFFFB0];
	v2 =	vadd.f32 v6, v2  }
0xac: {  	s7 =	sadd.s32 $0x40, s7;
	v21 =	vbroadcast v3, $0x1;
	v22 =	vbroadcast v3, $0x2;
	v6 =	vld [tilespmem:s0+$0xFFFFFFC0]  }
0xad: {  	v23 =	vbroadcast v3, $0x3;
	v4 =	vmul.f32 v10, v4;
	v10 =	vld [tilespmem:s0+$0xFFFFFFD0];
	[tilespmem:s7+$0x10] =	vst v2  }
0xae: {  	v2 =	vmul.f32 v14, v9;
	v5 =	vmul.f32 v5, v18;
	v9 =	vld [tilespmem:s0+$0x0]  }
0xaf: {  	v14 =	vmul.f32 v15, v19;
	v11 =	vmul.f32 v17, v11;
	v15 =	vld [tilespmem:s0+$0x10]  }
0xb0: {  	v17 =	vbroadcast v1, $0x4;
	v1 =	vadd.f32 v2, v4;
	v4 =	vmul.f32 v20, v12;
	v12 =	vld [tilespmem:s0+$0x20]  }
0xb1: {  	v2 =	vbroadcast v7, $0x4;
	v5 =	vadd.f32 v14, v5;
	v6 =	vmul.f32 v6, v8;
	v14 =	vld [tilespmem:s0+$0x30]  }
0xb2: {  	v3 =	vbroadcast v3, $0x4;
	v18 =	vld [tilespmem:s0+$0xFFFFFF80];
	v7 =	vmul.f32 v10, v13;
	v4 =	vadd.f32 v4, v11  }
.Ltmp2:
0xb3: {  	v1 =	vadd.f32 v5, v1;
	v5 =	vld [tilespmem:s0+$0xFFFFFFE0];
	v9 =	vmul.f32 v9, v16;
	(pc) =	sbr.rel @p0 .LBB2_6-.Ltmp2, $4  }
0xb4: {  	v10 =	vadd.f32 v7, v6;
	v15 =	vmul.f32 v15, v21;
	v6 =	vld [tilespmem:s0+$0x40]  }
0xb5: {  	v7 =	vld [tilespmem:s0+$0xFFFFFF90];
	v11 =	vmul.f32 v12, v22  }
0xb6: {  	v8 =	vld [tilespmem:s0+$0xFFFFFFF0];
	v4 =	vadd.f32 v10, v4;
	v13 =	vmul.f32 v14, v23;
	v10 =	vadd.f32 v15, v9  }
0xb7: {  	s8 =	sadd.s32 $0x40, s8;
	v12 =	vmul.f32 v18, v17;
	v9 =	vld [tilespmem:s0+$0x50]  }
0xb8: {  	_ = 	snop  }
0xb9: {  	v2 =	vmul.f32 v5, v2;
	v62 =	vadd.f32 v13, v11  }
0xba: {  	v3 =	vmul.f32 v6, v3;
	v63 =	vadd.f32 v7, v12  }
0xbb: {  	v5 =	vadd.f32 v62, v10;
	v2 =	vadd.f32 v8, v2  }
0xbc: {  	v1 =	vadd.f32 v63, v1;
	v3 =	vadd.f32 v9, v3  }
0xbd: {  	v2 =	vadd.f32 v2, v4  }
0xbe: {  	[tilespmem:s7+$0xFFFFFFE0] =	vst v1;
	v1 =	vadd.f32 v3, v5  }
0xbf: {  	[tilespmem:s7+$0xFFFFFFF0] =	vst v2  }
0xc0: {  	s0 =	simm.s32 $0x1480;
	s26 =	simm.s32 $0x1;
	[tilespmem:s7+$0x0] =	vst v1  }
0xc1: {  	[spmem:s2] =	stream.indirect.scatter.add.f32 [tilespmem:s30], [sflag:$0x4], $0x10, s0, s19, $0xb8;
	[tilespmem:$0xF640] =	vst v63  }
.LBB2_8:
0xc2: {  	s0 =	sshll.u32 s26, $0x8  }
0xc3: {  	s29 =	sor.u32 $0x80, s0  }
0xc4: {  	[tilespmem:s24], [sflag:$0x2] =	stream.indirect.gather [hbm4b:s4+s19], $0x60, s29, s19, $0xb8;
	[tilespmem:$0xF640] =	vst v63  }
0xc5: {  	s7 =	sadd.s32 s10, s29  }
0xc6: {  	s7 =	sshll.u32 s7, $0x1  }
0xc7: {  	s7 =	sand.u32 $0x1FFFFF00, s7  }
0xc8: {  	s7 =	sadd.s32 s5, s7  }
0xc9: {  	[tilespmem:s25], [sflag:$0x2] =	stream.linear.gather [hbm4b:s7+s3], $0x800, $0x38;
	[tilespmem:$0xF640] =	vst v63  }
0xca: {  	_ =	swait.ge [sflag:s22], $0x3000  }
0xcb: {  	[sflag:s22] =	ssyncset.done $0x0  }
0xcc: {  	[sflag:s22] =	ssyncadd.s32 $0xFFFFD000  }
0xcd: {  	_ =	swait.ge [sflag:s22], $0x800  }
0xce: {  	[sflag:s22] =	ssyncset.done $0x0  }
0xcf: {  	[sflag:s22] =	ssyncadd.s32 $0xFFFFF800  }
0xd0: {  	_ =	swait.ge [sflag:s31], $0x800  }
0xd1: {  	[sflag:s31] =	ssyncset.done $0x0  }
0xd2: {  	s11 =	simm.s32 $0x8820;
	[sflag:s31] =	ssyncadd.s32 $0xFFFFF800  }
0xd3: {  	s18 =	simm.s32 $0x28C0;
	v1 =	vld [tilespmem:s11+$0x10]  }
0xd4: {  	v2 =	vld [tilespmem:s18+$0x60]  }
0xd5: {  	v3 =	vld [tilespmem:s18+$0x70]  }
0xd6: {  	v6 =	vld [tilespmem:s11+$0xFFFFFFF0]  }
0xd7: {  	v9 =	vld [tilespmem:s11+$0x0]  }
0xd8: {  	v14 =	vld [tilespmem:s11+$0xFFFFFFE0]  }
0xd9: {  	v4 =	vld [tilespmem:s18+$0x80]  }
0xda: {  	v5 =	vld [tilespmem:s18+$0x90];
	v8 =	vbroadcast v1, $0x4;
	v10 =	vbroadcast v1, $0x0  }
0xdb: {  	v7 =	vld [tilespmem:s18+$0xA0];
	v11 =	vbroadcast v1, $0x1;
	v13 =	vbroadcast v1, $0x2  }
0xdc: {  	v12 =	vld [tilespmem:s18+$0xB0];
	v1 =	vbroadcast v1, $0x3;
	v17 =	vbroadcast v6, $0x3  }
0xdd: {  	v15 =	vld [tilespmem:s18+$0xFFFFFF60];
	v18 =	vbroadcast v9, $0x0;
	v20 =	vbroadcast v14, $0x0  }
0xde: {  	v16 =	vld [tilespmem:s18+$0xFFFFFF70];
	v21 =	vbroadcast v14, $0x1;
	v23 =	vbroadcast v14, $0x2  }
0xdf: {  	v19 =	vld [tilespmem:s18+$0xFFFFFFA0];
	v24 =	vbroadcast v14, $0x3;
	v58 =	vbroadcast v9, $0x1  }
0xe0: {  	v57 =	vld [tilespmem:s18+$0xFFFFFFD0];
	v26 =	vbroadcast v9, $0x2;
	v61 =	vbroadcast v9, $0x3  }
0xe1: {  	v22 =	vld [tilespmem:s18+$0xFFFFFFB0];
	v2 =	vmul.f32 v2, v10;
	v3 =	vmul.f32 v3, v11  }
0xe2: {  	v10 =	vld [tilespmem:s18+$0xFFFFFF40];
	v4 =	vmul.f32 v4, v13;
	v1 =	vmul.f32 v5, v1  }
0xe3: {  	v5 =	vld [tilespmem:s18+$0xFFFFFF50];
	v11 =	vbroadcast v6, $0x0;
	v13 =	vbroadcast v6, $0x1  }
0xe4: {  	v25 =	vld [tilespmem:s18+$0xFFFFFFC0];
	v7 =	vmul.f32 v7, v8;
	v8 =	vbroadcast v6, $0x2  }
0xe5: {  	v59 =	vld [tilespmem:s18+$0x0];
	v15 =	vmul.f32 v15, v23;
	v17 =	vmul.f32 v57, v17;
	v2 =	vadd.f32 v3, v2  }
0xe6: {  	v60 =	vld [tilespmem:s18+$0x10];
	v3 =	vmul.f32 v16, v24;
	v1 =	vadd.f32 v1, v4;
	v4 =	vmul.f32 v19, v11  }
0xe7: {  	v11 =	vld [tilespmem:s18+$0x20];
	v7 =	vadd.f32 v12, v7;
	v12 =	vbroadcast v14, $0x4;
	v13 =	vmul.f32 v22, v13  }
0xe8: {  	v14 =	vld [tilespmem:s18+$0x30];
	v10 =	vmul.f32 v10, v20;
	v5 =	vmul.f32 v5, v21  }
0xe9: {  	v62 =	vld [tilespmem:s18+$0xFFFFFF80];
	v8 =	vmul.f32 v25, v8;
	v1 =	vadd.f32 v1, v2;
	v15 =	vadd.f32 v3, v15  }
0xea: {  	v2 =	vbroadcast v6, $0x4;
	v4 =	vadd.f32 v13, v4;
	v10 =	vadd.f32 v5, v10;
	v5 =	vld [tilespmem:s18+$0xFFFFFFE0]  }
0xeb: {  	v3 =	vbroadcast v9, $0x4;
	v9 =	vadd.f32 v17, v8;
	v6 =	vld [tilespmem:s18+$0x40];
	v13 =	vadd.f32 v7, v1  }
0xec: {  	s7 =	simm.s32 $0x9820;
	v63 =	vmul.f32 v59, v18;
	v16 =	vmul.f32 v60, v58;
	v7 =	vld [tilespmem:s18+$0xFFFFFF90]  }
0xed: {  	v8 =	vld [tilespmem:s18+$0xFFFFFFF0];
	v4 =	vadd.f32 v9, v4;
	v11 =	vmul.f32 v11, v26;
	[tilespmem:s7+$0x10] =	vst v13;
	v13 =	vmul.f32 v14, v61  }
0xee: {  	s8 =	simm.s32 $0x0;
	s11 =	simm.s32 $0x8860;
	v12 =	vmul.f32 v62, v12;
	v9 =	vld [tilespmem:s18+$0x50];
	v1 =	vadd.f32 v15, v10;
	v10 =	vadd.f32 v16, v63  }
.LBB2_9:
0xef: {  	v14 =	vld [tilespmem:s11+$0x10];
	v2 =	vmul.f32 v5, v2;
	v5 =	vadd.f32 v13, v11;
	s18 =	sadd.s32 $0x180, s18  }
0xf0: {  	v11 =	vld [tilespmem:s18+$0x60];
	v3 =	vmul.f32 v6, v3  }
0xf1: {  	s8 =	sadd.s32 $0x4, s8;
	v6 =	vld [tilespmem:s18+$0x70];
	v7 =	vadd.f32 v7, v12;
	v5 =	vadd.f32 v5, v10  }
0xf2: {  	p0 =	slt.u32 s8, $0x7C;
	v10 =	vld [tilespmem:s18+$0x80];
	v2 =	vadd.f32 v8, v2  }
0xf3: {  	v8 =	vld [tilespmem:s18+$0x90];
	v1 =	vadd.f32 v7, v1;
	v3 =	vadd.f32 v9, v3  }
0xf4: {  	v7 =	vld [tilespmem:s11+$0xFFFFFFF0];
	v9 =	vbroadcast v14, $0x4;
	v2 =	vadd.f32 v2, v4  }
0xf5: {  	v4 =	vbroadcast v14, $0x0;
	v12 =	vbroadcast v14, $0x1;
	v13 =	vld [tilespmem:s18+$0xA0];
	[tilespmem:s7+$0xFFFFFFE0] =	vst v1;
	v1 =	vadd.f32 v3, v5  }
0xf6: {  	v5 =	vbroadcast v14, $0x2;
	v14 =	vbroadcast v14, $0x3;
	v3 =	vld [tilespmem:s11+$0x0];
	[tilespmem:s7+$0xFFFFFFF0] =	vst v2  }
0xf7: {  	v2 =	vmul.f32 v11, v4;
	v4 =	vmul.f32 v6, v12;
	v6 =	vld [tilespmem:s18+$0xB0];
	[tilespmem:s7+$0x0] =	vst v1  }
0xf8: {  	v5 =	vmul.f32 v10, v5;
	v1 =	vld [tilespmem:s11+$0xFFFFFFE0];
	v8 =	vmul.f32 v8, v14  }
0xf9: {  	v10 =	vld [tilespmem:s18+$0xFFFFFF40];
	v11 =	vbroadcast v7, $0x0;
	v12 =	vbroadcast v7, $0x1  }
0xfa: {  	v2 =	vadd.f32 v4, v2;
	v14 =	vld [tilespmem:s18+$0xFFFFFF50];
	v9 =	vmul.f32 v13, v9;
	v4 =	vadd.f32 v8, v5  }
0xfb: {  	v8 =	vbroadcast v7, $0x2;
	v13 =	vbroadcast v7, $0x3;
	v5 =	vld [tilespmem:s18+$0xFFFFFF60]  }
0xfc: {  	v16 =	vbroadcast v3, $0x0;
	v15 =	vld [tilespmem:s18+$0xFFFFFF70];
	v6 =	vadd.f32 v6, v9;
	v2 =	vadd.f32 v4, v2  }
0xfd: {  	v4 =	vbroadcast v1, $0x0;
	v9 =	vbroadcast v1, $0x1;
	v17 =	vld [tilespmem:s18+$0xFFFFFFA0]  }
0xfe: {  	v18 =	vbroadcast v1, $0x2;
	v19 =	vbroadcast v1, $0x3;
	v20 =	vld [tilespmem:s18+$0xFFFFFFB0];
	v2 =	vadd.f32 v6, v2  }
0xff: {  	s7 =	sadd.s32 $0x40, s7;
	v21 =	vbroadcast v3, $0x1;
	v22 =	vbroadcast v3, $0x2;
	v6 =	vld [tilespmem:s18+$0xFFFFFFC0]  }
0x100: {  	v23 =	vbroadcast v3, $0x3;
	v4 =	vmul.f32 v10, v4;
	v10 =	vld [tilespmem:s18+$0xFFFFFFD0];
	[tilespmem:s7+$0x10] =	vst v2  }
0x101: {  	v2 =	vmul.f32 v14, v9;
	v5 =	vmul.f32 v5, v18;
	v9 =	vld [tilespmem:s18+$0x0]  }
0x102: {  	v14 =	vmul.f32 v15, v19;
	v11 =	vmul.f32 v17, v11;
	v15 =	vld [tilespmem:s18+$0x10]  }
0x103: {  	v17 =	vbroadcast v1, $0x4;
	v1 =	vadd.f32 v2, v4;
	v4 =	vmul.f32 v20, v12;
	v12 =	vld [tilespmem:s18+$0x20]  }
0x104: {  	v2 =	vbroadcast v7, $0x4;
	v5 =	vadd.f32 v14, v5;
	v6 =	vmul.f32 v6, v8;
	v14 =	vld [tilespmem:s18+$0x30]  }
0x105: {  	v3 =	vbroadcast v3, $0x4;
	v18 =	vld [tilespmem:s18+$0xFFFFFF80];
	v7 =	vmul.f32 v10, v13;
	v4 =	vadd.f32 v4, v11  }
.Ltmp3:
0x106: {  	v1 =	vadd.f32 v5, v1;
	v5 =	vld [tilespmem:s18+$0xFFFFFFE0];
	v9 =	vmul.f32 v9, v16;
	(pc) =	sbr.rel @p0 .LBB2_9-.Ltmp3, $4  }
0x107: {  	v10 =	vadd.f32 v7, v6;
	v15 =	vmul.f32 v15, v21;
	v6 =	vld [tilespmem:s18+$0x40]  }
0x108: {  	v7 =	vld [tilespmem:s18+$0xFFFFFF90];
	v11 =	vmul.f32 v12, v22  }
0x109: {  	v8 =	vld [tilespmem:s18+$0xFFFFFFF0];
	v4 =	vadd.f32 v10, v4;
	v13 =	vmul.f32 v14, v23;
	v10 =	vadd.f32 v15, v9  }
0x10a: {  	s11 =	sadd.s32 $0x40, s11;
	v12 =	vmul.f32 v18, v17;
	v9 =	vld [tilespmem:s18+$0x50]  }
0x10b: {  	_ = 	snop  }
0x10c: {  	v2 =	vmul.f32 v5, v2;
	v5 =	vadd.f32 v13, v11  }
0x10d: {  	v3 =	vmul.f32 v6, v3;
	v6 =	vadd.f32 v7, v12  }
0x10e: {  	v5 =	vadd.f32 v5, v10;
	v2 =	vadd.f32 v8, v2  }
0x10f: {  	v1 =	vadd.f32 v6, v1;
	v3 =	vadd.f32 v9, v3  }
0x110: {  	v2 =	vadd.f32 v2, v4  }
0x111: {  	[tilespmem:s7+$0xFFFFFFE0] =	vst v1;
	v1 =	vadd.f32 v3, v5  }
0x112: {  	s8 =	sand.u32 $0x3FFFFF00, s0;
	s11 =	sadd.s32 $0x100, s0;
	[tilespmem:s7+$0xFFFFFFF0] =	vst v2  }
0x113: {  	s8 =	sadd.s32 $0x1400, s8;
	s0 =	sadd.s32 s10, s11;
	[tilespmem:s7+$0x0] =	vst v1  }
0x114: {  	[spmem:s2] =	stream.indirect.scatter.add.f32 [tilespmem:s23], [sflag:$0x3], $0x10, s8, s19, $0xb8;
	[tilespmem:$0xF640] =	vst v63  }
0x115: {  	s0 =	sshll.u32 s0, $0x1  }
0x116: {  	[tilespmem:s20], [sflag:$0x1] =	stream.indirect.gather [hbm4b:s4+s19], $0x60, s11, s19, $0xb8;
	[tilespmem:$0xF640] =	vst v63  }
0x117: {  	s0 =	sadd.s32 s5, s0  }
0x118: {  	[tilespmem:s21], [sflag:$0x1] =	stream.linear.gather [hbm4b:s0+s3], $0x800, $0x38;
	[tilespmem:$0xF640] =	vst v63  }
0x119: {  	_ =	swait.ge [sflag:s28], $0x3000  }
0x11a: {  	[sflag:s28] =	ssyncset.done $0x0  }
0x11b: {  	[sflag:s28] =	ssyncadd.s32 $0xFFFFD000  }
0x11c: {  	_ =	swait.ge [sflag:s28], $0x800  }
0x11d: {  	[sflag:s28] =	ssyncset.done $0x0  }
0x11e: {  	[sflag:s28] =	ssyncadd.s32 $0xFFFFF800  }
0x11f: {  	_ =	swait.ge [sflag:s1], $0x800  }
0x120: {  	[sflag:s1] =	ssyncset.done $0x0  }
0x121: {  	s18 =	simm.s32 $0x9020;
	[sflag:s1] =	ssyncadd.s32 $0xFFFFF800  }
0x122: {  	s0 =	simm.s32 $0x58C0;
	v1 =	vld [tilespmem:s18+$0x10]  }
0x123: {  	v2 =	vld [tilespmem:s0+$0x60]  }
0x124: {  	v3 =	vld [tilespmem:s0+$0x70]  }
0x125: {  	v6 =	vld [tilespmem:s18+$0xFFFFFFF0]  }
0x126: {  	v9 =	vld [tilespmem:s18+$0x0]  }
0x127: {  	v14 =	vld [tilespmem:s18+$0xFFFFFFE0]  }
0x128: {  	v4 =	vld [tilespmem:s0+$0x80]  }
0x129: {  	v5 =	vld [tilespmem:s0+$0x90];
	v8 =	vbroadcast v1, $0x4;
	v10 =	vbroadcast v1, $0x0  }
0x12a: {  	v7 =	vld [tilespmem:s0+$0xA0];
	v11 =	vbroadcast v1, $0x1;
	v13 =	vbroadcast v1, $0x2  }
0x12b: {  	v12 =	vld [tilespmem:s0+$0xB0];
	v1 =	vbroadcast v1, $0x3;
	v17 =	vbroadcast v6, $0x3  }
0x12c: {  	v15 =	vld [tilespmem:s0+$0xFFFFFF60];
	v18 =	vbroadcast v9, $0x0;
	v20 =	vbroadcast v14, $0x0  }
0x12d: {  	v16 =	vld [tilespmem:s0+$0xFFFFFF70];
	v21 =	vbroadcast v14, $0x1;
	v23 =	vbroadcast v14, $0x2  }
0x12e: {  	v19 =	vld [tilespmem:s0+$0xFFFFFFA0];
	v24 =	vbroadcast v14, $0x3;
	v58 =	vbroadcast v9, $0x1  }
0x12f: {  	v57 =	vld [tilespmem:s0+$0xFFFFFFD0];
	v26 =	vbroadcast v9, $0x2;
	v61 =	vbroadcast v9, $0x3  }
0x130: {  	v22 =	vld [tilespmem:s0+$0xFFFFFFB0];
	v2 =	vmul.f32 v2, v10;
	v3 =	vmul.f32 v3, v11  }
0x131: {  	v10 =	vld [tilespmem:s0+$0xFFFFFF40];
	v4 =	vmul.f32 v4, v13;
	v1 =	vmul.f32 v5, v1  }
0x132: {  	v5 =	vld [tilespmem:s0+$0xFFFFFF50];
	v11 =	vbroadcast v6, $0x0;
	v13 =	vbroadcast v6, $0x1  }
0x133: {  	v25 =	vld [tilespmem:s0+$0xFFFFFFC0];
	v7 =	vmul.f32 v7, v8;
	v8 =	vbroadcast v6, $0x2  }
0x134: {  	v59 =	vld [tilespmem:s0+$0x0];
	v15 =	vmul.f32 v15, v23;
	v17 =	vmul.f32 v57, v17;
	v2 =	vadd.f32 v3, v2  }
0x135: {  	v60 =	vld [tilespmem:s0+$0x10];
	v3 =	vmul.f32 v16, v24;
	v1 =	vadd.f32 v1, v4;
	v4 =	vmul.f32 v19, v11  }
0x136: {  	v11 =	vld [tilespmem:s0+$0x20];
	v7 =	vadd.f32 v12, v7;
	v12 =	vbroadcast v14, $0x4;
	v13 =	vmul.f32 v22, v13  }
0x137: {  	v14 =	vld [tilespmem:s0+$0x30];
	v10 =	vmul.f32 v10, v20;
	v5 =	vmul.f32 v5, v21  }
0x138: {  	v62 =	vld [tilespmem:s0+$0xFFFFFF80];
	v8 =	vmul.f32 v25, v8;
	v1 =	vadd.f32 v1, v2;
	v15 =	vadd.f32 v3, v15  }
0x139: {  	v2 =	vbroadcast v6, $0x4;
	v4 =	vadd.f32 v13, v4;
	v10 =	vadd.f32 v5, v10;
	v5 =	vld [tilespmem:s0+$0xFFFFFFE0]  }
0x13a: {  	v3 =	vbroadcast v9, $0x4;
	v9 =	vadd.f32 v17, v8;
	v6 =	vld [tilespmem:s0+$0x40];
	v13 =	vadd.f32 v7, v1  }
0x13b: {  	s7 =	simm.s32 $0xA020;
	v63 =	vmul.f32 v59, v18;
	v16 =	vmul.f32 v60, v58;
	v7 =	vld [tilespmem:s0+$0xFFFFFF90]  }
0x13c: {  	v8 =	vld [tilespmem:s0+$0xFFFFFFF0];
	v4 =	vadd.f32 v9, v4;
	v11 =	vmul.f32 v11, v26;
	[tilespmem:s7+$0x10] =	vst v13;
	v13 =	vmul.f32 v14, v61  }
0x13d: {  	s8 =	simm.s32 $0x0;
	s11 =	simm.s32 $0x9060;
	v12 =	vmul.f32 v62, v12;
	v9 =	vld [tilespmem:s0+$0x50];
	v1 =	vadd.f32 v15, v10;
	v10 =	vadd.f32 v16, v63  }
.LBB2_11:
0x13e: {  	v14 =	vld [tilespmem:s11+$0x10];
	v2 =	vmul.f32 v5, v2;
	v5 =	vadd.f32 v13, v11;
	s0 =	sadd.s32 $0x180, s0  }
0x13f: {  	v11 =	vld [tilespmem:s0+$0x60];
	v3 =	vmul.f32 v6, v3  }
0x140: {  	s8 =	sadd.s32 $0x4, s8;
	v6 =	vld [tilespmem:s0+$0x70];
	v7 =	vadd.f32 v7, v12;
	v5 =	vadd.f32 v5, v10  }
0x141: {  	p0 =	slt.u32 s8, $0x7C;
	v10 =	vld [tilespmem:s0+$0x80];
	v2 =	vadd.f32 v8, v2  }
0x142: {  	v8 =	vld [tilespmem:s0+$0x90];
	v1 =	vadd.f32 v7, v1;
	v3 =	vadd.f32 v9, v3  }
0x143: {  	v7 =	vld [tilespmem:s11+$0xFFFFFFF0];
	v9 =	vbroadcast v14, $0x4;
	v2 =	vadd.f32 v2, v4  }
0x144: {  	v4 =	vbroadcast v14, $0x0;
	v12 =	vbroadcast v14, $0x1;
	v13 =	vld [tilespmem:s0+$0xA0];
	[tilespmem:s7+$0xFFFFFFE0] =	vst v1;
	v1 =	vadd.f32 v3, v5  }
0x145: {  	v5 =	vbroadcast v14, $0x2;
	v14 =	vbroadcast v14, $0x3;
	v3 =	vld [tilespmem:s11+$0x0];
	[tilespmem:s7+$0xFFFFFFF0] =	vst v2  }
0x146: {  	v2 =	vmul.f32 v11, v4;
	v4 =	vmul.f32 v6, v12;
	v6 =	vld [tilespmem:s0+$0xB0];
	[tilespmem:s7+$0x0] =	vst v1  }
0x147: {  	v5 =	vmul.f32 v10, v5;
	v1 =	vld [tilespmem:s11+$0xFFFFFFE0];
	v8 =	vmul.f32 v8, v14  }
0x148: {  	v10 =	vld [tilespmem:s0+$0xFFFFFF40];
	v11 =	vbroadcast v7, $0x0;
	v12 =	vbroadcast v7, $0x1  }
0x149: {  	v2 =	vadd.f32 v4, v2;
	v14 =	vld [tilespmem:s0+$0xFFFFFF50];
	v9 =	vmul.f32 v13, v9;
	v4 =	vadd.f32 v8, v5  }
0x14a: {  	v8 =	vbroadcast v7, $0x2;
	v13 =	vbroadcast v7, $0x3;
	v5 =	vld [tilespmem:s0+$0xFFFFFF60]  }
0x14b: {  	v16 =	vbroadcast v3, $0x0;
	v15 =	vld [tilespmem:s0+$0xFFFFFF70];
	v6 =	vadd.f32 v6, v9;
	v2 =	vadd.f32 v4, v2  }
0x14c: {  	v4 =	vbroadcast v1, $0x0;
	v9 =	vbroadcast v1, $0x1;
	v17 =	vld [tilespmem:s0+$0xFFFFFFA0]  }
0x14d: {  	v18 =	vbroadcast v1, $0x2;
	v19 =	vbroadcast v1, $0x3;
	v20 =	vld [tilespmem:s0+$0xFFFFFFB0];
	v2 =	vadd.f32 v6, v2  }
0x14e: {  	s7 =	sadd.s32 $0x40, s7;
	v21 =	vbroadcast v3, $0x1;
	v22 =	vbroadcast v3, $0x2;
	v6 =	vld [tilespmem:s0+$0xFFFFFFC0]  }
0x14f: {  	v23 =	vbroadcast v3, $0x3;
	v4 =	vmul.f32 v10, v4;
	v10 =	vld [tilespmem:s0+$0xFFFFFFD0];
	[tilespmem:s7+$0x10] =	vst v2  }
0x150: {  	v2 =	vmul.f32 v14, v9;
	v5 =	vmul.f32 v5, v18;
	v9 =	vld [tilespmem:s0+$0x0]  }
0x151: {  	v14 =	vmul.f32 v15, v19;
	v11 =	vmul.f32 v17, v11;
	v15 =	vld [tilespmem:s0+$0x10]  }
0x152: {  	v17 =	vbroadcast v1, $0x4;
	v1 =	vadd.f32 v2, v4;
	v4 =	vmul.f32 v20, v12;
	v12 =	vld [tilespmem:s0+$0x20]  }
0x153: {  	v2 =	vbroadcast v7, $0x4;
	v5 =	vadd.f32 v14, v5;
	v6 =	vmul.f32 v6, v8;
	v14 =	vld [tilespmem:s0+$0x30]  }
0x154: {  	v3 =	vbroadcast v3, $0x4;
	v18 =	vld [tilespmem:s0+$0xFFFFFF80];
	v7 =	vmul.f32 v10, v13;
	v4 =	vadd.f32 v4, v11  }
.Ltmp4:
0x155: {  	v1 =	vadd.f32 v5, v1;
	v5 =	vld [tilespmem:s0+$0xFFFFFFE0];
	v9 =	vmul.f32 v9, v16;
	(pc) =	sbr.rel @p0 .LBB2_11-.Ltmp4, $4  }
0x156: {  	v10 =	vadd.f32 v7, v6;
	v15 =	vmul.f32 v15, v21;
	v6 =	vld [tilespmem:s0+$0x40]  }
0x157: {  	v7 =	vld [tilespmem:s0+$0xFFFFFF90];
	v11 =	vmul.f32 v12, v22  }
0x158: {  	v8 =	vld [tilespmem:s0+$0xFFFFFFF0];
	v4 =	vadd.f32 v10, v4;
	v13 =	vmul.f32 v14, v23;
	v10 =	vadd.f32 v15, v9  }
0x159: {  	s11 =	sadd.s32 $0x40, s11;
	v12 =	vmul.f32 v18, v17;
	v9 =	vld [tilespmem:s0+$0x50]  }
0x15a: {  	_ = 	snop  }
0x15b: {  	v2 =	vmul.f32 v5, v2;
	v62 =	vadd.f32 v13, v11  }
0x15c: {  	v3 =	vmul.f32 v6, v3;
	v63 =	vadd.f32 v7, v12  }
0x15d: {  	s26 =	sadd.s32 $0x1, s26;
	v5 =	vadd.f32 v62, v10;
	v2 =	vadd.f32 v8, v2  }
0x15e: {  	p0 =	sne.s32 s26, $0x13;
	v1 =	vadd.f32 v63, v1;
	v3 =	vadd.f32 v9, v3  }
.Ltmp5:
0x15f: {  	v2 =	vadd.f32 v2, v4;
	(pc) =	sbr.rel @p0 .LBB2_8-.Ltmp5, $4  }
0x160: {  	[tilespmem:s7+$0xFFFFFFE0] =	vst v1;
	v1 =	vadd.f32 v3, v5  }
0x161: {  	[tilespmem:s7+$0xFFFFFFF0] =	vst v2  }
0x162: {  	s0 =	sadd.s32 $0x1400, s29;
	[tilespmem:s7+$0x0] =	vst v1  }
0x163: {  	[spmem:s2] =	stream.indirect.scatter.add.f32 [tilespmem:s30], [sflag:$0x4], $0x10, s0, s19, $0xb8;
	[tilespmem:$0xF640] =	vst v63  }
0x164: {  	s0 =	simm.s32 $0x1380  }
0x165: {  	[tilespmem:s24], [sflag:$0x2] =	stream.indirect.gather [hbm4b:s4+s19], $0x60, s0, s19, $0xb8;
	[tilespmem:$0xF640] =	vst v63  }
0x166: {  	_ = 	snop  }
0x167: {  	[tilespmem:s25], [sflag:$0x2] =	stream.linear.gather [hbm4b:s13+s3], $0x800, $0x38;
	[tilespmem:$0xF640] =	vst v63  }
0x168: {  	_ =	swait.ge [sflag:s22], $0x3000  }
0x169: {  	[sflag:s22] =	ssyncset.done $0x0  }
0x16a: {  	[sflag:s22] =	ssyncadd.s32 $0xFFFFD000  }
0x16b: {  	_ =	swait.ge [sflag:s22], $0x800  }
0x16c: {  	[sflag:s22] =	ssyncset.done $0x0  }
0x16d: {  	[sflag:s22] =	ssyncadd.s32 $0xFFFFF800  }
0x16e: {  	_ =	swait.ge [sflag:s31], $0x800  }
0x16f: {  	[sflag:s31] =	ssyncset.done $0x0  }
0x170: {  	s7 =	simm.s32 $0x8820;
	[sflag:s31] =	ssyncadd.s32 $0xFFFFF800  }
0x171: {  	s0 =	simm.s32 $0x28C0;
	v1 =	vld [tilespmem:s7+$0x10]  }
0x172: {  	v2 =	vld [tilespmem:s0+$0x60]  }
0x173: {  	v3 =	vld [tilespmem:s0+$0x70]  }
0x174: {  	v6 =	vld [tilespmem:s7+$0xFFFFFFF0]  }
0x175: {  	v9 =	vld [tilespmem:s7+$0x0]  }
0x176: {  	v14 =	vld [tilespmem:s7+$0xFFFFFFE0]  }
0x177: {  	v4 =	vld [tilespmem:s0+$0x80]  }
0x178: {  	v5 =	vld [tilespmem:s0+$0x90];
	v8 =	vbroadcast v1, $0x4;
	v10 =	vbroadcast v1, $0x0  }
0x179: {  	v7 =	vld [tilespmem:s0+$0xA0];
	v11 =	vbroadcast v1, $0x1;
	v13 =	vbroadcast v1, $0x2  }
0x17a: {  	v12 =	vld [tilespmem:s0+$0xB0];
	v1 =	vbroadcast v1, $0x3;
	v17 =	vbroadcast v6, $0x3  }
0x17b: {  	v15 =	vld [tilespmem:s0+$0xFFFFFF60];
	v18 =	vbroadcast v9, $0x0;
	v20 =	vbroadcast v14, $0x0  }
0x17c: {  	v16 =	vld [tilespmem:s0+$0xFFFFFF70];
	v21 =	vbroadcast v14, $0x1;
	v23 =	vbroadcast v14, $0x2  }
0x17d: {  	v19 =	vld [tilespmem:s0+$0xFFFFFFA0];
	v24 =	vbroadcast v14, $0x3;
	v58 =	vbroadcast v9, $0x1  }
0x17e: {  	v57 =	vld [tilespmem:s0+$0xFFFFFFD0];
	v26 =	vbroadcast v9, $0x2;
	v61 =	vbroadcast v9, $0x3  }
0x17f: {  	v22 =	vld [tilespmem:s0+$0xFFFFFFB0];
	v2 =	vmul.f32 v2, v10;
	v3 =	vmul.f32 v3, v11  }
0x180: {  	v10 =	vld [tilespmem:s0+$0xFFFFFF40];
	v4 =	vmul.f32 v4, v13;
	v1 =	vmul.f32 v5, v1  }
0x181: {  	v5 =	vld [tilespmem:s0+$0xFFFFFF50];
	v11 =	vbroadcast v6, $0x0;
	v13 =	vbroadcast v6, $0x1  }
0x182: {  	v25 =	vld [tilespmem:s0+$0xFFFFFFC0];
	v7 =	vmul.f32 v7, v8;
	v8 =	vbroadcast v6, $0x2  }
0x183: {  	v59 =	vld [tilespmem:s0+$0x0];
	v15 =	vmul.f32 v15, v23;
	v17 =	vmul.f32 v57, v17;
	v2 =	vadd.f32 v3, v2  }
0x184: {  	v60 =	vld [tilespmem:s0+$0x10];
	v3 =	vmul.f32 v16, v24;
	v1 =	vadd.f32 v1, v4;
	v4 =	vmul.f32 v19, v11  }
0x185: {  	v11 =	vld [tilespmem:s0+$0x20];
	v7 =	vadd.f32 v12, v7;
	v12 =	vbroadcast v14, $0x4;
	v13 =	vmul.f32 v22, v13  }
0x186: {  	v14 =	vld [tilespmem:s0+$0x30];
	v10 =	vmul.f32 v10, v20;
	v5 =	vmul.f32 v5, v21  }
0x187: {  	v62 =	vld [tilespmem:s0+$0xFFFFFF80];
	v8 =	vmul.f32 v25, v8;
	v1 =	vadd.f32 v1, v2;
	v15 =	vadd.f32 v3, v15  }
0x188: {  	v2 =	vbroadcast v6, $0x4;
	v4 =	vadd.f32 v13, v4;
	v10 =	vadd.f32 v5, v10;
	v5 =	vld [tilespmem:s0+$0xFFFFFFE0]  }
0x189: {  	v3 =	vbroadcast v9, $0x4;
	v9 =	vadd.f32 v17, v8;
	v6 =	vld [tilespmem:s0+$0x40];
	v13 =	vadd.f32 v7, v1  }
0x18a: {  	s7 =	simm.s32 $0x9820;
	v63 =	vmul.f32 v59, v18;
	v16 =	vmul.f32 v60, v58;
	v7 =	vld [tilespmem:s0+$0xFFFFFF90]  }
0x18b: {  	v8 =	vld [tilespmem:s0+$0xFFFFFFF0];
	v4 =	vadd.f32 v9, v4;
	v11 =	vmul.f32 v11, v26;
	[tilespmem:s7+$0x10] =	vst v13;
	v13 =	vmul.f32 v14, v61  }
0x18c: {  	s8 =	simm.s32 $0x0;
	s11 =	simm.s32 $0x8860;
	v12 =	vmul.f32 v62, v12;
	v9 =	vld [tilespmem:s0+$0x50];
	v1 =	vadd.f32 v15, v10;
	v10 =	vadd.f32 v16, v63  }
.LBB2_14:
0x18d: {  	v14 =	vld [tilespmem:s11+$0x10];
	v2 =	vmul.f32 v5, v2;
	v5 =	vadd.f32 v13, v11;
	s0 =	sadd.s32 $0x180, s0  }
0x18e: {  	v11 =	vld [tilespmem:s0+$0x60];
	v3 =	vmul.f32 v6, v3  }
0x18f: {  	s8 =	sadd.s32 $0x4, s8;
	v6 =	vld [tilespmem:s0+$0x70];
	v7 =	vadd.f32 v7, v12;
	v5 =	vadd.f32 v5, v10  }
0x190: {  	p0 =	slt.u32 s8, $0x7C;
	v10 =	vld [tilespmem:s0+$0x80];
	v2 =	vadd.f32 v8, v2  }
0x191: {  	v8 =	vld [tilespmem:s0+$0x90];
	v1 =	vadd.f32 v7, v1;
	v3 =	vadd.f32 v9, v3  }
0x192: {  	v7 =	vld [tilespmem:s11+$0xFFFFFFF0];
	v9 =	vbroadcast v14, $0x4;
	v2 =	vadd.f32 v2, v4  }
0x193: {  	v4 =	vbroadcast v14, $0x0;
	v12 =	vbroadcast v14, $0x1;
	v13 =	vld [tilespmem:s0+$0xA0];
	[tilespmem:s7+$0xFFFFFFE0] =	vst v1;
	v1 =	vadd.f32 v3, v5  }
0x194: {  	v5 =	vbroadcast v14, $0x2;
	v14 =	vbroadcast v14, $0x3;
	v3 =	vld [tilespmem:s11+$0x0];
	[tilespmem:s7+$0xFFFFFFF0] =	vst v2  }
0x195: {  	v2 =	vmul.f32 v11, v4;
	v4 =	vmul.f32 v6, v12;
	v6 =	vld [tilespmem:s0+$0xB0];
	[tilespmem:s7+$0x0] =	vst v1  }
0x196: {  	v5 =	vmul.f32 v10, v5;
	v1 =	vld [tilespmem:s11+$0xFFFFFFE0];
	v8 =	vmul.f32 v8, v14  }
0x197: {  	v10 =	vld [tilespmem:s0+$0xFFFFFF40];
	v11 =	vbroadcast v7, $0x0;
	v12 =	vbroadcast v7, $0x1  }
0x198: {  	v2 =	vadd.f32 v4, v2;
	v14 =	vld [tilespmem:s0+$0xFFFFFF50];
	v9 =	vmul.f32 v13, v9;
	v4 =	vadd.f32 v8, v5  }
0x199: {  	v8 =	vbroadcast v7, $0x2;
	v13 =	vbroadcast v7, $0x3;
	v5 =	vld [tilespmem:s0+$0xFFFFFF60]  }
0x19a: {  	v16 =	vbroadcast v3, $0x0;
	v15 =	vld [tilespmem:s0+$0xFFFFFF70];
	v6 =	vadd.f32 v6, v9;
	v2 =	vadd.f32 v4, v2  }
0x19b: {  	v4 =	vbroadcast v1, $0x0;
	v9 =	vbroadcast v1, $0x1;
	v17 =	vld [tilespmem:s0+$0xFFFFFFA0]  }
0x19c: {  	v18 =	vbroadcast v1, $0x2;
	v19 =	vbroadcast v1, $0x3;
	v20 =	vld [tilespmem:s0+$0xFFFFFFB0];
	v2 =	vadd.f32 v6, v2  }
0x19d: {  	s7 =	sadd.s32 $0x40, s7;
	v21 =	vbroadcast v3, $0x1;
	v22 =	vbroadcast v3, $0x2;
	v6 =	vld [tilespmem:s0+$0xFFFFFFC0]  }
0x19e: {  	v23 =	vbroadcast v3, $0x3;
	v4 =	vmul.f32 v10, v4;
	v10 =	vld [tilespmem:s0+$0xFFFFFFD0];
	[tilespmem:s7+$0x10] =	vst v2  }
0x19f: {  	v2 =	vmul.f32 v14, v9;
	v5 =	vmul.f32 v5, v18;
	v9 =	vld [tilespmem:s0+$0x0]  }
0x1a0: {  	v14 =	vmul.f32 v15, v19;
	v11 =	vmul.f32 v17, v11;
	v15 =	vld [tilespmem:s0+$0x10]  }
0x1a1: {  	v17 =	vbroadcast v1, $0x4;
	v1 =	vadd.f32 v2, v4;
	v4 =	vmul.f32 v20, v12;
	v12 =	vld [tilespmem:s0+$0x20]  }
0x1a2: {  	v2 =	vbroadcast v7, $0x4;
	v5 =	vadd.f32 v14, v5;
	v6 =	vmul.f32 v6, v8;
	v14 =	vld [tilespmem:s0+$0x30]  }
0x1a3: {  	v3 =	vbroadcast v3, $0x4;
	v18 =	vld [tilespmem:s0+$0xFFFFFF80];
	v7 =	vmul.f32 v10, v13;
	v4 =	vadd.f32 v4, v11  }
.Ltmp6:
0x1a4: {  	v1 =	vadd.f32 v5, v1;
	v5 =	vld [tilespmem:s0+$0xFFFFFFE0];
	v9 =	vmul.f32 v9, v16;
	(pc) =	sbr.rel @p0 .LBB2_14-.Ltmp6, $4  }
0x1a5: {  	v10 =	vadd.f32 v7, v6;
	v15 =	vmul.f32 v15, v21;
	v6 =	vld [tilespmem:s0+$0x40]  }
0x1a6: {  	v7 =	vld [tilespmem:s0+$0xFFFFFF90];
	v11 =	vmul.f32 v12, v22  }
0x1a7: {  	v8 =	vld [tilespmem:s0+$0xFFFFFFF0];
	v4 =	vadd.f32 v10, v4;
	v13 =	vmul.f32 v14, v23;
	v10 =	vadd.f32 v15, v9  }
0x1a8: {  	s11 =	sadd.s32 $0x40, s11;
	v12 =	vmul.f32 v18, v17;
	v9 =	vld [tilespmem:s0+$0x50]  }
0x1a9: {  	_ = 	snop  }
0x1aa: {  	v2 =	vmul.f32 v5, v2;
	v5 =	vadd.f32 v13, v11  }
0x1ab: {  	v3 =	vmul.f32 v6, v3;
	v6 =	vadd.f32 v7, v12  }
0x1ac: {  	v5 =	vadd.f32 v5, v10;
	v2 =	vadd.f32 v8, v2  }
0x1ad: {  	v1 =	vadd.f32 v6, v1;
	v3 =	vadd.f32 v9, v3  }
0x1ae: {  	v2 =	vadd.f32 v2, v4  }
0x1af: {  	[tilespmem:s7+$0xFFFFFFE0] =	vst v1;
	v1 =	vadd.f32 v3, v5  }
0x1b0: {  	[tilespmem:s7+$0xFFFFFFF0] =	vst v2  }
0x1b1: {  	s0 =	simm.s32 $0x2700;
	[tilespmem:s7+$0x0] =	vst v1  }
0x1b2: {  	[spmem:s2] =	stream.indirect.scatter.add.f32 [tilespmem:s23], [sflag:$0x3], $0x10, s0, s19, $0xb8;
	[tilespmem:$0xF640] =	vst v63  }
0x1b3: {  	_ =	swait.ge [sflag:s28], $0x3000  }
0x1b4: {  	[sflag:s28] =	ssyncset.done $0x0  }
0x1b5: {  	[sflag:s28] =	ssyncadd.s32 $0xFFFFD000  }
0x1b6: {  	_ =	swait.ge [sflag:s28], $0x800  }
0x1b7: {  	[sflag:s28] =	ssyncset.done $0x0  }
0x1b8: {  	[sflag:s28] =	ssyncadd.s32 $0xFFFFF800  }
0x1b9: {  	_ =	swait.ge [sflag:s1], $0x800  }
0x1ba: {  	[sflag:s1] =	ssyncset.done $0x0  }
0x1bb: {  	s29 =	simm.s32 $0x9020;
	[sflag:s1] =	ssyncadd.s32 $0xFFFFF800  }
0x1bc: {  	s0 =	simm.s32 $0x58C0;
	v1 =	vld [tilespmem:s29+$0x10]  }
0x1bd: {  	v2 =	vld [tilespmem:s0+$0x60]  }
0x1be: {  	v3 =	vld [tilespmem:s0+$0x70]  }
0x1bf: {  	v6 =	vld [tilespmem:s29+$0xFFFFFFF0]  }
0x1c0: {  	v9 =	vld [tilespmem:s29+$0x0]  }
0x1c1: {  	v14 =	vld [tilespmem:s29+$0xFFFFFFE0]  }
0x1c2: {  	v4 =	vld [tilespmem:s0+$0x80]  }
0x1c3: {  	v5 =	vld [tilespmem:s0+$0x90];
	v8 =	vbroadcast v1, $0x4;
	v10 =	vbroadcast v1, $0x0  }
0x1c4: {  	v7 =	vld [tilespmem:s0+$0xA0];
	v11 =	vbroadcast v1, $0x1;
	v13 =	vbroadcast v1, $0x2  }
0x1c5: {  	v12 =	vld [tilespmem:s0+$0xB0];
	v1 =	vbroadcast v1, $0x3;
	v17 =	vbroadcast v6, $0x3  }
0x1c6: {  	v15 =	vld [tilespmem:s0+$0xFFFFFF60];
	v18 =	vbroadcast v9, $0x0;
	v20 =	vbroadcast v14, $0x0  }
0x1c7: {  	v16 =	vld [tilespmem:s0+$0xFFFFFF70];
	v21 =	vbroadcast v14, $0x1;
	v23 =	vbroadcast v14, $0x2  }
0x1c8: {  	v19 =	vld [tilespmem:s0+$0xFFFFFFA0];
	v24 =	vbroadcast v14, $0x3;
	v58 =	vbroadcast v9, $0x1  }
0x1c9: {  	v57 =	vld [tilespmem:s0+$0xFFFFFFD0];
	v26 =	vbroadcast v9, $0x2;
	v61 =	vbroadcast v9, $0x3  }
0x1ca: {  	v22 =	vld [tilespmem:s0+$0xFFFFFFB0];
	v2 =	vmul.f32 v2, v10;
	v3 =	vmul.f32 v3, v11  }
0x1cb: {  	v10 =	vld [tilespmem:s0+$0xFFFFFF40];
	v4 =	vmul.f32 v4, v13;
	v1 =	vmul.f32 v5, v1  }
0x1cc: {  	v5 =	vld [tilespmem:s0+$0xFFFFFF50];
	v11 =	vbroadcast v6, $0x0;
	v13 =	vbroadcast v6, $0x1  }
0x1cd: {  	v25 =	vld [tilespmem:s0+$0xFFFFFFC0];
	v7 =	vmul.f32 v7, v8;
	v8 =	vbroadcast v6, $0x2  }
0x1ce: {  	v59 =	vld [tilespmem:s0+$0x0];
	v15 =	vmul.f32 v15, v23;
	v17 =	vmul.f32 v57, v17;
	v2 =	vadd.f32 v3, v2  }
0x1cf: {  	v60 =	vld [tilespmem:s0+$0x10];
	v3 =	vmul.f32 v16, v24;
	v1 =	vadd.f32 v1, v4;
	v4 =	vmul.f32 v19, v11  }
0x1d0: {  	v11 =	vld [tilespmem:s0+$0x20];
	v7 =	vadd.f32 v12, v7;
	v12 =	vbroadcast v14, $0x4;
	v13 =	vmul.f32 v22, v13  }
0x1d1: {  	v14 =	vld [tilespmem:s0+$0x30];
	v10 =	vmul.f32 v10, v20;
	v5 =	vmul.f32 v5, v21  }
0x1d2: {  	v62 =	vld [tilespmem:s0+$0xFFFFFF80];
	v8 =	vmul.f32 v25, v8;
	v1 =	vadd.f32 v1, v2;
	v15 =	vadd.f32 v3, v15  }
0x1d3: {  	v2 =	vbroadcast v6, $0x4;
	v4 =	vadd.f32 v13, v4;
	v10 =	vadd.f32 v5, v10;
	v5 =	vld [tilespmem:s0+$0xFFFFFFE0]  }
0x1d4: {  	v3 =	vbroadcast v9, $0x4;
	v9 =	vadd.f32 v17, v8;
	v6 =	vld [tilespmem:s0+$0x40];
	v13 =	vadd.f32 v7, v1  }
0x1d5: {  	s7 =	simm.s32 $0xA020;
	v63 =	vmul.f32 v59, v18;
	v16 =	vmul.f32 v60, v58;
	v7 =	vld [tilespmem:s0+$0xFFFFFF90]  }
0x1d6: {  	v8 =	vld [tilespmem:s0+$0xFFFFFFF0];
	v4 =	vadd.f32 v9, v4;
	v11 =	vmul.f32 v11, v26;
	[tilespmem:s7+$0x10] =	vst v13;
	v13 =	vmul.f32 v14, v61  }
0x1d7: {  	s8 =	simm.s32 $0x0;
	s11 =	simm.s32 $0x9060;
	v12 =	vmul.f32 v62, v12;
	v9 =	vld [tilespmem:s0+$0x50];
	v1 =	vadd.f32 v15, v10;
	v10 =	vadd.f32 v16, v63  }
.LBB2_16:
0x1d8: {  	v14 =	vld [tilespmem:s11+$0x10];
	v2 =	vmul.f32 v5, v2;
	v5 =	vadd.f32 v13, v11;
	s0 =	sadd.s32 $0x180, s0  }
0x1d9: {  	v11 =	vld [tilespmem:s0+$0x60];
	v3 =	vmul.f32 v6, v3  }
0x1da: {  	s8 =	sadd.s32 $0x4, s8;
	v6 =	vld [tilespmem:s0+$0x70];
	v7 =	vadd.f32 v7, v12;
	v5 =	vadd.f32 v5, v10  }
0x1db: {  	p0 =	slt.u32 s8, $0x7C;
	v10 =	vld [tilespmem:s0+$0x80];
	v2 =	vadd.f32 v8, v2  }
0x1dc: {  	v8 =	vld [tilespmem:s0+$0x90];
	v1 =	vadd.f32 v7, v1;
	v3 =	vadd.f32 v9, v3  }
0x1dd: {  	v7 =	vld [tilespmem:s11+$0xFFFFFFF0];
	v9 =	vbroadcast v14, $0x4;
	v2 =	vadd.f32 v2, v4  }
0x1de: {  	v4 =	vbroadcast v14, $0x0;
	v12 =	vbroadcast v14, $0x1;
	v13 =	vld [tilespmem:s0+$0xA0];
	[tilespmem:s7+$0xFFFFFFE0] =	vst v1;
	v1 =	vadd.f32 v3, v5  }
0x1df: {  	v5 =	vbroadcast v14, $0x2;
	v14 =	vbroadcast v14, $0x3;
	v3 =	vld [tilespmem:s11+$0x0];
	[tilespmem:s7+$0xFFFFFFF0] =	vst v2  }
0x1e0: {  	v2 =	vmul.f32 v11, v4;
	v4 =	vmul.f32 v6, v12;
	v6 =	vld [tilespmem:s0+$0xB0];
	[tilespmem:s7+$0x0] =	vst v1  }
0x1e1: {  	v5 =	vmul.f32 v10, v5;
	v1 =	vld [tilespmem:s11+$0xFFFFFFE0];
	v8 =	vmul.f32 v8, v14  }
0x1e2: {  	v10 =	vld [tilespmem:s0+$0xFFFFFF40];
	v11 =	vbroadcast v7, $0x0;
	v12 =	vbroadcast v7, $0x1  }
0x1e3: {  	v2 =	vadd.f32 v4, v2;
	v14 =	vld [tilespmem:s0+$0xFFFFFF50];
	v9 =	vmul.f32 v13, v9;
	v4 =	vadd.f32 v8, v5  }
0x1e4: {  	v8 =	vbroadcast v7, $0x2;
	v13 =	vbroadcast v7, $0x3;
	v5 =	vld [tilespmem:s0+$0xFFFFFF60]  }
0x1e5: {  	v16 =	vbroadcast v3, $0x0;
	v15 =	vld [tilespmem:s0+$0xFFFFFF70];
	v6 =	vadd.f32 v6, v9;
	v2 =	vadd.f32 v4, v2  }
0x1e6: {  	v4 =	vbroadcast v1, $0x0;
	v9 =	vbroadcast v1, $0x1;
	v17 =	vld [tilespmem:s0+$0xFFFFFFA0]  }
0x1e7: {  	v18 =	vbroadcast v1, $0x2;
	v19 =	vbroadcast v1, $0x3;
	v20 =	vld [tilespmem:s0+$0xFFFFFFB0];
	v2 =	vadd.f32 v6, v2  }
0x1e8: {  	s7 =	sadd.s32 $0x40, s7;
	v21 =	vbroadcast v3, $0x1;
	v22 =	vbroadcast v3, $0x2;
	v6 =	vld [tilespmem:s0+$0xFFFFFFC0]  }
0x1e9: {  	v23 =	vbroadcast v3, $0x3;
	v4 =	vmul.f32 v10, v4;
	v10 =	vld [tilespmem:s0+$0xFFFFFFD0];
	[tilespmem:s7+$0x10] =	vst v2  }
0x1ea: {  	v2 =	vmul.f32 v14, v9;
	v5 =	vmul.f32 v5, v18;
	v9 =	vld [tilespmem:s0+$0x0]  }
0x1eb: {  	v14 =	vmul.f32 v15, v19;
	v11 =	vmul.f32 v17, v11;
	v15 =	vld [tilespmem:s0+$0x10]  }
0x1ec: {  	v17 =	vbroadcast v1, $0x4;
	v1 =	vadd.f32 v2, v4;
	v4 =	vmul.f32 v20, v12;
	v12 =	vld [tilespmem:s0+$0x20]  }
0x1ed: {  	v2 =	vbroadcast v7, $0x4;
	v5 =	vadd.f32 v14, v5;
	v6 =	vmul.f32 v6, v8;
	v14 =	vld [tilespmem:s0+$0x30]  }
0x1ee: {  	v3 =	vbroadcast v3, $0x4;
	v18 =	vld [tilespmem:s0+$0xFFFFFF80];
	v7 =	vmul.f32 v10, v13;
	v4 =	vadd.f32 v4, v11  }
.Ltmp7:
0x1ef: {  	v1 =	vadd.f32 v5, v1;
	v5 =	vld [tilespmem:s0+$0xFFFFFFE0];
	v9 =	vmul.f32 v9, v16;
	(pc) =	sbr.rel @p0 .LBB2_16-.Ltmp7, $4  }
0x1f0: {  	v10 =	vadd.f32 v7, v6;
	v15 =	vmul.f32 v15, v21;
	v6 =	vld [tilespmem:s0+$0x40]  }
0x1f1: {  	v7 =	vld [tilespmem:s0+$0xFFFFFF90];
	v11 =	vmul.f32 v12, v22  }
0x1f2: {  	v8 =	vld [tilespmem:s0+$0xFFFFFFF0];
	v4 =	vadd.f32 v10, v4;
	v13 =	vmul.f32 v14, v23;
	v10 =	vadd.f32 v15, v9  }
0x1f3: {  	s11 =	sadd.s32 $0x40, s11;
	v12 =	vmul.f32 v18, v17;
	v9 =	vld [tilespmem:s0+$0x50]  }
0x1f4: {  	_ = 	snop  }
0x1f5: {  	v2 =	vmul.f32 v5, v2;
	v62 =	vadd.f32 v13, v11  }
0x1f6: {  	v3 =	vmul.f32 v6, v3;
	v63 =	vadd.f32 v7, v12  }
0x1f7: {  	v5 =	vadd.f32 v62, v10;
	v2 =	vadd.f32 v8, v2  }
0x1f8: {  	v1 =	vadd.f32 v63, v1;
	v3 =	vadd.f32 v9, v3  }
0x1f9: {  	v2 =	vadd.f32 v2, v4  }
0x1fa: {  	[tilespmem:s7+$0xFFFFFFE0] =	vst v1;
	v1 =	vadd.f32 v3, v5  }
0x1fb: {  	[tilespmem:s7+$0xFFFFFFF0] =	vst v2  }
0x1fc: {  	s0 =	simm.s32 $0x2780;
	[tilespmem:s7+$0x0] =	vst v1  }
0x1fd: {  	[spmem:s2] =	stream.indirect.scatter.add.f32 [tilespmem:s30], [sflag:$0x4], $0x10, s0, s19, $0xb8;
	[tilespmem:$0xF640] =	vst v63  }
0x1fe: {  	_ =	swait.ge [sflag:s31], $0x800  }
0x1ff: {  	[sflag:s31] =	ssyncset.done $0x0  }
0x200: {  	[sflag:s31] =	ssyncadd.s32 $0xFFFFF800  }
0x201: {  	s26 =	stileid.u32;
	_ =	swait.ge [sflag:s1], $0x800  }
0x202: {  	s29 =	sshrl.u32 s6, $0x3;
	s16 =	sadd.s32 $0x1, s16;
	[sflag:s1] =	ssyncset.done $0x0  }
0x203: {  	p0 =	sne.s32 s16, s15;
	s0 =	sshll.u32 s26, $0x6;
	[sflag:s1] =	ssyncadd.s32 $0xFFFFF800  }
.Ltmp8:
0x204: {  	s0 =	sor.u32 $0x1C05, s0;
	[bflag:$0x0] =	sbarrier.arrive $0xFFFF;
	(pc) =	sbr.rel @p0 .LBB2_1-.Ltmp8, $4  }
0x205: {  	[hbm:s14], [sflag:s0] =	dma.local [spmem:s29], $0x4E4  }
0x206: {  	_ =	swait.ge [sflag:s17], $0x4E4  }
0x207: {  	[sflag:s17] =	ssyncset.done $0x0  }
0x208: {  	s11 =	simm.s32 $0x1400;
	[sflag:s17] =	ssyncadd.s32 $0xFFFFFB1C  }
0x209: {  	_ =	sfence.sel $0x180000  }
0x20a: {  	[bflag:$0x0] =	sbarrier.arrive $0xFFFF  }
0x20b: {  	_ =	strace $0x90000047  }
0x20c: {  	s0 =	stileid.u32;
	[bflag:$0x2] =	sbarrier.arrive $0xFFFF  }
0x20d: {  	p0 =	sne.s32 s0, $0x0;
	s0 =	rddreg [dreg:$0x2]  }
0x20e: {  	s0 =	sadd.s32 @!p0 $0x100000, s0  }
0x20f: {  	[sflag:s0] =	ssyncadd.tile.s32 @!p0 $0x1;
	_ =	shalt  }
.Lfunc_end2:
_tile_overlayer_lowered:
.L_overlay_start_2:
0x210: {  	(tag) =	ssettag $0x2  }
0x211: {  	s0 =	rddreg [dreg:$0x0];
	s2 =	stileid.u32  }
0x212: {  	s1 =	rddreg [dreg:$0x1];
	p0 =	sne.s32 s2, $0x0  }
0x213: {  	s3 =	rddreg [dreg:$0x2];
	[bflag:$0x3] =	sbarrier.arrive $0xFFFF;
	s2 =	simm.s32 @!p0 $0x1C05  }
0x214: {  	[timem:s3], [sflag:s2] =	dma.local @!p0 [hbm:s0], s1  }
0x215: {  	s0 =	simm.s32 @!p0 $0x5  }
0x216: {  	_ =	swait.ge @!p0 [sflag:s0], s1  }
0x217: {  	s1 =	ssub.s32 @!p0 $0x0, s1;
	[sflag:s0] =	ssyncset.done @!p0 $0x0  }
0x218: {  	[sflag:s0] =	ssyncadd.s32 @!p0 s1  }
0x219: {  	[bflag:$0x3] =	sbarrier.arrive $0xFFFF  }
0x21a: {  	_ =	shalt  }

</sc_bundles>
